<compile_context>
chip_gen: v7x
topology: tpu7x:2x2x1
jax: 0.10.2.dev20260603
libtpu: 0.0.44.dev20260713+nightly
codegen_flags: <defaults>
</compile_context>

<pallas_src>
import functools

import jax
import jax.numpy as jnp
from jax import lax
from jax.experimental import pallas as pl
from jax.experimental.pallas import tpu as pltpu
from jax.experimental.pallas import tpu_sc as plsc

N_MOL = 16384
N_ATOMS = 2097152
NC = 2
NS = 16
NW = NC * NS
CH = 16384
N_CHUNK = N_ATOMS // (NW * CH)
SL = N_MOL // NS
PERM = 63
HF = CH // 2
VPG = 16


@functools.partial(
    pl.kernel,
    out_type=jax.ShapeDtypeStruct((NC, N_MOL), jnp.float32),
    mesh=plsc.VectorSubcoreMesh(core_axis_name="c", subcore_axis_name="s"),
    compiler_params=pltpu.CompilerParams(needs_layout_passes=False),
    scratch_types=[
        pltpu.VMEM((HF,), jnp.int32),
        pltpu.VMEM((HF,), jnp.int32),
        pltpu.VMEM((HF,), jnp.int32),
        pltpu.VMEM((HF,), jnp.int32),
        pltpu.VMEM((CH,), jnp.int32),
        pltpu.VMEM((CH,), jnp.int32),
        pltpu.VMEM((CH,), jnp.float32),
        pltpu.VMEM((CH,), jnp.float32),
        pltpu.VMEM((128,), jnp.float32),
        pltpu.VMEM_SHARED((N_MOL,), jnp.float32),
        pltpu.SemaphoreType.DMA,
        pltpu.SemaphoreType.DMA,
        pltpu.SemaphoreType.DMA,
        pltpu.SemaphoreType.DMA,
    ],
)
def _sc_scatter(z_hbm, m_hbm, aref_hbm, out_hbm,
                z0_v, z1_v, mr0_v, mr1_v, m0_v, m1_v, v0_v, v1_v,
                tab_v, acc_sh, ld_sem0, ld_sem1, st_sem0, st_sem1):
    cid = lax.axis_index("c")
    sid = lax.axis_index("s")
    wid = sid * NC + cid

    hbase = wid * N_CHUNK * 2
    zr_bufs = [z0_v, z1_v]
    mr_bufs = [mr0_v, mr1_v]
    m_bufs = [m0_v, m1_v]
    v_bufs = [v0_v, v1_v]
    ld_sems = [ld_sem0, ld_sem1]
    st_sems = [st_sem0, st_sem1]
    scats = [None, None]
    lane_off = (jnp.arange(16, dtype=jnp.int32) * PERM)

    def start_load(t):
        lb = t % 2
        return (pltpu.async_copy(z_hbm.at[hbase + t], zr_bufs[lb],
                                 ld_sems[lb]),
                pltpu.async_copy(m_hbm.at[hbase + t], mr_bufs[lb],
                                 ld_sems[lb]))

    loads = [None, None]
    loads[0] = start_load(0)

    pltpu.sync_copy(aref_hbm, tab_v)
    zero16 = jnp.zeros((16,), jnp.float32)
    for j in range(SL // 16):
        v1_v[pl.ds(j * 16, 16)] = zero16
    pltpu.sync_copy(v1_v.at[pl.ds(0, SL)],
                    acc_sh.at[pl.ds(sid * SL, SL)])
    plsc.subcore_barrier()
    for i in range(N_CHUNK):
        b = i % 2
        for h in range(2):
            t = 2 * i + h
            lb = t % 2
            loads[lb][0].wait()
            loads[lb][1].wait()
            if h == 0 and scats[b] is not None:
                scats[b].wait()
            if t + 1 < 2 * N_CHUNK:
                loads[(t + 1) % 2] = start_load(t + 1)

            zr_v, mr_v = zr_bufs[lb], mr_bufs[lb]
            m_v, v_v = m_bufs[b], v_bufs[b]
            half_off = h * HF

            def unpack(g, _, zr_v=zr_v, mr_v=mr_v, m_v=m_v, v_v=v_v,
                       half_off=half_off):
                off = g * (VPG * 16)
                zs, ms, idxs = [], [], []
                for u in range(VPG):
                    sl = pl.ds(off + u * 16, 16)
                    zs.append(zr_v[sl])
                    ms.append(mr_v[sl])
                    vbase = ((half_off + off + u * 16) * PERM) & (CH - 1)
                    idxs.append(lax.bitwise_and(lane_off + vbase, CH - 1))
                vs = [plsc.load_gather(tab_v, [z16]) for z16 in zs]
                for u in range(VPG):
                    plsc.store_scatter(v_v, [idxs[u]], vs[u])
                    plsc.store_scatter(m_v, [idxs[u]], ms[u])
                return 0

            lax.fori_loop(0, HF // (VPG * 16), unpack, 0)

        scats[b] = pltpu.async_copy(v_bufs[b], acc_sh.at[m_bufs[b]],
                                    st_sems[b], add=True)

    for s in scats:
        if s is not None:
            s.wait()

    plsc.subcore_barrier()
    pltpu.sync_copy(acc_sh.at[pl.ds(sid * SL, SL)],
                    out_hbm.at[cid, pl.ds(sid * SL, SL)])


def _combine_body(mean_ref, energy_ref, n_ref, p_ref, o_ref):
    o_ref[...] = (energy_ref[...]
                  + mean_ref[0] * n_ref[...].astype(jnp.float32)
                  - p_ref[0] - p_ref[1])


def kernel(energy, n_atoms, idx_m, Z, mean, atomref):
    z2 = Z.astype(jnp.int32).reshape(N_ATOMS // HF, HF)
    m2 = idx_m.astype(jnp.int32).reshape(N_ATOMS // HF, HF)
    aref128 = jnp.pad(atomref.astype(jnp.float32),
                      (0, 128 - atomref.shape[0]))
    partials = _sc_scatter(z2, m2, aref128)

    e2 = pl.pallas_call(
        _combine_body,
        out_shape=jax.ShapeDtypeStruct((128, 128), jnp.float32),
        in_specs=[
            pl.BlockSpec(memory_space=pltpu.SMEM),
            pl.BlockSpec(memory_space=pltpu.VMEM),
            pl.BlockSpec(memory_space=pltpu.VMEM),
            pl.BlockSpec(memory_space=pltpu.VMEM),
        ],
        out_specs=pl.BlockSpec(memory_space=pltpu.VMEM),
    )(mean, energy.reshape(128, 128),
      n_atoms.astype(jnp.int32).reshape(128, 128),
      partials.reshape(NC, 128, 128))
    return e2.reshape(N_MOL)

# --- scband reference (transcript-rebuilt; emitter-appended) ---
"""Pipeline reference for scband-add-offsets-78340203479617 (READ-ONLY COPY).

The authoritative reference and input builder live on the scoring server;
editing this copy changes nothing except your own understanding.
"""

import jax, jax.numpy as jnp
import numpy as np

N_MOL = 16384
N_ATOMS = 2097152
ZMAX = 100


def setup_inputs(seed: int = 0) -> dict:
    key = jax.random.key(seed)
    k1, k2, k3, k4, k5, k6 = jax.random.split(key, 6)
    energy = jax.random.normal(k1, (N_MOL,), dtype=jnp.float32)
    n_atoms = jax.random.randint(k2, (N_MOL,), 1, 256, dtype=jnp.int64)
    idx_m = jnp.sort(jax.random.randint(k3, (N_ATOMS,), 0, N_MOL, dtype=jnp.int64))
    Z = jax.random.randint(k4, (N_ATOMS,), 0, ZMAX, dtype=jnp.int64)
    # learned / registered buffers of AddOffsets
    mean = jax.random.normal(k5, (1,), dtype=jnp.float32)
    atomref = jax.random.normal(k6, (ZMAX,), dtype=jnp.float32)
    return {"energy": energy, "n_atoms": n_atoms, "idx_m": idx_m, "Z": Z, "mean": mean, "atomref": atomref}


def reference(energy, n_atoms, idx_m, Z, mean, atomref):
    # add_mean branch: inputs[property] += mean * inputs[n_atoms]
    e = energy + mean * n_atoms.astype(jnp.float32)
    # atomref branch: gather atomref by atomic number, scatter-add per molecule
    y0i = atomref[Z]  # embedding-style gather, [N_ATOMS]
    y0 = jnp.zeros((e.shape[0],), dtype=y0i.dtype).at[idx_m].add(y0i)  # index_add
    # is_extensive=True, so no division by n_atoms
    e = e - y0
    return e

if __name__ == "__main__":
    import jax
    _d = setup_inputs()
    print(jax.jit(kernel)(*tuple(_d.values())))

</pallas_src>

<mosaic_0001>
#map = affine_map<(d0, d1) -> (0, 0)>
#map1 = affine_map<(d0, d1) -> (0)>
module attributes {stable_mosaic.version = 14 : i64} {
  func.func @_sc_scatter(%arg0: i32, %arg1: i32, %arg2: memref<256x8192xi32, #tpu.memory_space<hbm>>, %arg3: memref<256x8192xi32, #tpu.memory_space<hbm>>, %arg4: memref<128xf32, #tpu.memory_space<hbm>>, %arg5: memref<2x16384xf32, #tpu.memory_space<hbm>>, %arg6: memref<8192xi32, #tpu.memory_space<vmem>>, %arg7: memref<8192xi32, #tpu.memory_space<vmem>>, %arg8: memref<8192xi32, #tpu.memory_space<vmem>>, %arg9: memref<8192xi32, #tpu.memory_space<vmem>>, %arg10: memref<16384xi32, #tpu.memory_space<vmem>>, %arg11: memref<16384xi32, #tpu.memory_space<vmem>>, %arg12: memref<16384xf32, #tpu.memory_space<vmem>>, %arg13: memref<16384xf32, #tpu.memory_space<vmem>>, %arg14: memref<128xf32, #tpu.memory_space<vmem>>, %arg15: memref<16384xf32, #tpu.memory_space<vmem_shared>>, %arg16: memref<!tpu.dma_semaphore, #tpu.memory_space<semaphore_mem>>, %arg17: memref<!tpu.dma_semaphore, #tpu.memory_space<semaphore_mem>>, %arg18: memref<!tpu.dma_semaphore, #tpu.memory_space<semaphore_mem>>, %arg19: memref<!tpu.dma_semaphore, #tpu.memory_space<semaphore_mem>>) attributes {dimension_semantics = [#tpu.dimension_semantics<core_parallel>, #tpu.dimension_semantics<subcore_parallel>], iteration_bounds = array<i64: 2, 16>, scalar_prefetch = 0 : i64, scratch_operands = 14 : i64, tpu.core_type = #tpu.core_type<sc_vector_subcore>, window_params = [{transform_indices = #map}, {transform_indices = #map}, {transform_indices = #map1}, {transform_indices = #map}]} {
    %mul3A = arith.constant 2 : i32
    %mul3A_0 = arith.muli %arg1, %mul3A : i32
    %add3A = arith.addi %mul3A_0, %arg0 : i32
    %mul3A_1 = arith.constant 4 : i32
    %mul3A_2 = arith.muli %add3A, %mul3A_1 : i32
    %mul3A_3 = arith.constant 2 : i32
    %mul3A_4 = arith.muli %mul3A_2, %mul3A_3 : i32
    %iota3A = tpu.iota {dimensions = array<i32: 0>} : vector<16xi32>
    %mul3A_5 = arith.constant 63 : i32
    %mul3A_6 = vector.broadcast %mul3A_5 : i32 to vector<16xi32>
    %mul3A_7 = arith.muli %iota3A, %mul3A_6 : vector<16xi32>
    %add3A_8 = arith.constant 0 : i32
    %add3A_9 = arith.addi %mul3A_4, %add3A_8 : i32
    %dma_start3A = arith.constant 0 : i32
    %dma_start3A_10 = tpu.memref_slice %arg2[%add3A_9, %dma_start3A] : memref<256x8192xi32, #tpu.memory_space<hbm>> -> memref<1x8192xi32, #tpu.memory_space<hbm>>
    %dma_start3A_11 = tpu.memref_squeeze %dma_start3A_10 : memref<1x8192xi32, #tpu.memory_space<hbm>> -> memref<8192xi32, #tpu.memory_space<hbm>>
    %dma_start3A_12 = arith.constant 0 : i32
    %dma_start3A_13 = tpu.memref_slice %arg2[%add3A_9, %dma_start3A_12] : memref<256x8192xi32, #tpu.memory_space<hbm>> -> memref<1x8192xi32, #tpu.memory_space<hbm>>
    %dma_start3A_14 = tpu.memref_squeeze %dma_start3A_13 : memref<1x8192xi32, #tpu.memory_space<hbm>> -> memref<8192xi32, #tpu.memory_space<hbm>>
    tpu.enqueue_dma source(%dma_start3A_14 : memref<8192xi32, #tpu.memory_space<hbm>>) target(%arg6 : memref<8192xi32, #tpu.memory_space<vmem>>) target_semaphore(%arg16 : memref<!tpu.dma_semaphore, #tpu.memory_space<semaphore_mem>>)
    %add3A_15 = arith.constant 0 : i32
    %add3A_16 = arith.addi %mul3A_4, %add3A_15 : i32
    %dma_start3A_17 = arith.constant 0 : i32
    %dma_start3A_18 = tpu.memref_slice %arg3[%add3A_16, %dma_start3A_17] : memref<256x8192xi32, #tpu.memory_space<hbm>> -> memref<1x8192xi32, #tpu.memory_space<hbm>>
    %dma_start3A_19 = tpu.memref_squeeze %dma_start3A_18 : memref<1x8192xi32, #tpu.memory_space<hbm>> -> memref<8192xi32, #tpu.memory_space<hbm>>
    %dma_start3A_20 = arith.constant 0 : i32
    %dma_start3A_21 = tpu.memref_slice %arg3[%add3A_16, %dma_start3A_20] : memref<256x8192xi32, #tpu.memory_space<hbm>> -> memref<1x8192xi32, #tpu.memory_space<hbm>>
    %dma_start3A_22 = tpu.memref_squeeze %dma_start3A_21 : memref<1x8192xi32, #tpu.memory_space<hbm>> -> memref<8192xi32, #tpu.memory_space<hbm>>
    tpu.enqueue_dma source(%dma_start3A_22 : memref<8192xi32, #tpu.memory_space<hbm>>) target(%arg8 : memref<8192xi32, #tpu.memory_space<vmem>>) target_semaphore(%arg16 : memref<!tpu.dma_semaphore, #tpu.memory_space<semaphore_mem>>)
    "tpu.region"() ({
      %run_scoped3A = tpu.sem_alloc : memref<!tpu.dma_semaphore, #tpu.memory_space<semaphore_mem>>
      tpu.enqueue_dma source(%arg4 : memref<128xf32, #tpu.memory_space<hbm>>) target(%arg14 : memref<128xf32, #tpu.memory_space<vmem>>) target_semaphore(%run_scoped3A : memref<!tpu.dma_semaphore, #tpu.memory_space<semaphore_mem>>)
      tpu.wait_dma2 semaphore(%run_scoped3A : memref<!tpu.dma_semaphore, #tpu.memory_space<semaphore_mem>>) src(%arg4 : memref<128xf32, #tpu.memory_space<hbm>>) dst(%arg14 : memref<128xf32, #tpu.memory_space<vmem>>)
      tpu.yield
    }) : () -> ()
    %broadcast_in_dim3A = arith.constant 0.000000e+00 : f32
    %broadcast_in_dim3A_23 = vector.broadcast %broadcast_in_dim3A : f32 to vector<16xf32>
    %swap3A = arith.constant 0 : index
    %swap3A_24 = tpu.vector_load %arg13[%swap3A] {strides = array<i32>} : memref<16384xf32, #tpu.memory_space<vmem>>, vector<16xf32>,
    tpu.vector_store %arg13[%swap3A], %broadcast_in_dim3A_23 {strides = array<i32>} : memref<16384xf32, #tpu.memory_space<vmem>>, vector<16xf32>,
    %swap3A_25 = arith.constant 16 : index
    %swap3A_26 = tpu.vector_load %arg13[%swap3A_25] {strides = array<i32>} : memref<16384xf32, #tpu.memory_space<vmem>>, vector<16xf32>,
    tpu.vector_store %arg13[%swap3A_25], %broadcast_in_dim3A_23 {strides = array<i32>} : memref<16384xf32, #tpu.memory_space<vmem>>, vector<16xf32>,
    %swap3A_27 = arith.constant 32 : index
    %swap3A_28 = tpu.vector_load %arg13[%swap3A_27] {strides = array<i32>} : memref<16384xf32, #tpu.memory_space<vmem>>, vector<16xf32>,
    tpu.vector_store %arg13[%swap3A_27], %broadcast_in_dim3A_23 {strides = array<i32>} : memref<16384xf32, #tpu.memory_space<vmem>>, vector<16xf32>,
    %swap3A_29 = arith.constant 48 : index
    %swap3A_30 = tpu.vector_load %arg13[%swap3A_29] {strides = array<i32>} : memref<16384xf32, #tpu.memory_space<vmem>>, vector<16xf32>,
    tpu.vector_store %arg13[%swap3A_29], %broadcast_in_dim3A_23 {strides = array<i32>} : memref<16384xf32, #tpu.memory_space<vmem>>, vector<16xf32>,
    %swap3A_31 = arith.constant 64 : index
    %swap3A_32 = tpu.vector_load %arg13[%swap3A_31] {strides = array<i32>} : memref<16384xf32, #tpu.memory_space<vmem>>, vector<16xf32>,
    tpu.vector_store %arg13[%swap3A_31], %broadcast_in_dim3A_23 {strides = array<i32>} : memref<16384xf32, #tpu.memory_space<vmem>>, vector<16xf32>,
    %swap3A_33 = arith.constant 80 : index
    %swap3A_34 = tpu.vector_load %arg13[%swap3A_33] {strides = array<i32>} : memref<16384xf32, #tpu.memory_space<vmem>>, vector<16xf32>,
    tpu.vector_store %arg13[%swap3A_33], %broadcast_in_dim3A_23 {strides = array<i32>} : memref<16384xf32, #tpu.memory_space<vmem>>, vector<16xf32>,
    %swap3A_35 = arith.constant 96 : index
    %swap3A_36 = tpu.vector_load %arg13[%swap3A_35] {strides = array<i32>} : memref<16384xf32, #tpu.memory_space<vmem>>, vector<16xf32>,
    tpu.vector_store %arg13[%swap3A_35], %broadcast_in_dim3A_23 {strides = array<i32>} : memref<16384xf32, #tpu.memory_space<vmem>>, vector<16xf32>,
    %swap3A_37 = arith.constant 112 : index
    %swap3A_38 = tpu.vector_load %arg13[%swap3A_37] {strides = array<i32>} : memref<16384xf32, #tpu.memory_space<vmem>>, vector<16xf32>,
    tpu.vector_store %arg13[%swap3A_37], %broadcast_in_dim3A_23 {strides = array<i32>} : memref<16384xf32, #tpu.memory_space<vmem>>, vector<16xf32>,
    %swap3A_39 = arith.constant 128 : index
    %swap3A_40 = tpu.vector_load %arg13[%swap3A_39] {strides = array<i32>} : memref<16384xf32, #tpu.memory_space<vmem>>, vector<16xf32>,
    tpu.vector_store %arg13[%swap3A_39], %broadcast_in_dim3A_23 {strides = array<i32>} : memref<16384xf32, #tpu.memory_space<vmem>>, vector<16xf32>,
    %swap3A_41 = arith.constant 144 : index
    %swap3A_42 = tpu.vector_load %arg13[%swap3A_41] {strides = array<i32>} : memref<16384xf32, #tpu.memory_space<vmem>>, vector<16xf32>,
    tpu.vector_store %arg13[%swap3A_41], %broadcast_in_dim3A_23 {strides = array<i32>} : memref<16384xf32, #tpu.memory_space<vmem>>, vector<16xf32>,
    %swap3A_43 = arith.constant 160 : index
    %swap3A_44 = tpu.vector_load %arg13[%swap3A_43] {strides = array<i32>} : memref<16384xf32, #tpu.memory_space<vmem>>, vector<16xf32>,
    tpu.vector_store %arg13[%swap3A_43], %broadcast_in_dim3A_23 {strides = array<i32>} : memref<16384xf32, #tpu.memory_space<vmem>>, vector<16xf32>,
    %swap3A_45 = arith.constant 176 : index
    %swap3A_46 = tpu.vector_load %arg13[%swap3A_45] {strides = array<i32>} : memref<16384xf32, #tpu.memory_space<vmem>>, vector<16xf32>,
    tpu.vector_store %arg13[%swap3A_45], %broadcast_in_dim3A_23 {strides = array<i32>} : memref<16384xf32, #tpu.memory_space<vmem>>, vector<16xf32>,
    %swap3A_47 = arith.constant 192 : index
    %swap3A_48 = tpu.vector_load %arg13[%swap3A_47] {strides = array<i32>} : memref<16384xf32, #tpu.memory_space<vmem>>, vector<16xf32>,
    tpu.vector_store %arg13[%swap3A_47], %broadcast_in_dim3A_23 {strides = array<i32>} : memref<16384xf32, #tpu.memory_space<vmem>>, vector<16xf32>,
    %swap3A_49 = arith.constant 208 : index
    %swap3A_50 = tpu.vector_load %arg13[%swap3A_49] {strides = array<i32>} : memref<16384xf32, #tpu.memory_space<vmem>>, vector<16xf32>,
    tpu.vector_store %arg13[%swap3A_49], %broadcast_in_dim3A_23 {strides = array<i32>} : memref<16384xf32, #tpu.memory_space<vmem>>, vector<16xf32>,
    %swap3A_51 = arith.constant 224 : index
    %swap3A_52 = tpu.vector_load %arg13[%swap3A_51] {strides = array<i32>} : memref<16384xf32, #tpu.memory_space<vmem>>, vector<16xf32>,
    tpu.vector_store %arg13[%swap3A_51], %broadcast_in_dim3A_23 {strides = array<i32>} : memref<16384xf32, #tpu.memory_space<vmem>>, vector<16xf32>,
    %swap3A_53 = arith.constant 240 : index
    %swap3A_54 = tpu.vector_load %arg13[%swap3A_53] {strides = array<i32>} : memref<16384xf32, #tpu.memory_space<vmem>>, vector<16xf32>,
    tpu.vector_store %arg13[%swap3A_53], %broadcast_in_dim3A_23 {strides = array<i32>} : memref<16384xf32, #tpu.memory_space<vmem>>, vector<16xf32>,
    %swap3A_55 = arith.constant 256 : index
    %swap3A_56 = tpu.vector_load %arg13[%swap3A_55] {strides = array<i32>} : memref<16384xf32, #tpu.memory_space<vmem>>, vector<16xf32>,
    tpu.vector_store %arg13[%swap3A_55], %broadcast_in_dim3A_23 {strides = array<i32>} : memref<16384xf32, #tpu.memory_space<vmem>>, vector<16xf32>,
    %swap3A_57 = arith.constant 272 : index
    %swap3A_58 = tpu.vector_load %arg13[%swap3A_57] {strides = array<i32>} : memref<16384xf32, #tpu.memory_space<vmem>>, vector<16xf32>,
    tpu.vector_store %arg13[%swap3A_57], %broadcast_in_dim3A_23 {strides = array<i32>} : memref<16384xf32, #tpu.memory_space<vmem>>, vector<16xf32>,
    %swap3A_59 = arith.constant 288 : index
    %swap3A_60 = tpu.vector_load %arg13[%swap3A_59] {strides = array<i32>} : memref<16384xf32, #tpu.memory_space<vmem>>, vector<16xf32>,
    tpu.vector_store %arg13[%swap3A_59], %broadcast_in_dim3A_23 {strides = array<i32>} : memref<16384xf32, #tpu.memory_space<vmem>>, vector<16xf32>,
    %swap3A_61 = arith.constant 304 : index
    %swap3A_62 = tpu.vector_load %arg13[%swap3A_61] {strides = array<i32>} : memref<16384xf32, #tpu.memory_space<vmem>>, vector<16xf32>,
    tpu.vector_store %arg13[%swap3A_61], %broadcast_in_dim3A_23 {strides = array<i32>} : memref<16384xf32, #tpu.memory_space<vmem>>, vector<16xf32>,
    %swap3A_63 = arith.constant 320 : index
    %swap3A_64 = tpu.vector_load %arg13[%swap3A_63] {strides = array<i32>} : memref<16384xf32, #tpu.memory_space<vmem>>, vector<16xf32>,
    tpu.vector_store %arg13[%swap3A_63], %broadcast_in_dim3A_23 {strides = array<i32>} : memref<16384xf32, #tpu.memory_space<vmem>>, vector<16xf32>,
    %swap3A_65 = arith.constant 336 : index
    %swap3A_66 = tpu.vector_load %arg13[%swap3A_65] {strides = array<i32>} : memref<16384xf32, #tpu.memory_space<vmem>>, vector<16xf32>,
    tpu.vector_store %arg13[%swap3A_65], %broadcast_in_dim3A_23 {strides = array<i32>} : memref<16384xf32, #tpu.memory_space<vmem>>, vector<16xf32>,
    %swap3A_67 = arith.constant 352 : index
    %swap3A_68 = tpu.vector_load %arg13[%swap3A_67] {strides = array<i32>} : memref<16384xf32, #tpu.memory_space<vmem>>, vector<16xf32>,
    tpu.vector_store %arg13[%swap3A_67], %broadcast_in_dim3A_23 {strides = array<i32>} : memref<16384xf32, #tpu.memory_space<vmem>>, vector<16xf32>,
    %swap3A_69 = arith.constant 368 : index
    %swap3A_70 = tpu.vector_load %arg13[%swap3A_69] {strides = array<i32>} : memref<16384xf32, #tpu.memory_space<vmem>>, vector<16xf32>,
    tpu.vector_store %arg13[%swap3A_69], %broadcast_in_dim3A_23 {strides = array<i32>} : memref<16384xf32, #tpu.memory_space<vmem>>, vector<16xf32>,
    %swap3A_71 = arith.constant 384 : index
    %swap3A_72 = tpu.vector_load %arg13[%swap3A_71] {strides = array<i32>} : memref<16384xf32, #tpu.memory_space<vmem>>, vector<16xf32>,
    tpu.vector_store %arg13[%swap3A_71], %broadcast_in_dim3A_23 {strides = array<i32>} : memref<16384xf32, #tpu.memory_space<vmem>>, vector<16xf32>,
    %swap3A_73 = arith.constant 400 : index
    %swap3A_74 = tpu.vector_load %arg13[%swap3A_73] {strides = array<i32>} : memref<16384xf32, #tpu.memory_space<vmem>>, vector<16xf32>,
    tpu.vector_store %arg13[%swap3A_73], %broadcast_in_dim3A_23 {strides = array<i32>} : memref<16384xf32, #tpu.memory_space<vmem>>, vector<16xf32>,
    %swap3A_75 = arith.constant 416 : index
    %swap3A_76 = tpu.vector_load %arg13[%swap3A_75] {strides = array<i32>} : memref<16384xf32, #tpu.memory_space<vmem>>, vector<16xf32>,
    tpu.vector_store %arg13[%swap3A_75], %broadcast_in_dim3A_23 {strides = array<i32>} : memref<16384xf32, #tpu.memory_space<vmem>>, vector<16xf32>,
    %swap3A_77 = arith.constant 432 : index
    %swap3A_78 = tpu.vector_load %arg13[%swap3A_77] {strides = array<i32>} : memref<16384xf32, #tpu.memory_space<vmem>>, vector<16xf32>,
    tpu.vector_store %arg13[%swap3A_77], %broadcast_in_dim3A_23 {strides = array<i32>} : memref<16384xf32, #tpu.memory_space<vmem>>, vector<16xf32>,
    %swap3A_79 = arith.constant 448 : index
    %swap3A_80 = tpu.vector_load %arg13[%swap3A_79] {strides = array<i32>} : memref<16384xf32, #tpu.memory_space<vmem>>, vector<16xf32>,
    tpu.vector_store %arg13[%swap3A_79], %broadcast_in_dim3A_23 {strides = array<i32>} : memref<16384xf32, #tpu.memory_space<vmem>>, vector<16xf32>,
    %swap3A_81 = arith.constant 464 : index
    %swap3A_82 = tpu.vector_load %arg13[%swap3A_81] {strides = array<i32>} : memref<16384xf32, #tpu.memory_space<vmem>>, vector<16xf32>,
    tpu.vector_store %arg13[%swap3A_81], %broadcast_in_dim3A_23 {strides = array<i32>} : memref<16384xf32, #tpu.memory_space<vmem>>, vector<16xf32>,
    %swap3A_83 = arith.constant 480 : index
    %swap3A_84 = tpu.vector_load %arg13[%swap3A_83] {strides = array<i32>} : memref<16384xf32, #tpu.memory_space<vmem>>, vector<16xf32>,
    tpu.vector_store %arg13[%swap3A_83], %broadcast_in_dim3A_23 {strides = array<i32>} : memref<16384xf32, #tpu.memory_space<vmem>>, vector<16xf32>,
    %swap3A_85 = arith.constant 496 : index
    %swap3A_86 = tpu.vector_load %arg13[%swap3A_85] {strides = array<i32>} : memref<16384xf32, #tpu.memory_space<vmem>>, vector<16xf32>,
    tpu.vector_store %arg13[%swap3A_85], %broadcast_in_dim3A_23 {strides = array<i32>} : memref<16384xf32, #tpu.memory_space<vmem>>, vector<16xf32>,
    %swap3A_87 = arith.constant 512 : index
    %swap3A_88 = tpu.vector_load %arg13[%swap3A_87] {strides = array<i32>} : memref<16384xf32, #tpu.memory_space<vmem>>, vector<16xf32>,
    tpu.vector_store %arg13[%swap3A_87], %broadcast_in_dim3A_23 {strides = array<i32>} : memref<16384xf32, #tpu.memory_space<vmem>>, vector<16xf32>,
    %swap3A_89 = arith.constant 528 : index
    %swap3A_90 = tpu.vector_load %arg13[%swap3A_89] {strides = array<i32>} : memref<16384xf32, #tpu.memory_space<vmem>>, vector<16xf32>,
    tpu.vector_store %arg13[%swap3A_89], %broadcast_in_dim3A_23 {strides = array<i32>} : memref<16384xf32, #tpu.memory_space<vmem>>, vector<16xf32>,
    %swap3A_91 = arith.constant 544 : index
    %swap3A_92 = tpu.vector_load %arg13[%swap3A_91] {strides = array<i32>} : memref<16384xf32, #tpu.memory_space<vmem>>, vector<16xf32>,
    tpu.vector_store %arg13[%swap3A_91], %broadcast_in_dim3A_23 {strides = array<i32>} : memref<16384xf32, #tpu.memory_space<vmem>>, vector<16xf32>,
    %swap3A_93 = arith.constant 560 : index
    %swap3A_94 = tpu.vector_load %arg13[%swap3A_93] {strides = array<i32>} : memref<16384xf32, #tpu.memory_space<vmem>>, vector<16xf32>,
    tpu.vector_store %arg13[%swap3A_93], %broadcast_in_dim3A_23 {strides = array<i32>} : memref<16384xf32, #tpu.memory_space<vmem>>, vector<16xf32>,
    %swap3A_95 = arith.constant 576 : index
    %swap3A_96 = tpu.vector_load %arg13[%swap3A_95] {strides = array<i32>} : memref<16384xf32, #tpu.memory_space<vmem>>, vector<16xf32>,
    tpu.vector_store %arg13[%swap3A_95], %broadcast_in_dim3A_23 {strides = array<i32>} : memref<16384xf32, #tpu.memory_space<vmem>>, vector<16xf32>,
    %swap3A_97 = arith.constant 592 : index
    %swap3A_98 = tpu.vector_load %arg13[%swap3A_97] {strides = array<i32>} : memref<16384xf32, #tpu.memory_space<vmem>>, vector<16xf32>,
    tpu.vector_store %arg13[%swap3A_97], %broadcast_in_dim3A_23 {strides = array<i32>} : memref<16384xf32, #tpu.memory_space<vmem>>, vector<16xf32>,
    %swap3A_99 = arith.constant 608 : index
    %swap3A_100 = tpu.vector_load %arg13[%swap3A_99] {strides = array<i32>} : memref<16384xf32, #tpu.memory_space<vmem>>, vector<16xf32>,
    tpu.vector_store %arg13[%swap3A_99], %broadcast_in_dim3A_23 {strides = array<i32>} : memref<16384xf32, #tpu.memory_space<vmem>>, vector<16xf32>,
    %swap3A_101 = arith.constant 624 : index
    %swap3A_102 = tpu.vector_load %arg13[%swap3A_101] {strides = array<i32>} : memref<16384xf32, #tpu.memory_space<vmem>>, vector<16xf32>,
    tpu.vector_store %arg13[%swap3A_101], %broadcast_in_dim3A_23 {strides = array<i32>} : memref<16384xf32, #tpu.memory_space<vmem>>, vector<16xf32>,
    %swap3A_103 = arith.constant 640 : index
    %swap3A_104 = tpu.vector_load %arg13[%swap3A_103] {strides = array<i32>} : memref<16384xf32, #tpu.memory_space<vmem>>, vector<16xf32>,
    tpu.vector_store %arg13[%swap3A_103], %broadcast_in_dim3A_23 {strides = array<i32>} : memref<16384xf32, #tpu.memory_space<vmem>>, vector<16xf32>,
    %swap3A_105 = arith.constant 656 : index
    %swap3A_106 = tpu.vector_load %arg13[%swap3A_105] {strides = array<i32>} : memref<16384xf32, #tpu.memory_space<vmem>>, vector<16xf32>,
    tpu.vector_store %arg13[%swap3A_105], %broadcast_in_dim3A_23 {strides = array<i32>} : memref<16384xf32, #tpu.memory_space<vmem>>, vector<16xf32>,
    %swap3A_107 = arith.constant 672 : index
    %swap3A_108 = tpu.vector_load %arg13[%swap3A_107] {strides = array<i32>} : memref<16384xf32, #tpu.memory_space<vmem>>, vector<16xf32>,
    tpu.vector_store %arg13[%swap3A_107], %broadcast_in_dim3A_23 {strides = array<i32>} : memref<16384xf32, #tpu.memory_space<vmem>>, vector<16xf32>,
    %swap3A_109 = arith.constant 688 : index
    %swap3A_110 = tpu.vector_load %arg13[%swap3A_109] {strides = array<i32>} : memref<16384xf32, #tpu.memory_space<vmem>>, vector<16xf32>,
    tpu.vector_store %arg13[%swap3A_109], %broadcast_in_dim3A_23 {strides = array<i32>} : memref<16384xf32, #tpu.memory_space<vmem>>, vector<16xf32>,
    %swap3A_111 = arith.constant 704 : index
    %swap3A_112 = tpu.vector_load %arg13[%swap3A_111] {strides = array<i32>} : memref<16384xf32, #tpu.memory_space<vmem>>, vector<16xf32>,
    tpu.vector_store %arg13[%swap3A_111], %broadcast_in_dim3A_23 {strides = array<i32>} : memref<16384xf32, #tpu.memory_space<vmem>>, vector<16xf32>,
    %swap3A_113 = arith.constant 720 : index
    %swap3A_114 = tpu.vector_load %arg13[%swap3A_113] {strides = array<i32>} : memref<16384xf32, #tpu.memory_space<vmem>>, vector<16xf32>,
    tpu.vector_store %arg13[%swap3A_113], %broadcast_in_dim3A_23 {strides = array<i32>} : memref<16384xf32, #tpu.memory_space<vmem>>, vector<16xf32>,
    %swap3A_115 = arith.constant 736 : index
    %swap3A_116 = tpu.vector_load %arg13[%swap3A_115] {strides = array<i32>} : memref<16384xf32, #tpu.memory_space<vmem>>, vector<16xf32>,
    tpu.vector_store %arg13[%swap3A_115], %broadcast_in_dim3A_23 {strides = array<i32>} : memref<16384xf32, #tpu.memory_space<vmem>>, vector<16xf32>,
    %swap3A_117 = arith.constant 752 : index
    %swap3A_118 = tpu.vector_load %arg13[%swap3A_117] {strides = array<i32>} : memref<16384xf32, #tpu.memory_space<vmem>>, vector<16xf32>,
    tpu.vector_store %arg13[%swap3A_117], %broadcast_in_dim3A_23 {strides = array<i32>} : memref<16384xf32, #tpu.memory_space<vmem>>, vector<16xf32>,
    %swap3A_119 = arith.constant 768 : index
    %swap3A_120 = tpu.vector_load %arg13[%swap3A_119] {strides = array<i32>} : memref<16384xf32, #tpu.memory_space<vmem>>, vector<16xf32>,
    tpu.vector_store %arg13[%swap3A_119], %broadcast_in_dim3A_23 {strides = array<i32>} : memref<16384xf32, #tpu.memory_space<vmem>>, vector<16xf32>,
    %swap3A_121 = arith.constant 784 : index
    %swap3A_122 = tpu.vector_load %arg13[%swap3A_121] {strides = array<i32>} : memref<16384xf32, #tpu.memory_space<vmem>>, vector<16xf32>,
    tpu.vector_store %arg13[%swap3A_121], %broadcast_in_dim3A_23 {strides = array<i32>} : memref<16384xf32, #tpu.memory_space<vmem>>, vector<16xf32>,
    %swap3A_123 = arith.constant 800 : index
    %swap3A_124 = tpu.vector_load %arg13[%swap3A_123] {strides = array<i32>} : memref<16384xf32, #tpu.memory_space<vmem>>, vector<16xf32>,
    tpu.vector_store %arg13[%swap3A_123], %broadcast_in_dim3A_23 {strides = array<i32>} : memref<16384xf32, #tpu.memory_space<vmem>>, vector<16xf32>,
    %swap3A_125 = arith.constant 816 : index
    %swap3A_126 = tpu.vector_load %arg13[%swap3A_125] {strides = array<i32>} : memref<16384xf32, #tpu.memory_space<vmem>>, vector<16xf32>,
    tpu.vector_store %arg13[%swap3A_125], %broadcast_in_dim3A_23 {strides = array<i32>} : memref<16384xf32, #tpu.memory_space<vmem>>, vector<16xf32>,
    %swap3A_127 = arith.constant 832 : index
    %swap3A_128 = tpu.vector_load %arg13[%swap3A_127] {strides = array<i32>} : memref<16384xf32, #tpu.memory_space<vmem>>, vector<16xf32>,
    tpu.vector_store %arg13[%swap3A_127], %broadcast_in_dim3A_23 {strides = array<i32>} : memref<16384xf32, #tpu.memory_space<vmem>>, vector<16xf32>,
    %swap3A_129 = arith.constant 848 : index
    %swap3A_130 = tpu.vector_load %arg13[%swap3A_129] {strides = array<i32>} : memref<16384xf32, #tpu.memory_space<vmem>>, vector<16xf32>,
    tpu.vector_store %arg13[%swap3A_129], %broadcast_in_dim3A_23 {strides = array<i32>} : memref<16384xf32, #tpu.memory_space<vmem>>, vector<16xf32>,
    %swap3A_131 = arith.constant 864 : index
    %swap3A_132 = tpu.vector_load %arg13[%swap3A_131] {strides = array<i32>} : memref<16384xf32, #tpu.memory_space<vmem>>, vector<16xf32>,
    tpu.vector_store %arg13[%swap3A_131], %broadcast_in_dim3A_23 {strides = array<i32>} : memref<16384xf32, #tpu.memory_space<vmem>>, vector<16xf32>,
    %swap3A_133 = arith.constant 880 : index
    %swap3A_134 = tpu.vector_load %arg13[%swap3A_133] {strides = array<i32>} : memref<16384xf32, #tpu.memory_space<vmem>>, vector<16xf32>,
    tpu.vector_store %arg13[%swap3A_133], %broadcast_in_dim3A_23 {strides = array<i32>} : memref<16384xf32, #tpu.memory_space<vmem>>, vector<16xf32>,
    %swap3A_135 = arith.constant 896 : index
    %swap3A_136 = tpu.vector_load %arg13[%swap3A_135] {strides = array<i32>} : memref<16384xf32, #tpu.memory_space<vmem>>, vector<16xf32>,
    tpu.vector_store %arg13[%swap3A_135], %broadcast_in_dim3A_23 {strides = array<i32>} : memref<16384xf32, #tpu.memory_space<vmem>>, vector<16xf32>,
    %swap3A_137 = arith.constant 912 : index
    %swap3A_138 = tpu.vector_load %arg13[%swap3A_137] {strides = array<i32>} : memref<16384xf32, #tpu.memory_space<vmem>>, vector<16xf32>,
    tpu.vector_store %arg13[%swap3A_137], %broadcast_in_dim3A_23 {strides = array<i32>} : memref<16384xf32, #tpu.memory_space<vmem>>, vector<16xf32>,
    %swap3A_139 = arith.constant 928 : index
    %swap3A_140 = tpu.vector_load %arg13[%swap3A_139] {strides = array<i32>} : memref<16384xf32, #tpu.memory_space<vmem>>, vector<16xf32>,
    tpu.vector_store %arg13[%swap3A_139], %broadcast_in_dim3A_23 {strides = array<i32>} : memref<16384xf32, #tpu.memory_space<vmem>>, vector<16xf32>,
    %swap3A_141 = arith.constant 944 : index
    %swap3A_142 = tpu.vector_load %arg13[%swap3A_141] {strides = array<i32>} : memref<16384xf32, #tpu.memory_space<vmem>>, vector<16xf32>,
    tpu.vector_store %arg13[%swap3A_141], %broadcast_in_dim3A_23 {strides = array<i32>} : memref<16384xf32, #tpu.memory_space<vmem>>, vector<16xf32>,
    %swap3A_143 = arith.constant 960 : index
    %swap3A_144 = tpu.vector_load %arg13[%swap3A_143] {strides = array<i32>} : memref<16384xf32, #tpu.memory_space<vmem>>, vector<16xf32>,
    tpu.vector_store %arg13[%swap3A_143], %broadcast_in_dim3A_23 {strides = array<i32>} : memref<16384xf32, #tpu.memory_space<vmem>>, vector<16xf32>,
    %swap3A_145 = arith.constant 976 : index
    %swap3A_146 = tpu.vector_load %arg13[%swap3A_145] {strides = array<i32>} : memref<16384xf32, #tpu.memory_space<vmem>>, vector<16xf32>,
    tpu.vector_store %arg13[%swap3A_145], %broadcast_in_dim3A_23 {strides = array<i32>} : memref<16384xf32, #tpu.memory_space<vmem>>, vector<16xf32>,
    %swap3A_147 = arith.constant 992 : index
    %swap3A_148 = tpu.vector_load %arg13[%swap3A_147] {strides = array<i32>} : memref<16384xf32, #tpu.memory_space<vmem>>, vector<16xf32>,
    tpu.vector_store %arg13[%swap3A_147], %broadcast_in_dim3A_23 {strides = array<i32>} : memref<16384xf32, #tpu.memory_space<vmem>>, vector<16xf32>,
    %swap3A_149 = arith.constant 1008 : index
    %swap3A_150 = tpu.vector_load %arg13[%swap3A_149] {strides = array<i32>} : memref<16384xf32, #tpu.memory_space<vmem>>, vector<16xf32>,
    tpu.vector_store %arg13[%swap3A_149], %broadcast_in_dim3A_23 {strides = array<i32>} : memref<16384xf32, #tpu.memory_space<vmem>>, vector<16xf32>,
    %mul3A_151 = arith.constant 1024 : i32
    %mul3A_152 = arith.muli %arg1, %mul3A_151 : i32
    "tpu.region"() ({
      %run_scoped3A = tpu.sem_alloc : memref<!tpu.dma_semaphore, #tpu.memory_space<semaphore_mem>>
      %dma_start3A_436 = arith.constant 0 : i32
      %dma_start3A_437 = tpu.memref_slice %arg13[%dma_start3A_436] : memref<16384xf32, #tpu.memory_space<vmem>> -> memref<1024xf32, #tpu.memory_space<vmem>>
      %dma_start3A_438 = tpu.memref_slice %arg15[%mul3A_152] : memref<16384xf32, #tpu.memory_space<vmem_shared>> -> memref<1024xf32, #tpu.memory_space<vmem_shared>>
      %dma_start3A_439 = tpu.memref_slice %arg15[%mul3A_152] : memref<16384xf32, #tpu.memory_space<vmem_shared>> -> memref<1024xf32, #tpu.memory_space<vmem_shared>>
      %dma_start3A_440 = arith.constant 0 : i32
      %dma_start3A_441 = tpu.memref_slice %arg13[%dma_start3A_440] : memref<16384xf32, #tpu.memory_space<vmem>> -> memref<1024xf32, #tpu.memory_space<vmem>>
      tpu.enqueue_dma source(%dma_start3A_441 : memref<1024xf32, #tpu.memory_space<vmem>>) target(%dma_start3A_439 : memref<1024xf32, #tpu.memory_space<vmem_shared>>) target_semaphore(%run_scoped3A : memref<!tpu.dma_semaphore, #tpu.memory_space<semaphore_mem>>)
      %dma_wait3A_442 = arith.constant 0 : i32
      %dma_wait3A_443 = tpu.memref_slice %arg13[%dma_wait3A_442] : memref<16384xf32, #tpu.memory_space<vmem>> -> memref<1024xf32, #tpu.memory_space<vmem>>
      %dma_wait3A_444 = tpu.memref_slice %arg15[%mul3A_152] : memref<16384xf32, #tpu.memory_space<vmem_shared>> -> memref<1024xf32, #tpu.memory_space<vmem_shared>>
      %dma_wait3A_445 = tpu.memref_slice %arg15[%mul3A_152] : memref<16384xf32, #tpu.memory_space<vmem_shared>> -> memref<1024xf32, #tpu.memory_space<vmem_shared>>
      %dma_wait3A_446 = arith.constant 0 : i32
      %dma_wait3A_447 = tpu.memref_slice %arg13[%dma_wait3A_446] : memref<16384xf32, #tpu.memory_space<vmem>> -> memref<1024xf32, #tpu.memory_space<vmem>>
      tpu.wait_dma2 semaphore(%run_scoped3A : memref<!tpu.dma_semaphore, #tpu.memory_space<semaphore_mem>>) src(%dma_wait3A_447 : memref<1024xf32, #tpu.memory_space<vmem>>) dst(%dma_wait3A_445 : memref<1024xf32, #tpu.memory_space<vmem_shared>>)
      tpu.yield
    }) : () -> ()
    %barrier3A = arith.constant 0 : index
    tpu.barrier barrier_id(%barrier3A)
    %dma_wait3A = arith.constant 0 : i32
    %dma_wait3A_153 = tpu.memref_slice %arg2[%add3A_9, %dma_wait3A] : memref<256x8192xi32, #tpu.memory_space<hbm>> -> memref<1x8192xi32, #tpu.memory_space<hbm>>
    %dma_wait3A_154 = tpu.memref_squeeze %dma_wait3A_153 : memref<1x8192xi32, #tpu.memory_space<hbm>> -> memref<8192xi32, #tpu.memory_space<hbm>>
    %dma_wait3A_155 = arith.constant 0 : i32
    %dma_wait3A_156 = tpu.memref_slice %arg2[%add3A_9, %dma_wait3A_155] : memref<256x8192xi32, #tpu.memory_space<hbm>> -> memref<1x8192xi32, #tpu.memory_space<hbm>>
    %dma_wait3A_157 = tpu.memref_squeeze %dma_wait3A_156 : memref<1x8192xi32, #tpu.memory_space<hbm>> -> memref<8192xi32, #tpu.memory_space<hbm>>
    tpu.wait_dma2 semaphore(%arg16 : memref<!tpu.dma_semaphore, #tpu.memory_space<semaphore_mem>>) src(%dma_wait3A_157 : memref<8192xi32, #tpu.memory_space<hbm>>) dst(%arg6 : memref<8192xi32, #tpu.memory_space<vmem>>)
    %dma_wait3A_158 = arith.constant 0 : i32
    %dma_wait3A_159 = tpu.memref_slice %arg3[%add3A_16, %dma_wait3A_158] : memref<256x8192xi32, #tpu.memory_space<hbm>> -> memref<1x8192xi32, #tpu.memory_space<hbm>>
    %dma_wait3A_160 = tpu.memref_squeeze %dma_wait3A_159 : memref<1x8192xi32, #tpu.memory_space<hbm>> -> memref<8192xi32, #tpu.memory_space<hbm>>
    %dma_wait3A_161 = arith.constant 0 : i32
    %dma_wait3A_162 = tpu.memref_slice %arg3[%add3A_16, %dma_wait3A_161] : memref<256x8192xi32, #tpu.memory_space<hbm>> -> memref<1x8192xi32, #tpu.memory_space<hbm>>
    %dma_wait3A_163 = tpu.memref_squeeze %dma_wait3A_162 : memref<1x8192xi32, #tpu.memory_space<hbm>> -> memref<8192xi32, #tpu.memory_space<hbm>>
    tpu.wait_dma2 semaphore(%arg16 : memref<!tpu.dma_semaphore, #tpu.memory_space<semaphore_mem>>) src(%dma_wait3A_163 : memref<8192xi32, #tpu.memory_space<hbm>>) dst(%arg8 : memref<8192xi32, #tpu.memory_space<vmem>>)
    %add3A_164 = arith.constant 1 : i32
    %add3A_165 = arith.addi %mul3A_4, %add3A_164 : i32
    %dma_start3A_166 = arith.constant 0 : i32
    %dma_start3A_167 = tpu.memref_slice %arg2[%add3A_165, %dma_start3A_166] : memref<256x8192xi32, #tpu.memory_space<hbm>> -> memref<1x8192xi32, #tpu.memory_space<hbm>>
    %dma_start3A_168 = tpu.memref_squeeze %dma_start3A_167 : memref<1x8192xi32, #tpu.memory_space<hbm>> -> memref<8192xi32, #tpu.memory_space<hbm>>
    %dma_start3A_169 = arith.constant 0 : i32
    %dma_start3A_170 = tpu.memref_slice %arg2[%add3A_165, %dma_start3A_169] : memref<256x8192xi32, #tpu.memory_space<hbm>> -> memref<1x8192xi32, #tpu.memory_space<hbm>>
    %dma_start3A_171 = tpu.memref_squeeze %dma_start3A_170 : memref<1x8192xi32, #tpu.memory_space<hbm>> -> memref<8192xi32, #tpu.memory_space<hbm>>
    tpu.enqueue_dma source(%dma_start3A_171 : memref<8192xi32, #tpu.memory_space<hbm>>) target(%arg7 : memref<8192xi32, #tpu.memory_space<vmem>>) target_semaphore(%arg17 : memref<!tpu.dma_semaphore, #tpu.memory_space<semaphore_mem>>)
    %add3A_172 = arith.constant 1 : i32
    %add3A_173 = arith.addi %mul3A_4, %add3A_172 : i32
    %dma_start3A_174 = arith.constant 0 : i32
    %dma_start3A_175 = tpu.memref_slice %arg3[%add3A_173, %dma_start3A_174] : memref<256x8192xi32, #tpu.memory_space<hbm>> -> memref<1x8192xi32, #tpu.memory_space<hbm>>
    %dma_start3A_176 = tpu.memref_squeeze %dma_start3A_175 : memref<1x8192xi32, #tpu.memory_space<hbm>> -> memref<8192xi32, #tpu.memory_space<hbm>>
    %dma_start3A_177 = arith.constant 0 : i32
    %dma_start3A_178 = tpu.memref_slice %arg3[%add3A_173, %dma_start3A_177] : memref<256x8192xi32, #tpu.memory_space<hbm>> -> memref<1x8192xi32, #tpu.memory_space<hbm>>
    %dma_start3A_179 = tpu.memref_squeeze %dma_start3A_178 : memref<1x8192xi32, #tpu.memory_space<hbm>> -> memref<8192xi32, #tpu.memory_space<hbm>>
    tpu.enqueue_dma source(%dma_start3A_179 : memref<8192xi32, #tpu.memory_space<hbm>>) target(%arg9 : memref<8192xi32, #tpu.memory_space<vmem>>) target_semaphore(%arg17 : memref<!tpu.dma_semaphore, #tpu.memory_space<semaphore_mem>>)
    %scan3A = arith.constant 0 : i32
    %scan3A_180 = arith.constant 0 : i32
    %scan3A_181 = arith.constant 32 : i32
    %scan3A_182 = arith.addi %scan3A_180, %scan3A_181 : i32
    %scan3A_183 = arith.constant 1 : i32
    %scan3A_184 = scf.for %scan3A_436 = %scan3A_180 to %scan3A_182 step %scan3A_183 iter_args(%scan3A_437 = %scan3A) -> (i32)  : i32 {
      %mul3A_438 = arith.constant 256 : i32
      %mul3A_439 = arith.muli %scan3A_436, %mul3A_438 : i32
      %add3A_440 = arith.constant 0 : i32
      %add3A_441 = arith.addi %mul3A_439, %add3A_440 : i32
      %get3A = arith.index_cast %add3A_441 : i32 to index
      %get3A_442 = tpu.vector_load %arg6[%get3A] {strides = array<i32>} : memref<8192xi32, #tpu.memory_space<vmem>>, vector<16xi32>,
      %get3A_443 = arith.index_cast %add3A_441 : i32 to index
      %get3A_444 = tpu.vector_load %arg8[%get3A_443] {strides = array<i32>} : memref<8192xi32, #tpu.memory_space<vmem>>, vector<16xi32>,
      %add3A_445 = arith.constant 0 : i32
      %add3A_446 = arith.addi %add3A_445, %mul3A_439 : i32
      %add3A_447 = arith.constant 0 : i32
      %add3A_448 = arith.addi %add3A_446, %add3A_447 : i32
      %mul3A_449 = arith.constant 63 : i32
      %mul3A_450 = arith.muli %add3A_448, %mul3A_449 : i32
      %and3A = arith.constant 16383 : i32
      %and3A_451 = arith.andi %mul3A_450, %and3A : i32
      %add3A_452 = vector.broadcast %and3A_451 : i32 to vector<16xi32>
      %add3A_453 = arith.addi %mul3A_7, %add3A_452 : vector<16xi32>
      %and3A_454 = arith.constant 16383 : i32
      %and3A_455 = vector.broadcast %and3A_454 : i32 to vector<16xi32>
      %and3A_456 = arith.andi %add3A_453, %and3A_455 : vector<16xi32>
      %add3A_457 = arith.constant 16 : i32
      %add3A_458 = arith.addi %mul3A_439, %add3A_457 : i32
      %get3A_459 = arith.index_cast %add3A_458 : i32 to index
      %get3A_460 = tpu.vector_load %arg6[%get3A_459] {strides = array<i32>} : memref<8192xi32, #tpu.memory_space<vmem>>, vector<16xi32>,
      %get3A_461 = arith.index_cast %add3A_458 : i32 to index
      %get3A_462 = tpu.vector_load %arg8[%get3A_461] {strides = array<i32>} : memref<8192xi32, #tpu.memory_space<vmem>>, vector<16xi32>,
      %add3A_463 = arith.constant 0 : i32
      %add3A_464 = arith.addi %add3A_463, %mul3A_439 : i32
      %add3A_465 = arith.constant 16 : i32
      %add3A_466 = arith.addi %add3A_464, %add3A_465 : i32
      %mul3A_467 = arith.constant 63 : i32
      %mul3A_468 = arith.muli %add3A_466, %mul3A_467 : i32
      %and3A_469 = arith.constant 16383 : i32
      %and3A_470 = arith.andi %mul3A_468, %and3A_469 : i32
      %add3A_471 = vector.broadcast %and3A_470 : i32 to vector<16xi32>
      %add3A_472 = arith.addi %mul3A_7, %add3A_471 : vector<16xi32>
      %and3A_473 = arith.constant 16383 : i32
      %and3A_474 = vector.broadcast %and3A_473 : i32 to vector<16xi32>
      %and3A_475 = arith.andi %add3A_472, %and3A_474 : vector<16xi32>
      %add3A_476 = arith.constant 32 : i32
      %add3A_477 = arith.addi %mul3A_439, %add3A_476 : i32
      %get3A_478 = arith.index_cast %add3A_477 : i32 to index
      %get3A_479 = tpu.vector_load %arg6[%get3A_478] {strides = array<i32>} : memref<8192xi32, #tpu.memory_space<vmem>>, vector<16xi32>,
      %get3A_480 = arith.index_cast %add3A_477 : i32 to index
      %get3A_481 = tpu.vector_load %arg8[%get3A_480] {strides = array<i32>} : memref<8192xi32, #tpu.memory_space<vmem>>, vector<16xi32>,
      %add3A_482 = arith.constant 0 : i32
      %add3A_483 = arith.addi %add3A_482, %mul3A_439 : i32
      %add3A_484 = arith.constant 32 : i32
      %add3A_485 = arith.addi %add3A_483, %add3A_484 : i32
      %mul3A_486 = arith.constant 63 : i32
      %mul3A_487 = arith.muli %add3A_485, %mul3A_486 : i32
      %and3A_488 = arith.constant 16383 : i32
      %and3A_489 = arith.andi %mul3A_487, %and3A_488 : i32
      %add3A_490 = vector.broadcast %and3A_489 : i32 to vector<16xi32>
      %add3A_491 = arith.addi %mul3A_7, %add3A_490 : vector<16xi32>
      %and3A_492 = arith.constant 16383 : i32
      %and3A_493 = vector.broadcast %and3A_492 : i32 to vector<16xi32>
      %and3A_494 = arith.andi %add3A_491, %and3A_493 : vector<16xi32>
      %add3A_495 = arith.constant 48 : i32
      %add3A_496 = arith.addi %mul3A_439, %add3A_495 : i32
      %get3A_497 = arith.index_cast %add3A_496 : i32 to index
      %get3A_498 = tpu.vector_load %arg6[%get3A_497] {strides = array<i32>} : memref<8192xi32, #tpu.memory_space<vmem>>, vector<16xi32>,
      %get3A_499 = arith.index_cast %add3A_496 : i32 to index
      %get3A_500 = tpu.vector_load %arg8[%get3A_499] {strides = array<i32>} : memref<8192xi32, #tpu.memory_space<vmem>>, vector<16xi32>,
      %add3A_501 = arith.constant 0 : i32
      %add3A_502 = arith.addi %add3A_501, %mul3A_439 : i32
      %add3A_503 = arith.constant 48 : i32
      %add3A_504 = arith.addi %add3A_502, %add3A_503 : i32
      %mul3A_505 = arith.constant 63 : i32
      %mul3A_506 = arith.muli %add3A_504, %mul3A_505 : i32
      %and3A_507 = arith.constant 16383 : i32
      %and3A_508 = arith.andi %mul3A_506, %and3A_507 : i32
      %add3A_509 = vector.broadcast %and3A_508 : i32 to vector<16xi32>
      %add3A_510 = arith.addi %mul3A_7, %add3A_509 : vector<16xi32>
      %and3A_511 = arith.constant 16383 : i32
      %and3A_512 = vector.broadcast %and3A_511 : i32 to vector<16xi32>
      %and3A_513 = arith.andi %add3A_510, %and3A_512 : vector<16xi32>
      %add3A_514 = arith.constant 64 : i32
      %add3A_515 = arith.addi %mul3A_439, %add3A_514 : i32
      %get3A_516 = arith.index_cast %add3A_515 : i32 to index
      %get3A_517 = tpu.vector_load %arg6[%get3A_516] {strides = array<i32>} : memref<8192xi32, #tpu.memory_space<vmem>>, vector<16xi32>,
      %get3A_518 = arith.index_cast %add3A_515 : i32 to index
      %get3A_519 = tpu.vector_load %arg8[%get3A_518] {strides = array<i32>} : memref<8192xi32, #tpu.memory_space<vmem>>, vector<16xi32>,
      %add3A_520 = arith.constant 0 : i32
      %add3A_521 = arith.addi %add3A_520, %mul3A_439 : i32
      %add3A_522 = arith.constant 64 : i32
      %add3A_523 = arith.addi %add3A_521, %add3A_522 : i32
      %mul3A_524 = arith.constant 63 : i32
      %mul3A_525 = arith.muli %add3A_523, %mul3A_524 : i32
      %and3A_526 = arith.constant 16383 : i32
      %and3A_527 = arith.andi %mul3A_525, %and3A_526 : i32
      %add3A_528 = vector.broadcast %and3A_527 : i32 to vector<16xi32>
      %add3A_529 = arith.addi %mul3A_7, %add3A_528 : vector<16xi32>
      %and3A_530 = arith.constant 16383 : i32
      %and3A_531 = vector.broadcast %and3A_530 : i32 to vector<16xi32>
      %and3A_532 = arith.andi %add3A_529, %and3A_531 : vector<16xi32>
      %add3A_533 = arith.constant 80 : i32
      %add3A_534 = arith.addi %mul3A_439, %add3A_533 : i32
      %get3A_535 = arith.index_cast %add3A_534 : i32 to index
      %get3A_536 = tpu.vector_load %arg6[%get3A_535] {strides = array<i32>} : memref<8192xi32, #tpu.memory_space<vmem>>, vector<16xi32>,
      %get3A_537 = arith.index_cast %add3A_534 : i32 to index
      %get3A_538 = tpu.vector_load %arg8[%get3A_537] {strides = array<i32>} : memref<8192xi32, #tpu.memory_space<vmem>>, vector<16xi32>,
      %add3A_539 = arith.constant 0 : i32
      %add3A_540 = arith.addi %add3A_539, %mul3A_439 : i32
      %add3A_541 = arith.constant 80 : i32
      %add3A_542 = arith.addi %add3A_540, %add3A_541 : i32
      %mul3A_543 = arith.constant 63 : i32
      %mul3A_544 = arith.muli %add3A_542, %mul3A_543 : i32
      %and3A_545 = arith.constant 16383 : i32
      %and3A_546 = arith.andi %mul3A_544, %and3A_545 : i32
      %add3A_547 = vector.broadcast %and3A_546 : i32 to vector<16xi32>
      %add3A_548 = arith.addi %mul3A_7, %add3A_547 : vector<16xi32>
      %and3A_549 = arith.constant 16383 : i32
      %and3A_550 = vector.broadcast %and3A_549 : i32 to vector<16xi32>
      %and3A_551 = arith.andi %add3A_548, %and3A_550 : vector<16xi32>
      %add3A_552 = arith.constant 96 : i32
      %add3A_553 = arith.addi %mul3A_439, %add3A_552 : i32
      %get3A_554 = arith.index_cast %add3A_553 : i32 to index
      %get3A_555 = tpu.vector_load %arg6[%get3A_554] {strides = array<i32>} : memref<8192xi32, #tpu.memory_space<vmem>>, vector<16xi32>,
      %get3A_556 = arith.index_cast %add3A_553 : i32 to index
      %get3A_557 = tpu.vector_load %arg8[%get3A_556] {strides = array<i32>} : memref<8192xi32, #tpu.memory_space<vmem>>, vector<16xi32>,
      %add3A_558 = arith.constant 0 : i32
      %add3A_559 = arith.addi %add3A_558, %mul3A_439 : i32
      %add3A_560 = arith.constant 96 : i32
      %add3A_561 = arith.addi %add3A_559, %add3A_560 : i32
      %mul3A_562 = arith.constant 63 : i32
      %mul3A_563 = arith.muli %add3A_561, %mul3A_562 : i32
      %and3A_564 = arith.constant 16383 : i32
      %and3A_565 = arith.andi %mul3A_563, %and3A_564 : i32
      %add3A_566 = vector.broadcast %and3A_565 : i32 to vector<16xi32>
      %add3A_567 = arith.addi %mul3A_7, %add3A_566 : vector<16xi32>
      %and3A_568 = arith.constant 16383 : i32
      %and3A_569 = vector.broadcast %and3A_568 : i32 to vector<16xi32>
      %and3A_570 = arith.andi %add3A_567, %and3A_569 : vector<16xi32>
      %add3A_571 = arith.constant 112 : i32
      %add3A_572 = arith.addi %mul3A_439, %add3A_571 : i32
      %get3A_573 = arith.index_cast %add3A_572 : i32 to index
      %get3A_574 = tpu.vector_load %arg6[%get3A_573] {strides = array<i32>} : memref<8192xi32, #tpu.memory_space<vmem>>, vector<16xi32>,
      %get3A_575 = arith.index_cast %add3A_572 : i32 to index
      %get3A_576 = tpu.vector_load %arg8[%get3A_575] {strides = array<i32>} : memref<8192xi32, #tpu.memory_space<vmem>>, vector<16xi32>,
      %add3A_577 = arith.constant 0 : i32
      %add3A_578 = arith.addi %add3A_577, %mul3A_439 : i32
      %add3A_579 = arith.constant 112 : i32
      %add3A_580 = arith.addi %add3A_578, %add3A_579 : i32
      %mul3A_581 = arith.constant 63 : i32
      %mul3A_582 = arith.muli %add3A_580, %mul3A_581 : i32
      %and3A_583 = arith.constant 16383 : i32
      %and3A_584 = arith.andi %mul3A_582, %and3A_583 : i32
      %add3A_585 = vector.broadcast %and3A_584 : i32 to vector<16xi32>
      %add3A_586 = arith.addi %mul3A_7, %add3A_585 : vector<16xi32>
      %and3A_587 = arith.constant 16383 : i32
      %and3A_588 = vector.broadcast %and3A_587 : i32 to vector<16xi32>
      %and3A_589 = arith.andi %add3A_586, %and3A_588 : vector<16xi32>
      %add3A_590 = arith.constant 128 : i32
      %add3A_591 = arith.addi %mul3A_439, %add3A_590 : i32
      %get3A_592 = arith.index_cast %add3A_591 : i32 to index
      %get3A_593 = tpu.vector_load %arg6[%get3A_592] {strides = array<i32>} : memref<8192xi32, #tpu.memory_space<vmem>>, vector<16xi32>,
      %get3A_594 = arith.index_cast %add3A_591 : i32 to index
      %get3A_595 = tpu.vector_load %arg8[%get3A_594] {strides = array<i32>} : memref<8192xi32, #tpu.memory_space<vmem>>, vector<16xi32>,
      %add3A_596 = arith.constant 0 : i32
      %add3A_597 = arith.addi %add3A_596, %mul3A_439 : i32
      %add3A_598 = arith.constant 128 : i32
      %add3A_599 = arith.addi %add3A_597, %add3A_598 : i32
      %mul3A_600 = arith.constant 63 : i32
      %mul3A_601 = arith.muli %add3A_599, %mul3A_600 : i32
      %and3A_602 = arith.constant 16383 : i32
      %and3A_603 = arith.andi %mul3A_601, %and3A_602 : i32
      %add3A_604 = vector.broadcast %and3A_603 : i32 to vector<16xi32>
      %add3A_605 = arith.addi %mul3A_7, %add3A_604 : vector<16xi32>
      %and3A_606 = arith.constant 16383 : i32
      %and3A_607 = vector.broadcast %and3A_606 : i32 to vector<16xi32>
      %and3A_608 = arith.andi %add3A_605, %and3A_607 : vector<16xi32>
      %add3A_609 = arith.constant 144 : i32
      %add3A_610 = arith.addi %mul3A_439, %add3A_609 : i32
      %get3A_611 = arith.index_cast %add3A_610 : i32 to index
      %get3A_612 = tpu.vector_load %arg6[%get3A_611] {strides = array<i32>} : memref<8192xi32, #tpu.memory_space<vmem>>, vector<16xi32>,
      %get3A_613 = arith.index_cast %add3A_610 : i32 to index
      %get3A_614 = tpu.vector_load %arg8[%get3A_613] {strides = array<i32>} : memref<8192xi32, #tpu.memory_space<vmem>>, vector<16xi32>,
      %add3A_615 = arith.constant 0 : i32
      %add3A_616 = arith.addi %add3A_615, %mul3A_439 : i32
      %add3A_617 = arith.constant 144 : i32
      %add3A_618 = arith.addi %add3A_616, %add3A_617 : i32
      %mul3A_619 = arith.constant 63 : i32
      %mul3A_620 = arith.muli %add3A_618, %mul3A_619 : i32
      %and3A_621 = arith.constant 16383 : i32
      %and3A_622 = arith.andi %mul3A_620, %and3A_621 : i32
      %add3A_623 = vector.broadcast %and3A_622 : i32 to vector<16xi32>
      %add3A_624 = arith.addi %mul3A_7, %add3A_623 : vector<16xi32>
      %and3A_625 = arith.constant 16383 : i32
      %and3A_626 = vector.broadcast %and3A_625 : i32 to vector<16xi32>
      %and3A_627 = arith.andi %add3A_624, %and3A_626 : vector<16xi32>
      %add3A_628 = arith.constant 160 : i32
      %add3A_629 = arith.addi %mul3A_439, %add3A_628 : i32
      %get3A_630 = arith.index_cast %add3A_629 : i32 to index
      %get3A_631 = tpu.vector_load %arg6[%get3A_630] {strides = array<i32>} : memref<8192xi32, #tpu.memory_space<vmem>>, vector<16xi32>,
      %get3A_632 = arith.index_cast %add3A_629 : i32 to index
      %get3A_633 = tpu.vector_load %arg8[%get3A_632] {strides = array<i32>} : memref<8192xi32, #tpu.memory_space<vmem>>, vector<16xi32>,
      %add3A_634 = arith.constant 0 : i32
      %add3A_635 = arith.addi %add3A_634, %mul3A_439 : i32
      %add3A_636 = arith.constant 160 : i32
      %add3A_637 = arith.addi %add3A_635, %add3A_636 : i32
      %mul3A_638 = arith.constant 63 : i32
      %mul3A_639 = arith.muli %add3A_637, %mul3A_638 : i32
      %and3A_640 = arith.constant 16383 : i32
      %and3A_641 = arith.andi %mul3A_639, %and3A_640 : i32
      %add3A_642 = vector.broadcast %and3A_641 : i32 to vector<16xi32>
      %add3A_643 = arith.addi %mul3A_7, %add3A_642 : vector<16xi32>
      %and3A_644 = arith.constant 16383 : i32
      %and3A_645 = vector.broadcast %and3A_644 : i32 to vector<16xi32>
      %and3A_646 = arith.andi %add3A_643, %and3A_645 : vector<16xi32>
      %add3A_647 = arith.constant 176 : i32
      %add3A_648 = arith.addi %mul3A_439, %add3A_647 : i32
      %get3A_649 = arith.index_cast %add3A_648 : i32 to index
      %get3A_650 = tpu.vector_load %arg6[%get3A_649] {strides = array<i32>} : memref<8192xi32, #tpu.memory_space<vmem>>, vector<16xi32>,
      %get3A_651 = arith.index_cast %add3A_648 : i32 to index
      %get3A_652 = tpu.vector_load %arg8[%get3A_651] {strides = array<i32>} : memref<8192xi32, #tpu.memory_space<vmem>>, vector<16xi32>,
      %add3A_653 = arith.constant 0 : i32
      %add3A_654 = arith.addi %add3A_653, %mul3A_439 : i32
      %add3A_655 = arith.constant 176 : i32
      %add3A_656 = arith.addi %add3A_654, %add3A_655 : i32
      %mul3A_657 = arith.constant 63 : i32
      %mul3A_658 = arith.muli %add3A_656, %mul3A_657 : i32
      %and3A_659 = arith.constant 16383 : i32
      %and3A_660 = arith.andi %mul3A_658, %and3A_659 : i32
      %add3A_661 = vector.broadcast %and3A_660 : i32 to vector<16xi32>
      %add3A_662 = arith.addi %mul3A_7, %add3A_661 : vector<16xi32>
      %and3A_663 = arith.constant 16383 : i32
      %and3A_664 = vector.broadcast %and3A_663 : i32 to vector<16xi32>
      %and3A_665 = arith.andi %add3A_662, %and3A_664 : vector<16xi32>
      %add3A_666 = arith.constant 192 : i32
      %add3A_667 = arith.addi %mul3A_439, %add3A_666 : i32
      %get3A_668 = arith.index_cast %add3A_667 : i32 to index
      %get3A_669 = tpu.vector_load %arg6[%get3A_668] {strides = array<i32>} : memref<8192xi32, #tpu.memory_space<vmem>>, vector<16xi32>,
      %get3A_670 = arith.index_cast %add3A_667 : i32 to index
      %get3A_671 = tpu.vector_load %arg8[%get3A_670] {strides = array<i32>} : memref<8192xi32, #tpu.memory_space<vmem>>, vector<16xi32>,
      %add3A_672 = arith.constant 0 : i32
      %add3A_673 = arith.addi %add3A_672, %mul3A_439 : i32
      %add3A_674 = arith.constant 192 : i32
      %add3A_675 = arith.addi %add3A_673, %add3A_674 : i32
      %mul3A_676 = arith.constant 63 : i32
      %mul3A_677 = arith.muli %add3A_675, %mul3A_676 : i32
      %and3A_678 = arith.constant 16383 : i32
      %and3A_679 = arith.andi %mul3A_677, %and3A_678 : i32
      %add3A_680 = vector.broadcast %and3A_679 : i32 to vector<16xi32>
      %add3A_681 = arith.addi %mul3A_7, %add3A_680 : vector<16xi32>
      %and3A_682 = arith.constant 16383 : i32
      %and3A_683 = vector.broadcast %and3A_682 : i32 to vector<16xi32>
      %and3A_684 = arith.andi %add3A_681, %and3A_683 : vector<16xi32>
      %add3A_685 = arith.constant 208 : i32
      %add3A_686 = arith.addi %mul3A_439, %add3A_685 : i32
      %get3A_687 = arith.index_cast %add3A_686 : i32 to index
      %get3A_688 = tpu.vector_load %arg6[%get3A_687] {strides = array<i32>} : memref<8192xi32, #tpu.memory_space<vmem>>, vector<16xi32>,
      %get3A_689 = arith.index_cast %add3A_686 : i32 to index
      %get3A_690 = tpu.vector_load %arg8[%get3A_689] {strides = array<i32>} : memref<8192xi32, #tpu.memory_space<vmem>>, vector<16xi32>,
      %add3A_691 = arith.constant 0 : i32
      %add3A_692 = arith.addi %add3A_691, %mul3A_439 : i32
      %add3A_693 = arith.constant 208 : i32
      %add3A_694 = arith.addi %add3A_692, %add3A_693 : i32
      %mul3A_695 = arith.constant 63 : i32
      %mul3A_696 = arith.muli %add3A_694, %mul3A_695 : i32
      %and3A_697 = arith.constant 16383 : i32
      %and3A_698 = arith.andi %mul3A_696, %and3A_697 : i32
      %add3A_699 = vector.broadcast %and3A_698 : i32 to vector<16xi32>
      %add3A_700 = arith.addi %mul3A_7, %add3A_699 : vector<16xi32>
      %and3A_701 = arith.constant 16383 : i32
      %and3A_702 = vector.broadcast %and3A_701 : i32 to vector<16xi32>
      %and3A_703 = arith.andi %add3A_700, %and3A_702 : vector<16xi32>
      %add3A_704 = arith.constant 224 : i32
      %add3A_705 = arith.addi %mul3A_439, %add3A_704 : i32
      %get3A_706 = arith.index_cast %add3A_705 : i32 to index
      %get3A_707 = tpu.vector_load %arg6[%get3A_706] {strides = array<i32>} : memref<8192xi32, #tpu.memory_space<vmem>>, vector<16xi32>,
      %get3A_708 = arith.index_cast %add3A_705 : i32 to index
      %get3A_709 = tpu.vector_load %arg8[%get3A_708] {strides = array<i32>} : memref<8192xi32, #tpu.memory_space<vmem>>, vector<16xi32>,
      %add3A_710 = arith.constant 0 : i32
      %add3A_711 = arith.addi %add3A_710, %mul3A_439 : i32
      %add3A_712 = arith.constant 224 : i32
      %add3A_713 = arith.addi %add3A_711, %add3A_712 : i32
      %mul3A_714 = arith.constant 63 : i32
      %mul3A_715 = arith.muli %add3A_713, %mul3A_714 : i32
      %and3A_716 = arith.constant 16383 : i32
      %and3A_717 = arith.andi %mul3A_715, %and3A_716 : i32
      %add3A_718 = vector.broadcast %and3A_717 : i32 to vector<16xi32>
      %add3A_719 = arith.addi %mul3A_7, %add3A_718 : vector<16xi32>
      %and3A_720 = arith.constant 16383 : i32
      %and3A_721 = vector.broadcast %and3A_720 : i32 to vector<16xi32>
      %and3A_722 = arith.andi %add3A_719, %and3A_721 : vector<16xi32>
      %add3A_723 = arith.constant 240 : i32
      %add3A_724 = arith.addi %mul3A_439, %add3A_723 : i32
      %get3A_725 = arith.index_cast %add3A_724 : i32 to index
      %get3A_726 = tpu.vector_load %arg6[%get3A_725] {strides = array<i32>} : memref<8192xi32, #tpu.memory_space<vmem>>, vector<16xi32>,
      %get3A_727 = arith.index_cast %add3A_724 : i32 to index
      %get3A_728 = tpu.vector_load %arg8[%get3A_727] {strides = array<i32>} : memref<8192xi32, #tpu.memory_space<vmem>>, vector<16xi32>,
      %add3A_729 = arith.constant 0 : i32
      %add3A_730 = arith.addi %add3A_729, %mul3A_439 : i32
      %add3A_731 = arith.constant 240 : i32
      %add3A_732 = arith.addi %add3A_730, %add3A_731 : i32
      %mul3A_733 = arith.constant 63 : i32
      %mul3A_734 = arith.muli %add3A_732, %mul3A_733 : i32
      %and3A_735 = arith.constant 16383 : i32
      %and3A_736 = arith.andi %mul3A_734, %and3A_735 : i32
      %add3A_737 = vector.broadcast %and3A_736 : i32 to vector<16xi32>
      %add3A_738 = arith.addi %mul3A_7, %add3A_737 : vector<16xi32>
      %and3A_739 = arith.constant 16383 : i32
      %and3A_740 = vector.broadcast %and3A_739 : i32 to vector<16xi32>
      %and3A_741 = arith.andi %add3A_738, %and3A_740 : vector<16xi32>
      %gather3A = tpu.vector_load_idx %arg14[%get3A_442] : memref<128xf32, #tpu.memory_space<vmem>>[vector<16xi32>], vector<16xf32>,
      %gather3A_742 = tpu.vector_load_idx %arg14[%get3A_460] : memref<128xf32, #tpu.memory_space<vmem>>[vector<16xi32>], vector<16xf32>,
      %gather3A_743 = tpu.vector_load_idx %arg14[%get3A_479] : memref<128xf32, #tpu.memory_space<vmem>>[vector<16xi32>], vector<16xf32>,
      %gather3A_744 = tpu.vector_load_idx %arg14[%get3A_498] : memref<128xf32, #tpu.memory_space<vmem>>[vector<16xi32>], vector<16xf32>,
      %gather3A_745 = tpu.vector_load_idx %arg14[%get3A_517] : memref<128xf32, #tpu.memory_space<vmem>>[vector<16xi32>], vector<16xf32>,
      %gather3A_746 = tpu.vector_load_idx %arg14[%get3A_536] : memref<128xf32, #tpu.memory_space<vmem>>[vector<16xi32>], vector<16xf32>,
      %gather3A_747 = tpu.vector_load_idx %arg14[%get3A_555] : memref<128xf32, #tpu.memory_space<vmem>>[vector<16xi32>], vector<16xf32>,
      %gather3A_748 = tpu.vector_load_idx %arg14[%get3A_574] : memref<128xf32, #tpu.memory_space<vmem>>[vector<16xi32>], vector<16xf32>,
      %gather3A_749 = tpu.vector_load_idx %arg14[%get3A_593] : memref<128xf32, #tpu.memory_space<vmem>>[vector<16xi32>], vector<16xf32>,
      %gather3A_750 = tpu.vector_load_idx %arg14[%get3A_612] : memref<128xf32, #tpu.memory_space<vmem>>[vector<16xi32>], vector<16xf32>,
      %gather3A_751 = tpu.vector_load_idx %arg14[%get3A_631] : memref<128xf32, #tpu.memory_space<vmem>>[vector<16xi32>], vector<16xf32>,
      %gather3A_752 = tpu.vector_load_idx %arg14[%get3A_650] : memref<128xf32, #tpu.memory_space<vmem>>[vector<16xi32>], vector<16xf32>,
      %gather3A_753 = tpu.vector_load_idx %arg14[%get3A_669] : memref<128xf32, #tpu.memory_space<vmem>>[vector<16xi32>], vector<16xf32>,
      %gather3A_754 = tpu.vector_load_idx %arg14[%get3A_688] : memref<128xf32, #tpu.memory_space<vmem>>[vector<16xi32>], vector<16xf32>,
      %gather3A_755 = tpu.vector_load_idx %arg14[%get3A_707] : memref<128xf32, #tpu.memory_space<vmem>>[vector<16xi32>], vector<16xf32>,
      %gather3A_756 = tpu.vector_load_idx %arg14[%get3A_726] : memref<128xf32, #tpu.memory_space<vmem>>[vector<16xi32>], vector<16xf32>,
      tpu.vector_store_idx %arg12[%and3A_456], %gather3A : memref<16384xf32, #tpu.memory_space<vmem>>[vector<16xi32>], vector<16xf32>,
      tpu.vector_store_idx %arg10[%and3A_456], %get3A_444 : memref<16384xi32, #tpu.memory_space<vmem>>[vector<16xi32>], vector<16xi32>,
      tpu.vector_store_idx %arg12[%and3A_475], %gather3A_742 : memref<16384xf32, #tpu.memory_space<vmem>>[vector<16xi32>], vector<16xf32>,
      tpu.vector_store_idx %arg10[%and3A_475], %get3A_462 : memref<16384xi32, #tpu.memory_space<vmem>>[vector<16xi32>], vector<16xi32>,
      tpu.vector_store_idx %arg12[%and3A_494], %gather3A_743 : memref<16384xf32, #tpu.memory_space<vmem>>[vector<16xi32>], vector<16xf32>,
      tpu.vector_store_idx %arg10[%and3A_494], %get3A_481 : memref<16384xi32, #tpu.memory_space<vmem>>[vector<16xi32>], vector<16xi32>,
      tpu.vector_store_idx %arg12[%and3A_513], %gather3A_744 : memref<16384xf32, #tpu.memory_space<vmem>>[vector<16xi32>], vector<16xf32>,
      tpu.vector_store_idx %arg10[%and3A_513], %get3A_500 : memref<16384xi32, #tpu.memory_space<vmem>>[vector<16xi32>], vector<16xi32>,
      tpu.vector_store_idx %arg12[%and3A_532], %gather3A_745 : memref<16384xf32, #tpu.memory_space<vmem>>[vector<16xi32>], vector<16xf32>,
      tpu.vector_store_idx %arg10[%and3A_532], %get3A_519 : memref<16384xi32, #tpu.memory_space<vmem>>[vector<16xi32>], vector<16xi32>,
      tpu.vector_store_idx %arg12[%and3A_551], %gather3A_746 : memref<16384xf32, #tpu.memory_space<vmem>>[vector<16xi32>], vector<16xf32>,
      tpu.vector_store_idx %arg10[%and3A_551], %get3A_538 : memref<16384xi32, #tpu.memory_space<vmem>>[vector<16xi32>], vector<16xi32>,
      tpu.vector_store_idx %arg12[%and3A_570], %gather3A_747 : memref<16384xf32, #tpu.memory_space<vmem>>[vector<16xi32>], vector<16xf32>,
      tpu.vector_store_idx %arg10[%and3A_570], %get3A_557 : memref<16384xi32, #tpu.memory_space<vmem>>[vector<16xi32>], vector<16xi32>,
      tpu.vector_store_idx %arg12[%and3A_589], %gather3A_748 : memref<16384xf32, #tpu.memory_space<vmem>>[vector<16xi32>], vector<16xf32>,
      tpu.vector_store_idx %arg10[%and3A_589], %get3A_576 : memref<16384xi32, #tpu.memory_space<vmem>>[vector<16xi32>], vector<16xi32>,
      tpu.vector_store_idx %arg12[%and3A_608], %gather3A_749 : memref<16384xf32, #tpu.memory_space<vmem>>[vector<16xi32>], vector<16xf32>,
      tpu.vector_store_idx %arg10[%and3A_608], %get3A_595 : memref<16384xi32, #tpu.memory_space<vmem>>[vector<16xi32>], vector<16xi32>,
      tpu.vector_store_idx %arg12[%and3A_627], %gather3A_750 : memref<16384xf32, #tpu.memory_space<vmem>>[vector<16xi32>], vector<16xf32>,
      tpu.vector_store_idx %arg10[%and3A_627], %get3A_614 : memref<16384xi32, #tpu.memory_space<vmem>>[vector<16xi32>], vector<16xi32>,
      tpu.vector_store_idx %arg12[%and3A_646], %gather3A_751 : memref<16384xf32, #tpu.memory_space<vmem>>[vector<16xi32>], vector<16xf32>,
      tpu.vector_store_idx %arg10[%and3A_646], %get3A_633 : memref<16384xi32, #tpu.memory_space<vmem>>[vector<16xi32>], vector<16xi32>,
      tpu.vector_store_idx %arg12[%and3A_665], %gather3A_752 : memref<16384xf32, #tpu.memory_space<vmem>>[vector<16xi32>], vector<16xf32>,
      tpu.vector_store_idx %arg10[%and3A_665], %get3A_652 : memref<16384xi32, #tpu.memory_space<vmem>>[vector<16xi32>], vector<16xi32>,
      tpu.vector_store_idx %arg12[%and3A_684], %gather3A_753 : memref<16384xf32, #tpu.memory_space<vmem>>[vector<16xi32>], vector<16xf32>,
      tpu.vector_store_idx %arg10[%and3A_684], %get3A_671 : memref<16384xi32, #tpu.memory_space<vmem>>[vector<16xi32>], vector<16xi32>,
      tpu.vector_store_idx %arg12[%and3A_703], %gather3A_754 : memref<16384xf32, #tpu.memory_space<vmem>>[vector<16xi32>], vector<16xf32>,
      tpu.vector_store_idx %arg10[%and3A_703], %get3A_690 : memref<16384xi32, #tpu.memory_space<vmem>>[vector<16xi32>], vector<16xi32>,
      tpu.vector_store_idx %arg12[%and3A_722], %gather3A_755 : memref<16384xf32, #tpu.memory_space<vmem>>[vector<16xi32>], vector<16xf32>,
      tpu.vector_store_idx %arg10[%and3A_722], %get3A_709 : memref<16384xi32, #tpu.memory_space<vmem>>[vector<16xi32>], vector<16xi32>,
      tpu.vector_store_idx %arg12[%and3A_741], %gather3A_756 : memref<16384xf32, #tpu.memory_space<vmem>>[vector<16xi32>], vector<16xf32>,
      tpu.vector_store_idx %arg10[%and3A_741], %get3A_728 : memref<16384xi32, #tpu.memory_space<vmem>>[vector<16xi32>], vector<16xi32>,
      %scan3A_757 = arith.constant 0 : i32
      scf.yield %scan3A_757 : i32
    }
    %scan3A_185 = arith.constant 32 : i32
    %dma_wait3A_186 = arith.constant 0 : i32
    %dma_wait3A_187 = tpu.memref_slice %arg2[%add3A_165, %dma_wait3A_186] : memref<256x8192xi32, #tpu.memory_space<hbm>> -> memref<1x8192xi32, #tpu.memory_space<hbm>>
    %dma_wait3A_188 = tpu.memref_squeeze %dma_wait3A_187 : memref<1x8192xi32, #tpu.memory_space<hbm>> -> memref<8192xi32, #tpu.memory_space<hbm>>
    %dma_wait3A_189 = arith.constant 0 : i32
    %dma_wait3A_190 = tpu.memref_slice %arg2[%add3A_165, %dma_wait3A_189] : memref<256x8192xi32, #tpu.memory_space<hbm>> -> memref<1x8192xi32, #tpu.memory_space<hbm>>
    %dma_wait3A_191 = tpu.memref_squeeze %dma_wait3A_190 : memref<1x8192xi32, #tpu.memory_space<hbm>> -> memref<8192xi32, #tpu.memory_space<hbm>>
    tpu.wait_dma2 semaphore(%arg17 : memref<!tpu.dma_semaphore, #tpu.memory_space<semaphore_mem>>) src(%dma_wait3A_191 : memref<8192xi32, #tpu.memory_space<hbm>>) dst(%arg7 : memref<8192xi32, #tpu.memory_space<vmem>>)
    %dma_wait3A_192 = arith.constant 0 : i32
    %dma_wait3A_193 = tpu.memref_slice %arg3[%add3A_173, %dma_wait3A_192] : memref<256x8192xi32, #tpu.memory_space<hbm>> -> memref<1x8192xi32, #tpu.memory_space<hbm>>
    %dma_wait3A_194 = tpu.memref_squeeze %dma_wait3A_193 : memref<1x8192xi32, #tpu.memory_space<hbm>> -> memref<8192xi32, #tpu.memory_space<hbm>>
    %dma_wait3A_195 = arith.constant 0 : i32
    %dma_wait3A_196 = tpu.memref_slice %arg3[%add3A_173, %dma_wait3A_195] : memref<256x8192xi32, #tpu.memory_space<hbm>> -> memref<1x8192xi32, #tpu.memory_space<hbm>>
    %dma_wait3A_197 = tpu.memref_squeeze %dma_wait3A_196 : memref<1x8192xi32, #tpu.memory_space<hbm>> -> memref<8192xi32, #tpu.memory_space<hbm>>
    tpu.wait_dma2 semaphore(%arg17 : memref<!tpu.dma_semaphore, #tpu.memory_space<semaphore_mem>>) src(%dma_wait3A_197 : memref<8192xi32, #tpu.memory_space<hbm>>) dst(%arg9 : memref<8192xi32, #tpu.memory_space<vmem>>)
    %add3A_198 = arith.constant 2 : i32
    %add3A_199 = arith.addi %mul3A_4, %add3A_198 : i32
    %dma_start3A_200 = arith.constant 0 : i32
    %dma_start3A_201 = tpu.memref_slice %arg2[%add3A_199, %dma_start3A_200] : memref<256x8192xi32, #tpu.memory_space<hbm>> -> memref<1x8192xi32, #tpu.memory_space<hbm>>
    %dma_start3A_202 = tpu.memref_squeeze %dma_start3A_201 : memref<1x8192xi32, #tpu.memory_space<hbm>> -> memref<8192xi32, #tpu.memory_space<hbm>>
    %dma_start3A_203 = arith.constant 0 : i32
    %dma_start3A_204 = tpu.memref_slice %arg2[%add3A_199, %dma_start3A_203] : memref<256x8192xi32, #tpu.memory_space<hbm>> -> memref<1x8192xi32, #tpu.memory_space<hbm>>
    %dma_start3A_205 = tpu.memref_squeeze %dma_start3A_204 : memref<1x8192xi32, #tpu.memory_space<hbm>> -> memref<8192xi32, #tpu.memory_space<hbm>>
    tpu.enqueue_dma source(%dma_start3A_205 : memref<8192xi32, #tpu.memory_space<hbm>>) target(%arg6 : memref<8192xi32, #tpu.memory_space<vmem>>) target_semaphore(%arg16 : memref<!tpu.dma_semaphore, #tpu.memory_space<semaphore_mem>>)
    %add3A_206 = arith.constant 2 : i32
    %add3A_207 = arith.addi %mul3A_4, %add3A_206 : i32
    %dma_start3A_208 = arith.constant 0 : i32
    %dma_start3A_209 = tpu.memref_slice %arg3[%add3A_207, %dma_start3A_208] : memref<256x8192xi32, #tpu.memory_space<hbm>> -> memref<1x8192xi32, #tpu.memory_space<hbm>>
    %dma_start3A_210 = tpu.memref_squeeze %dma_start3A_209 : memref<1x8192xi32, #tpu.memory_space<hbm>> -> memref<8192xi32, #tpu.memory_space<hbm>>
    %dma_start3A_211 = arith.constant 0 : i32
    %dma_start3A_212 = tpu.memref_slice %arg3[%add3A_207, %dma_start3A_211] : memref<256x8192xi32, #tpu.memory_space<hbm>> -> memref<1x8192xi32, #tpu.memory_space<hbm>>
    %dma_start3A_213 = tpu.memref_squeeze %dma_start3A_212 : memref<1x8192xi32, #tpu.memory_space<hbm>> -> memref<8192xi32, #tpu.memory_space<hbm>>
    tpu.enqueue_dma source(%dma_start3A_213 : memref<8192xi32, #tpu.memory_space<hbm>>) target(%arg8 : memref<8192xi32, #tpu.memory_space<vmem>>) target_semaphore(%arg16 : memref<!tpu.dma_semaphore, #tpu.memory_space<semaphore_mem>>)
    %scan3A_214 = arith.constant 0 : i32
    %scan3A_215 = arith.constant 0 : i32
    %scan3A_216 = arith.constant 32 : i32
    %scan3A_217 = arith.addi %scan3A_215, %scan3A_216 : i32
    %scan3A_218 = arith.constant 1 : i32
    %scan3A_219 = scf.for %scan3A_436 = %scan3A_215 to %scan3A_217 step %scan3A_218 iter_args(%scan3A_437 = %scan3A_214) -> (i32)  : i32 {
      %mul3A_438 = arith.constant 256 : i32
      %mul3A_439 = arith.muli %scan3A_436, %mul3A_438 : i32
      %add3A_440 = arith.constant 0 : i32
      %add3A_441 = arith.addi %mul3A_439, %add3A_440 : i32
      %get3A = arith.index_cast %add3A_441 : i32 to index
      %get3A_442 = tpu.vector_load %arg7[%get3A] {strides = array<i32>} : memref<8192xi32, #tpu.memory_space<vmem>>, vector<16xi32>,
      %get3A_443 = arith.index_cast %add3A_441 : i32 to index
      %get3A_444 = tpu.vector_load %arg9[%get3A_443] {strides = array<i32>} : memref<8192xi32, #tpu.memory_space<vmem>>, vector<16xi32>,
      %add3A_445 = arith.constant 8192 : i32
      %add3A_446 = arith.addi %add3A_445, %mul3A_439 : i32
      %add3A_447 = arith.constant 0 : i32
      %add3A_448 = arith.addi %add3A_446, %add3A_447 : i32
      %mul3A_449 = arith.constant 63 : i32
      %mul3A_450 = arith.muli %add3A_448, %mul3A_449 : i32
      %and3A = arith.constant 16383 : i32
      %and3A_451 = arith.andi %mul3A_450, %and3A : i32
      %add3A_452 = vector.broadcast %and3A_451 : i32 to vector<16xi32>
      %add3A_453 = arith.addi %mul3A_7, %add3A_452 : vector<16xi32>
      %and3A_454 = arith.constant 16383 : i32
      %and3A_455 = vector.broadcast %and3A_454 : i32 to vector<16xi32>
      %and3A_456 = arith.andi %add3A_453, %and3A_455 : vector<16xi32>
      %add3A_457 = arith.constant 16 : i32
      %add3A_458 = arith.addi %mul3A_439, %add3A_457 : i32
      %get3A_459 = arith.index_cast %add3A_458 : i32 to index
      %get3A_460 = tpu.vector_load %arg7[%get3A_459] {strides = array<i32>} : memref<8192xi32, #tpu.memory_space<vmem>>, vector<16xi32>,
      %get3A_461 = arith.index_cast %add3A_458 : i32 to index
      %get3A_462 = tpu.vector_load %arg9[%get3A_461] {strides = array<i32>} : memref<8192xi32, #tpu.memory_space<vmem>>, vector<16xi32>,
      %add3A_463 = arith.constant 8192 : i32
      %add3A_464 = arith.addi %add3A_463, %mul3A_439 : i32
      %add3A_465 = arith.constant 16 : i32
      %add3A_466 = arith.addi %add3A_464, %add3A_465 : i32
      %mul3A_467 = arith.constant 63 : i32
      %mul3A_468 = arith.muli %add3A_466, %mul3A_467 : i32
      %and3A_469 = arith.constant 16383 : i32
      %and3A_470 = arith.andi %mul3A_468, %and3A_469 : i32
      %add3A_471 = vector.broadcast %and3A_470 : i32 to vector<16xi32>
      %add3A_472 = arith.addi %mul3A_7, %add3A_471 : vector<16xi32>
      %and3A_473 = arith.constant 16383 : i32
      %and3A_474 = vector.broadcast %and3A_473 : i32 to vector<16xi32>
      %and3A_475 = arith.andi %add3A_472, %and3A_474 : vector<16xi32>
      %add3A_476 = arith.constant 32 : i32
      %add3A_477 = arith.addi %mul3A_439, %add3A_476 : i32
      %get3A_478 = arith.index_cast %add3A_477 : i32 to index
      %get3A_479 = tpu.vector_load %arg7[%get3A_478] {strides = array<i32>} : memref<8192xi32, #tpu.memory_space<vmem>>, vector<16xi32>,
      %get3A_480 = arith.index_cast %add3A_477 : i32 to index
      %get3A_481 = tpu.vector_load %arg9[%get3A_480] {strides = array<i32>} : memref<8192xi32, #tpu.memory_space<vmem>>, vector<16xi32>,
      %add3A_482 = arith.constant 8192 : i32
      %add3A_483 = arith.addi %add3A_482, %mul3A_439 : i32
      %add3A_484 = arith.constant 32 : i32
      %add3A_485 = arith.addi %add3A_483, %add3A_484 : i32
      %mul3A_486 = arith.constant 63 : i32
      %mul3A_487 = arith.muli %add3A_485, %mul3A_486 : i32
      %and3A_488 = arith.constant 16383 : i32
      %and3A_489 = arith.andi %mul3A_487, %and3A_488 : i32
      %add3A_490 = vector.broadcast %and3A_489 : i32 to vector<16xi32>
      %add3A_491 = arith.addi %mul3A_7, %add3A_490 : vector<16xi32>
      %and3A_492 = arith.constant 16383 : i32
      %and3A_493 = vector.broadcast %and3A_492 : i32 to vector<16xi32>
      %and3A_494 = arith.andi %add3A_491, %and3A_493 : vector<16xi32>
      %add3A_495 = arith.constant 48 : i32
      %add3A_496 = arith.addi %mul3A_439, %add3A_495 : i32
      %get3A_497 = arith.index_cast %add3A_496 : i32 to index
      %get3A_498 = tpu.vector_load %arg7[%get3A_497] {strides = array<i32>} : memref<8192xi32, #tpu.memory_space<vmem>>, vector<16xi32>,
      %get3A_499 = arith.index_cast %add3A_496 : i32 to index
      %get3A_500 = tpu.vector_load %arg9[%get3A_499] {strides = array<i32>} : memref<8192xi32, #tpu.memory_space<vmem>>, vector<16xi32>,
      %add3A_501 = arith.constant 8192 : i32
      %add3A_502 = arith.addi %add3A_501, %mul3A_439 : i32
      %add3A_503 = arith.constant 48 : i32
      %add3A_504 = arith.addi %add3A_502, %add3A_503 : i32
      %mul3A_505 = arith.constant 63 : i32
      %mul3A_506 = arith.muli %add3A_504, %mul3A_505 : i32
      %and3A_507 = arith.constant 16383 : i32
      %and3A_508 = arith.andi %mul3A_506, %and3A_507 : i32
      %add3A_509 = vector.broadcast %and3A_508 : i32 to vector<16xi32>
      %add3A_510 = arith.addi %mul3A_7, %add3A_509 : vector<16xi32>
      %and3A_511 = arith.constant 16383 : i32
      %and3A_512 = vector.broadcast %and3A_511 : i32 to vector<16xi32>
      %and3A_513 = arith.andi %add3A_510, %and3A_512 : vector<16xi32>
      %add3A_514 = arith.constant 64 : i32
      %add3A_515 = arith.addi %mul3A_439, %add3A_514 : i32
      %get3A_516 = arith.index_cast %add3A_515 : i32 to index
      %get3A_517 = tpu.vector_load %arg7[%get3A_516] {strides = array<i32>} : memref<8192xi32, #tpu.memory_space<vmem>>, vector<16xi32>,
      %get3A_518 = arith.index_cast %add3A_515 : i32 to index
      %get3A_519 = tpu.vector_load %arg9[%get3A_518] {strides = array<i32>} : memref<8192xi32, #tpu.memory_space<vmem>>, vector<16xi32>,
      %add3A_520 = arith.constant 8192 : i32
      %add3A_521 = arith.addi %add3A_520, %mul3A_439 : i32
      %add3A_522 = arith.constant 64 : i32
      %add3A_523 = arith.addi %add3A_521, %add3A_522 : i32
      %mul3A_524 = arith.constant 63 : i32
      %mul3A_525 = arith.muli %add3A_523, %mul3A_524 : i32
      %and3A_526 = arith.constant 16383 : i32
      %and3A_527 = arith.andi %mul3A_525, %and3A_526 : i32
      %add3A_528 = vector.broadcast %and3A_527 : i32 to vector<16xi32>
      %add3A_529 = arith.addi %mul3A_7, %add3A_528 : vector<16xi32>
      %and3A_530 = arith.constant 16383 : i32
      %and3A_531 = vector.broadcast %and3A_530 : i32 to vector<16xi32>
      %and3A_532 = arith.andi %add3A_529, %and3A_531 : vector<16xi32>
      %add3A_533 = arith.constant 80 : i32
      %add3A_534 = arith.addi %mul3A_439, %add3A_533 : i32
      %get3A_535 = arith.index_cast %add3A_534 : i32 to index
      %get3A_536 = tpu.vector_load %arg7[%get3A_535] {strides = array<i32>} : memref<8192xi32, #tpu.memory_space<vmem>>, vector<16xi32>,
      %get3A_537 = arith.index_cast %add3A_534 : i32 to index
      %get3A_538 = tpu.vector_load %arg9[%get3A_537] {strides = array<i32>} : memref<8192xi32, #tpu.memory_space<vmem>>, vector<16xi32>,
      %add3A_539 = arith.constant 8192 : i32
      %add3A_540 = arith.addi %add3A_539, %mul3A_439 : i32
      %add3A_541 = arith.constant 80 : i32
      %add3A_542 = arith.addi %add3A_540, %add3A_541 : i32
      %mul3A_543 = arith.constant 63 : i32
      %mul3A_544 = arith.muli %add3A_542, %mul3A_543 : i32
      %and3A_545 = arith.constant 16383 : i32
      %and3A_546 = arith.andi %mul3A_544, %and3A_545 : i32
      %add3A_547 = vector.broadcast %and3A_546 : i32 to vector<16xi32>
      %add3A_548 = arith.addi %mul3A_7, %add3A_547 : vector<16xi32>
      %and3A_549 = arith.constant 16383 : i32
      %and3A_550 = vector.broadcast %and3A_549 : i32 to vector<16xi32>
      %and3A_551 = arith.andi %add3A_548, %and3A_550 : vector<16xi32>
      %add3A_552 = arith.constant 96 : i32
      %add3A_553 = arith.addi %mul3A_439, %add3A_552 : i32
      %get3A_554 = arith.index_cast %add3A_553 : i32 to index
      %get3A_555 = tpu.vector_load %arg7[%get3A_554] {strides = array<i32>} : memref<8192xi32, #tpu.memory_space<vmem>>, vector<16xi32>,
      %get3A_556 = arith.index_cast %add3A_553 : i32 to index
      %get3A_557 = tpu.vector_load %arg9[%get3A_556] {strides = array<i32>} : memref<8192xi32, #tpu.memory_space<vmem>>, vector<16xi32>,
      %add3A_558 = arith.constant 8192 : i32
      %add3A_559 = arith.addi %add3A_558, %mul3A_439 : i32
      %add3A_560 = arith.constant 96 : i32
      %add3A_561 = arith.addi %add3A_559, %add3A_560 : i32
      %mul3A_562 = arith.constant 63 : i32
      %mul3A_563 = arith.muli %add3A_561, %mul3A_562 : i32
      %and3A_564 = arith.constant 16383 : i32
      %and3A_565 = arith.andi %mul3A_563, %and3A_564 : i32
      %add3A_566 = vector.broadcast %and3A_565 : i32 to vector<16xi32>
      %add3A_567 = arith.addi %mul3A_7, %add3A_566 : vector<16xi32>
      %and3A_568 = arith.constant 16383 : i32
      %and3A_569 = vector.broadcast %and3A_568 : i32 to vector<16xi32>
      %and3A_570 = arith.andi %add3A_567, %and3A_569 : vector<16xi32>
      %add3A_571 = arith.constant 112 : i32
      %add3A_572 = arith.addi %mul3A_439, %add3A_571 : i32
      %get3A_573 = arith.index_cast %add3A_572 : i32 to index
      %get3A_574 = tpu.vector_load %arg7[%get3A_573] {strides = array<i32>} : memref<8192xi32, #tpu.memory_space<vmem>>, vector<16xi32>,
      %get3A_575 = arith.index_cast %add3A_572 : i32 to index
      %get3A_576 = tpu.vector_load %arg9[%get3A_575] {strides = array<i32>} : memref<8192xi32, #tpu.memory_space<vmem>>, vector<16xi32>,
      %add3A_577 = arith.constant 8192 : i32
      %add3A_578 = arith.addi %add3A_577, %mul3A_439 : i32
      %add3A_579 = arith.constant 112 : i32
      %add3A_580 = arith.addi %add3A_578, %add3A_579 : i32
      %mul3A_581 = arith.constant 63 : i32
      %mul3A_582 = arith.muli %add3A_580, %mul3A_581 : i32
      %and3A_583 = arith.constant 16383 : i32
      %and3A_584 = arith.andi %mul3A_582, %and3A_583 : i32
      %add3A_585 = vector.broadcast %and3A_584 : i32 to vector<16xi32>
      %add3A_586 = arith.addi %mul3A_7, %add3A_585 : vector<16xi32>
      %and3A_587 = arith.constant 16383 : i32
      %and3A_588 = vector.broadcast %and3A_587 : i32 to vector<16xi32>
      %and3A_589 = arith.andi %add3A_586, %and3A_588 : vector<16xi32>
      %add3A_590 = arith.constant 128 : i32
      %add3A_591 = arith.addi %mul3A_439, %add3A_590 : i32
      %get3A_592 = arith.index_cast %add3A_591 : i32 to index
      %get3A_593 = tpu.vector_load %arg7[%get3A_592] {strides = array<i32>} : memref<8192xi32, #tpu.memory_space<vmem>>, vector<16xi32>,
      %get3A_594 = arith.index_cast %add3A_591 : i32 to index
      %get3A_595 = tpu.vector_load %arg9[%get3A_594] {strides = array<i32>} : memref<8192xi32, #tpu.memory_space<vmem>>, vector<16xi32>,
      %add3A_596 = arith.constant 8192 : i32
      %add3A_597 = arith.addi %add3A_596, %mul3A_439 : i32
      %add3A_598 = arith.constant 128 : i32
      %add3A_599 = arith.addi %add3A_597, %add3A_598 : i32
      %mul3A_600 = arith.constant 63 : i32
      %mul3A_601 = arith.muli %add3A_599, %mul3A_600 : i32
      %and3A_602 = arith.constant 16383 : i32
      %and3A_603 = arith.andi %mul3A_601, %and3A_602 : i32
      %add3A_604 = vector.broadcast %and3A_603 : i32 to vector<16xi32>
      %add3A_605 = arith.addi %mul3A_7, %add3A_604 : vector<16xi32>
      %and3A_606 = arith.constant 16383 : i32
      %and3A_607 = vector.broadcast %and3A_606 : i32 to vector<16xi32>
      %and3A_608 = arith.andi %add3A_605, %and3A_607 : vector<16xi32>
      %add3A_609 = arith.constant 144 : i32
      %add3A_610 = arith.addi %mul3A_439, %add3A_609 : i32
      %get3A_611 = arith.index_cast %add3A_610 : i32 to index
      %get3A_612 = tpu.vector_load %arg7[%get3A_611] {strides = array<i32>} : memref<8192xi32, #tpu.memory_space<vmem>>, vector<16xi32>,
      %get3A_613 = arith.index_cast %add3A_610 : i32 to index
      %get3A_614 = tpu.vector_load %arg9[%get3A_613] {strides = array<i32>} : memref<8192xi32, #tpu.memory_space<vmem>>, vector<16xi32>,
      %add3A_615 = arith.constant 8192 : i32
      %add3A_616 = arith.addi %add3A_615, %mul3A_439 : i32
      %add3A_617 = arith.constant 144 : i32
      %add3A_618 = arith.addi %add3A_616, %add3A_617 : i32
      %mul3A_619 = arith.constant 63 : i32
      %mul3A_620 = arith.muli %add3A_618, %mul3A_619 : i32
      %and3A_621 = arith.constant 16383 : i32
      %and3A_622 = arith.andi %mul3A_620, %and3A_621 : i32
      %add3A_623 = vector.broadcast %and3A_622 : i32 to vector<16xi32>
      %add3A_624 = arith.addi %mul3A_7, %add3A_623 : vector<16xi32>
      %and3A_625 = arith.constant 16383 : i32
      %and3A_626 = vector.broadcast %and3A_625 : i32 to vector<16xi32>
      %and3A_627 = arith.andi %add3A_624, %and3A_626 : vector<16xi32>
      %add3A_628 = arith.constant 160 : i32
      %add3A_629 = arith.addi %mul3A_439, %add3A_628 : i32
      %get3A_630 = arith.index_cast %add3A_629 : i32 to index
      %get3A_631 = tpu.vector_load %arg7[%get3A_630] {strides = array<i32>} : memref<8192xi32, #tpu.memory_space<vmem>>, vector<16xi32>,
      %get3A_632 = arith.index_cast %add3A_629 : i32 to index
      %get3A_633 = tpu.vector_load %arg9[%get3A_632] {strides = array<i32>} : memref<8192xi32, #tpu.memory_space<vmem>>, vector<16xi32>,
      %add3A_634 = arith.constant 8192 : i32
      %add3A_635 = arith.addi %add3A_634, %mul3A_439 : i32
      %add3A_636 = arith.constant 160 : i32
      %add3A_637 = arith.addi %add3A_635, %add3A_636 : i32
      %mul3A_638 = arith.constant 63 : i32
      %mul3A_639 = arith.muli %add3A_637, %mul3A_638 : i32
      %and3A_640 = arith.constant 16383 : i32
      %and3A_641 = arith.andi %mul3A_639, %and3A_640 : i32
      %add3A_642 = vector.broadcast %and3A_641 : i32 to vector<16xi32>
      %add3A_643 = arith.addi %mul3A_7, %add3A_642 : vector<16xi32>
      %and3A_644 = arith.constant 16383 : i32
      %and3A_645 = vector.broadcast %and3A_644 : i32 to vector<16xi32>
      %and3A_646 = arith.andi %add3A_643, %and3A_645 : vector<16xi32>
      %add3A_647 = arith.constant 176 : i32
      %add3A_648 = arith.addi %mul3A_439, %add3A_647 : i32
      %get3A_649 = arith.index_cast %add3A_648 : i32 to index
      %get3A_650 = tpu.vector_load %arg7[%get3A_649] {strides = array<i32>} : memref<8192xi32, #tpu.memory_space<vmem>>, vector<16xi32>,
      %get3A_651 = arith.index_cast %add3A_648 : i32 to index
      %get3A_652 = tpu.vector_load %arg9[%get3A_651] {strides = array<i32>} : memref<8192xi32, #tpu.memory_space<vmem>>, vector<16xi32>,
      %add3A_653 = arith.constant 8192 : i32
      %add3A_654 = arith.addi %add3A_653, %mul3A_439 : i32
      %add3A_655 = arith.constant 176 : i32
      %add3A_656 = arith.addi %add3A_654, %add3A_655 : i32
      %mul3A_657 = arith.constant 63 : i32
      %mul3A_658 = arith.muli %add3A_656, %mul3A_657 : i32
      %and3A_659 = arith.constant 16383 : i32
      %and3A_660 = arith.andi %mul3A_658, %and3A_659 : i32
      %add3A_661 = vector.broadcast %and3A_660 : i32 to vector<16xi32>
      %add3A_662 = arith.addi %mul3A_7, %add3A_661 : vector<16xi32>
      %and3A_663 = arith.constant 16383 : i32
      %and3A_664 = vector.broadcast %and3A_663 : i32 to vector<16xi32>
      %and3A_665 = arith.andi %add3A_662, %and3A_664 : vector<16xi32>
      %add3A_666 = arith.constant 192 : i32
      %add3A_667 = arith.addi %mul3A_439, %add3A_666 : i32
      %get3A_668 = arith.index_cast %add3A_667 : i32 to index
      %get3A_669 = tpu.vector_load %arg7[%get3A_668] {strides = array<i32>} : memref<8192xi32, #tpu.memory_space<vmem>>, vector<16xi32>,
      %get3A_670 = arith.index_cast %add3A_667 : i32 to index
      %get3A_671 = tpu.vector_load %arg9[%get3A_670] {strides = array<i32>} : memref<8192xi32, #tpu.memory_space<vmem>>, vector<16xi32>,
      %add3A_672 = arith.constant 8192 : i32
      %add3A_673 = arith.addi %add3A_672, %mul3A_439 : i32
      %add3A_674 = arith.constant 192 : i32
      %add3A_675 = arith.addi %add3A_673, %add3A_674 : i32
      %mul3A_676 = arith.constant 63 : i32
      %mul3A_677 = arith.muli %add3A_675, %mul3A_676 : i32
      %and3A_678 = arith.constant 16383 : i32
      %and3A_679 = arith.andi %mul3A_677, %and3A_678 : i32
      %add3A_680 = vector.broadcast %and3A_679 : i32 to vector<16xi32>
      %add3A_681 = arith.addi %mul3A_7, %add3A_680 : vector<16xi32>
      %and3A_682 = arith.constant 16383 : i32
      %and3A_683 = vector.broadcast %and3A_682 : i32 to vector<16xi32>
      %and3A_684 = arith.andi %add3A_681, %and3A_683 : vector<16xi32>
      %add3A_685 = arith.constant 208 : i32
      %add3A_686 = arith.addi %mul3A_439, %add3A_685 : i32
      %get3A_687 = arith.index_cast %add3A_686 : i32 to index
      %get3A_688 = tpu.vector_load %arg7[%get3A_687] {strides = array<i32>} : memref<8192xi32, #tpu.memory_space<vmem>>, vector<16xi32>,
      %get3A_689 = arith.index_cast %add3A_686 : i32 to index
      %get3A_690 = tpu.vector_load %arg9[%get3A_689] {strides = array<i32>} : memref<8192xi32, #tpu.memory_space<vmem>>, vector<16xi32>,
      %add3A_691 = arith.constant 8192 : i32
      %add3A_692 = arith.addi %add3A_691, %mul3A_439 : i32
      %add3A_693 = arith.constant 208 : i32
      %add3A_694 = arith.addi %add3A_692, %add3A_693 : i32
      %mul3A_695 = arith.constant 63 : i32
      %mul3A_696 = arith.muli %add3A_694, %mul3A_695 : i32
      %and3A_697 = arith.constant 16383 : i32
      %and3A_698 = arith.andi %mul3A_696, %and3A_697 : i32
      %add3A_699 = vector.broadcast %and3A_698 : i32 to vector<16xi32>
      %add3A_700 = arith.addi %mul3A_7, %add3A_699 : vector<16xi32>
      %and3A_701 = arith.constant 16383 : i32
      %and3A_702 = vector.broadcast %and3A_701 : i32 to vector<16xi32>
      %and3A_703 = arith.andi %add3A_700, %and3A_702 : vector<16xi32>
      %add3A_704 = arith.constant 224 : i32
      %add3A_705 = arith.addi %mul3A_439, %add3A_704 : i32
      %get3A_706 = arith.index_cast %add3A_705 : i32 to index
      %get3A_707 = tpu.vector_load %arg7[%get3A_706] {strides = array<i32>} : memref<8192xi32, #tpu.memory_space<vmem>>, vector<16xi32>,
      %get3A_708 = arith.index_cast %add3A_705 : i32 to index
      %get3A_709 = tpu.vector_load %arg9[%get3A_708] {strides = array<i32>} : memref<8192xi32, #tpu.memory_space<vmem>>, vector<16xi32>,
      %add3A_710 = arith.constant 8192 : i32
      %add3A_711 = arith.addi %add3A_710, %mul3A_439 : i32
      %add3A_712 = arith.constant 224 : i32
      %add3A_713 = arith.addi %add3A_711, %add3A_712 : i32
      %mul3A_714 = arith.constant 63 : i32
      %mul3A_715 = arith.muli %add3A_713, %mul3A_714 : i32
      %and3A_716 = arith.constant 16383 : i32
      %and3A_717 = arith.andi %mul3A_715, %and3A_716 : i32
      %add3A_718 = vector.broadcast %and3A_717 : i32 to vector<16xi32>
      %add3A_719 = arith.addi %mul3A_7, %add3A_718 : vector<16xi32>
      %and3A_720 = arith.constant 16383 : i32
      %and3A_721 = vector.broadcast %and3A_720 : i32 to vector<16xi32>
      %and3A_722 = arith.andi %add3A_719, %and3A_721 : vector<16xi32>
      %add3A_723 = arith.constant 240 : i32
      %add3A_724 = arith.addi %mul3A_439, %add3A_723 : i32
      %get3A_725 = arith.index_cast %add3A_724 : i32 to index
      %get3A_726 = tpu.vector_load %arg7[%get3A_725] {strides = array<i32>} : memref<8192xi32, #tpu.memory_space<vmem>>, vector<16xi32>,
      %get3A_727 = arith.index_cast %add3A_724 : i32 to index
      %get3A_728 = tpu.vector_load %arg9[%get3A_727] {strides = array<i32>} : memref<8192xi32, #tpu.memory_space<vmem>>, vector<16xi32>,
      %add3A_729 = arith.constant 8192 : i32
      %add3A_730 = arith.addi %add3A_729, %mul3A_439 : i32
      %add3A_731 = arith.constant 240 : i32
      %add3A_732 = arith.addi %add3A_730, %add3A_731 : i32
      %mul3A_733 = arith.constant 63 : i32
      %mul3A_734 = arith.muli %add3A_732, %mul3A_733 : i32
      %and3A_735 = arith.constant 16383 : i32
      %and3A_736 = arith.andi %mul3A_734, %and3A_735 : i32
      %add3A_737 = vector.broadcast %and3A_736 : i32 to vector<16xi32>
      %add3A_738 = arith.addi %mul3A_7, %add3A_737 : vector<16xi32>
      %and3A_739 = arith.constant 16383 : i32
      %and3A_740 = vector.broadcast %and3A_739 : i32 to vector<16xi32>
      %and3A_741 = arith.andi %add3A_738, %and3A_740 : vector<16xi32>
      %gather3A = tpu.vector_load_idx %arg14[%get3A_442] : memref<128xf32, #tpu.memory_space<vmem>>[vector<16xi32>], vector<16xf32>,
      %gather3A_742 = tpu.vector_load_idx %arg14[%get3A_460] : memref<128xf32, #tpu.memory_space<vmem>>[vector<16xi32>], vector<16xf32>,
      %gather3A_743 = tpu.vector_load_idx %arg14[%get3A_479] : memref<128xf32, #tpu.memory_space<vmem>>[vector<16xi32>], vector<16xf32>,
      %gather3A_744 = tpu.vector_load_idx %arg14[%get3A_498] : memref<128xf32, #tpu.memory_space<vmem>>[vector<16xi32>], vector<16xf32>,
      %gather3A_745 = tpu.vector_load_idx %arg14[%get3A_517] : memref<128xf32, #tpu.memory_space<vmem>>[vector<16xi32>], vector<16xf32>,
      %gather3A_746 = tpu.vector_load_idx %arg14[%get3A_536] : memref<128xf32, #tpu.memory_space<vmem>>[vector<16xi32>], vector<16xf32>,
      %gather3A_747 = tpu.vector_load_idx %arg14[%get3A_555] : memref<128xf32, #tpu.memory_space<vmem>>[vector<16xi32>], vector<16xf32>,
      %gather3A_748 = tpu.vector_load_idx %arg14[%get3A_574] : memref<128xf32, #tpu.memory_space<vmem>>[vector<16xi32>], vector<16xf32>,
      %gather3A_749 = tpu.vector_load_idx %arg14[%get3A_593] : memref<128xf32, #tpu.memory_space<vmem>>[vector<16xi32>], vector<16xf32>,
      %gather3A_750 = tpu.vector_load_idx %arg14[%get3A_612] : memref<128xf32, #tpu.memory_space<vmem>>[vector<16xi32>], vector<16xf32>,
      %gather3A_751 = tpu.vector_load_idx %arg14[%get3A_631] : memref<128xf32, #tpu.memory_space<vmem>>[vector<16xi32>], vector<16xf32>,
      %gather3A_752 = tpu.vector_load_idx %arg14[%get3A_650] : memref<128xf32, #tpu.memory_space<vmem>>[vector<16xi32>], vector<16xf32>,
      %gather3A_753 = tpu.vector_load_idx %arg14[%get3A_669] : memref<128xf32, #tpu.memory_space<vmem>>[vector<16xi32>], vector<16xf32>,
      %gather3A_754 = tpu.vector_load_idx %arg14[%get3A_688] : memref<128xf32, #tpu.memory_space<vmem>>[vector<16xi32>], vector<16xf32>,
      %gather3A_755 = tpu.vector_load_idx %arg14[%get3A_707] : memref<128xf32, #tpu.memory_space<vmem>>[vector<16xi32>], vector<16xf32>,
      %gather3A_756 = tpu.vector_load_idx %arg14[%get3A_726] : memref<128xf32, #tpu.memory_space<vmem>>[vector<16xi32>], vector<16xf32>,
      tpu.vector_store_idx %arg12[%and3A_456], %gather3A : memref<16384xf32, #tpu.memory_space<vmem>>[vector<16xi32>], vector<16xf32>,
      tpu.vector_store_idx %arg10[%and3A_456], %get3A_444 : memref<16384xi32, #tpu.memory_space<vmem>>[vector<16xi32>], vector<16xi32>,
      tpu.vector_store_idx %arg12[%and3A_475], %gather3A_742 : memref<16384xf32, #tpu.memory_space<vmem>>[vector<16xi32>], vector<16xf32>,
      tpu.vector_store_idx %arg10[%and3A_475], %get3A_462 : memref<16384xi32, #tpu.memory_space<vmem>>[vector<16xi32>], vector<16xi32>,
      tpu.vector_store_idx %arg12[%and3A_494], %gather3A_743 : memref<16384xf32, #tpu.memory_space<vmem>>[vector<16xi32>], vector<16xf32>,
      tpu.vector_store_idx %arg10[%and3A_494], %get3A_481 : memref<16384xi32, #tpu.memory_space<vmem>>[vector<16xi32>], vector<16xi32>,
      tpu.vector_store_idx %arg12[%and3A_513], %gather3A_744 : memref<16384xf32, #tpu.memory_space<vmem>>[vector<16xi32>], vector<16xf32>,
      tpu.vector_store_idx %arg10[%and3A_513], %get3A_500 : memref<16384xi32, #tpu.memory_space<vmem>>[vector<16xi32>], vector<16xi32>,
      tpu.vector_store_idx %arg12[%and3A_532], %gather3A_745 : memref<16384xf32, #tpu.memory_space<vmem>>[vector<16xi32>], vector<16xf32>,
      tpu.vector_store_idx %arg10[%and3A_532], %get3A_519 : memref<16384xi32, #tpu.memory_space<vmem>>[vector<16xi32>], vector<16xi32>,
      tpu.vector_store_idx %arg12[%and3A_551], %gather3A_746 : memref<16384xf32, #tpu.memory_space<vmem>>[vector<16xi32>], vector<16xf32>,
      tpu.vector_store_idx %arg10[%and3A_551], %get3A_538 : memref<16384xi32, #tpu.memory_space<vmem>>[vector<16xi32>], vector<16xi32>,
      tpu.vector_store_idx %arg12[%and3A_570], %gather3A_747 : memref<16384xf32, #tpu.memory_space<vmem>>[vector<16xi32>], vector<16xf32>,
      tpu.vector_store_idx %arg10[%and3A_570], %get3A_557 : memref<16384xi32, #tpu.memory_space<vmem>>[vector<16xi32>], vector<16xi32>,
      tpu.vector_store_idx %arg12[%and3A_589], %gather3A_748 : memref<16384xf32, #tpu.memory_space<vmem>>[vector<16xi32>], vector<16xf32>,
      tpu.vector_store_idx %arg10[%and3A_589], %get3A_576 : memref<16384xi32, #tpu.memory_space<vmem>>[vector<16xi32>], vector<16xi32>,
      tpu.vector_store_idx %arg12[%and3A_608], %gather3A_749 : memref<16384xf32, #tpu.memory_space<vmem>>[vector<16xi32>], vector<16xf32>,
      tpu.vector_store_idx %arg10[%and3A_608], %get3A_595 : memref<16384xi32, #tpu.memory_space<vmem>>[vector<16xi32>], vector<16xi32>,
      tpu.vector_store_idx %arg12[%and3A_627], %gather3A_750 : memref<16384xf32, #tpu.memory_space<vmem>>[vector<16xi32>], vector<16xf32>,
      tpu.vector_store_idx %arg10[%and3A_627], %get3A_614 : memref<16384xi32, #tpu.memory_space<vmem>>[vector<16xi32>], vector<16xi32>,
      tpu.vector_store_idx %arg12[%and3A_646], %gather3A_751 : memref<16384xf32, #tpu.memory_space<vmem>>[vector<16xi32>], vector<16xf32>,
      tpu.vector_store_idx %arg10[%and3A_646], %get3A_633 : memref<16384xi32, #tpu.memory_space<vmem>>[vector<16xi32>], vector<16xi32>,
      tpu.vector_store_idx %arg12[%and3A_665], %gather3A_752 : memref<16384xf32, #tpu.memory_space<vmem>>[vector<16xi32>], vector<16xf32>,
      tpu.vector_store_idx %arg10[%and3A_665], %get3A_652 : memref<16384xi32, #tpu.memory_space<vmem>>[vector<16xi32>], vector<16xi32>,
      tpu.vector_store_idx %arg12[%and3A_684], %gather3A_753 : memref<16384xf32, #tpu.memory_space<vmem>>[vector<16xi32>], vector<16xf32>,
      tpu.vector_store_idx %arg10[%and3A_684], %get3A_671 : memref<16384xi32, #tpu.memory_space<vmem>>[vector<16xi32>], vector<16xi32>,
      tpu.vector_store_idx %arg12[%and3A_703], %gather3A_754 : memref<16384xf32, #tpu.memory_space<vmem>>[vector<16xi32>], vector<16xf32>,
      tpu.vector_store_idx %arg10[%and3A_703], %get3A_690 : memref<16384xi32, #tpu.memory_space<vmem>>[vector<16xi32>], vector<16xi32>,
      tpu.vector_store_idx %arg12[%and3A_722], %gather3A_755 : memref<16384xf32, #tpu.memory_space<vmem>>[vector<16xi32>], vector<16xf32>,
      tpu.vector_store_idx %arg10[%and3A_722], %get3A_709 : memref<16384xi32, #tpu.memory_space<vmem>>[vector<16xi32>], vector<16xi32>,
      tpu.vector_store_idx %arg12[%and3A_741], %gather3A_756 : memref<16384xf32, #tpu.memory_space<vmem>>[vector<16xi32>], vector<16xf32>,
      tpu.vector_store_idx %arg10[%and3A_741], %get3A_728 : memref<16384xi32, #tpu.memory_space<vmem>>[vector<16xi32>], vector<16xi32>,
      %scan3A_757 = arith.constant 0 : i32
      scf.yield %scan3A_757 : i32
    }
    %scan3A_220 = arith.constant 32 : i32
    %dma_start3A_221 = arith.constant 0 : i32
    %dma_start3A_222 = tpu.memref_slice %arg15[%dma_start3A_221] : memref<16384xf32, #tpu.memory_space<vmem_shared>> -> memref<16384xf32, #tpu.memory_space<vmem_shared>>
    tpu.enqueue_indirect_dma source(%arg12 : memref<16384xf32, #tpu.memory_space<vmem>>) target(%dma_start3A_222 : memref<16384xf32, #tpu.memory_space<vmem_shared>>) offsets(%arg10 : memref<16384xi32, #tpu.memory_space<vmem>>) semaphore(%arg18 : memref<!tpu.dma_semaphore, #tpu.memory_space<semaphore_mem>>) {add = true}
    %dma_wait3A_223 = arith.constant 0 : i32
    %dma_wait3A_224 = tpu.memref_slice %arg2[%add3A_199, %dma_wait3A_223] : memref<256x8192xi32, #tpu.memory_space<hbm>> -> memref<1x8192xi32, #tpu.memory_space<hbm>>
    %dma_wait3A_225 = tpu.memref_squeeze %dma_wait3A_224 : memref<1x8192xi32, #tpu.memory_space<hbm>> -> memref<8192xi32, #tpu.memory_space<hbm>>
    %dma_wait3A_226 = arith.constant 0 : i32
    %dma_wait3A_227 = tpu.memref_slice %arg2[%add3A_199, %dma_wait3A_226] : memref<256x8192xi32, #tpu.memory_space<hbm>> -> memref<1x8192xi32, #tpu.memory_space<hbm>>
    %dma_wait3A_228 = tpu.memref_squeeze %dma_wait3A_227 : memref<1x8192xi32, #tpu.memory_space<hbm>> -> memref<8192xi32, #tpu.memory_space<hbm>>
    tpu.wait_dma2 semaphore(%arg16 : memref<!tpu.dma_semaphore, #tpu.memory_space<semaphore_mem>>) src(%dma_wait3A_228 : memref<8192xi32, #tpu.memory_space<hbm>>) dst(%arg6 : memref<8192xi32, #tpu.memory_space<vmem>>)
    %dma_wait3A_229 = arith.constant 0 : i32
    %dma_wait3A_230 = tpu.memref_slice %arg3[%add3A_207, %dma_wait3A_229] : memref<256x8192xi32, #tpu.memory_space<hbm>> -> memref<1x8192xi32, #tpu.memory_space<hbm>>
    %dma_wait3A_231 = tpu.memref_squeeze %dma_wait3A_230 : memref<1x8192xi32, #tpu.memory_space<hbm>> -> memref<8192xi32, #tpu.memory_space<hbm>>
    %dma_wait3A_232 = arith.constant 0 : i32
    %dma_wait3A_233 = tpu.memref_slice %arg3[%add3A_207, %dma_wait3A_232] : memref<256x8192xi32, #tpu.memory_space<hbm>> -> memref<1x8192xi32, #tpu.memory_space<hbm>>
    %dma_wait3A_234 = tpu.memref_squeeze %dma_wait3A_233 : memref<1x8192xi32, #tpu.memory_space<hbm>> -> memref<8192xi32, #tpu.memory_space<hbm>>
    tpu.wait_dma2 semaphore(%arg16 : memref<!tpu.dma_semaphore, #tpu.memory_space<semaphore_mem>>) src(%dma_wait3A_234 : memref<8192xi32, #tpu.memory_space<hbm>>) dst(%arg8 : memref<8192xi32, #tpu.memory_space<vmem>>)
    %add3A_235 = arith.constant 3 : i32
    %add3A_236 = arith.addi %mul3A_4, %add3A_235 : i32
    %dma_start3A_237 = arith.constant 0 : i32
    %dma_start3A_238 = tpu.memref_slice %arg2[%add3A_236, %dma_start3A_237] : memref<256x8192xi32, #tpu.memory_space<hbm>> -> memref<1x8192xi32, #tpu.memory_space<hbm>>
    %dma_start3A_239 = tpu.memref_squeeze %dma_start3A_238 : memref<1x8192xi32, #tpu.memory_space<hbm>> -> memref<8192xi32, #tpu.memory_space<hbm>>
    %dma_start3A_240 = arith.constant 0 : i32
    %dma_start3A_241 = tpu.memref_slice %arg2[%add3A_236, %dma_start3A_240] : memref<256x8192xi32, #tpu.memory_space<hbm>> -> memref<1x8192xi32, #tpu.memory_space<hbm>>
    %dma_start3A_242 = tpu.memref_squeeze %dma_start3A_241 : memref<1x8192xi32, #tpu.memory_space<hbm>> -> memref<8192xi32, #tpu.memory_space<hbm>>
    tpu.enqueue_dma source(%dma_start3A_242 : memref<8192xi32, #tpu.memory_space<hbm>>) target(%arg7 : memref<8192xi32, #tpu.memory_space<vmem>>) target_semaphore(%arg17 : memref<!tpu.dma_semaphore, #tpu.memory_space<semaphore_mem>>)
    %add3A_243 = arith.constant 3 : i32
    %add3A_244 = arith.addi %mul3A_4, %add3A_243 : i32
    %dma_start3A_245 = arith.constant 0 : i32
    %dma_start3A_246 = tpu.memref_slice %arg3[%add3A_244, %dma_start3A_245] : memref<256x8192xi32, #tpu.memory_space<hbm>> -> memref<1x8192xi32, #tpu.memory_space<hbm>>
    %dma_start3A_247 = tpu.memref_squeeze %dma_start3A_246 : memref<1x8192xi32, #tpu.memory_space<hbm>> -> memref<8192xi32, #tpu.memory_space<hbm>>
    %dma_start3A_248 = arith.constant 0 : i32
    %dma_start3A_249 = tpu.memref_slice %arg3[%add3A_244, %dma_start3A_248] : memref<256x8192xi32, #tpu.memory_space<hbm>> -> memref<1x8192xi32, #tpu.memory_space<hbm>>
    %dma_start3A_250 = tpu.memref_squeeze %dma_start3A_249 : memref<1x8192xi32, #tpu.memory_space<hbm>> -> memref<8192xi32, #tpu.memory_space<hbm>>
    tpu.enqueue_dma source(%dma_start3A_250 : memref<8192xi32, #tpu.memory_space<hbm>>) target(%arg9 : memref<8192xi32, #tpu.memory_space<vmem>>) target_semaphore(%arg17 : memref<!tpu.dma_semaphore, #tpu.memory_space<semaphore_mem>>)
    %scan3A_251 = arith.constant 0 : i32
    %scan3A_252 = arith.constant 0 : i32
    %scan3A_253 = arith.constant 32 : i32
    %scan3A_254 = arith.addi %scan3A_252, %scan3A_253 : i32
    %scan3A_255 = arith.constant 1 : i32
    %scan3A_256 = scf.for %scan3A_436 = %scan3A_252 to %scan3A_254 step %scan3A_255 iter_args(%scan3A_437 = %scan3A_251) -> (i32)  : i32 {
      %mul3A_438 = arith.constant 256 : i32
      %mul3A_439 = arith.muli %scan3A_436, %mul3A_438 : i32
      %add3A_440 = arith.constant 0 : i32
      %add3A_441 = arith.addi %mul3A_439, %add3A_440 : i32
      %get3A = arith.index_cast %add3A_441 : i32 to index
      %get3A_442 = tpu.vector_load %arg6[%get3A] {strides = array<i32>} : memref<8192xi32, #tpu.memory_space<vmem>>, vector<16xi32>,
      %get3A_443 = arith.index_cast %add3A_441 : i32 to index
      %get3A_444 = tpu.vector_load %arg8[%get3A_443] {strides = array<i32>} : memref<8192xi32, #tpu.memory_space<vmem>>, vector<16xi32>,
      %add3A_445 = arith.constant 0 : i32
      %add3A_446 = arith.addi %add3A_445, %mul3A_439 : i32
      %add3A_447 = arith.constant 0 : i32
      %add3A_448 = arith.addi %add3A_446, %add3A_447 : i32
      %mul3A_449 = arith.constant 63 : i32
      %mul3A_450 = arith.muli %add3A_448, %mul3A_449 : i32
      %and3A = arith.constant 16383 : i32
      %and3A_451 = arith.andi %mul3A_450, %and3A : i32
      %add3A_452 = vector.broadcast %and3A_451 : i32 to vector<16xi32>
      %add3A_453 = arith.addi %mul3A_7, %add3A_452 : vector<16xi32>
      %and3A_454 = arith.constant 16383 : i32
      %and3A_455 = vector.broadcast %and3A_454 : i32 to vector<16xi32>
      %and3A_456 = arith.andi %add3A_453, %and3A_455 : vector<16xi32>
      %add3A_457 = arith.constant 16 : i32
      %add3A_458 = arith.addi %mul3A_439, %add3A_457 : i32
      %get3A_459 = arith.index_cast %add3A_458 : i32 to index
      %get3A_460 = tpu.vector_load %arg6[%get3A_459] {strides = array<i32>} : memref<8192xi32, #tpu.memory_space<vmem>>, vector<16xi32>,
      %get3A_461 = arith.index_cast %add3A_458 : i32 to index
      %get3A_462 = tpu.vector_load %arg8[%get3A_461] {strides = array<i32>} : memref<8192xi32, #tpu.memory_space<vmem>>, vector<16xi32>,
      %add3A_463 = arith.constant 0 : i32
      %add3A_464 = arith.addi %add3A_463, %mul3A_439 : i32
      %add3A_465 = arith.constant 16 : i32
      %add3A_466 = arith.addi %add3A_464, %add3A_465 : i32
      %mul3A_467 = arith.constant 63 : i32
      %mul3A_468 = arith.muli %add3A_466, %mul3A_467 : i32
      %and3A_469 = arith.constant 16383 : i32
      %and3A_470 = arith.andi %mul3A_468, %and3A_469 : i32
      %add3A_471 = vector.broadcast %and3A_470 : i32 to vector<16xi32>
      %add3A_472 = arith.addi %mul3A_7, %add3A_471 : vector<16xi32>
      %and3A_473 = arith.constant 16383 : i32
      %and3A_474 = vector.broadcast %and3A_473 : i32 to vector<16xi32>
      %and3A_475 = arith.andi %add3A_472, %and3A_474 : vector<16xi32>
      %add3A_476 = arith.constant 32 : i32
      %add3A_477 = arith.addi %mul3A_439, %add3A_476 : i32
      %get3A_478 = arith.index_cast %add3A_477 : i32 to index
      %get3A_479 = tpu.vector_load %arg6[%get3A_478] {strides = array<i32>} : memref<8192xi32, #tpu.memory_space<vmem>>, vector<16xi32>,
      %get3A_480 = arith.index_cast %add3A_477 : i32 to index
      %get3A_481 = tpu.vector_load %arg8[%get3A_480] {strides = array<i32>} : memref<8192xi32, #tpu.memory_space<vmem>>, vector<16xi32>,
      %add3A_482 = arith.constant 0 : i32
      %add3A_483 = arith.addi %add3A_482, %mul3A_439 : i32
      %add3A_484 = arith.constant 32 : i32
      %add3A_485 = arith.addi %add3A_483, %add3A_484 : i32
      %mul3A_486 = arith.constant 63 : i32
      %mul3A_487 = arith.muli %add3A_485, %mul3A_486 : i32
      %and3A_488 = arith.constant 16383 : i32
      %and3A_489 = arith.andi %mul3A_487, %and3A_488 : i32
      %add3A_490 = vector.broadcast %and3A_489 : i32 to vector<16xi32>
      %add3A_491 = arith.addi %mul3A_7, %add3A_490 : vector<16xi32>
      %and3A_492 = arith.constant 16383 : i32
      %and3A_493 = vector.broadcast %and3A_492 : i32 to vector<16xi32>
      %and3A_494 = arith.andi %add3A_491, %and3A_493 : vector<16xi32>
      %add3A_495 = arith.constant 48 : i32
      %add3A_496 = arith.addi %mul3A_439, %add3A_495 : i32
      %get3A_497 = arith.index_cast %add3A_496 : i32 to index
      %get3A_498 = tpu.vector_load %arg6[%get3A_497] {strides = array<i32>} : memref<8192xi32, #tpu.memory_space<vmem>>, vector<16xi32>,
      %get3A_499 = arith.index_cast %add3A_496 : i32 to index
      %get3A_500 = tpu.vector_load %arg8[%get3A_499] {strides = array<i32>} : memref<8192xi32, #tpu.memory_space<vmem>>, vector<16xi32>,
      %add3A_501 = arith.constant 0 : i32
      %add3A_502 = arith.addi %add3A_501, %mul3A_439 : i32
      %add3A_503 = arith.constant 48 : i32
      %add3A_504 = arith.addi %add3A_502, %add3A_503 : i32
      %mul3A_505 = arith.constant 63 : i32
      %mul3A_506 = arith.muli %add3A_504, %mul3A_505 : i32
      %and3A_507 = arith.constant 16383 : i32
      %and3A_508 = arith.andi %mul3A_506, %and3A_507 : i32
      %add3A_509 = vector.broadcast %and3A_508 : i32 to vector<16xi32>
      %add3A_510 = arith.addi %mul3A_7, %add3A_509 : vector<16xi32>
      %and3A_511 = arith.constant 16383 : i32
      %and3A_512 = vector.broadcast %and3A_511 : i32 to vector<16xi32>
      %and3A_513 = arith.andi %add3A_510, %and3A_512 : vector<16xi32>
      %add3A_514 = arith.constant 64 : i32
      %add3A_515 = arith.addi %mul3A_439, %add3A_514 : i32
      %get3A_516 = arith.index_cast %add3A_515 : i32 to index
      %get3A_517 = tpu.vector_load %arg6[%get3A_516] {strides = array<i32>} : memref<8192xi32, #tpu.memory_space<vmem>>, vector<16xi32>,
      %get3A_518 = arith.index_cast %add3A_515 : i32 to index
      %get3A_519 = tpu.vector_load %arg8[%get3A_518] {strides = array<i32>} : memref<8192xi32, #tpu.memory_space<vmem>>, vector<16xi32>,
      %add3A_520 = arith.constant 0 : i32
      %add3A_521 = arith.addi %add3A_520, %mul3A_439 : i32
      %add3A_522 = arith.constant 64 : i32
      %add3A_523 = arith.addi %add3A_521, %add3A_522 : i32
      %mul3A_524 = arith.constant 63 : i32
      %mul3A_525 = arith.muli %add3A_523, %mul3A_524 : i32
      %and3A_526 = arith.constant 16383 : i32
      %and3A_527 = arith.andi %mul3A_525, %and3A_526 : i32
      %add3A_528 = vector.broadcast %and3A_527 : i32 to vector<16xi32>
      %add3A_529 = arith.addi %mul3A_7, %add3A_528 : vector<16xi32>
      %and3A_530 = arith.constant 16383 : i32
      %and3A_531 = vector.broadcast %and3A_530 : i32 to vector<16xi32>
      %and3A_532 = arith.andi %add3A_529, %and3A_531 : vector<16xi32>
      %add3A_533 = arith.constant 80 : i32
      %add3A_534 = arith.addi %mul3A_439, %add3A_533 : i32
      %get3A_535 = arith.index_cast %add3A_534 : i32 to index
      %get3A_536 = tpu.vector_load %arg6[%get3A_535] {strides = array<i32>} : memref<8192xi32, #tpu.memory_space<vmem>>, vector<16xi32>,
      %get3A_537 = arith.index_cast %add3A_534 : i32 to index
      %get3A_538 = tpu.vector_load %arg8[%get3A_537] {strides = array<i32>} : memref<8192xi32, #tpu.memory_space<vmem>>, vector<16xi32>,
      %add3A_539 = arith.constant 0 : i32
      %add3A_540 = arith.addi %add3A_539, %mul3A_439 : i32
      %add3A_541 = arith.constant 80 : i32
      %add3A_542 = arith.addi %add3A_540, %add3A_541 : i32
      %mul3A_543 = arith.constant 63 : i32
      %mul3A_544 = arith.muli %add3A_542, %mul3A_543 : i32
      %and3A_545 = arith.constant 16383 : i32
      %and3A_546 = arith.andi %mul3A_544, %and3A_545 : i32
      %add3A_547 = vector.broadcast %and3A_546 : i32 to vector<16xi32>
      %add3A_548 = arith.addi %mul3A_7, %add3A_547 : vector<16xi32>
      %and3A_549 = arith.constant 16383 : i32
      %and3A_550 = vector.broadcast %and3A_549 : i32 to vector<16xi32>
      %and3A_551 = arith.andi %add3A_548, %and3A_550 : vector<16xi32>
      %add3A_552 = arith.constant 96 : i32
      %add3A_553 = arith.addi %mul3A_439, %add3A_552 : i32
      %get3A_554 = arith.index_cast %add3A_553 : i32 to index
      %get3A_555 = tpu.vector_load %arg6[%get3A_554] {strides = array<i32>} : memref<8192xi32, #tpu.memory_space<vmem>>, vector<16xi32>,
      %get3A_556 = arith.index_cast %add3A_553 : i32 to index
      %get3A_557 = tpu.vector_load %arg8[%get3A_556] {strides = array<i32>} : memref<8192xi32, #tpu.memory_space<vmem>>, vector<16xi32>,
      %add3A_558 = arith.constant 0 : i32
      %add3A_559 = arith.addi %add3A_558, %mul3A_439 : i32
      %add3A_560 = arith.constant 96 : i32
      %add3A_561 = arith.addi %add3A_559, %add3A_560 : i32
      %mul3A_562 = arith.constant 63 : i32
      %mul3A_563 = arith.muli %add3A_561, %mul3A_562 : i32
      %and3A_564 = arith.constant 16383 : i32
      %and3A_565 = arith.andi %mul3A_563, %and3A_564 : i32
      %add3A_566 = vector.broadcast %and3A_565 : i32 to vector<16xi32>
      %add3A_567 = arith.addi %mul3A_7, %add3A_566 : vector<16xi32>
      %and3A_568 = arith.constant 16383 : i32
      %and3A_569 = vector.broadcast %and3A_568 : i32 to vector<16xi32>
      %and3A_570 = arith.andi %add3A_567, %and3A_569 : vector<16xi32>
      %add3A_571 = arith.constant 112 : i32
      %add3A_572 = arith.addi %mul3A_439, %add3A_571 : i32
      %get3A_573 = arith.index_cast %add3A_572 : i32 to index
      %get3A_574 = tpu.vector_load %arg6[%get3A_573] {strides = array<i32>} : memref<8192xi32, #tpu.memory_space<vmem>>, vector<16xi32>,
      %get3A_575 = arith.index_cast %add3A_572 : i32 to index
      %get3A_576 = tpu.vector_load %arg8[%get3A_575] {strides = array<i32>} : memref<8192xi32, #tpu.memory_space<vmem>>, vector<16xi32>,
      %add3A_577 = arith.constant 0 : i32
      %add3A_578 = arith.addi %add3A_577, %mul3A_439 : i32
      %add3A_579 = arith.constant 112 : i32
      %add3A_580 = arith.addi %add3A_578, %add3A_579 : i32
      %mul3A_581 = arith.constant 63 : i32
      %mul3A_582 = arith.muli %add3A_580, %mul3A_581 : i32
      %and3A_583 = arith.constant 16383 : i32
      %and3A_584 = arith.andi %mul3A_582, %and3A_583 : i32
      %add3A_585 = vector.broadcast %and3A_584 : i32 to vector<16xi32>
      %add3A_586 = arith.addi %mul3A_7, %add3A_585 : vector<16xi32>
      %and3A_587 = arith.constant 16383 : i32
      %and3A_588 = vector.broadcast %and3A_587 : i32 to vector<16xi32>
      %and3A_589 = arith.andi %add3A_586, %and3A_588 : vector<16xi32>
      %add3A_590 = arith.constant 128 : i32
      %add3A_591 = arith.addi %mul3A_439, %add3A_590 : i32
      %get3A_592 = arith.index_cast %add3A_591 : i32 to index
      %get3A_593 = tpu.vector_load %arg6[%get3A_592] {strides = array<i32>} : memref<8192xi32, #tpu.memory_space<vmem>>, vector<16xi32>,
      %get3A_594 = arith.index_cast %add3A_591 : i32 to index
      %get3A_595 = tpu.vector_load %arg8[%get3A_594] {strides = array<i32>} : memref<8192xi32, #tpu.memory_space<vmem>>, vector<16xi32>,
      %add3A_596 = arith.constant 0 : i32
      %add3A_597 = arith.addi %add3A_596, %mul3A_439 : i32
      %add3A_598 = arith.constant 128 : i32
      %add3A_599 = arith.addi %add3A_597, %add3A_598 : i32
      %mul3A_600 = arith.constant 63 : i32
      %mul3A_601 = arith.muli %add3A_599, %mul3A_600 : i32
      %and3A_602 = arith.constant 16383 : i32
      %and3A_603 = arith.andi %mul3A_601, %and3A_602 : i32
      %add3A_604 = vector.broadcast %and3A_603 : i32 to vector<16xi32>
      %add3A_605 = arith.addi %mul3A_7, %add3A_604 : vector<16xi32>
      %and3A_606 = arith.constant 16383 : i32
      %and3A_607 = vector.broadcast %and3A_606 : i32 to vector<16xi32>
      %and3A_608 = arith.andi %add3A_605, %and3A_607 : vector<16xi32>
      %add3A_609 = arith.constant 144 : i32
      %add3A_610 = arith.addi %mul3A_439, %add3A_609 : i32
      %get3A_611 = arith.index_cast %add3A_610 : i32 to index
      %get3A_612 = tpu.vector_load %arg6[%get3A_611] {strides = array<i32>} : memref<8192xi32, #tpu.memory_space<vmem>>, vector<16xi32>,
      %get3A_613 = arith.index_cast %add3A_610 : i32 to index
      %get3A_614 = tpu.vector_load %arg8[%get3A_613] {strides = array<i32>} : memref<8192xi32, #tpu.memory_space<vmem>>, vector<16xi32>,
      %add3A_615 = arith.constant 0 : i32
      %add3A_616 = arith.addi %add3A_615, %mul3A_439 : i32
      %add3A_617 = arith.constant 144 : i32
      %add3A_618 = arith.addi %add3A_616, %add3A_617 : i32
      %mul3A_619 = arith.constant 63 : i32
      %mul3A_620 = arith.muli %add3A_618, %mul3A_619 : i32
      %and3A_621 = arith.constant 16383 : i32
      %and3A_622 = arith.andi %mul3A_620, %and3A_621 : i32
      %add3A_623 = vector.broadcast %and3A_622 : i32 to vector<16xi32>
      %add3A_624 = arith.addi %mul3A_7, %add3A_623 : vector<16xi32>
      %and3A_625 = arith.constant 16383 : i32
      %and3A_626 = vector.broadcast %and3A_625 : i32 to vector<16xi32>
      %and3A_627 = arith.andi %add3A_624, %and3A_626 : vector<16xi32>
      %add3A_628 = arith.constant 160 : i32
      %add3A_629 = arith.addi %mul3A_439, %add3A_628 : i32
      %get3A_630 = arith.index_cast %add3A_629 : i32 to index
      %get3A_631 = tpu.vector_load %arg6[%get3A_630] {strides = array<i32>} : memref<8192xi32, #tpu.memory_space<vmem>>, vector<16xi32>,
      %get3A_632 = arith.index_cast %add3A_629 : i32 to index
      %get3A_633 = tpu.vector_load %arg8[%get3A_632] {strides = array<i32>} : memref<8192xi32, #tpu.memory_space<vmem>>, vector<16xi32>,
      %add3A_634 = arith.constant 0 : i32
      %add3A_635 = arith.addi %add3A_634, %mul3A_439 : i32
      %add3A_636 = arith.constant 160 : i32
      %add3A_637 = arith.addi %add3A_635, %add3A_636 : i32
      %mul3A_638 = arith.constant 63 : i32
      %mul3A_639 = arith.muli %add3A_637, %mul3A_638 : i32
      %and3A_640 = arith.constant 16383 : i32
      %and3A_641 = arith.andi %mul3A_639, %and3A_640 : i32
      %add3A_642 = vector.broadcast %and3A_641 : i32 to vector<16xi32>
      %add3A_643 = arith.addi %mul3A_7, %add3A_642 : vector<16xi32>
      %and3A_644 = arith.constant 16383 : i32
      %and3A_645 = vector.broadcast %and3A_644 : i32 to vector<16xi32>
      %and3A_646 = arith.andi %add3A_643, %and3A_645 : vector<16xi32>
      %add3A_647 = arith.constant 176 : i32
      %add3A_648 = arith.addi %mul3A_439, %add3A_647 : i32
      %get3A_649 = arith.index_cast %add3A_648 : i32 to index
      %get3A_650 = tpu.vector_load %arg6[%get3A_649] {strides = array<i32>} : memref<8192xi32, #tpu.memory_space<vmem>>, vector<16xi32>,
      %get3A_651 = arith.index_cast %add3A_648 : i32 to index
      %get3A_652 = tpu.vector_load %arg8[%get3A_651] {strides = array<i32>} : memref<8192xi32, #tpu.memory_space<vmem>>, vector<16xi32>,
      %add3A_653 = arith.constant 0 : i32
      %add3A_654 = arith.addi %add3A_653, %mul3A_439 : i32
      %add3A_655 = arith.constant 176 : i32
      %add3A_656 = arith.addi %add3A_654, %add3A_655 : i32
      %mul3A_657 = arith.constant 63 : i32
      %mul3A_658 = arith.muli %add3A_656, %mul3A_657 : i32
      %and3A_659 = arith.constant 16383 : i32
      %and3A_660 = arith.andi %mul3A_658, %and3A_659 : i32
      %add3A_661 = vector.broadcast %and3A_660 : i32 to vector<16xi32>
      %add3A_662 = arith.addi %mul3A_7, %add3A_661 : vector<16xi32>
      %and3A_663 = arith.constant 16383 : i32
      %and3A_664 = vector.broadcast %and3A_663 : i32 to vector<16xi32>
      %and3A_665 = arith.andi %add3A_662, %and3A_664 : vector<16xi32>
      %add3A_666 = arith.constant 192 : i32
      %add3A_667 = arith.addi %mul3A_439, %add3A_666 : i32
      %get3A_668 = arith.index_cast %add3A_667 : i32 to index
      %get3A_669 = tpu.vector_load %arg6[%get3A_668] {strides = array<i32>} : memref<8192xi32, #tpu.memory_space<vmem>>, vector<16xi32>,
      %get3A_670 = arith.index_cast %add3A_667 : i32 to index
      %get3A_671 = tpu.vector_load %arg8[%get3A_670] {strides = array<i32>} : memref<8192xi32, #tpu.memory_space<vmem>>, vector<16xi32>,
      %add3A_672 = arith.constant 0 : i32
      %add3A_673 = arith.addi %add3A_672, %mul3A_439 : i32
      %add3A_674 = arith.constant 192 : i32
      %add3A_675 = arith.addi %add3A_673, %add3A_674 : i32
      %mul3A_676 = arith.constant 63 : i32
      %mul3A_677 = arith.muli %add3A_675, %mul3A_676 : i32
      %and3A_678 = arith.constant 16383 : i32
      %and3A_679 = arith.andi %mul3A_677, %and3A_678 : i32
      %add3A_680 = vector.broadcast %and3A_679 : i32 to vector<16xi32>
      %add3A_681 = arith.addi %mul3A_7, %add3A_680 : vector<16xi32>
      %and3A_682 = arith.constant 16383 : i32
      %and3A_683 = vector.broadcast %and3A_682 : i32 to vector<16xi32>
      %and3A_684 = arith.andi %add3A_681, %and3A_683 : vector<16xi32>
      %add3A_685 = arith.constant 208 : i32
      %add3A_686 = arith.addi %mul3A_439, %add3A_685 : i32
      %get3A_687 = arith.index_cast %add3A_686 : i32 to index
      %get3A_688 = tpu.vector_load %arg6[%get3A_687] {strides = array<i32>} : memref<8192xi32, #tpu.memory_space<vmem>>, vector<16xi32>,
      %get3A_689 = arith.index_cast %add3A_686 : i32 to index
      %get3A_690 = tpu.vector_load %arg8[%get3A_689] {strides = array<i32>} : memref<8192xi32, #tpu.memory_space<vmem>>, vector<16xi32>,
      %add3A_691 = arith.constant 0 : i32
      %add3A_692 = arith.addi %add3A_691, %mul3A_439 : i32
      %add3A_693 = arith.constant 208 : i32
      %add3A_694 = arith.addi %add3A_692, %add3A_693 : i32
      %mul3A_695 = arith.constant 63 : i32
      %mul3A_696 = arith.muli %add3A_694, %mul3A_695 : i32
      %and3A_697 = arith.constant 16383 : i32
      %and3A_698 = arith.andi %mul3A_696, %and3A_697 : i32
      %add3A_699 = vector.broadcast %and3A_698 : i32 to vector<16xi32>
      %add3A_700 = arith.addi %mul3A_7, %add3A_699 : vector<16xi32>
      %and3A_701 = arith.constant 16383 : i32
      %and3A_702 = vector.broadcast %and3A_701 : i32 to vector<16xi32>
      %and3A_703 = arith.andi %add3A_700, %and3A_702 : vector<16xi32>
      %add3A_704 = arith.constant 224 : i32
      %add3A_705 = arith.addi %mul3A_439, %add3A_704 : i32
      %get3A_706 = arith.index_cast %add3A_705 : i32 to index
      %get3A_707 = tpu.vector_load %arg6[%get3A_706] {strides = array<i32>} : memref<8192xi32, #tpu.memory_space<vmem>>, vector<16xi32>,
      %get3A_708 = arith.index_cast %add3A_705 : i32 to index
      %get3A_709 = tpu.vector_load %arg8[%get3A_708] {strides = array<i32>} : memref<8192xi32, #tpu.memory_space<vmem>>, vector<16xi32>,
      %add3A_710 = arith.constant 0 : i32
      %add3A_711 = arith.addi %add3A_710, %mul3A_439 : i32
      %add3A_712 = arith.constant 224 : i32
      %add3A_713 = arith.addi %add3A_711, %add3A_712 : i32
      %mul3A_714 = arith.constant 63 : i32
      %mul3A_715 = arith.muli %add3A_713, %mul3A_714 : i32
      %and3A_716 = arith.constant 16383 : i32
      %and3A_717 = arith.andi %mul3A_715, %and3A_716 : i32
      %add3A_718 = vector.broadcast %and3A_717 : i32 to vector<16xi32>
      %add3A_719 = arith.addi %mul3A_7, %add3A_718 : vector<16xi32>
      %and3A_720 = arith.constant 16383 : i32
      %and3A_721 = vector.broadcast %and3A_720 : i32 to vector<16xi32>
      %and3A_722 = arith.andi %add3A_719, %and3A_721 : vector<16xi32>
      %add3A_723 = arith.constant 240 : i32
      %add3A_724 = arith.addi %mul3A_439, %add3A_723 : i32
      %get3A_725 = arith.index_cast %add3A_724 : i32 to index
      %get3A_726 = tpu.vector_load %arg6[%get3A_725] {strides = array<i32>} : memref<8192xi32, #tpu.memory_space<vmem>>, vector<16xi32>,
      %get3A_727 = arith.index_cast %add3A_724 : i32 to index
      %get3A_728 = tpu.vector_load %arg8[%get3A_727] {strides = array<i32>} : memref<8192xi32, #tpu.memory_space<vmem>>, vector<16xi32>,
      %add3A_729 = arith.constant 0 : i32
      %add3A_730 = arith.addi %add3A_729, %mul3A_439 : i32
      %add3A_731 = arith.constant 240 : i32
      %add3A_732 = arith.addi %add3A_730, %add3A_731 : i32
      %mul3A_733 = arith.constant 63 : i32
      %mul3A_734 = arith.muli %add3A_732, %mul3A_733 : i32
      %and3A_735 = arith.constant 16383 : i32
      %and3A_736 = arith.andi %mul3A_734, %and3A_735 : i32
      %add3A_737 = vector.broadcast %and3A_736 : i32 to vector<16xi32>
      %add3A_738 = arith.addi %mul3A_7, %add3A_737 : vector<16xi32>
      %and3A_739 = arith.constant 16383 : i32
      %and3A_740 = vector.broadcast %and3A_739 : i32 to vector<16xi32>
      %and3A_741 = arith.andi %add3A_738, %and3A_740 : vector<16xi32>
      %gather3A = tpu.vector_load_idx %arg14[%get3A_442] : memref<128xf32, #tpu.memory_space<vmem>>[vector<16xi32>], vector<16xf32>,
      %gather3A_742 = tpu.vector_load_idx %arg14[%get3A_460] : memref<128xf32, #tpu.memory_space<vmem>>[vector<16xi32>], vector<16xf32>,
      %gather3A_743 = tpu.vector_load_idx %arg14[%get3A_479] : memref<128xf32, #tpu.memory_space<vmem>>[vector<16xi32>], vector<16xf32>,
      %gather3A_744 = tpu.vector_load_idx %arg14[%get3A_498] : memref<128xf32, #tpu.memory_space<vmem>>[vector<16xi32>], vector<16xf32>,
      %gather3A_745 = tpu.vector_load_idx %arg14[%get3A_517] : memref<128xf32, #tpu.memory_space<vmem>>[vector<16xi32>], vector<16xf32>,
      %gather3A_746 = tpu.vector_load_idx %arg14[%get3A_536] : memref<128xf32, #tpu.memory_space<vmem>>[vector<16xi32>], vector<16xf32>,
      %gather3A_747 = tpu.vector_load_idx %arg14[%get3A_555] : memref<128xf32, #tpu.memory_space<vmem>>[vector<16xi32>], vector<16xf32>,
      %gather3A_748 = tpu.vector_load_idx %arg14[%get3A_574] : memref<128xf32, #tpu.memory_space<vmem>>[vector<16xi32>], vector<16xf32>,
      %gather3A_749 = tpu.vector_load_idx %arg14[%get3A_593] : memref<128xf32, #tpu.memory_space<vmem>>[vector<16xi32>], vector<16xf32>,
      %gather3A_750 = tpu.vector_load_idx %arg14[%get3A_612] : memref<128xf32, #tpu.memory_space<vmem>>[vector<16xi32>], vector<16xf32>,
      %gather3A_751 = tpu.vector_load_idx %arg14[%get3A_631] : memref<128xf32, #tpu.memory_space<vmem>>[vector<16xi32>], vector<16xf32>,
      %gather3A_752 = tpu.vector_load_idx %arg14[%get3A_650] : memref<128xf32, #tpu.memory_space<vmem>>[vector<16xi32>], vector<16xf32>,
      %gather3A_753 = tpu.vector_load_idx %arg14[%get3A_669] : memref<128xf32, #tpu.memory_space<vmem>>[vector<16xi32>], vector<16xf32>,
      %gather3A_754 = tpu.vector_load_idx %arg14[%get3A_688] : memref<128xf32, #tpu.memory_space<vmem>>[vector<16xi32>], vector<16xf32>,
      %gather3A_755 = tpu.vector_load_idx %arg14[%get3A_707] : memref<128xf32, #tpu.memory_space<vmem>>[vector<16xi32>], vector<16xf32>,
      %gather3A_756 = tpu.vector_load_idx %arg14[%get3A_726] : memref<128xf32, #tpu.memory_space<vmem>>[vector<16xi32>], vector<16xf32>,
      tpu.vector_store_idx %arg13[%and3A_456], %gather3A : memref<16384xf32, #tpu.memory_space<vmem>>[vector<16xi32>], vector<16xf32>,
      tpu.vector_store_idx %arg11[%and3A_456], %get3A_444 : memref<16384xi32, #tpu.memory_space<vmem>>[vector<16xi32>], vector<16xi32>,
      tpu.vector_store_idx %arg13[%and3A_475], %gather3A_742 : memref<16384xf32, #tpu.memory_space<vmem>>[vector<16xi32>], vector<16xf32>,
      tpu.vector_store_idx %arg11[%and3A_475], %get3A_462 : memref<16384xi32, #tpu.memory_space<vmem>>[vector<16xi32>], vector<16xi32>,
      tpu.vector_store_idx %arg13[%and3A_494], %gather3A_743 : memref<16384xf32, #tpu.memory_space<vmem>>[vector<16xi32>], vector<16xf32>,
      tpu.vector_store_idx %arg11[%and3A_494], %get3A_481 : memref<16384xi32, #tpu.memory_space<vmem>>[vector<16xi32>], vector<16xi32>,
      tpu.vector_store_idx %arg13[%and3A_513], %gather3A_744 : memref<16384xf32, #tpu.memory_space<vmem>>[vector<16xi32>], vector<16xf32>,
      tpu.vector_store_idx %arg11[%and3A_513], %get3A_500 : memref<16384xi32, #tpu.memory_space<vmem>>[vector<16xi32>], vector<16xi32>,
      tpu.vector_store_idx %arg13[%and3A_532], %gather3A_745 : memref<16384xf32, #tpu.memory_space<vmem>>[vector<16xi32>], vector<16xf32>,
      tpu.vector_store_idx %arg11[%and3A_532], %get3A_519 : memref<16384xi32, #tpu.memory_space<vmem>>[vector<16xi32>], vector<16xi32>,
      tpu.vector_store_idx %arg13[%and3A_551], %gather3A_746 : memref<16384xf32, #tpu.memory_space<vmem>>[vector<16xi32>], vector<16xf32>,
      tpu.vector_store_idx %arg11[%and3A_551], %get3A_538 : memref<16384xi32, #tpu.memory_space<vmem>>[vector<16xi32>], vector<16xi32>,
      tpu.vector_store_idx %arg13[%and3A_570], %gather3A_747 : memref<16384xf32, #tpu.memory_space<vmem>>[vector<16xi32>], vector<16xf32>,
      tpu.vector_store_idx %arg11[%and3A_570], %get3A_557 : memref<16384xi32, #tpu.memory_space<vmem>>[vector<16xi32>], vector<16xi32>,
      tpu.vector_store_idx %arg13[%and3A_589], %gather3A_748 : memref<16384xf32, #tpu.memory_space<vmem>>[vector<16xi32>], vector<16xf32>,
      tpu.vector_store_idx %arg11[%and3A_589], %get3A_576 : memref<16384xi32, #tpu.memory_space<vmem>>[vector<16xi32>], vector<16xi32>,
      tpu.vector_store_idx %arg13[%and3A_608], %gather3A_749 : memref<16384xf32, #tpu.memory_space<vmem>>[vector<16xi32>], vector<16xf32>,
      tpu.vector_store_idx %arg11[%and3A_608], %get3A_595 : memref<16384xi32, #tpu.memory_space<vmem>>[vector<16xi32>], vector<16xi32>,
      tpu.vector_store_idx %arg13[%and3A_627], %gather3A_750 : memref<16384xf32, #tpu.memory_space<vmem>>[vector<16xi32>], vector<16xf32>,
      tpu.vector_store_idx %arg11[%and3A_627], %get3A_614 : memref<16384xi32, #tpu.memory_space<vmem>>[vector<16xi32>], vector<16xi32>,
      tpu.vector_store_idx %arg13[%and3A_646], %gather3A_751 : memref<16384xf32, #tpu.memory_space<vmem>>[vector<16xi32>], vector<16xf32>,
      tpu.vector_store_idx %arg11[%and3A_646], %get3A_633 : memref<16384xi32, #tpu.memory_space<vmem>>[vector<16xi32>], vector<16xi32>,
      tpu.vector_store_idx %arg13[%and3A_665], %gather3A_752 : memref<16384xf32, #tpu.memory_space<vmem>>[vector<16xi32>], vector<16xf32>,
      tpu.vector_store_idx %arg11[%and3A_665], %get3A_652 : memref<16384xi32, #tpu.memory_space<vmem>>[vector<16xi32>], vector<16xi32>,
      tpu.vector_store_idx %arg13[%and3A_684], %gather3A_753 : memref<16384xf32, #tpu.memory_space<vmem>>[vector<16xi32>], vector<16xf32>,
      tpu.vector_store_idx %arg11[%and3A_684], %get3A_671 : memref<16384xi32, #tpu.memory_space<vmem>>[vector<16xi32>], vector<16xi32>,
      tpu.vector_store_idx %arg13[%and3A_703], %gather3A_754 : memref<16384xf32, #tpu.memory_space<vmem>>[vector<16xi32>], vector<16xf32>,
      tpu.vector_store_idx %arg11[%and3A_703], %get3A_690 : memref<16384xi32, #tpu.memory_space<vmem>>[vector<16xi32>], vector<16xi32>,
      tpu.vector_store_idx %arg13[%and3A_722], %gather3A_755 : memref<16384xf32, #tpu.memory_space<vmem>>[vector<16xi32>], vector<16xf32>,
      tpu.vector_store_idx %arg11[%and3A_722], %get3A_709 : memref<16384xi32, #tpu.memory_space<vmem>>[vector<16xi32>], vector<16xi32>,
      tpu.vector_store_idx %arg13[%and3A_741], %gather3A_756 : memref<16384xf32, #tpu.memory_space<vmem>>[vector<16xi32>], vector<16xf32>,
      tpu.vector_store_idx %arg11[%and3A_741], %get3A_728 : memref<16384xi32, #tpu.memory_space<vmem>>[vector<16xi32>], vector<16xi32>,
      %scan3A_757 = arith.constant 0 : i32
      scf.yield %scan3A_757 : i32
    }
    %scan3A_257 = arith.constant 32 : i32
    %dma_wait3A_258 = arith.constant 0 : i32
    %dma_wait3A_259 = tpu.memref_slice %arg2[%add3A_236, %dma_wait3A_258] : memref<256x8192xi32, #tpu.memory_space<hbm>> -> memref<1x8192xi32, #tpu.memory_space<hbm>>
    %dma_wait3A_260 = tpu.memref_squeeze %dma_wait3A_259 : memref<1x8192xi32, #tpu.memory_space<hbm>> -> memref<8192xi32, #tpu.memory_space<hbm>>
    %dma_wait3A_261 = arith.constant 0 : i32
    %dma_wait3A_262 = tpu.memref_slice %arg2[%add3A_236, %dma_wait3A_261] : memref<256x8192xi32, #tpu.memory_space<hbm>> -> memref<1x8192xi32, #tpu.memory_space<hbm>>
    %dma_wait3A_263 = tpu.memref_squeeze %dma_wait3A_262 : memref<1x8192xi32, #tpu.memory_space<hbm>> -> memref<8192xi32, #tpu.memory_space<hbm>>
    tpu.wait_dma2 semaphore(%arg17 : memref<!tpu.dma_semaphore, #tpu.memory_space<semaphore_mem>>) src(%dma_wait3A_263 : memref<8192xi32, #tpu.memory_space<hbm>>) dst(%arg7 : memref<8192xi32, #tpu.memory_space<vmem>>)
    %dma_wait3A_264 = arith.constant 0 : i32
    %dma_wait3A_265 = tpu.memref_slice %arg3[%add3A_244, %dma_wait3A_264] : memref<256x8192xi32, #tpu.memory_space<hbm>> -> memref<1x8192xi32, #tpu.memory_space<hbm>>
    %dma_wait3A_266 = tpu.memref_squeeze %dma_wait3A_265 : memref<1x8192xi32, #tpu.memory_space<hbm>> -> memref<8192xi32, #tpu.memory_space<hbm>>
    %dma_wait3A_267 = arith.constant 0 : i32
    %dma_wait3A_268 = tpu.memref_slice %arg3[%add3A_244, %dma_wait3A_267] : memref<256x8192xi32, #tpu.memory_space<hbm>> -> memref<1x8192xi32, #tpu.memory_space<hbm>>
    %dma_wait3A_269 = tpu.memref_squeeze %dma_wait3A_268 : memref<1x8192xi32, #tpu.memory_space<hbm>> -> memref<8192xi32, #tpu.memory_space<hbm>>
    tpu.wait_dma2 semaphore(%arg17 : memref<!tpu.dma_semaphore, #tpu.memory_space<semaphore_mem>>) src(%dma_wait3A_269 : memref<8192xi32, #tpu.memory_space<hbm>>) dst(%arg9 : memref<8192xi32, #tpu.memory_space<vmem>>)
    %add3A_270 = arith.constant 4 : i32
    %add3A_271 = arith.addi %mul3A_4, %add3A_270 : i32
    %dma_start3A_272 = arith.constant 0 : i32
    %dma_start3A_273 = tpu.memref_slice %arg2[%add3A_271, %dma_start3A_272] : memref<256x8192xi32, #tpu.memory_space<hbm>> -> memref<1x8192xi32, #tpu.memory_space<hbm>>
    %dma_start3A_274 = tpu.memref_squeeze %dma_start3A_273 : memref<1x8192xi32, #tpu.memory_space<hbm>> -> memref<8192xi32, #tpu.memory_space<hbm>>
    %dma_start3A_275 = arith.constant 0 : i32
    %dma_start3A_276 = tpu.memref_slice %arg2[%add3A_271, %dma_start3A_275] : memref<256x8192xi32, #tpu.memory_space<hbm>> -> memref<1x8192xi32, #tpu.memory_space<hbm>>
    %dma_start3A_277 = tpu.memref_squeeze %dma_start3A_276 : memref<1x8192xi32, #tpu.memory_space<hbm>> -> memref<8192xi32, #tpu.memory_space<hbm>>
    tpu.enqueue_dma source(%dma_start3A_277 : memref<8192xi32, #tpu.memory_space<hbm>>) target(%arg6 : memref<8192xi32, #tpu.memory_space<vmem>>) target_semaphore(%arg16 : memref<!tpu.dma_semaphore, #tpu.memory_space<semaphore_mem>>)
    %add3A_278 = arith.constant 4 : i32
    %add3A_279 = arith.addi %mul3A_4, %add3A_278 : i32
    %dma_start3A_280 = arith.constant 0 : i32
    %dma_start3A_281 = tpu.memref_slice %arg3[%add3A_279, %dma_start3A_280] : memref<256x8192xi32, #tpu.memory_space<hbm>> -> memref<1x8192xi32, #tpu.memory_space<hbm>>
    %dma_start3A_282 = tpu.memref_squeeze %dma_start3A_281 : memref<1x8192xi32, #tpu.memory_space<hbm>> -> memref<8192xi32, #tpu.memory_space<hbm>>
    %dma_start3A_283 = arith.constant 0 : i32
    %dma_start3A_284 = tpu.memref_slice %arg3[%add3A_279, %dma_start3A_283] : memref<256x8192xi32, #tpu.memory_space<hbm>> -> memref<1x8192xi32, #tpu.memory_space<hbm>>
    %dma_start3A_285 = tpu.memref_squeeze %dma_start3A_284 : memref<1x8192xi32, #tpu.memory_space<hbm>> -> memref<8192xi32, #tpu.memory_space<hbm>>
    tpu.enqueue_dma source(%dma_start3A_285 : memref<8192xi32, #tpu.memory_space<hbm>>) target(%arg8 : memref<8192xi32, #tpu.memory_space<vmem>>) target_semaphore(%arg16 : memref<!tpu.dma_semaphore, #tpu.memory_space<semaphore_mem>>)
    %scan3A_286 = arith.constant 0 : i32
    %scan3A_287 = arith.constant 0 : i32
    %scan3A_288 = arith.constant 32 : i32
    %scan3A_289 = arith.addi %scan3A_287, %scan3A_288 : i32
    %scan3A_290 = arith.constant 1 : i32
    %scan3A_291 = scf.for %scan3A_436 = %scan3A_287 to %scan3A_289 step %scan3A_290 iter_args(%scan3A_437 = %scan3A_286) -> (i32)  : i32 {
      %mul3A_438 = arith.constant 256 : i32
      %mul3A_439 = arith.muli %scan3A_436, %mul3A_438 : i32
      %add3A_440 = arith.constant 0 : i32
      %add3A_441 = arith.addi %mul3A_439, %add3A_440 : i32
      %get3A = arith.index_cast %add3A_441 : i32 to index
      %get3A_442 = tpu.vector_load %arg7[%get3A] {strides = array<i32>} : memref<8192xi32, #tpu.memory_space<vmem>>, vector<16xi32>,
      %get3A_443 = arith.index_cast %add3A_441 : i32 to index
      %get3A_444 = tpu.vector_load %arg9[%get3A_443] {strides = array<i32>} : memref<8192xi32, #tpu.memory_space<vmem>>, vector<16xi32>,
      %add3A_445 = arith.constant 8192 : i32
      %add3A_446 = arith.addi %add3A_445, %mul3A_439 : i32
      %add3A_447 = arith.constant 0 : i32
      %add3A_448 = arith.addi %add3A_446, %add3A_447 : i32
      %mul3A_449 = arith.constant 63 : i32
      %mul3A_450 = arith.muli %add3A_448, %mul3A_449 : i32
      %and3A = arith.constant 16383 : i32
      %and3A_451 = arith.andi %mul3A_450, %and3A : i32
      %add3A_452 = vector.broadcast %and3A_451 : i32 to vector<16xi32>
      %add3A_453 = arith.addi %mul3A_7, %add3A_452 : vector<16xi32>
      %and3A_454 = arith.constant 16383 : i32
      %and3A_455 = vector.broadcast %and3A_454 : i32 to vector<16xi32>
      %and3A_456 = arith.andi %add3A_453, %and3A_455 : vector<16xi32>
      %add3A_457 = arith.constant 16 : i32
      %add3A_458 = arith.addi %mul3A_439, %add3A_457 : i32
      %get3A_459 = arith.index_cast %add3A_458 : i32 to index
      %get3A_460 = tpu.vector_load %arg7[%get3A_459] {strides = array<i32>} : memref<8192xi32, #tpu.memory_space<vmem>>, vector<16xi32>,
      %get3A_461 = arith.index_cast %add3A_458 : i32 to index
      %get3A_462 = tpu.vector_load %arg9[%get3A_461] {strides = array<i32>} : memref<8192xi32, #tpu.memory_space<vmem>>, vector<16xi32>,
      %add3A_463 = arith.constant 8192 : i32
      %add3A_464 = arith.addi %add3A_463, %mul3A_439 : i32
      %add3A_465 = arith.constant 16 : i32
      %add3A_466 = arith.addi %add3A_464, %add3A_465 : i32
      %mul3A_467 = arith.constant 63 : i32
      %mul3A_468 = arith.muli %add3A_466, %mul3A_467 : i32
      %and3A_469 = arith.constant 16383 : i32
      %and3A_470 = arith.andi %mul3A_468, %and3A_469 : i32
      %add3A_471 = vector.broadcast %and3A_470 : i32 to vector<16xi32>
      %add3A_472 = arith.addi %mul3A_7, %add3A_471 : vector<16xi32>
      %and3A_473 = arith.constant 16383 : i32
      %and3A_474 = vector.broadcast %and3A_473 : i32 to vector<16xi32>
      %and3A_475 = arith.andi %add3A_472, %and3A_474 : vector<16xi32>
      %add3A_476 = arith.constant 32 : i32
      %add3A_477 = arith.addi %mul3A_439, %add3A_476 : i32
      %get3A_478 = arith.index_cast %add3A_477 : i32 to index
      %get3A_479 = tpu.vector_load %arg7[%get3A_478] {strides = array<i32>} : memref<8192xi32, #tpu.memory_space<vmem>>, vector<16xi32>,
      %get3A_480 = arith.index_cast %add3A_477 : i32 to index
      %get3A_481 = tpu.vector_load %arg9[%get3A_480] {strides = array<i32>} : memref<8192xi32, #tpu.memory_space<vmem>>, vector<16xi32>,
      %add3A_482 = arith.constant 8192 : i32
      %add3A_483 = arith.addi %add3A_482, %mul3A_439 : i32
      %add3A_484 = arith.constant 32 : i32
      %add3A_485 = arith.addi %add3A_483, %add3A_484 : i32
      %mul3A_486 = arith.constant 63 : i32
      %mul3A_487 = arith.muli %add3A_485, %mul3A_486 : i32
      %and3A_488 = arith.constant 16383 : i32
      %and3A_489 = arith.andi %mul3A_487, %and3A_488 : i32
      %add3A_490 = vector.broadcast %and3A_489 : i32 to vector<16xi32>
      %add3A_491 = arith.addi %mul3A_7, %add3A_490 : vector<16xi32>
      %and3A_492 = arith.constant 16383 : i32
      %and3A_493 = vector.broadcast %and3A_492 : i32 to vector<16xi32>
      %and3A_494 = arith.andi %add3A_491, %and3A_493 : vector<16xi32>
      %add3A_495 = arith.constant 48 : i32
      %add3A_496 = arith.addi %mul3A_439, %add3A_495 : i32
      %get3A_497 = arith.index_cast %add3A_496 : i32 to index
      %get3A_498 = tpu.vector_load %arg7[%get3A_497] {strides = array<i32>} : memref<8192xi32, #tpu.memory_space<vmem>>, vector<16xi32>,
      %get3A_499 = arith.index_cast %add3A_496 : i32 to index
      %get3A_500 = tpu.vector_load %arg9[%get3A_499] {strides = array<i32>} : memref<8192xi32, #tpu.memory_space<vmem>>, vector<16xi32>,
      %add3A_501 = arith.constant 8192 : i32
      %add3A_502 = arith.addi %add3A_501, %mul3A_439 : i32
      %add3A_503 = arith.constant 48 : i32
      %add3A_504 = arith.addi %add3A_502, %add3A_503 : i32
      %mul3A_505 = arith.constant 63 : i32
      %mul3A_506 = arith.muli %add3A_504, %mul3A_505 : i32
      %and3A_507 = arith.constant 16383 : i32
      %and3A_508 = arith.andi %mul3A_506, %and3A_507 : i32
      %add3A_509 = vector.broadcast %and3A_508 : i32 to vector<16xi32>
      %add3A_510 = arith.addi %mul3A_7, %add3A_509 : vector<16xi32>
      %and3A_511 = arith.constant 16383 : i32
      %and3A_512 = vector.broadcast %and3A_511 : i32 to vector<16xi32>
      %and3A_513 = arith.andi %add3A_510, %and3A_512 : vector<16xi32>
      %add3A_514 = arith.constant 64 : i32
      %add3A_515 = arith.addi %mul3A_439, %add3A_514 : i32
      %get3A_516 = arith.index_cast %add3A_515 : i32 to index
      %get3A_517 = tpu.vector_load %arg7[%get3A_516] {strides = array<i32>} : memref<8192xi32, #tpu.memory_space<vmem>>, vector<16xi32>,
      %get3A_518 = arith.index_cast %add3A_515 : i32 to index
      %get3A_519 = tpu.vector_load %arg9[%get3A_518] {strides = array<i32>} : memref<8192xi32, #tpu.memory_space<vmem>>, vector<16xi32>,
      %add3A_520 = arith.constant 8192 : i32
      %add3A_521 = arith.addi %add3A_520, %mul3A_439 : i32
      %add3A_522 = arith.constant 64 : i32
      %add3A_523 = arith.addi %add3A_521, %add3A_522 : i32
      %mul3A_524 = arith.constant 63 : i32
      %mul3A_525 = arith.muli %add3A_523, %mul3A_524 : i32
      %and3A_526 = arith.constant 16383 : i32
      %and3A_527 = arith.andi %mul3A_525, %and3A_526 : i32
      %add3A_528 = vector.broadcast %and3A_527 : i32 to vector<16xi32>
      %add3A_529 = arith.addi %mul3A_7, %add3A_528 : vector<16xi32>
      %and3A_530 = arith.constant 16383 : i32
      %and3A_531 = vector.broadcast %and3A_530 : i32 to vector<16xi32>
      %and3A_532 = arith.andi %add3A_529, %and3A_531 : vector<16xi32>
      %add3A_533 = arith.constant 80 : i32
      %add3A_534 = arith.addi %mul3A_439, %add3A_533 : i32
      %get3A_535 = arith.index_cast %add3A_534 : i32 to index
      %get3A_536 = tpu.vector_load %arg7[%get3A_535] {strides = array<i32>} : memref<8192xi32, #tpu.memory_space<vmem>>, vector<16xi32>,
      %get3A_537 = arith.index_cast %add3A_534 : i32 to index
      %get3A_538 = tpu.vector_load %arg9[%get3A_537] {strides = array<i32>} : memref<8192xi32, #tpu.memory_space<vmem>>, vector<16xi32>,
      %add3A_539 = arith.constant 8192 : i32
      %add3A_540 = arith.addi %add3A_539, %mul3A_439 : i32
      %add3A_541 = arith.constant 80 : i32
      %add3A_542 = arith.addi %add3A_540, %add3A_541 : i32
      %mul3A_543 = arith.constant 63 : i32
      %mul3A_544 = arith.muli %add3A_542, %mul3A_543 : i32
      %and3A_545 = arith.constant 16383 : i32
      %and3A_546 = arith.andi %mul3A_544, %and3A_545 : i32
      %add3A_547 = vector.broadcast %and3A_546 : i32 to vector<16xi32>
      %add3A_548 = arith.addi %mul3A_7, %add3A_547 : vector<16xi32>
      %and3A_549 = arith.constant 16383 : i32
      %and3A_550 = vector.broadcast %and3A_549 : i32 to vector<16xi32>
      %and3A_551 = arith.andi %add3A_548, %and3A_550 : vector<16xi32>
      %add3A_552 = arith.constant 96 : i32
      %add3A_553 = arith.addi %mul3A_439, %add3A_552 : i32
      %get3A_554 = arith.index_cast %add3A_553 : i32 to index
      %get3A_555 = tpu.vector_load %arg7[%get3A_554] {strides = array<i32>} : memref<8192xi32, #tpu.memory_space<vmem>>, vector<16xi32>,
      %get3A_556 = arith.index_cast %add3A_553 : i32 to index
      %get3A_557 = tpu.vector_load %arg9[%get3A_556] {strides = array<i32>} : memref<8192xi32, #tpu.memory_space<vmem>>, vector<16xi32>,
      %add3A_558 = arith.constant 8192 : i32
      %add3A_559 = arith.addi %add3A_558, %mul3A_439 : i32
      %add3A_560 = arith.constant 96 : i32
      %add3A_561 = arith.addi %add3A_559, %add3A_560 : i32
      %mul3A_562 = arith.constant 63 : i32
      %mul3A_563 = arith.muli %add3A_561, %mul3A_562 : i32
      %and3A_564 = arith.constant 16383 : i32
      %and3A_565 = arith.andi %mul3A_563, %and3A_564 : i32
      %add3A_566 = vector.broadcast %and3A_565 : i32 to vector<16xi32>
      %add3A_567 = arith.addi %mul3A_7, %add3A_566 : vector<16xi32>
      %and3A_568 = arith.constant 16383 : i32
      %and3A_569 = vector.broadcast %and3A_568 : i32 to vector<16xi32>
      %and3A_570 = arith.andi %add3A_567, %and3A_569 : vector<16xi32>
      %add3A_571 = arith.constant 112 : i32
      %add3A_572 = arith.addi %mul3A_439, %add3A_571 : i32
      %get3A_573 = arith.index_cast %add3A_572 : i32 to index
      %get3A_574 = tpu.vector_load %arg7[%get3A_573] {strides = array<i32>} : memref<8192xi32, #tpu.memory_space<vmem>>, vector<16xi32>,
      %get3A_575 = arith.index_cast %add3A_572 : i32 to index
      %get3A_576 = tpu.vector_load %arg9[%get3A_575] {strides = array<i32>} : memref<8192xi32, #tpu.memory_space<vmem>>, vector<16xi32>,
      %add3A_577 = arith.constant 8192 : i32
      %add3A_578 = arith.addi %add3A_577, %mul3A_439 : i32
      %add3A_579 = arith.constant 112 : i32
      %add3A_580 = arith.addi %add3A_578, %add3A_579 : i32
      %mul3A_581 = arith.constant 63 : i32
      %mul3A_582 = arith.muli %add3A_580, %mul3A_581 : i32
      %and3A_583 = arith.constant 16383 : i32
      %and3A_584 = arith.andi %mul3A_582, %and3A_583 : i32
      %add3A_585 = vector.broadcast %and3A_584 : i32 to vector<16xi32>
      %add3A_586 = arith.addi %mul3A_7, %add3A_585 : vector<16xi32>
      %and3A_587 = arith.constant 16383 : i32
      %and3A_588 = vector.broadcast %and3A_587 : i32 to vector<16xi32>
      %and3A_589 = arith.andi %add3A_586, %and3A_588 : vector<16xi32>
      %add3A_590 = arith.constant 128 : i32
      %add3A_591 = arith.addi %mul3A_439, %add3A_590 : i32
      %get3A_592 = arith.index_cast %add3A_591 : i32 to index
      %get3A_593 = tpu.vector_load %arg7[%get3A_592] {strides = array<i32>} : memref<8192xi32, #tpu.memory_space<vmem>>, vector<16xi32>,
      %get3A_594 = arith.index_cast %add3A_591 : i32 to index
      %get3A_595 = tpu.vector_load %arg9[%get3A_594] {strides = array<i32>} : memref<8192xi32, #tpu.memory_space<vmem>>, vector<16xi32>,
      %add3A_596 = arith.constant 8192 : i32
      %add3A_597 = arith.addi %add3A_596, %mul3A_439 : i32
      %add3A_598 = arith.constant 128 : i32
      %add3A_599 = arith.addi %add3A_597, %add3A_598 : i32
      %mul3A_600 = arith.constant 63 : i32
      %mul3A_601 = arith.muli %add3A_599, %mul3A_600 : i32
      %and3A_602 = arith.constant 16383 : i32
      %and3A_603 = arith.andi %mul3A_601, %and3A_602 : i32
      %add3A_604 = vector.broadcast %and3A_603 : i32 to vector<16xi32>
      %add3A_605 = arith.addi %mul3A_7, %add3A_604 : vector<16xi32>
      %and3A_606 = arith.constant 16383 : i32
      %and3A_607 = vector.broadcast %and3A_606 : i32 to vector<16xi32>
      %and3A_608 = arith.andi %add3A_605, %and3A_607 : vector<16xi32>
      %add3A_609 = arith.constant 144 : i32
      %add3A_610 = arith.addi %mul3A_439, %add3A_609 : i32
      %get3A_611 = arith.index_cast %add3A_610 : i32 to index
      %get3A_612 = tpu.vector_load %arg7[%get3A_611] {strides = array<i32>} : memref<8192xi32, #tpu.memory_space<vmem>>, vector<16xi32>,
      %get3A_613 = arith.index_cast %add3A_610 : i32 to index
      %get3A_614 = tpu.vector_load %arg9[%get3A_613] {strides = array<i32>} : memref<8192xi32, #tpu.memory_space<vmem>>, vector<16xi32>,
      %add3A_615 = arith.constant 8192 : i32
      %add3A_616 = arith.addi %add3A_615, %mul3A_439 : i32
      %add3A_617 = arith.constant 144 : i32
      %add3A_618 = arith.addi %add3A_616, %add3A_617 : i32
      %mul3A_619 = arith.constant 63 : i32
      %mul3A_620 = arith.muli %add3A_618, %mul3A_619 : i32
      %and3A_621 = arith.constant 16383 : i32
      %and3A_622 = arith.andi %mul3A_620, %and3A_621 : i32
      %add3A_623 = vector.broadcast %and3A_622 : i32 to vector<16xi32>
      %add3A_624 = arith.addi %mul3A_7, %add3A_623 : vector<16xi32>
      %and3A_625 = arith.constant 16383 : i32
      %and3A_626 = vector.broadcast %and3A_625 : i32 to vector<16xi32>
      %and3A_627 = arith.andi %add3A_624, %and3A_626 : vector<16xi32>
      %add3A_628 = arith.constant 160 : i32
      %add3A_629 = arith.addi %mul3A_439, %add3A_628 : i32
      %get3A_630 = arith.index_cast %add3A_629 : i32 to index
      %get3A_631 = tpu.vector_load %arg7[%get3A_630] {strides = array<i32>} : memref<8192xi32, #tpu.memory_space<vmem>>, vector<16xi32>,
      %get3A_632 = arith.index_cast %add3A_629 : i32 to index
      %get3A_633 = tpu.vector_load %arg9[%get3A_632] {strides = array<i32>} : memref<8192xi32, #tpu.memory_space<vmem>>, vector<16xi32>,
      %add3A_634 = arith.constant 8192 : i32
      %add3A_635 = arith.addi %add3A_634, %mul3A_439 : i32
      %add3A_636 = arith.constant 160 : i32
      %add3A_637 = arith.addi %add3A_635, %add3A_636 : i32
      %mul3A_638 = arith.constant 63 : i32
      %mul3A_639 = arith.muli %add3A_637, %mul3A_638 : i32
      %and3A_640 = arith.constant 16383 : i32
      %and3A_641 = arith.andi %mul3A_639, %and3A_640 : i32
      %add3A_642 = vector.broadcast %and3A_641 : i32 to vector<16xi32>
      %add3A_643 = arith.addi %mul3A_7, %add3A_642 : vector<16xi32>
      %and3A_644 = arith.constant 16383 : i32
      %and3A_645 = vector.broadcast %and3A_644 : i32 to vector<16xi32>
      %and3A_646 = arith.andi %add3A_643, %and3A_645 : vector<16xi32>
      %add3A_647 = arith.constant 176 : i32
      %add3A_648 = arith.addi %mul3A_439, %add3A_647 : i32
      %get3A_649 = arith.index_cast %add3A_648 : i32 to index
      %get3A_650 = tpu.vector_load %arg7[%get3A_649] {strides = array<i32>} : memref<8192xi32, #tpu.memory_space<vmem>>, vector<16xi32>,
      %get3A_651 = arith.index_cast %add3A_648 : i32 to index
      %get3A_652 = tpu.vector_load %arg9[%get3A_651] {strides = array<i32>} : memref<8192xi32, #tpu.memory_space<vmem>>, vector<16xi32>,
      %add3A_653 = arith.constant 8192 : i32
      %add3A_654 = arith.addi %add3A_653, %mul3A_439 : i32
      %add3A_655 = arith.constant 176 : i32
      %add3A_656 = arith.addi %add3A_654, %add3A_655 : i32
      %mul3A_657 = arith.constant 63 : i32
      %mul3A_658 = arith.muli %add3A_656, %mul3A_657 : i32
      %and3A_659 = arith.constant 16383 : i32
      %and3A_660 = arith.andi %mul3A_658, %and3A_659 : i32
      %add3A_661 = vector.broadcast %and3A_660 : i32 to vector<16xi32>
      %add3A_662 = arith.addi %mul3A_7, %add3A_661 : vector<16xi32>
      %and3A_663 = arith.constant 16383 : i32
      %and3A_664 = vector.broadcast %and3A_663 : i32 to vector<16xi32>
      %and3A_665 = arith.andi %add3A_662, %and3A_664 : vector<16xi32>
      %add3A_666 = arith.constant 192 : i32
      %add3A_667 = arith.addi %mul3A_439, %add3A_666 : i32
      %get3A_668 = arith.index_cast %add3A_667 : i32 to index
      %get3A_669 = tpu.vector_load %arg7[%get3A_668] {strides = array<i32>} : memref<8192xi32, #tpu.memory_space<vmem>>, vector<16xi32>,
      %get3A_670 = arith.index_cast %add3A_667 : i32 to index
      %get3A_671 = tpu.vector_load %arg9[%get3A_670] {strides = array<i32>} : memref<8192xi32, #tpu.memory_space<vmem>>, vector<16xi32>,
      %add3A_672 = arith.constant 8192 : i32
      %add3A_673 = arith.addi %add3A_672, %mul3A_439 : i32
      %add3A_674 = arith.constant 192 : i32
      %add3A_675 = arith.addi %add3A_673, %add3A_674 : i32
      %mul3A_676 = arith.constant 63 : i32
      %mul3A_677 = arith.muli %add3A_675, %mul3A_676 : i32
      %and3A_678 = arith.constant 16383 : i32
      %and3A_679 = arith.andi %mul3A_677, %and3A_678 : i32
      %add3A_680 = vector.broadcast %and3A_679 : i32 to vector<16xi32>
      %add3A_681 = arith.addi %mul3A_7, %add3A_680 : vector<16xi32>
      %and3A_682 = arith.constant 16383 : i32
      %and3A_683 = vector.broadcast %and3A_682 : i32 to vector<16xi32>
      %and3A_684 = arith.andi %add3A_681, %and3A_683 : vector<16xi32>
      %add3A_685 = arith.constant 208 : i32
      %add3A_686 = arith.addi %mul3A_439, %add3A_685 : i32
      %get3A_687 = arith.index_cast %add3A_686 : i32 to index
      %get3A_688 = tpu.vector_load %arg7[%get3A_687] {strides = array<i32>} : memref<8192xi32, #tpu.memory_space<vmem>>, vector<16xi32>,
      %get3A_689 = arith.index_cast %add3A_686 : i32 to index
      %get3A_690 = tpu.vector_load %arg9[%get3A_689] {strides = array<i32>} : memref<8192xi32, #tpu.memory_space<vmem>>, vector<16xi32>,
      %add3A_691 = arith.constant 8192 : i32
      %add3A_692 = arith.addi %add3A_691, %mul3A_439 : i32
      %add3A_693 = arith.constant 208 : i32
      %add3A_694 = arith.addi %add3A_692, %add3A_693 : i32
      %mul3A_695 = arith.constant 63 : i32
      %mul3A_696 = arith.muli %add3A_694, %mul3A_695 : i32
      %and3A_697 = arith.constant 16383 : i32
      %and3A_698 = arith.andi %mul3A_696, %and3A_697 : i32
      %add3A_699 = vector.broadcast %and3A_698 : i32 to vector<16xi32>
      %add3A_700 = arith.addi %mul3A_7, %add3A_699 : vector<16xi32>
      %and3A_701 = arith.constant 16383 : i32
      %and3A_702 = vector.broadcast %and3A_701 : i32 to vector<16xi32>
      %and3A_703 = arith.andi %add3A_700, %and3A_702 : vector<16xi32>
      %add3A_704 = arith.constant 224 : i32
      %add3A_705 = arith.addi %mul3A_439, %add3A_704 : i32
      %get3A_706 = arith.index_cast %add3A_705 : i32 to index
      %get3A_707 = tpu.vector_load %arg7[%get3A_706] {strides = array<i32>} : memref<8192xi32, #tpu.memory_space<vmem>>, vector<16xi32>,
      %get3A_708 = arith.index_cast %add3A_705 : i32 to index
      %get3A_709 = tpu.vector_load %arg9[%get3A_708] {strides = array<i32>} : memref<8192xi32, #tpu.memory_space<vmem>>, vector<16xi32>,
      %add3A_710 = arith.constant 8192 : i32
      %add3A_711 = arith.addi %add3A_710, %mul3A_439 : i32
      %add3A_712 = arith.constant 224 : i32
      %add3A_713 = arith.addi %add3A_711, %add3A_712 : i32
      %mul3A_714 = arith.constant 63 : i32
      %mul3A_715 = arith.muli %add3A_713, %mul3A_714 : i32
      %and3A_716 = arith.constant 16383 : i32
      %and3A_717 = arith.andi %mul3A_715, %and3A_716 : i32
      %add3A_718 = vector.broadcast %and3A_717 : i32 to vector<16xi32>
      %add3A_719 = arith.addi %mul3A_7, %add3A_718 : vector<16xi32>
      %and3A_720 = arith.constant 16383 : i32
      %and3A_721 = vector.broadcast %and3A_720 : i32 to vector<16xi32>
      %and3A_722 = arith.andi %add3A_719, %and3A_721 : vector<16xi32>
      %add3A_723 = arith.constant 240 : i32
      %add3A_724 = arith.addi %mul3A_439, %add3A_723 : i32
      %get3A_725 = arith.index_cast %add3A_724 : i32 to index
      %get3A_726 = tpu.vector_load %arg7[%get3A_725] {strides = array<i32>} : memref<8192xi32, #tpu.memory_space<vmem>>, vector<16xi32>,
      %get3A_727 = arith.index_cast %add3A_724 : i32 to index
      %get3A_728 = tpu.vector_load %arg9[%get3A_727] {strides = array<i32>} : memref<8192xi32, #tpu.memory_space<vmem>>, vector<16xi32>,
      %add3A_729 = arith.constant 8192 : i32
      %add3A_730 = arith.addi %add3A_729, %mul3A_439 : i32
      %add3A_731 = arith.constant 240 : i32
      %add3A_732 = arith.addi %add3A_730, %add3A_731 : i32
      %mul3A_733 = arith.constant 63 : i32
      %mul3A_734 = arith.muli %add3A_732, %mul3A_733 : i32
      %and3A_735 = arith.constant 16383 : i32
      %and3A_736 = arith.andi %mul3A_734, %and3A_735 : i32
      %add3A_737 = vector.broadcast %and3A_736 : i32 to vector<16xi32>
      %add3A_738 = arith.addi %mul3A_7, %add3A_737 : vector<16xi32>
      %and3A_739 = arith.constant 16383 : i32
      %and3A_740 = vector.broadcast %and3A_739 : i32 to vector<16xi32>
      %and3A_741 = arith.andi %add3A_738, %and3A_740 : vector<16xi32>
      %gather3A = tpu.vector_load_idx %arg14[%get3A_442] : memref<128xf32, #tpu.memory_space<vmem>>[vector<16xi32>], vector<16xf32>,
      %gather3A_742 = tpu.vector_load_idx %arg14[%get3A_460] : memref<128xf32, #tpu.memory_space<vmem>>[vector<16xi32>], vector<16xf32>,
      %gather3A_743 = tpu.vector_load_idx %arg14[%get3A_479] : memref<128xf32, #tpu.memory_space<vmem>>[vector<16xi32>], vector<16xf32>,
      %gather3A_744 = tpu.vector_load_idx %arg14[%get3A_498] : memref<128xf32, #tpu.memory_space<vmem>>[vector<16xi32>], vector<16xf32>,
      %gather3A_745 = tpu.vector_load_idx %arg14[%get3A_517] : memref<128xf32, #tpu.memory_space<vmem>>[vector<16xi32>], vector<16xf32>,
      %gather3A_746 = tpu.vector_load_idx %arg14[%get3A_536] : memref<128xf32, #tpu.memory_space<vmem>>[vector<16xi32>], vector<16xf32>,
      %gather3A_747 = tpu.vector_load_idx %arg14[%get3A_555] : memref<128xf32, #tpu.memory_space<vmem>>[vector<16xi32>], vector<16xf32>,
      %gather3A_748 = tpu.vector_load_idx %arg14[%get3A_574] : memref<128xf32, #tpu.memory_space<vmem>>[vector<16xi32>], vector<16xf32>,
      %gather3A_749 = tpu.vector_load_idx %arg14[%get3A_593] : memref<128xf32, #tpu.memory_space<vmem>>[vector<16xi32>], vector<16xf32>,
      %gather3A_750 = tpu.vector_load_idx %arg14[%get3A_612] : memref<128xf32, #tpu.memory_space<vmem>>[vector<16xi32>], vector<16xf32>,
      %gather3A_751 = tpu.vector_load_idx %arg14[%get3A_631] : memref<128xf32, #tpu.memory_space<vmem>>[vector<16xi32>], vector<16xf32>,
      %gather3A_752 = tpu.vector_load_idx %arg14[%get3A_650] : memref<128xf32, #tpu.memory_space<vmem>>[vector<16xi32>], vector<16xf32>,
      %gather3A_753 = tpu.vector_load_idx %arg14[%get3A_669] : memref<128xf32, #tpu.memory_space<vmem>>[vector<16xi32>], vector<16xf32>,
      %gather3A_754 = tpu.vector_load_idx %arg14[%get3A_688] : memref<128xf32, #tpu.memory_space<vmem>>[vector<16xi32>], vector<16xf32>,
      %gather3A_755 = tpu.vector_load_idx %arg14[%get3A_707] : memref<128xf32, #tpu.memory_space<vmem>>[vector<16xi32>], vector<16xf32>,
      %gather3A_756 = tpu.vector_load_idx %arg14[%get3A_726] : memref<128xf32, #tpu.memory_space<vmem>>[vector<16xi32>], vector<16xf32>,
      tpu.vector_store_idx %arg13[%and3A_456], %gather3A : memref<16384xf32, #tpu.memory_space<vmem>>[vector<16xi32>], vector<16xf32>,
      tpu.vector_store_idx %arg11[%and3A_456], %get3A_444 : memref<16384xi32, #tpu.memory_space<vmem>>[vector<16xi32>], vector<16xi32>,
      tpu.vector_store_idx %arg13[%and3A_475], %gather3A_742 : memref<16384xf32, #tpu.memory_space<vmem>>[vector<16xi32>], vector<16xf32>,
      tpu.vector_store_idx %arg11[%and3A_475], %get3A_462 : memref<16384xi32, #tpu.memory_space<vmem>>[vector<16xi32>], vector<16xi32>,
      tpu.vector_store_idx %arg13[%and3A_494], %gather3A_743 : memref<16384xf32, #tpu.memory_space<vmem>>[vector<16xi32>], vector<16xf32>,
      tpu.vector_store_idx %arg11[%and3A_494], %get3A_481 : memref<16384xi32, #tpu.memory_space<vmem>>[vector<16xi32>], vector<16xi32>,
      tpu.vector_store_idx %arg13[%and3A_513], %gather3A_744 : memref<16384xf32, #tpu.memory_space<vmem>>[vector<16xi32>], vector<16xf32>,
      tpu.vector_store_idx %arg11[%and3A_513], %get3A_500 : memref<16384xi32, #tpu.memory_space<vmem>>[vector<16xi32>], vector<16xi32>,
      tpu.vector_store_idx %arg13[%and3A_532], %gather3A_745 : memref<16384xf32, #tpu.memory_space<vmem>>[vector<16xi32>], vector<16xf32>,
      tpu.vector_store_idx %arg11[%and3A_532], %get3A_519 : memref<16384xi32, #tpu.memory_space<vmem>>[vector<16xi32>], vector<16xi32>,
      tpu.vector_store_idx %arg13[%and3A_551], %gather3A_746 : memref<16384xf32, #tpu.memory_space<vmem>>[vector<16xi32>], vector<16xf32>,
      tpu.vector_store_idx %arg11[%and3A_551], %get3A_538 : memref<16384xi32, #tpu.memory_space<vmem>>[vector<16xi32>], vector<16xi32>,
      tpu.vector_store_idx %arg13[%and3A_570], %gather3A_747 : memref<16384xf32, #tpu.memory_space<vmem>>[vector<16xi32>], vector<16xf32>,
      tpu.vector_store_idx %arg11[%and3A_570], %get3A_557 : memref<16384xi32, #tpu.memory_space<vmem>>[vector<16xi32>], vector<16xi32>,
      tpu.vector_store_idx %arg13[%and3A_589], %gather3A_748 : memref<16384xf32, #tpu.memory_space<vmem>>[vector<16xi32>], vector<16xf32>,
      tpu.vector_store_idx %arg11[%and3A_589], %get3A_576 : memref<16384xi32, #tpu.memory_space<vmem>>[vector<16xi32>], vector<16xi32>,
      tpu.vector_store_idx %arg13[%and3A_608], %gather3A_749 : memref<16384xf32, #tpu.memory_space<vmem>>[vector<16xi32>], vector<16xf32>,
      tpu.vector_store_idx %arg11[%and3A_608], %get3A_595 : memref<16384xi32, #tpu.memory_space<vmem>>[vector<16xi32>], vector<16xi32>,
      tpu.vector_store_idx %arg13[%and3A_627], %gather3A_750 : memref<16384xf32, #tpu.memory_space<vmem>>[vector<16xi32>], vector<16xf32>,
      tpu.vector_store_idx %arg11[%and3A_627], %get3A_614 : memref<16384xi32, #tpu.memory_space<vmem>>[vector<16xi32>], vector<16xi32>,
      tpu.vector_store_idx %arg13[%and3A_646], %gather3A_751 : memref<16384xf32, #tpu.memory_space<vmem>>[vector<16xi32>], vector<16xf32>,
      tpu.vector_store_idx %arg11[%and3A_646], %get3A_633 : memref<16384xi32, #tpu.memory_space<vmem>>[vector<16xi32>], vector<16xi32>,
      tpu.vector_store_idx %arg13[%and3A_665], %gather3A_752 : memref<16384xf32, #tpu.memory_space<vmem>>[vector<16xi32>], vector<16xf32>,
      tpu.vector_store_idx %arg11[%and3A_665], %get3A_652 : memref<16384xi32, #tpu.memory_space<vmem>>[vector<16xi32>], vector<16xi32>,
      tpu.vector_store_idx %arg13[%and3A_684], %gather3A_753 : memref<16384xf32, #tpu.memory_space<vmem>>[vector<16xi32>], vector<16xf32>,
      tpu.vector_store_idx %arg11[%and3A_684], %get3A_671 : memref<16384xi32, #tpu.memory_space<vmem>>[vector<16xi32>], vector<16xi32>,
      tpu.vector_store_idx %arg13[%and3A_703], %gather3A_754 : memref<16384xf32, #tpu.memory_space<vmem>>[vector<16xi32>], vector<16xf32>,
      tpu.vector_store_idx %arg11[%and3A_703], %get3A_690 : memref<16384xi32, #tpu.memory_space<vmem>>[vector<16xi32>], vector<16xi32>,
      tpu.vector_store_idx %arg13[%and3A_722], %gather3A_755 : memref<16384xf32, #tpu.memory_space<vmem>>[vector<16xi32>], vector<16xf32>,
      tpu.vector_store_idx %arg11[%and3A_722], %get3A_709 : memref<16384xi32, #tpu.memory_space<vmem>>[vector<16xi32>], vector<16xi32>,
      tpu.vector_store_idx %arg13[%and3A_741], %gather3A_756 : memref<16384xf32, #tpu.memory_space<vmem>>[vector<16xi32>], vector<16xf32>,
      tpu.vector_store_idx %arg11[%and3A_741], %get3A_728 : memref<16384xi32, #tpu.memory_space<vmem>>[vector<16xi32>], vector<16xi32>,
      %scan3A_757 = arith.constant 0 : i32
      scf.yield %scan3A_757 : i32
    }
    %scan3A_292 = arith.constant 32 : i32
    %dma_start3A_293 = arith.constant 0 : i32
    %dma_start3A_294 = tpu.memref_slice %arg15[%dma_start3A_293] : memref<16384xf32, #tpu.memory_space<vmem_shared>> -> memref<16384xf32, #tpu.memory_space<vmem_shared>>
    tpu.enqueue_indirect_dma source(%arg13 : memref<16384xf32, #tpu.memory_space<vmem>>) target(%dma_start3A_294 : memref<16384xf32, #tpu.memory_space<vmem_shared>>) offsets(%arg11 : memref<16384xi32, #tpu.memory_space<vmem>>) semaphore(%arg19 : memref<!tpu.dma_semaphore, #tpu.memory_space<semaphore_mem>>) {add = true}
    %dma_wait3A_295 = arith.constant 0 : i32
    %dma_wait3A_296 = tpu.memref_slice %arg2[%add3A_271, %dma_wait3A_295] : memref<256x8192xi32, #tpu.memory_space<hbm>> -> memref<1x8192xi32, #tpu.memory_space<hbm>>
    %dma_wait3A_297 = tpu.memref_squeeze %dma_wait3A_296 : memref<1x8192xi32, #tpu.memory_space<hbm>> -> memref<8192xi32, #tpu.memory_space<hbm>>
    %dma_wait3A_298 = arith.constant 0 : i32
    %dma_wait3A_299 = tpu.memref_slice %arg2[%add3A_271, %dma_wait3A_298] : memref<256x8192xi32, #tpu.memory_space<hbm>> -> memref<1x8192xi32, #tpu.memory_space<hbm>>
    %dma_wait3A_300 = tpu.memref_squeeze %dma_wait3A_299 : memref<1x8192xi32, #tpu.memory_space<hbm>> -> memref<8192xi32, #tpu.memory_space<hbm>>
    tpu.wait_dma2 semaphore(%arg16 : memref<!tpu.dma_semaphore, #tpu.memory_space<semaphore_mem>>) src(%dma_wait3A_300 : memref<8192xi32, #tpu.memory_space<hbm>>) dst(%arg6 : memref<8192xi32, #tpu.memory_space<vmem>>)
    %dma_wait3A_301 = arith.constant 0 : i32
    %dma_wait3A_302 = tpu.memref_slice %arg3[%add3A_279, %dma_wait3A_301] : memref<256x8192xi32, #tpu.memory_space<hbm>> -> memref<1x8192xi32, #tpu.memory_space<hbm>>
    %dma_wait3A_303 = tpu.memref_squeeze %dma_wait3A_302 : memref<1x8192xi32, #tpu.memory_space<hbm>> -> memref<8192xi32, #tpu.memory_space<hbm>>
    %dma_wait3A_304 = arith.constant 0 : i32
    %dma_wait3A_305 = tpu.memref_slice %arg3[%add3A_279, %dma_wait3A_304] : memref<256x8192xi32, #tpu.memory_space<hbm>> -> memref<1x8192xi32, #tpu.memory_space<hbm>>
    %dma_wait3A_306 = tpu.memref_squeeze %dma_wait3A_305 : memref<1x8192xi32, #tpu.memory_space<hbm>> -> memref<8192xi32, #tpu.memory_space<hbm>>
    tpu.wait_dma2 semaphore(%arg16 : memref<!tpu.dma_semaphore, #tpu.memory_space<semaphore_mem>>) src(%dma_wait3A_306 : memref<8192xi32, #tpu.memory_space<hbm>>) dst(%arg8 : memref<8192xi32, #tpu.memory_space<vmem>>)
    %dma_wait3A_307 = arith.constant 0 : i32
    %dma_wait3A_308 = tpu.memref_slice %arg15[%dma_wait3A_307] : memref<16384xf32, #tpu.memory_space<vmem_shared>> -> memref<16384xf32, #tpu.memory_space<vmem_shared>>
    tpu.wait_indirect_dma semaphore(%arg18 : memref<!tpu.dma_semaphore, #tpu.memory_space<semaphore_mem>>) src(%arg12 : memref<16384xf32, #tpu.memory_space<vmem>>) dst(%dma_wait3A_308 : memref<16384xf32, #tpu.memory_space<vmem_shared>>)
    %add3A_309 = arith.constant 5 : i32
    %add3A_310 = arith.addi %mul3A_4, %add3A_309 : i32
    %dma_start3A_311 = arith.constant 0 : i32
    %dma_start3A_312 = tpu.memref_slice %arg2[%add3A_310, %dma_start3A_311] : memref<256x8192xi32, #tpu.memory_space<hbm>> -> memref<1x8192xi32, #tpu.memory_space<hbm>>
    %dma_start3A_313 = tpu.memref_squeeze %dma_start3A_312 : memref<1x8192xi32, #tpu.memory_space<hbm>> -> memref<8192xi32, #tpu.memory_space<hbm>>
    %dma_start3A_314 = arith.constant 0 : i32
    %dma_start3A_315 = tpu.memref_slice %arg2[%add3A_310, %dma_start3A_314] : memref<256x8192xi32, #tpu.memory_space<hbm>> -> memref<1x8192xi32, #tpu.memory_space<hbm>>
    %dma_start3A_316 = tpu.memref_squeeze %dma_start3A_315 : memref<1x8192xi32, #tpu.memory_space<hbm>> -> memref<8192xi32, #tpu.memory_space<hbm>>
    tpu.enqueue_dma source(%dma_start3A_316 : memref<8192xi32, #tpu.memory_space<hbm>>) target(%arg7 : memref<8192xi32, #tpu.memory_space<vmem>>) target_semaphore(%arg17 : memref<!tpu.dma_semaphore, #tpu.memory_space<semaphore_mem>>)
    %add3A_317 = arith.constant 5 : i32
    %add3A_318 = arith.addi %mul3A_4, %add3A_317 : i32
    %dma_start3A_319 = arith.constant 0 : i32
    %dma_start3A_320 = tpu.memref_slice %arg3[%add3A_318, %dma_start3A_319] : memref<256x8192xi32, #tpu.memory_space<hbm>> -> memref<1x8192xi32, #tpu.memory_space<hbm>>
    %dma_start3A_321 = tpu.memref_squeeze %dma_start3A_320 : memref<1x8192xi32, #tpu.memory_space<hbm>> -> memref<8192xi32, #tpu.memory_space<hbm>>
    %dma_start3A_322 = arith.constant 0 : i32
    %dma_start3A_323 = tpu.memref_slice %arg3[%add3A_318, %dma_start3A_322] : memref<256x8192xi32, #tpu.memory_space<hbm>> -> memref<1x8192xi32, #tpu.memory_space<hbm>>
    %dma_start3A_324 = tpu.memref_squeeze %dma_start3A_323 : memref<1x8192xi32, #tpu.memory_space<hbm>> -> memref<8192xi32, #tpu.memory_space<hbm>>
    tpu.enqueue_dma source(%dma_start3A_324 : memref<8192xi32, #tpu.memory_space<hbm>>) target(%arg9 : memref<8192xi32, #tpu.memory_space<vmem>>) target_semaphore(%arg17 : memref<!tpu.dma_semaphore, #tpu.memory_space<semaphore_mem>>)
    %scan3A_325 = arith.constant 0 : i32
    %scan3A_326 = arith.constant 0 : i32
    %scan3A_327 = arith.constant 32 : i32
    %scan3A_328 = arith.addi %scan3A_326, %scan3A_327 : i32
    %scan3A_329 = arith.constant 1 : i32
    %scan3A_330 = scf.for %scan3A_436 = %scan3A_326 to %scan3A_328 step %scan3A_329 iter_args(%scan3A_437 = %scan3A_325) -> (i32)  : i32 {
      %mul3A_438 = arith.constant 256 : i32
      %mul3A_439 = arith.muli %scan3A_436, %mul3A_438 : i32
      %add3A_440 = arith.constant 0 : i32
      %add3A_441 = arith.addi %mul3A_439, %add3A_440 : i32
      %get3A = arith.index_cast %add3A_441 : i32 to index
      %get3A_442 = tpu.vector_load %arg6[%get3A] {strides = array<i32>} : memref<8192xi32, #tpu.memory_space<vmem>>, vector<16xi32>,
      %get3A_443 = arith.index_cast %add3A_441 : i32 to index
      %get3A_444 = tpu.vector_load %arg8[%get3A_443] {strides = array<i32>} : memref<8192xi32, #tpu.memory_space<vmem>>, vector<16xi32>,
      %add3A_445 = arith.constant 0 : i32
      %add3A_446 = arith.addi %add3A_445, %mul3A_439 : i32
      %add3A_447 = arith.constant 0 : i32
      %add3A_448 = arith.addi %add3A_446, %add3A_447 : i32
      %mul3A_449 = arith.constant 63 : i32
      %mul3A_450 = arith.muli %add3A_448, %mul3A_449 : i32
      %and3A = arith.constant 16383 : i32
      %and3A_451 = arith.andi %mul3A_450, %and3A : i32
      %add3A_452 = vector.broadcast %and3A_451 : i32 to vector<16xi32>
      %add3A_453 = arith.addi %mul3A_7, %add3A_452 : vector<16xi32>
      %and3A_454 = arith.constant 16383 : i32
      %and3A_455 = vector.broadcast %and3A_454 : i32 to vector<16xi32>
      %and3A_456 = arith.andi %add3A_453, %and3A_455 : vector<16xi32>
      %add3A_457 = arith.constant 16 : i32
      %add3A_458 = arith.addi %mul3A_439, %add3A_457 : i32
      %get3A_459 = arith.index_cast %add3A_458 : i32 to index
      %get3A_460 = tpu.vector_load %arg6[%get3A_459] {strides = array<i32>} : memref<8192xi32, #tpu.memory_space<vmem>>, vector<16xi32>,
      %get3A_461 = arith.index_cast %add3A_458 : i32 to index
      %get3A_462 = tpu.vector_load %arg8[%get3A_461] {strides = array<i32>} : memref<8192xi32, #tpu.memory_space<vmem>>, vector<16xi32>,
      %add3A_463 = arith.constant 0 : i32
      %add3A_464 = arith.addi %add3A_463, %mul3A_439 : i32
      %add3A_465 = arith.constant 16 : i32
      %add3A_466 = arith.addi %add3A_464, %add3A_465 : i32
      %mul3A_467 = arith.constant 63 : i32
      %mul3A_468 = arith.muli %add3A_466, %mul3A_467 : i32
      %and3A_469 = arith.constant 16383 : i32
      %and3A_470 = arith.andi %mul3A_468, %and3A_469 : i32
      %add3A_471 = vector.broadcast %and3A_470 : i32 to vector<16xi32>
      %add3A_472 = arith.addi %mul3A_7, %add3A_471 : vector<16xi32>
      %and3A_473 = arith.constant 16383 : i32
      %and3A_474 = vector.broadcast %and3A_473 : i32 to vector<16xi32>
      %and3A_475 = arith.andi %add3A_472, %and3A_474 : vector<16xi32>
      %add3A_476 = arith.constant 32 : i32
      %add3A_477 = arith.addi %mul3A_439, %add3A_476 : i32
      %get3A_478 = arith.index_cast %add3A_477 : i32 to index
      %get3A_479 = tpu.vector_load %arg6[%get3A_478] {strides = array<i32>} : memref<8192xi32, #tpu.memory_space<vmem>>, vector<16xi32>,
      %get3A_480 = arith.index_cast %add3A_477 : i32 to index
      %get3A_481 = tpu.vector_load %arg8[%get3A_480] {strides = array<i32>} : memref<8192xi32, #tpu.memory_space<vmem>>, vector<16xi32>,
      %add3A_482 = arith.constant 0 : i32
      %add3A_483 = arith.addi %add3A_482, %mul3A_439 : i32
      %add3A_484 = arith.constant 32 : i32
      %add3A_485 = arith.addi %add3A_483, %add3A_484 : i32
      %mul3A_486 = arith.constant 63 : i32
      %mul3A_487 = arith.muli %add3A_485, %mul3A_486 : i32
      %and3A_488 = arith.constant 16383 : i32
      %and3A_489 = arith.andi %mul3A_487, %and3A_488 : i32
      %add3A_490 = vector.broadcast %and3A_489 : i32 to vector<16xi32>
      %add3A_491 = arith.addi %mul3A_7, %add3A_490 : vector<16xi32>
      %and3A_492 = arith.constant 16383 : i32
      %and3A_493 = vector.broadcast %and3A_492 : i32 to vector<16xi32>
      %and3A_494 = arith.andi %add3A_491, %and3A_493 : vector<16xi32>
      %add3A_495 = arith.constant 48 : i32
      %add3A_496 = arith.addi %mul3A_439, %add3A_495 : i32
      %get3A_497 = arith.index_cast %add3A_496 : i32 to index
      %get3A_498 = tpu.vector_load %arg6[%get3A_497] {strides = array<i32>} : memref<8192xi32, #tpu.memory_space<vmem>>, vector<16xi32>,
      %get3A_499 = arith.index_cast %add3A_496 : i32 to index
      %get3A_500 = tpu.vector_load %arg8[%get3A_499] {strides = array<i32>} : memref<8192xi32, #tpu.memory_space<vmem>>, vector<16xi32>,
      %add3A_501 = arith.constant 0 : i32
      %add3A_502 = arith.addi %add3A_501, %mul3A_439 : i32
      %add3A_503 = arith.constant 48 : i32
      %add3A_504 = arith.addi %add3A_502, %add3A_503 : i32
      %mul3A_505 = arith.constant 63 : i32
      %mul3A_506 = arith.muli %add3A_504, %mul3A_505 : i32
      %and3A_507 = arith.constant 16383 : i32
      %and3A_508 = arith.andi %mul3A_506, %and3A_507 : i32
      %add3A_509 = vector.broadcast %and3A_508 : i32 to vector<16xi32>
      %add3A_510 = arith.addi %mul3A_7, %add3A_509 : vector<16xi32>
      %and3A_511 = arith.constant 16383 : i32
      %and3A_512 = vector.broadcast %and3A_511 : i32 to vector<16xi32>
      %and3A_513 = arith.andi %add3A_510, %and3A_512 : vector<16xi32>
      %add3A_514 = arith.constant 64 : i32
      %add3A_515 = arith.addi %mul3A_439, %add3A_514 : i32
      %get3A_516 = arith.index_cast %add3A_515 : i32 to index
      %get3A_517 = tpu.vector_load %arg6[%get3A_516] {strides = array<i32>} : memref<8192xi32, #tpu.memory_space<vmem>>, vector<16xi32>,
      %get3A_518 = arith.index_cast %add3A_515 : i32 to index
      %get3A_519 = tpu.vector_load %arg8[%get3A_518] {strides = array<i32>} : memref<8192xi32, #tpu.memory_space<vmem>>, vector<16xi32>,
      %add3A_520 = arith.constant 0 : i32
      %add3A_521 = arith.addi %add3A_520, %mul3A_439 : i32
      %add3A_522 = arith.constant 64 : i32
      %add3A_523 = arith.addi %add3A_521, %add3A_522 : i32
      %mul3A_524 = arith.constant 63 : i32
      %mul3A_525 = arith.muli %add3A_523, %mul3A_524 : i32
      %and3A_526 = arith.constant 16383 : i32
      %and3A_527 = arith.andi %mul3A_525, %and3A_526 : i32
      %add3A_528 = vector.broadcast %and3A_527 : i32 to vector<16xi32>
      %add3A_529 = arith.addi %mul3A_7, %add3A_528 : vector<16xi32>
      %and3A_530 = arith.constant 16383 : i32
      %and3A_531 = vector.broadcast %and3A_530 : i32 to vector<16xi32>
      %and3A_532 = arith.andi %add3A_529, %and3A_531 : vector<16xi32>
      %add3A_533 = arith.constant 80 : i32
      %add3A_534 = arith.addi %mul3A_439, %add3A_533 : i32
      %get3A_535 = arith.index_cast %add3A_534 : i32 to index
      %get3A_536 = tpu.vector_load %arg6[%get3A_535] {strides = array<i32>} : memref<8192xi32, #tpu.memory_space<vmem>>, vector<16xi32>,
      %get3A_537 = arith.index_cast %add3A_534 : i32 to index
      %get3A_538 = tpu.vector_load %arg8[%get3A_537] {strides = array<i32>} : memref<8192xi32, #tpu.memory_space<vmem>>, vector<16xi32>,
      %add3A_539 = arith.constant 0 : i32
      %add3A_540 = arith.addi %add3A_539, %mul3A_439 : i32
      %add3A_541 = arith.constant 80 : i32
      %add3A_542 = arith.addi %add3A_540, %add3A_541 : i32
      %mul3A_543 = arith.constant 63 : i32
      %mul3A_544 = arith.muli %add3A_542, %mul3A_543 : i32
      %and3A_545 = arith.constant 16383 : i32
      %and3A_546 = arith.andi %mul3A_544, %and3A_545 : i32
      %add3A_547 = vector.broadcast %and3A_546 : i32 to vector<16xi32>
      %add3A_548 = arith.addi %mul3A_7, %add3A_547 : vector<16xi32>
      %and3A_549 = arith.constant 16383 : i32
      %and3A_550 = vector.broadcast %and3A_549 : i32 to vector<16xi32>
      %and3A_551 = arith.andi %add3A_548, %and3A_550 : vector<16xi32>
      %add3A_552 = arith.constant 96 : i32
      %add3A_553 = arith.addi %mul3A_439, %add3A_552 : i32
      %get3A_554 = arith.index_cast %add3A_553 : i32 to index
      %get3A_555 = tpu.vector_load %arg6[%get3A_554] {strides = array<i32>} : memref<8192xi32, #tpu.memory_space<vmem>>, vector<16xi32>,
      %get3A_556 = arith.index_cast %add3A_553 : i32 to index
      %get3A_557 = tpu.vector_load %arg8[%get3A_556] {strides = array<i32>} : memref<8192xi32, #tpu.memory_space<vmem>>, vector<16xi32>,
      %add3A_558 = arith.constant 0 : i32
      %add3A_559 = arith.addi %add3A_558, %mul3A_439 : i32
      %add3A_560 = arith.constant 96 : i32
      %add3A_561 = arith.addi %add3A_559, %add3A_560 : i32
      %mul3A_562 = arith.constant 63 : i32
      %mul3A_563 = arith.muli %add3A_561, %mul3A_562 : i32
      %and3A_564 = arith.constant 16383 : i32
      %and3A_565 = arith.andi %mul3A_563, %and3A_564 : i32
      %add3A_566 = vector.broadcast %and3A_565 : i32 to vector<16xi32>
      %add3A_567 = arith.addi %mul3A_7, %add3A_566 : vector<16xi32>
      %and3A_568 = arith.constant 16383 : i32
      %and3A_569 = vector.broadcast %and3A_568 : i32 to vector<16xi32>
      %and3A_570 = arith.andi %add3A_567, %and3A_569 : vector<16xi32>
      %add3A_571 = arith.constant 112 : i32
      %add3A_572 = arith.addi %mul3A_439, %add3A_571 : i32
      %get3A_573 = arith.index_cast %add3A_572 : i32 to index
      %get3A_574 = tpu.vector_load %arg6[%get3A_573] {strides = array<i32>} : memref<8192xi32, #tpu.memory_space<vmem>>, vector<16xi32>,
      %get3A_575 = arith.index_cast %add3A_572 : i32 to index
      %get3A_576 = tpu.vector_load %arg8[%get3A_575] {strides = array<i32>} : memref<8192xi32, #tpu.memory_space<vmem>>, vector<16xi32>,
      %add3A_577 = arith.constant 0 : i32
      %add3A_578 = arith.addi %add3A_577, %mul3A_439 : i32
      %add3A_579 = arith.constant 112 : i32
      %add3A_580 = arith.addi %add3A_578, %add3A_579 : i32
      %mul3A_581 = arith.constant 63 : i32
      %mul3A_582 = arith.muli %add3A_580, %mul3A_581 : i32
      %and3A_583 = arith.constant 16383 : i32
      %and3A_584 = arith.andi %mul3A_582, %and3A_583 : i32
      %add3A_585 = vector.broadcast %and3A_584 : i32 to vector<16xi32>
      %add3A_586 = arith.addi %mul3A_7, %add3A_585 : vector<16xi32>
      %and3A_587 = arith.constant 16383 : i32
      %and3A_588 = vector.broadcast %and3A_587 : i32 to vector<16xi32>
      %and3A_589 = arith.andi %add3A_586, %and3A_588 : vector<16xi32>
      %add3A_590 = arith.constant 128 : i32
      %add3A_591 = arith.addi %mul3A_439, %add3A_590 : i32
      %get3A_592 = arith.index_cast %add3A_591 : i32 to index
      %get3A_593 = tpu.vector_load %arg6[%get3A_592] {strides = array<i32>} : memref<8192xi32, #tpu.memory_space<vmem>>, vector<16xi32>,
      %get3A_594 = arith.index_cast %add3A_591 : i32 to index
      %get3A_595 = tpu.vector_load %arg8[%get3A_594] {strides = array<i32>} : memref<8192xi32, #tpu.memory_space<vmem>>, vector<16xi32>,
      %add3A_596 = arith.constant 0 : i32
      %add3A_597 = arith.addi %add3A_596, %mul3A_439 : i32
      %add3A_598 = arith.constant 128 : i32
      %add3A_599 = arith.addi %add3A_597, %add3A_598 : i32
      %mul3A_600 = arith.constant 63 : i32
      %mul3A_601 = arith.muli %add3A_599, %mul3A_600 : i32
      %and3A_602 = arith.constant 16383 : i32
      %and3A_603 = arith.andi %mul3A_601, %and3A_602 : i32
      %add3A_604 = vector.broadcast %and3A_603 : i32 to vector<16xi32>
      %add3A_605 = arith.addi %mul3A_7, %add3A_604 : vector<16xi32>
      %and3A_606 = arith.constant 16383 : i32
      %and3A_607 = vector.broadcast %and3A_606 : i32 to vector<16xi32>
      %and3A_608 = arith.andi %add3A_605, %and3A_607 : vector<16xi32>
      %add3A_609 = arith.constant 144 : i32
      %add3A_610 = arith.addi %mul3A_439, %add3A_609 : i32
      %get3A_611 = arith.index_cast %add3A_610 : i32 to index
      %get3A_612 = tpu.vector_load %arg6[%get3A_611] {strides = array<i32>} : memref<8192xi32, #tpu.memory_space<vmem>>, vector<16xi32>,
      %get3A_613 = arith.index_cast %add3A_610 : i32 to index
      %get3A_614 = tpu.vector_load %arg8[%get3A_613] {strides = array<i32>} : memref<8192xi32, #tpu.memory_space<vmem>>, vector<16xi32>,
      %add3A_615 = arith.constant 0 : i32
      %add3A_616 = arith.addi %add3A_615, %mul3A_439 : i32
      %add3A_617 = arith.constant 144 : i32
      %add3A_618 = arith.addi %add3A_616, %add3A_617 : i32
      %mul3A_619 = arith.constant 63 : i32
      %mul3A_620 = arith.muli %add3A_618, %mul3A_619 : i32
      %and3A_621 = arith.constant 16383 : i32
      %and3A_622 = arith.andi %mul3A_620, %and3A_621 : i32
      %add3A_623 = vector.broadcast %and3A_622 : i32 to vector<16xi32>
      %add3A_624 = arith.addi %mul3A_7, %add3A_623 : vector<16xi32>
      %and3A_625 = arith.constant 16383 : i32
      %and3A_626 = vector.broadcast %and3A_625 : i32 to vector<16xi32>
      %and3A_627 = arith.andi %add3A_624, %and3A_626 : vector<16xi32>
      %add3A_628 = arith.constant 160 : i32
      %add3A_629 = arith.addi %mul3A_439, %add3A_628 : i32
      %get3A_630 = arith.index_cast %add3A_629 : i32 to index
      %get3A_631 = tpu.vector_load %arg6[%get3A_630] {strides = array<i32>} : memref<8192xi32, #tpu.memory_space<vmem>>, vector<16xi32>,
      %get3A_632 = arith.index_cast %add3A_629 : i32 to index
      %get3A_633 = tpu.vector_load %arg8[%get3A_632] {strides = array<i32>} : memref<8192xi32, #tpu.memory_space<vmem>>, vector<16xi32>,
      %add3A_634 = arith.constant 0 : i32
      %add3A_635 = arith.addi %add3A_634, %mul3A_439 : i32
      %add3A_636 = arith.constant 160 : i32
      %add3A_637 = arith.addi %add3A_635, %add3A_636 : i32
      %mul3A_638 = arith.constant 63 : i32
      %mul3A_639 = arith.muli %add3A_637, %mul3A_638 : i32
      %and3A_640 = arith.constant 16383 : i32
      %and3A_641 = arith.andi %mul3A_639, %and3A_640 : i32
      %add3A_642 = vector.broadcast %and3A_641 : i32 to vector<16xi32>
      %add3A_643 = arith.addi %mul3A_7, %add3A_642 : vector<16xi32>
      %and3A_644 = arith.constant 16383 : i32
      %and3A_645 = vector.broadcast %and3A_644 : i32 to vector<16xi32>
      %and3A_646 = arith.andi %add3A_643, %and3A_645 : vector<16xi32>
      %add3A_647 = arith.constant 176 : i32
      %add3A_648 = arith.addi %mul3A_439, %add3A_647 : i32
      %get3A_649 = arith.index_cast %add3A_648 : i32 to index
      %get3A_650 = tpu.vector_load %arg6[%get3A_649] {strides = array<i32>} : memref<8192xi32, #tpu.memory_space<vmem>>, vector<16xi32>,
      %get3A_651 = arith.index_cast %add3A_648 : i32 to index
      %get3A_652 = tpu.vector_load %arg8[%get3A_651] {strides = array<i32>} : memref<8192xi32, #tpu.memory_space<vmem>>, vector<16xi32>,
      %add3A_653 = arith.constant 0 : i32
      %add3A_654 = arith.addi %add3A_653, %mul3A_439 : i32
      %add3A_655 = arith.constant 176 : i32
      %add3A_656 = arith.addi %add3A_654, %add3A_655 : i32
      %mul3A_657 = arith.constant 63 : i32
      %mul3A_658 = arith.muli %add3A_656, %mul3A_657 : i32
      %and3A_659 = arith.constant 16383 : i32
      %and3A_660 = arith.andi %mul3A_658, %and3A_659 : i32
      %add3A_661 = vector.broadcast %and3A_660 : i32 to vector<16xi32>
      %add3A_662 = arith.addi %mul3A_7, %add3A_661 : vector<16xi32>
      %and3A_663 = arith.constant 16383 : i32
      %and3A_664 = vector.broadcast %and3A_663 : i32 to vector<16xi32>
      %and3A_665 = arith.andi %add3A_662, %and3A_664 : vector<16xi32>
      %add3A_666 = arith.constant 192 : i32
      %add3A_667 = arith.addi %mul3A_439, %add3A_666 : i32
      %get3A_668 = arith.index_cast %add3A_667 : i32 to index
      %get3A_669 = tpu.vector_load %arg6[%get3A_668] {strides = array<i32>} : memref<8192xi32, #tpu.memory_space<vmem>>, vector<16xi32>,
      %get3A_670 = arith.index_cast %add3A_667 : i32 to index
      %get3A_671 = tpu.vector_load %arg8[%get3A_670] {strides = array<i32>} : memref<8192xi32, #tpu.memory_space<vmem>>, vector<16xi32>,
      %add3A_672 = arith.constant 0 : i32
      %add3A_673 = arith.addi %add3A_672, %mul3A_439 : i32
      %add3A_674 = arith.constant 192 : i32
      %add3A_675 = arith.addi %add3A_673, %add3A_674 : i32
      %mul3A_676 = arith.constant 63 : i32
      %mul3A_677 = arith.muli %add3A_675, %mul3A_676 : i32
      %and3A_678 = arith.constant 16383 : i32
      %and3A_679 = arith.andi %mul3A_677, %and3A_678 : i32
      %add3A_680 = vector.broadcast %and3A_679 : i32 to vector<16xi32>
      %add3A_681 = arith.addi %mul3A_7, %add3A_680 : vector<16xi32>
      %and3A_682 = arith.constant 16383 : i32
      %and3A_683 = vector.broadcast %and3A_682 : i32 to vector<16xi32>
      %and3A_684 = arith.andi %add3A_681, %and3A_683 : vector<16xi32>
      %add3A_685 = arith.constant 208 : i32
      %add3A_686 = arith.addi %mul3A_439, %add3A_685 : i32
      %get3A_687 = arith.index_cast %add3A_686 : i32 to index
      %get3A_688 = tpu.vector_load %arg6[%get3A_687] {strides = array<i32>} : memref<8192xi32, #tpu.memory_space<vmem>>, vector<16xi32>,
      %get3A_689 = arith.index_cast %add3A_686 : i32 to index
      %get3A_690 = tpu.vector_load %arg8[%get3A_689] {strides = array<i32>} : memref<8192xi32, #tpu.memory_space<vmem>>, vector<16xi32>,
      %add3A_691 = arith.constant 0 : i32
      %add3A_692 = arith.addi %add3A_691, %mul3A_439 : i32
      %add3A_693 = arith.constant 208 : i32
      %add3A_694 = arith.addi %add3A_692, %add3A_693 : i32
      %mul3A_695 = arith.constant 63 : i32
      %mul3A_696 = arith.muli %add3A_694, %mul3A_695 : i32
      %and3A_697 = arith.constant 16383 : i32
      %and3A_698 = arith.andi %mul3A_696, %and3A_697 : i32
      %add3A_699 = vector.broadcast %and3A_698 : i32 to vector<16xi32>
      %add3A_700 = arith.addi %mul3A_7, %add3A_699 : vector<16xi32>
      %and3A_701 = arith.constant 16383 : i32
      %and3A_702 = vector.broadcast %and3A_701 : i32 to vector<16xi32>
      %and3A_703 = arith.andi %add3A_700, %and3A_702 : vector<16xi32>
      %add3A_704 = arith.constant 224 : i32
      %add3A_705 = arith.addi %mul3A_439, %add3A_704 : i32
      %get3A_706 = arith.index_cast %add3A_705 : i32 to index
      %get3A_707 = tpu.vector_load %arg6[%get3A_706] {strides = array<i32>} : memref<8192xi32, #tpu.memory_space<vmem>>, vector<16xi32>,
      %get3A_708 = arith.index_cast %add3A_705 : i32 to index
      %get3A_709 = tpu.vector_load %arg8[%get3A_708] {strides = array<i32>} : memref<8192xi32, #tpu.memory_space<vmem>>, vector<16xi32>,
      %add3A_710 = arith.constant 0 : i32
      %add3A_711 = arith.addi %add3A_710, %mul3A_439 : i32
      %add3A_712 = arith.constant 224 : i32
      %add3A_713 = arith.addi %add3A_711, %add3A_712 : i32
      %mul3A_714 = arith.constant 63 : i32
      %mul3A_715 = arith.muli %add3A_713, %mul3A_714 : i32
      %and3A_716 = arith.constant 16383 : i32
      %and3A_717 = arith.andi %mul3A_715, %and3A_716 : i32
      %add3A_718 = vector.broadcast %and3A_717 : i32 to vector<16xi32>
      %add3A_719 = arith.addi %mul3A_7, %add3A_718 : vector<16xi32>
      %and3A_720 = arith.constant 16383 : i32
      %and3A_721 = vector.broadcast %and3A_720 : i32 to vector<16xi32>
      %and3A_722 = arith.andi %add3A_719, %and3A_721 : vector<16xi32>
      %add3A_723 = arith.constant 240 : i32
      %add3A_724 = arith.addi %mul3A_439, %add3A_723 : i32
      %get3A_725 = arith.index_cast %add3A_724 : i32 to index
      %get3A_726 = tpu.vector_load %arg6[%get3A_725] {strides = array<i32>} : memref<8192xi32, #tpu.memory_space<vmem>>, vector<16xi32>,
      %get3A_727 = arith.index_cast %add3A_724 : i32 to index
      %get3A_728 = tpu.vector_load %arg8[%get3A_727] {strides = array<i32>} : memref<8192xi32, #tpu.memory_space<vmem>>, vector<16xi32>,
      %add3A_729 = arith.constant 0 : i32
      %add3A_730 = arith.addi %add3A_729, %mul3A_439 : i32
      %add3A_731 = arith.constant 240 : i32
      %add3A_732 = arith.addi %add3A_730, %add3A_731 : i32
      %mul3A_733 = arith.constant 63 : i32
      %mul3A_734 = arith.muli %add3A_732, %mul3A_733 : i32
      %and3A_735 = arith.constant 16383 : i32
      %and3A_736 = arith.andi %mul3A_734, %and3A_735 : i32
      %add3A_737 = vector.broadcast %and3A_736 : i32 to vector<16xi32>
      %add3A_738 = arith.addi %mul3A_7, %add3A_737 : vector<16xi32>
      %and3A_739 = arith.constant 16383 : i32
      %and3A_740 = vector.broadcast %and3A_739 : i32 to vector<16xi32>
      %and3A_741 = arith.andi %add3A_738, %and3A_740 : vector<16xi32>
      %gather3A = tpu.vector_load_idx %arg14[%get3A_442] : memref<128xf32, #tpu.memory_space<vmem>>[vector<16xi32>], vector<16xf32>,
      %gather3A_742 = tpu.vector_load_idx %arg14[%get3A_460] : memref<128xf32, #tpu.memory_space<vmem>>[vector<16xi32>], vector<16xf32>,
      %gather3A_743 = tpu.vector_load_idx %arg14[%get3A_479] : memref<128xf32, #tpu.memory_space<vmem>>[vector<16xi32>], vector<16xf32>,
      %gather3A_744 = tpu.vector_load_idx %arg14[%get3A_498] : memref<128xf32, #tpu.memory_space<vmem>>[vector<16xi32>], vector<16xf32>,
      %gather3A_745 = tpu.vector_load_idx %arg14[%get3A_517] : memref<128xf32, #tpu.memory_space<vmem>>[vector<16xi32>], vector<16xf32>,
      %gather3A_746 = tpu.vector_load_idx %arg14[%get3A_536] : memref<128xf32, #tpu.memory_space<vmem>>[vector<16xi32>], vector<16xf32>,
      %gather3A_747 = tpu.vector_load_idx %arg14[%get3A_555] : memref<128xf32, #tpu.memory_space<vmem>>[vector<16xi32>], vector<16xf32>,
      %gather3A_748 = tpu.vector_load_idx %arg14[%get3A_574] : memref<128xf32, #tpu.memory_space<vmem>>[vector<16xi32>], vector<16xf32>,
      %gather3A_749 = tpu.vector_load_idx %arg14[%get3A_593] : memref<128xf32, #tpu.memory_space<vmem>>[vector<16xi32>], vector<16xf32>,
      %gather3A_750 = tpu.vector_load_idx %arg14[%get3A_612] : memref<128xf32, #tpu.memory_space<vmem>>[vector<16xi32>], vector<16xf32>,
      %gather3A_751 = tpu.vector_load_idx %arg14[%get3A_631] : memref<128xf32, #tpu.memory_space<vmem>>[vector<16xi32>], vector<16xf32>,
      %gather3A_752 = tpu.vector_load_idx %arg14[%get3A_650] : memref<128xf32, #tpu.memory_space<vmem>>[vector<16xi32>], vector<16xf32>,
      %gather3A_753 = tpu.vector_load_idx %arg14[%get3A_669] : memref<128xf32, #tpu.memory_space<vmem>>[vector<16xi32>], vector<16xf32>,
      %gather3A_754 = tpu.vector_load_idx %arg14[%get3A_688] : memref<128xf32, #tpu.memory_space<vmem>>[vector<16xi32>], vector<16xf32>,
      %gather3A_755 = tpu.vector_load_idx %arg14[%get3A_707] : memref<128xf32, #tpu.memory_space<vmem>>[vector<16xi32>], vector<16xf32>,
      %gather3A_756 = tpu.vector_load_idx %arg14[%get3A_726] : memref<128xf32, #tpu.memory_space<vmem>>[vector<16xi32>], vector<16xf32>,
      tpu.vector_store_idx %arg12[%and3A_456], %gather3A : memref<16384xf32, #tpu.memory_space<vmem>>[vector<16xi32>], vector<16xf32>,
      tpu.vector_store_idx %arg10[%and3A_456], %get3A_444 : memref<16384xi32, #tpu.memory_space<vmem>>[vector<16xi32>], vector<16xi32>,
      tpu.vector_store_idx %arg12[%and3A_475], %gather3A_742 : memref<16384xf32, #tpu.memory_space<vmem>>[vector<16xi32>], vector<16xf32>,
      tpu.vector_store_idx %arg10[%and3A_475], %get3A_462 : memref<16384xi32, #tpu.memory_space<vmem>>[vector<16xi32>], vector<16xi32>,
      tpu.vector_store_idx %arg12[%and3A_494], %gather3A_743 : memref<16384xf32, #tpu.memory_space<vmem>>[vector<16xi32>], vector<16xf32>,
      tpu.vector_store_idx %arg10[%and3A_494], %get3A_481 : memref<16384xi32, #tpu.memory_space<vmem>>[vector<16xi32>], vector<16xi32>,
      tpu.vector_store_idx %arg12[%and3A_513], %gather3A_744 : memref<16384xf32, #tpu.memory_space<vmem>>[vector<16xi32>], vector<16xf32>,
      tpu.vector_store_idx %arg10[%and3A_513], %get3A_500 : memref<16384xi32, #tpu.memory_space<vmem>>[vector<16xi32>], vector<16xi32>,
      tpu.vector_store_idx %arg12[%and3A_532], %gather3A_745 : memref<16384xf32, #tpu.memory_space<vmem>>[vector<16xi32>], vector<16xf32>,
      tpu.vector_store_idx %arg10[%and3A_532], %get3A_519 : memref<16384xi32, #tpu.memory_space<vmem>>[vector<16xi32>], vector<16xi32>,
      tpu.vector_store_idx %arg12[%and3A_551], %gather3A_746 : memref<16384xf32, #tpu.memory_space<vmem>>[vector<16xi32>], vector<16xf32>,
      tpu.vector_store_idx %arg10[%and3A_551], %get3A_538 : memref<16384xi32, #tpu.memory_space<vmem>>[vector<16xi32>], vector<16xi32>,
      tpu.vector_store_idx %arg12[%and3A_570], %gather3A_747 : memref<16384xf32, #tpu.memory_space<vmem>>[vector<16xi32>], vector<16xf32>,
      tpu.vector_store_idx %arg10[%and3A_570], %get3A_557 : memref<16384xi32, #tpu.memory_space<vmem>>[vector<16xi32>], vector<16xi32>,
      tpu.vector_store_idx %arg12[%and3A_589], %gather3A_748 : memref<16384xf32, #tpu.memory_space<vmem>>[vector<16xi32>], vector<16xf32>,
      tpu.vector_store_idx %arg10[%and3A_589], %get3A_576 : memref<16384xi32, #tpu.memory_space<vmem>>[vector<16xi32>], vector<16xi32>,
      tpu.vector_store_idx %arg12[%and3A_608], %gather3A_749 : memref<16384xf32, #tpu.memory_space<vmem>>[vector<16xi32>], vector<16xf32>,
      tpu.vector_store_idx %arg10[%and3A_608], %get3A_595 : memref<16384xi32, #tpu.memory_space<vmem>>[vector<16xi32>], vector<16xi32>,
      tpu.vector_store_idx %arg12[%and3A_627], %gather3A_750 : memref<16384xf32, #tpu.memory_space<vmem>>[vector<16xi32>], vector<16xf32>,
      tpu.vector_store_idx %arg10[%and3A_627], %get3A_614 : memref<16384xi32, #tpu.memory_space<vmem>>[vector<16xi32>], vector<16xi32>,
      tpu.vector_store_idx %arg12[%and3A_646], %gather3A_751 : memref<16384xf32, #tpu.memory_space<vmem>>[vector<16xi32>], vector<16xf32>,
      tpu.vector_store_idx %arg10[%and3A_646], %get3A_633 : memref<16384xi32, #tpu.memory_space<vmem>>[vector<16xi32>], vector<16xi32>,
      tpu.vector_store_idx %arg12[%and3A_665], %gather3A_752 : memref<16384xf32, #tpu.memory_space<vmem>>[vector<16xi32>], vector<16xf32>,
      tpu.vector_store_idx %arg10[%and3A_665], %get3A_652 : memref<16384xi32, #tpu.memory_space<vmem>>[vector<16xi32>], vector<16xi32>,
      tpu.vector_store_idx %arg12[%and3A_684], %gather3A_753 : memref<16384xf32, #tpu.memory_space<vmem>>[vector<16xi32>], vector<16xf32>,
      tpu.vector_store_idx %arg10[%and3A_684], %get3A_671 : memref<16384xi32, #tpu.memory_space<vmem>>[vector<16xi32>], vector<16xi32>,
      tpu.vector_store_idx %arg12[%and3A_703], %gather3A_754 : memref<16384xf32, #tpu.memory_space<vmem>>[vector<16xi32>], vector<16xf32>,
      tpu.vector_store_idx %arg10[%and3A_703], %get3A_690 : memref<16384xi32, #tpu.memory_space<vmem>>[vector<16xi32>], vector<16xi32>,
      tpu.vector_store_idx %arg12[%and3A_722], %gather3A_755 : memref<16384xf32, #tpu.memory_space<vmem>>[vector<16xi32>], vector<16xf32>,
      tpu.vector_store_idx %arg10[%and3A_722], %get3A_709 : memref<16384xi32, #tpu.memory_space<vmem>>[vector<16xi32>], vector<16xi32>,
      tpu.vector_store_idx %arg12[%and3A_741], %gather3A_756 : memref<16384xf32, #tpu.memory_space<vmem>>[vector<16xi32>], vector<16xf32>,
      tpu.vector_store_idx %arg10[%and3A_741], %get3A_728 : memref<16384xi32, #tpu.memory_space<vmem>>[vector<16xi32>], vector<16xi32>,
      %scan3A_757 = arith.constant 0 : i32
      scf.yield %scan3A_757 : i32
    }
    %scan3A_331 = arith.constant 32 : i32
    %dma_wait3A_332 = arith.constant 0 : i32
    %dma_wait3A_333 = tpu.memref_slice %arg2[%add3A_310, %dma_wait3A_332] : memref<256x8192xi32, #tpu.memory_space<hbm>> -> memref<1x8192xi32, #tpu.memory_space<hbm>>
    %dma_wait3A_334 = tpu.memref_squeeze %dma_wait3A_333 : memref<1x8192xi32, #tpu.memory_space<hbm>> -> memref<8192xi32, #tpu.memory_space<hbm>>
    %dma_wait3A_335 = arith.constant 0 : i32
    %dma_wait3A_336 = tpu.memref_slice %arg2[%add3A_310, %dma_wait3A_335] : memref<256x8192xi32, #tpu.memory_space<hbm>> -> memref<1x8192xi32, #tpu.memory_space<hbm>>
    %dma_wait3A_337 = tpu.memref_squeeze %dma_wait3A_336 : memref<1x8192xi32, #tpu.memory_space<hbm>> -> memref<8192xi32, #tpu.memory_space<hbm>>
    tpu.wait_dma2 semaphore(%arg17 : memref<!tpu.dma_semaphore, #tpu.memory_space<semaphore_mem>>) src(%dma_wait3A_337 : memref<8192xi32, #tpu.memory_space<hbm>>) dst(%arg7 : memref<8192xi32, #tpu.memory_space<vmem>>)
    %dma_wait3A_338 = arith.constant 0 : i32
    %dma_wait3A_339 = tpu.memref_slice %arg3[%add3A_318, %dma_wait3A_338] : memref<256x8192xi32, #tpu.memory_space<hbm>> -> memref<1x8192xi32, #tpu.memory_space<hbm>>
    %dma_wait3A_340 = tpu.memref_squeeze %dma_wait3A_339 : memref<1x8192xi32, #tpu.memory_space<hbm>> -> memref<8192xi32, #tpu.memory_space<hbm>>
    %dma_wait3A_341 = arith.constant 0 : i32
    %dma_wait3A_342 = tpu.memref_slice %arg3[%add3A_318, %dma_wait3A_341] : memref<256x8192xi32, #tpu.memory_space<hbm>> -> memref<1x8192xi32, #tpu.memory_space<hbm>>
    %dma_wait3A_343 = tpu.memref_squeeze %dma_wait3A_342 : memref<1x8192xi32, #tpu.memory_space<hbm>> -> memref<8192xi32, #tpu.memory_space<hbm>>
    tpu.wait_dma2 semaphore(%arg17 : memref<!tpu.dma_semaphore, #tpu.memory_space<semaphore_mem>>) src(%dma_wait3A_343 : memref<8192xi32, #tpu.memory_space<hbm>>) dst(%arg9 : memref<8192xi32, #tpu.memory_space<vmem>>)
    %add3A_344 = arith.constant 6 : i32
    %add3A_345 = arith.addi %mul3A_4, %add3A_344 : i32
    %dma_start3A_346 = arith.constant 0 : i32
    %dma_start3A_347 = tpu.memref_slice %arg2[%add3A_345, %dma_start3A_346] : memref<256x8192xi32, #tpu.memory_space<hbm>> -> memref<1x8192xi32, #tpu.memory_space<hbm>>
    %dma_start3A_348 = tpu.memref_squeeze %dma_start3A_347 : memref<1x8192xi32, #tpu.memory_space<hbm>> -> memref<8192xi32, #tpu.memory_space<hbm>>
    %dma_start3A_349 = arith.constant 0 : i32
    %dma_start3A_350 = tpu.memref_slice %arg2[%add3A_345, %dma_start3A_349] : memref<256x8192xi32, #tpu.memory_space<hbm>> -> memref<1x8192xi32, #tpu.memory_space<hbm>>
    %dma_start3A_351 = tpu.memref_squeeze %dma_start3A_350 : memref<1x8192xi32, #tpu.memory_space<hbm>> -> memref<8192xi32, #tpu.memory_space<hbm>>
    tpu.enqueue_dma source(%dma_start3A_351 : memref<8192xi32, #tpu.memory_space<hbm>>) target(%arg6 : memref<8192xi32, #tpu.memory_space<vmem>>) target_semaphore(%arg16 : memref<!tpu.dma_semaphore, #tpu.memory_space<semaphore_mem>>)
    %add3A_352 = arith.constant 6 : i32
    %add3A_353 = arith.addi %mul3A_4, %add3A_352 : i32
    %dma_start3A_354 = arith.constant 0 : i32
    %dma_start3A_355 = tpu.memref_slice %arg3[%add3A_353, %dma_start3A_354] : memref<256x8192xi32, #tpu.memory_space<hbm>> -> memref<1x8192xi32, #tpu.memory_space<hbm>>
    %dma_start3A_356 = tpu.memref_squeeze %dma_start3A_355 : memref<1x8192xi32, #tpu.memory_space<hbm>> -> memref<8192xi32, #tpu.memory_space<hbm>>
    %dma_start3A_357 = arith.constant 0 : i32
    %dma_start3A_358 = tpu.memref_slice %arg3[%add3A_353, %dma_start3A_357] : memref<256x8192xi32, #tpu.memory_space<hbm>> -> memref<1x8192xi32, #tpu.memory_space<hbm>>
    %dma_start3A_359 = tpu.memref_squeeze %dma_start3A_358 : memref<1x8192xi32, #tpu.memory_space<hbm>> -> memref<8192xi32, #tpu.memory_space<hbm>>
    tpu.enqueue_dma source(%dma_start3A_359 : memref<8192xi32, #tpu.memory_space<hbm>>) target(%arg8 : memref<8192xi32, #tpu.memory_space<vmem>>) target_semaphore(%arg16 : memref<!tpu.dma_semaphore, #tpu.memory_space<semaphore_mem>>)
    %scan3A_360 = arith.constant 0 : i32
    %scan3A_361 = arith.constant 0 : i32
    %scan3A_362 = arith.constant 32 : i32
    %scan3A_363 = arith.addi %scan3A_361, %scan3A_362 : i32
    %scan3A_364 = arith.constant 1 : i32
    %scan3A_365 = scf.for %scan3A_436 = %scan3A_361 to %scan3A_363 step %scan3A_364 iter_args(%scan3A_437 = %scan3A_360) -> (i32)  : i32 {
      %mul3A_438 = arith.constant 256 : i32
      %mul3A_439 = arith.muli %scan3A_436, %mul3A_438 : i32
      %add3A_440 = arith.constant 0 : i32
      %add3A_441 = arith.addi %mul3A_439, %add3A_440 : i32
      %get3A = arith.index_cast %add3A_441 : i32 to index
      %get3A_442 = tpu.vector_load %arg7[%get3A] {strides = array<i32>} : memref<8192xi32, #tpu.memory_space<vmem>>, vector<16xi32>,
      %get3A_443 = arith.index_cast %add3A_441 : i32 to index
      %get3A_444 = tpu.vector_load %arg9[%get3A_443] {strides = array<i32>} : memref<8192xi32, #tpu.memory_space<vmem>>, vector<16xi32>,
      %add3A_445 = arith.constant 8192 : i32
      %add3A_446 = arith.addi %add3A_445, %mul3A_439 : i32
      %add3A_447 = arith.constant 0 : i32
      %add3A_448 = arith.addi %add3A_446, %add3A_447 : i32
      %mul3A_449 = arith.constant 63 : i32
      %mul3A_450 = arith.muli %add3A_448, %mul3A_449 : i32
      %and3A = arith.constant 16383 : i32
      %and3A_451 = arith.andi %mul3A_450, %and3A : i32
      %add3A_452 = vector.broadcast %and3A_451 : i32 to vector<16xi32>
      %add3A_453 = arith.addi %mul3A_7, %add3A_452 : vector<16xi32>
      %and3A_454 = arith.constant 16383 : i32
      %and3A_455 = vector.broadcast %and3A_454 : i32 to vector<16xi32>
      %and3A_456 = arith.andi %add3A_453, %and3A_455 : vector<16xi32>
      %add3A_457 = arith.constant 16 : i32
      %add3A_458 = arith.addi %mul3A_439, %add3A_457 : i32
      %get3A_459 = arith.index_cast %add3A_458 : i32 to index
      %get3A_460 = tpu.vector_load %arg7[%get3A_459] {strides = array<i32>} : memref<8192xi32, #tpu.memory_space<vmem>>, vector<16xi32>,
      %get3A_461 = arith.index_cast %add3A_458 : i32 to index
      %get3A_462 = tpu.vector_load %arg9[%get3A_461] {strides = array<i32>} : memref<8192xi32, #tpu.memory_space<vmem>>, vector<16xi32>,
      %add3A_463 = arith.constant 8192 : i32
      %add3A_464 = arith.addi %add3A_463, %mul3A_439 : i32
      %add3A_465 = arith.constant 16 : i32
      %add3A_466 = arith.addi %add3A_464, %add3A_465 : i32
      %mul3A_467 = arith.constant 63 : i32
      %mul3A_468 = arith.muli %add3A_466, %mul3A_467 : i32
      %and3A_469 = arith.constant 16383 : i32
      %and3A_470 = arith.andi %mul3A_468, %and3A_469 : i32
      %add3A_471 = vector.broadcast %and3A_470 : i32 to vector<16xi32>
      %add3A_472 = arith.addi %mul3A_7, %add3A_471 : vector<16xi32>
      %and3A_473 = arith.constant 16383 : i32
      %and3A_474 = vector.broadcast %and3A_473 : i32 to vector<16xi32>
      %and3A_475 = arith.andi %add3A_472, %and3A_474 : vector<16xi32>
      %add3A_476 = arith.constant 32 : i32
      %add3A_477 = arith.addi %mul3A_439, %add3A_476 : i32
      %get3A_478 = arith.index_cast %add3A_477 : i32 to index
      %get3A_479 = tpu.vector_load %arg7[%get3A_478] {strides = array<i32>} : memref<8192xi32, #tpu.memory_space<vmem>>, vector<16xi32>,
      %get3A_480 = arith.index_cast %add3A_477 : i32 to index
      %get3A_481 = tpu.vector_load %arg9[%get3A_480] {strides = array<i32>} : memref<8192xi32, #tpu.memory_space<vmem>>, vector<16xi32>,
      %add3A_482 = arith.constant 8192 : i32
      %add3A_483 = arith.addi %add3A_482, %mul3A_439 : i32
      %add3A_484 = arith.constant 32 : i32
      %add3A_485 = arith.addi %add3A_483, %add3A_484 : i32
      %mul3A_486 = arith.constant 63 : i32
      %mul3A_487 = arith.muli %add3A_485, %mul3A_486 : i32
      %and3A_488 = arith.constant 16383 : i32
      %and3A_489 = arith.andi %mul3A_487, %and3A_488 : i32
      %add3A_490 = vector.broadcast %and3A_489 : i32 to vector<16xi32>
      %add3A_491 = arith.addi %mul3A_7, %add3A_490 : vector<16xi32>
      %and3A_492 = arith.constant 16383 : i32
      %and3A_493 = vector.broadcast %and3A_492 : i32 to vector<16xi32>
      %and3A_494 = arith.andi %add3A_491, %and3A_493 : vector<16xi32>
      %add3A_495 = arith.constant 48 : i32
      %add3A_496 = arith.addi %mul3A_439, %add3A_495 : i32
      %get3A_497 = arith.index_cast %add3A_496 : i32 to index
      %get3A_498 = tpu.vector_load %arg7[%get3A_497] {strides = array<i32>} : memref<8192xi32, #tpu.memory_space<vmem>>, vector<16xi32>,
      %get3A_499 = arith.index_cast %add3A_496 : i32 to index
      %get3A_500 = tpu.vector_load %arg9[%get3A_499] {strides = array<i32>} : memref<8192xi32, #tpu.memory_space<vmem>>, vector<16xi32>,
      %add3A_501 = arith.constant 8192 : i32
      %add3A_502 = arith.addi %add3A_501, %mul3A_439 : i32
      %add3A_503 = arith.constant 48 : i32
      %add3A_504 = arith.addi %add3A_502, %add3A_503 : i32
      %mul3A_505 = arith.constant 63 : i32
      %mul3A_506 = arith.muli %add3A_504, %mul3A_505 : i32
      %and3A_507 = arith.constant 16383 : i32
      %and3A_508 = arith.andi %mul3A_506, %and3A_507 : i32
      %add3A_509 = vector.broadcast %and3A_508 : i32 to vector<16xi32>
      %add3A_510 = arith.addi %mul3A_7, %add3A_509 : vector<16xi32>
      %and3A_511 = arith.constant 16383 : i32
      %and3A_512 = vector.broadcast %and3A_511 : i32 to vector<16xi32>
      %and3A_513 = arith.andi %add3A_510, %and3A_512 : vector<16xi32>
      %add3A_514 = arith.constant 64 : i32
      %add3A_515 = arith.addi %mul3A_439, %add3A_514 : i32
      %get3A_516 = arith.index_cast %add3A_515 : i32 to index
      %get3A_517 = tpu.vector_load %arg7[%get3A_516] {strides = array<i32>} : memref<8192xi32, #tpu.memory_space<vmem>>, vector<16xi32>,
      %get3A_518 = arith.index_cast %add3A_515 : i32 to index
      %get3A_519 = tpu.vector_load %arg9[%get3A_518] {strides = array<i32>} : memref<8192xi32, #tpu.memory_space<vmem>>, vector<16xi32>,
      %add3A_520 = arith.constant 8192 : i32
      %add3A_521 = arith.addi %add3A_520, %mul3A_439 : i32
      %add3A_522 = arith.constant 64 : i32
      %add3A_523 = arith.addi %add3A_521, %add3A_522 : i32
      %mul3A_524 = arith.constant 63 : i32
      %mul3A_525 = arith.muli %add3A_523, %mul3A_524 : i32
      %and3A_526 = arith.constant 16383 : i32
      %and3A_527 = arith.andi %mul3A_525, %and3A_526 : i32
      %add3A_528 = vector.broadcast %and3A_527 : i32 to vector<16xi32>
      %add3A_529 = arith.addi %mul3A_7, %add3A_528 : vector<16xi32>
      %and3A_530 = arith.constant 16383 : i32
      %and3A_531 = vector.broadcast %and3A_530 : i32 to vector<16xi32>
      %and3A_532 = arith.andi %add3A_529, %and3A_531 : vector<16xi32>
      %add3A_533 = arith.constant 80 : i32
      %add3A_534 = arith.addi %mul3A_439, %add3A_533 : i32
      %get3A_535 = arith.index_cast %add3A_534 : i32 to index
      %get3A_536 = tpu.vector_load %arg7[%get3A_535] {strides = array<i32>} : memref<8192xi32, #tpu.memory_space<vmem>>, vector<16xi32>,
      %get3A_537 = arith.index_cast %add3A_534 : i32 to index
      %get3A_538 = tpu.vector_load %arg9[%get3A_537] {strides = array<i32>} : memref<8192xi32, #tpu.memory_space<vmem>>, vector<16xi32>,
      %add3A_539 = arith.constant 8192 : i32
      %add3A_540 = arith.addi %add3A_539, %mul3A_439 : i32
      %add3A_541 = arith.constant 80 : i32
      %add3A_542 = arith.addi %add3A_540, %add3A_541 : i32
      %mul3A_543 = arith.constant 63 : i32
      %mul3A_544 = arith.muli %add3A_542, %mul3A_543 : i32
      %and3A_545 = arith.constant 16383 : i32
      %and3A_546 = arith.andi %mul3A_544, %and3A_545 : i32
      %add3A_547 = vector.broadcast %and3A_546 : i32 to vector<16xi32>
      %add3A_548 = arith.addi %mul3A_7, %add3A_547 : vector<16xi32>
      %and3A_549 = arith.constant 16383 : i32
      %and3A_550 = vector.broadcast %and3A_549 : i32 to vector<16xi32>
      %and3A_551 = arith.andi %add3A_548, %and3A_550 : vector<16xi32>
      %add3A_552 = arith.constant 96 : i32
      %add3A_553 = arith.addi %mul3A_439, %add3A_552 : i32
      %get3A_554 = arith.index_cast %add3A_553 : i32 to index
      %get3A_555 = tpu.vector_load %arg7[%get3A_554] {strides = array<i32>} : memref<8192xi32, #tpu.memory_space<vmem>>, vector<16xi32>,
      %get3A_556 = arith.index_cast %add3A_553 : i32 to index
      %get3A_557 = tpu.vector_load %arg9[%get3A_556] {strides = array<i32>} : memref<8192xi32, #tpu.memory_space<vmem>>, vector<16xi32>,
      %add3A_558 = arith.constant 8192 : i32
      %add3A_559 = arith.addi %add3A_558, %mul3A_439 : i32
      %add3A_560 = arith.constant 96 : i32
      %add3A_561 = arith.addi %add3A_559, %add3A_560 : i32
      %mul3A_562 = arith.constant 63 : i32
      %mul3A_563 = arith.muli %add3A_561, %mul3A_562 : i32
      %and3A_564 = arith.constant 16383 : i32
      %and3A_565 = arith.andi %mul3A_563, %and3A_564 : i32
      %add3A_566 = vector.broadcast %and3A_565 : i32 to vector<16xi32>
      %add3A_567 = arith.addi %mul3A_7, %add3A_566 : vector<16xi32>
      %and3A_568 = arith.constant 16383 : i32
      %and3A_569 = vector.broadcast %and3A_568 : i32 to vector<16xi32>
      %and3A_570 = arith.andi %add3A_567, %and3A_569 : vector<16xi32>
      %add3A_571 = arith.constant 112 : i32
      %add3A_572 = arith.addi %mul3A_439, %add3A_571 : i32
      %get3A_573 = arith.index_cast %add3A_572 : i32 to index
      %get3A_574 = tpu.vector_load %arg7[%get3A_573] {strides = array<i32>} : memref<8192xi32, #tpu.memory_space<vmem>>, vector<16xi32>,
      %get3A_575 = arith.index_cast %add3A_572 : i32 to index
      %get3A_576 = tpu.vector_load %arg9[%get3A_575] {strides = array<i32>} : memref<8192xi32, #tpu.memory_space<vmem>>, vector<16xi32>,
      %add3A_577 = arith.constant 8192 : i32
      %add3A_578 = arith.addi %add3A_577, %mul3A_439 : i32
      %add3A_579 = arith.constant 112 : i32
      %add3A_580 = arith.addi %add3A_578, %add3A_579 : i32
      %mul3A_581 = arith.constant 63 : i32
      %mul3A_582 = arith.muli %add3A_580, %mul3A_581 : i32
      %and3A_583 = arith.constant 16383 : i32
      %and3A_584 = arith.andi %mul3A_582, %and3A_583 : i32
      %add3A_585 = vector.broadcast %and3A_584 : i32 to vector<16xi32>
      %add3A_586 = arith.addi %mul3A_7, %add3A_585 : vector<16xi32>
      %and3A_587 = arith.constant 16383 : i32
      %and3A_588 = vector.broadcast %and3A_587 : i32 to vector<16xi32>
      %and3A_589 = arith.andi %add3A_586, %and3A_588 : vector<16xi32>
      %add3A_590 = arith.constant 128 : i32
      %add3A_591 = arith.addi %mul3A_439, %add3A_590 : i32
      %get3A_592 = arith.index_cast %add3A_591 : i32 to index
      %get3A_593 = tpu.vector_load %arg7[%get3A_592] {strides = array<i32>} : memref<8192xi32, #tpu.memory_space<vmem>>, vector<16xi32>,
      %get3A_594 = arith.index_cast %add3A_591 : i32 to index
      %get3A_595 = tpu.vector_load %arg9[%get3A_594] {strides = array<i32>} : memref<8192xi32, #tpu.memory_space<vmem>>, vector<16xi32>,
      %add3A_596 = arith.constant 8192 : i32
      %add3A_597 = arith.addi %add3A_596, %mul3A_439 : i32
      %add3A_598 = arith.constant 128 : i32
      %add3A_599 = arith.addi %add3A_597, %add3A_598 : i32
      %mul3A_600 = arith.constant 63 : i32
      %mul3A_601 = arith.muli %add3A_599, %mul3A_600 : i32
      %and3A_602 = arith.constant 16383 : i32
      %and3A_603 = arith.andi %mul3A_601, %and3A_602 : i32
      %add3A_604 = vector.broadcast %and3A_603 : i32 to vector<16xi32>
      %add3A_605 = arith.addi %mul3A_7, %add3A_604 : vector<16xi32>
      %and3A_606 = arith.constant 16383 : i32
      %and3A_607 = vector.broadcast %and3A_606 : i32 to vector<16xi32>
      %and3A_608 = arith.andi %add3A_605, %and3A_607 : vector<16xi32>
      %add3A_609 = arith.constant 144 : i32
      %add3A_610 = arith.addi %mul3A_439, %add3A_609 : i32
      %get3A_611 = arith.index_cast %add3A_610 : i32 to index
      %get3A_612 = tpu.vector_load %arg7[%get3A_611] {strides = array<i32>} : memref<8192xi32, #tpu.memory_space<vmem>>, vector<16xi32>,
      %get3A_613 = arith.index_cast %add3A_610 : i32 to index
      %get3A_614 = tpu.vector_load %arg9[%get3A_613] {strides = array<i32>} : memref<8192xi32, #tpu.memory_space<vmem>>, vector<16xi32>,
      %add3A_615 = arith.constant 8192 : i32
      %add3A_616 = arith.addi %add3A_615, %mul3A_439 : i32
      %add3A_617 = arith.constant 144 : i32
      %add3A_618 = arith.addi %add3A_616, %add3A_617 : i32
      %mul3A_619 = arith.constant 63 : i32
      %mul3A_620 = arith.muli %add3A_618, %mul3A_619 : i32
      %and3A_621 = arith.constant 16383 : i32
      %and3A_622 = arith.andi %mul3A_620, %and3A_621 : i32
      %add3A_623 = vector.broadcast %and3A_622 : i32 to vector<16xi32>
      %add3A_624 = arith.addi %mul3A_7, %add3A_623 : vector<16xi32>
      %and3A_625 = arith.constant 16383 : i32
      %and3A_626 = vector.broadcast %and3A_625 : i32 to vector<16xi32>
      %and3A_627 = arith.andi %add3A_624, %and3A_626 : vector<16xi32>
      %add3A_628 = arith.constant 160 : i32
      %add3A_629 = arith.addi %mul3A_439, %add3A_628 : i32
      %get3A_630 = arith.index_cast %add3A_629 : i32 to index
      %get3A_631 = tpu.vector_load %arg7[%get3A_630] {strides = array<i32>} : memref<8192xi32, #tpu.memory_space<vmem>>, vector<16xi32>,
      %get3A_632 = arith.index_cast %add3A_629 : i32 to index
      %get3A_633 = tpu.vector_load %arg9[%get3A_632] {strides = array<i32>} : memref<8192xi32, #tpu.memory_space<vmem>>, vector<16xi32>,
      %add3A_634 = arith.constant 8192 : i32
      %add3A_635 = arith.addi %add3A_634, %mul3A_439 : i32
      %add3A_636 = arith.constant 160 : i32
      %add3A_637 = arith.addi %add3A_635, %add3A_636 : i32
      %mul3A_638 = arith.constant 63 : i32
      %mul3A_639 = arith.muli %add3A_637, %mul3A_638 : i32
      %and3A_640 = arith.constant 16383 : i32
      %and3A_641 = arith.andi %mul3A_639, %and3A_640 : i32
      %add3A_642 = vector.broadcast %and3A_641 : i32 to vector<16xi32>
      %add3A_643 = arith.addi %mul3A_7, %add3A_642 : vector<16xi32>
      %and3A_644 = arith.constant 16383 : i32
      %and3A_645 = vector.broadcast %and3A_644 : i32 to vector<16xi32>
      %and3A_646 = arith.andi %add3A_643, %and3A_645 : vector<16xi32>
      %add3A_647 = arith.constant 176 : i32
      %add3A_648 = arith.addi %mul3A_439, %add3A_647 : i32
      %get3A_649 = arith.index_cast %add3A_648 : i32 to index
      %get3A_650 = tpu.vector_load %arg7[%get3A_649] {strides = array<i32>} : memref<8192xi32, #tpu.memory_space<vmem>>, vector<16xi32>,
      %get3A_651 = arith.index_cast %add3A_648 : i32 to index
      %get3A_652 = tpu.vector_load %arg9[%get3A_651] {strides = array<i32>} : memref<8192xi32, #tpu.memory_space<vmem>>, vector<16xi32>,
      %add3A_653 = arith.constant 8192 : i32
      %add3A_654 = arith.addi %add3A_653, %mul3A_439 : i32
      %add3A_655 = arith.constant 176 : i32
      %add3A_656 = arith.addi %add3A_654, %add3A_655 : i32
      %mul3A_657 = arith.constant 63 : i32
      %mul3A_658 = arith.muli %add3A_656, %mul3A_657 : i32
      %and3A_659 = arith.constant 16383 : i32
      %and3A_660 = arith.andi %mul3A_658, %and3A_659 : i32
      %add3A_661 = vector.broadcast %and3A_660 : i32 to vector<16xi32>
      %add3A_662 = arith.addi %mul3A_7, %add3A_661 : vector<16xi32>
      %and3A_663 = arith.constant 16383 : i32
      %and3A_664 = vector.broadcast %and3A_663 : i32 to vector<16xi32>
      %and3A_665 = arith.andi %add3A_662, %and3A_664 : vector<16xi32>
      %add3A_666 = arith.constant 192 : i32
      %add3A_667 = arith.addi %mul3A_439, %add3A_666 : i32
      %get3A_668 = arith.index_cast %add3A_667 : i32 to index
      %get3A_669 = tpu.vector_load %arg7[%get3A_668] {strides = array<i32>} : memref<8192xi32, #tpu.memory_space<vmem>>, vector<16xi32>,
      %get3A_670 = arith.index_cast %add3A_667 : i32 to index
      %get3A_671 = tpu.vector_load %arg9[%get3A_670] {strides = array<i32>} : memref<8192xi32, #tpu.memory_space<vmem>>, vector<16xi32>,
      %add3A_672 = arith.constant 8192 : i32
      %add3A_673 = arith.addi %add3A_672, %mul3A_439 : i32
      %add3A_674 = arith.constant 192 : i32
      %add3A_675 = arith.addi %add3A_673, %add3A_674 : i32
      %mul3A_676 = arith.constant 63 : i32
      %mul3A_677 = arith.muli %add3A_675, %mul3A_676 : i32
      %and3A_678 = arith.constant 16383 : i32
      %and3A_679 = arith.andi %mul3A_677, %and3A_678 : i32
      %add3A_680 = vector.broadcast %and3A_679 : i32 to vector<16xi32>
      %add3A_681 = arith.addi %mul3A_7, %add3A_680 : vector<16xi32>
      %and3A_682 = arith.constant 16383 : i32
      %and3A_683 = vector.broadcast %and3A_682 : i32 to vector<16xi32>
      %and3A_684 = arith.andi %add3A_681, %and3A_683 : vector<16xi32>
      %add3A_685 = arith.constant 208 : i32
      %add3A_686 = arith.addi %mul3A_439, %add3A_685 : i32
      %get3A_687 = arith.index_cast %add3A_686 : i32 to index
      %get3A_688 = tpu.vector_load %arg7[%get3A_687] {strides = array<i32>} : memref<8192xi32, #tpu.memory_space<vmem>>, vector<16xi32>,
      %get3A_689 = arith.index_cast %add3A_686 : i32 to index
      %get3A_690 = tpu.vector_load %arg9[%get3A_689] {strides = array<i32>} : memref<8192xi32, #tpu.memory_space<vmem>>, vector<16xi32>,
      %add3A_691 = arith.constant 8192 : i32
      %add3A_692 = arith.addi %add3A_691, %mul3A_439 : i32
      %add3A_693 = arith.constant 208 : i32
      %add3A_694 = arith.addi %add3A_692, %add3A_693 : i32
      %mul3A_695 = arith.constant 63 : i32
      %mul3A_696 = arith.muli %add3A_694, %mul3A_695 : i32
      %and3A_697 = arith.constant 16383 : i32
      %and3A_698 = arith.andi %mul3A_696, %and3A_697 : i32
      %add3A_699 = vector.broadcast %and3A_698 : i32 to vector<16xi32>
      %add3A_700 = arith.addi %mul3A_7, %add3A_699 : vector<16xi32>
      %and3A_701 = arith.constant 16383 : i32
      %and3A_702 = vector.broadcast %and3A_701 : i32 to vector<16xi32>
      %and3A_703 = arith.andi %add3A_700, %and3A_702 : vector<16xi32>
      %add3A_704 = arith.constant 224 : i32
      %add3A_705 = arith.addi %mul3A_439, %add3A_704 : i32
      %get3A_706 = arith.index_cast %add3A_705 : i32 to index
      %get3A_707 = tpu.vector_load %arg7[%get3A_706] {strides = array<i32>} : memref<8192xi32, #tpu.memory_space<vmem>>, vector<16xi32>,
      %get3A_708 = arith.index_cast %add3A_705 : i32 to index
      %get3A_709 = tpu.vector_load %arg9[%get3A_708] {strides = array<i32>} : memref<8192xi32, #tpu.memory_space<vmem>>, vector<16xi32>,
      %add3A_710 = arith.constant 8192 : i32
      %add3A_711 = arith.addi %add3A_710, %mul3A_439 : i32
      %add3A_712 = arith.constant 224 : i32
      %add3A_713 = arith.addi %add3A_711, %add3A_712 : i32
      %mul3A_714 = arith.constant 63 : i32
      %mul3A_715 = arith.muli %add3A_713, %mul3A_714 : i32
      %and3A_716 = arith.constant 16383 : i32
      %and3A_717 = arith.andi %mul3A_715, %and3A_716 : i32
      %add3A_718 = vector.broadcast %and3A_717 : i32 to vector<16xi32>
      %add3A_719 = arith.addi %mul3A_7, %add3A_718 : vector<16xi32>
      %and3A_720 = arith.constant 16383 : i32
      %and3A_721 = vector.broadcast %and3A_720 : i32 to vector<16xi32>
      %and3A_722 = arith.andi %add3A_719, %and3A_721 : vector<16xi32>
      %add3A_723 = arith.constant 240 : i32
      %add3A_724 = arith.addi %mul3A_439, %add3A_723 : i32
      %get3A_725 = arith.index_cast %add3A_724 : i32 to index
      %get3A_726 = tpu.vector_load %arg7[%get3A_725] {strides = array<i32>} : memref<8192xi32, #tpu.memory_space<vmem>>, vector<16xi32>,
      %get3A_727 = arith.index_cast %add3A_724 : i32 to index
      %get3A_728 = tpu.vector_load %arg9[%get3A_727] {strides = array<i32>} : memref<8192xi32, #tpu.memory_space<vmem>>, vector<16xi32>,
      %add3A_729 = arith.constant 8192 : i32
      %add3A_730 = arith.addi %add3A_729, %mul3A_439 : i32
      %add3A_731 = arith.constant 240 : i32
      %add3A_732 = arith.addi %add3A_730, %add3A_731 : i32
      %mul3A_733 = arith.constant 63 : i32
      %mul3A_734 = arith.muli %add3A_732, %mul3A_733 : i32
      %and3A_735 = arith.constant 16383 : i32
      %and3A_736 = arith.andi %mul3A_734, %and3A_735 : i32
      %add3A_737 = vector.broadcast %and3A_736 : i32 to vector<16xi32>
      %add3A_738 = arith.addi %mul3A_7, %add3A_737 : vector<16xi32>
      %and3A_739 = arith.constant 16383 : i32
      %and3A_740 = vector.broadcast %and3A_739 : i32 to vector<16xi32>
      %and3A_741 = arith.andi %add3A_738, %and3A_740 : vector<16xi32>
      %gather3A = tpu.vector_load_idx %arg14[%get3A_442] : memref<128xf32, #tpu.memory_space<vmem>>[vector<16xi32>], vector<16xf32>,
      %gather3A_742 = tpu.vector_load_idx %arg14[%get3A_460] : memref<128xf32, #tpu.memory_space<vmem>>[vector<16xi32>], vector<16xf32>,
      %gather3A_743 = tpu.vector_load_idx %arg14[%get3A_479] : memref<128xf32, #tpu.memory_space<vmem>>[vector<16xi32>], vector<16xf32>,
      %gather3A_744 = tpu.vector_load_idx %arg14[%get3A_498] : memref<128xf32, #tpu.memory_space<vmem>>[vector<16xi32>], vector<16xf32>,
      %gather3A_745 = tpu.vector_load_idx %arg14[%get3A_517] : memref<128xf32, #tpu.memory_space<vmem>>[vector<16xi32>], vector<16xf32>,
      %gather3A_746 = tpu.vector_load_idx %arg14[%get3A_536] : memref<128xf32, #tpu.memory_space<vmem>>[vector<16xi32>], vector<16xf32>,
      %gather3A_747 = tpu.vector_load_idx %arg14[%get3A_555] : memref<128xf32, #tpu.memory_space<vmem>>[vector<16xi32>], vector<16xf32>,
      %gather3A_748 = tpu.vector_load_idx %arg14[%get3A_574] : memref<128xf32, #tpu.memory_space<vmem>>[vector<16xi32>], vector<16xf32>,
      %gather3A_749 = tpu.vector_load_idx %arg14[%get3A_593] : memref<128xf32, #tpu.memory_space<vmem>>[vector<16xi32>], vector<16xf32>,
      %gather3A_750 = tpu.vector_load_idx %arg14[%get3A_612] : memref<128xf32, #tpu.memory_space<vmem>>[vector<16xi32>], vector<16xf32>,
      %gather3A_751 = tpu.vector_load_idx %arg14[%get3A_631] : memref<128xf32, #tpu.memory_space<vmem>>[vector<16xi32>], vector<16xf32>,
      %gather3A_752 = tpu.vector_load_idx %arg14[%get3A_650] : memref<128xf32, #tpu.memory_space<vmem>>[vector<16xi32>], vector<16xf32>,
      %gather3A_753 = tpu.vector_load_idx %arg14[%get3A_669] : memref<128xf32, #tpu.memory_space<vmem>>[vector<16xi32>], vector<16xf32>,
      %gather3A_754 = tpu.vector_load_idx %arg14[%get3A_688] : memref<128xf32, #tpu.memory_space<vmem>>[vector<16xi32>], vector<16xf32>,
      %gather3A_755 = tpu.vector_load_idx %arg14[%get3A_707] : memref<128xf32, #tpu.memory_space<vmem>>[vector<16xi32>], vector<16xf32>,
      %gather3A_756 = tpu.vector_load_idx %arg14[%get3A_726] : memref<128xf32, #tpu.memory_space<vmem>>[vector<16xi32>], vector<16xf32>,
      tpu.vector_store_idx %arg12[%and3A_456], %gather3A : memref<16384xf32, #tpu.memory_space<vmem>>[vector<16xi32>], vector<16xf32>,
      tpu.vector_store_idx %arg10[%and3A_456], %get3A_444 : memref<16384xi32, #tpu.memory_space<vmem>>[vector<16xi32>], vector<16xi32>,
      tpu.vector_store_idx %arg12[%and3A_475], %gather3A_742 : memref<16384xf32, #tpu.memory_space<vmem>>[vector<16xi32>], vector<16xf32>,
      tpu.vector_store_idx %arg10[%and3A_475], %get3A_462 : memref<16384xi32, #tpu.memory_space<vmem>>[vector<16xi32>], vector<16xi32>,
      tpu.vector_store_idx %arg12[%and3A_494], %gather3A_743 : memref<16384xf32, #tpu.memory_space<vmem>>[vector<16xi32>], vector<16xf32>,
      tpu.vector_store_idx %arg10[%and3A_494], %get3A_481 : memref<16384xi32, #tpu.memory_space<vmem>>[vector<16xi32>], vector<16xi32>,
      tpu.vector_store_idx %arg12[%and3A_513], %gather3A_744 : memref<16384xf32, #tpu.memory_space<vmem>>[vector<16xi32>], vector<16xf32>,
      tpu.vector_store_idx %arg10[%and3A_513], %get3A_500 : memref<16384xi32, #tpu.memory_space<vmem>>[vector<16xi32>], vector<16xi32>,
      tpu.vector_store_idx %arg12[%and3A_532], %gather3A_745 : memref<16384xf32, #tpu.memory_space<vmem>>[vector<16xi32>], vector<16xf32>,
      tpu.vector_store_idx %arg10[%and3A_532], %get3A_519 : memref<16384xi32, #tpu.memory_space<vmem>>[vector<16xi32>], vector<16xi32>,
      tpu.vector_store_idx %arg12[%and3A_551], %gather3A_746 : memref<16384xf32, #tpu.memory_space<vmem>>[vector<16xi32>], vector<16xf32>,
      tpu.vector_store_idx %arg10[%and3A_551], %get3A_538 : memref<16384xi32, #tpu.memory_space<vmem>>[vector<16xi32>], vector<16xi32>,
      tpu.vector_store_idx %arg12[%and3A_570], %gather3A_747 : memref<16384xf32, #tpu.memory_space<vmem>>[vector<16xi32>], vector<16xf32>,
      tpu.vector_store_idx %arg10[%and3A_570], %get3A_557 : memref<16384xi32, #tpu.memory_space<vmem>>[vector<16xi32>], vector<16xi32>,
      tpu.vector_store_idx %arg12[%and3A_589], %gather3A_748 : memref<16384xf32, #tpu.memory_space<vmem>>[vector<16xi32>], vector<16xf32>,
      tpu.vector_store_idx %arg10[%and3A_589], %get3A_576 : memref<16384xi32, #tpu.memory_space<vmem>>[vector<16xi32>], vector<16xi32>,
      tpu.vector_store_idx %arg12[%and3A_608], %gather3A_749 : memref<16384xf32, #tpu.memory_space<vmem>>[vector<16xi32>], vector<16xf32>,
      tpu.vector_store_idx %arg10[%and3A_608], %get3A_595 : memref<16384xi32, #tpu.memory_space<vmem>>[vector<16xi32>], vector<16xi32>,
      tpu.vector_store_idx %arg12[%and3A_627], %gather3A_750 : memref<16384xf32, #tpu.memory_space<vmem>>[vector<16xi32>], vector<16xf32>,
      tpu.vector_store_idx %arg10[%and3A_627], %get3A_614 : memref<16384xi32, #tpu.memory_space<vmem>>[vector<16xi32>], vector<16xi32>,
      tpu.vector_store_idx %arg12[%and3A_646], %gather3A_751 : memref<16384xf32, #tpu.memory_space<vmem>>[vector<16xi32>], vector<16xf32>,
      tpu.vector_store_idx %arg10[%and3A_646], %get3A_633 : memref<16384xi32, #tpu.memory_space<vmem>>[vector<16xi32>], vector<16xi32>,
      tpu.vector_store_idx %arg12[%and3A_665], %gather3A_752 : memref<16384xf32, #tpu.memory_space<vmem>>[vector<16xi32>], vector<16xf32>,
      tpu.vector_store_idx %arg10[%and3A_665], %get3A_652 : memref<16384xi32, #tpu.memory_space<vmem>>[vector<16xi32>], vector<16xi32>,
      tpu.vector_store_idx %arg12[%and3A_684], %gather3A_753 : memref<16384xf32, #tpu.memory_space<vmem>>[vector<16xi32>], vector<16xf32>,
      tpu.vector_store_idx %arg10[%and3A_684], %get3A_671 : memref<16384xi32, #tpu.memory_space<vmem>>[vector<16xi32>], vector<16xi32>,
      tpu.vector_store_idx %arg12[%and3A_703], %gather3A_754 : memref<16384xf32, #tpu.memory_space<vmem>>[vector<16xi32>], vector<16xf32>,
      tpu.vector_store_idx %arg10[%and3A_703], %get3A_690 : memref<16384xi32, #tpu.memory_space<vmem>>[vector<16xi32>], vector<16xi32>,
      tpu.vector_store_idx %arg12[%and3A_722], %gather3A_755 : memref<16384xf32, #tpu.memory_space<vmem>>[vector<16xi32>], vector<16xf32>,
      tpu.vector_store_idx %arg10[%and3A_722], %get3A_709 : memref<16384xi32, #tpu.memory_space<vmem>>[vector<16xi32>], vector<16xi32>,
      tpu.vector_store_idx %arg12[%and3A_741], %gather3A_756 : memref<16384xf32, #tpu.memory_space<vmem>>[vector<16xi32>], vector<16xf32>,
      tpu.vector_store_idx %arg10[%and3A_741], %get3A_728 : memref<16384xi32, #tpu.memory_space<vmem>>[vector<16xi32>], vector<16xi32>,
      %scan3A_757 = arith.constant 0 : i32
      scf.yield %scan3A_757 : i32
    }
    %scan3A_366 = arith.constant 32 : i32
    %dma_start3A_367 = arith.constant 0 : i32
    %dma_start3A_368 = tpu.memref_slice %arg15[%dma_start3A_367] : memref<16384xf32, #tpu.memory_space<vmem_shared>> -> memref<16384xf32, #tpu.memory_space<vmem_shared>>
    tpu.enqueue_indirect_dma source(%arg12 : memref<16384xf32, #tpu.memory_space<vmem>>) target(%dma_start3A_368 : memref<16384xf32, #tpu.memory_space<vmem_shared>>) offsets(%arg10 : memref<16384xi32, #tpu.memory_space<vmem>>) semaphore(%arg18 : memref<!tpu.dma_semaphore, #tpu.memory_space<semaphore_mem>>) {add = true}
    %dma_wait3A_369 = arith.constant 0 : i32
    %dma_wait3A_370 = tpu.memref_slice %arg2[%add3A_345, %dma_wait3A_369] : memref<256x8192xi32, #tpu.memory_space<hbm>> -> memref<1x8192xi32, #tpu.memory_space<hbm>>
    %dma_wait3A_371 = tpu.memref_squeeze %dma_wait3A_370 : memref<1x8192xi32, #tpu.memory_space<hbm>> -> memref<8192xi32, #tpu.memory_space<hbm>>
    %dma_wait3A_372 = arith.constant 0 : i32
    %dma_wait3A_373 = tpu.memref_slice %arg2[%add3A_345, %dma_wait3A_372] : memref<256x8192xi32, #tpu.memory_space<hbm>> -> memref<1x8192xi32, #tpu.memory_space<hbm>>
    %dma_wait3A_374 = tpu.memref_squeeze %dma_wait3A_373 : memref<1x8192xi32, #tpu.memory_space<hbm>> -> memref<8192xi32, #tpu.memory_space<hbm>>
    tpu.wait_dma2 semaphore(%arg16 : memref<!tpu.dma_semaphore, #tpu.memory_space<semaphore_mem>>) src(%dma_wait3A_374 : memref<8192xi32, #tpu.memory_space<hbm>>) dst(%arg6 : memref<8192xi32, #tpu.memory_space<vmem>>)
    %dma_wait3A_375 = arith.constant 0 : i32
    %dma_wait3A_376 = tpu.memref_slice %arg3[%add3A_353, %dma_wait3A_375] : memref<256x8192xi32, #tpu.memory_space<hbm>> -> memref<1x8192xi32, #tpu.memory_space<hbm>>
    %dma_wait3A_377 = tpu.memref_squeeze %dma_wait3A_376 : memref<1x8192xi32, #tpu.memory_space<hbm>> -> memref<8192xi32, #tpu.memory_space<hbm>>
    %dma_wait3A_378 = arith.constant 0 : i32
    %dma_wait3A_379 = tpu.memref_slice %arg3[%add3A_353, %dma_wait3A_378] : memref<256x8192xi32, #tpu.memory_space<hbm>> -> memref<1x8192xi32, #tpu.memory_space<hbm>>
    %dma_wait3A_380 = tpu.memref_squeeze %dma_wait3A_379 : memref<1x8192xi32, #tpu.memory_space<hbm>> -> memref<8192xi32, #tpu.memory_space<hbm>>
    tpu.wait_dma2 semaphore(%arg16 : memref<!tpu.dma_semaphore, #tpu.memory_space<semaphore_mem>>) src(%dma_wait3A_380 : memref<8192xi32, #tpu.memory_space<hbm>>) dst(%arg8 : memref<8192xi32, #tpu.memory_space<vmem>>)
    %dma_wait3A_381 = arith.constant 0 : i32
    %dma_wait3A_382 = tpu.memref_slice %arg15[%dma_wait3A_381] : memref<16384xf32, #tpu.memory_space<vmem_shared>> -> memref<16384xf32, #tpu.memory_space<vmem_shared>>
    tpu.wait_indirect_dma semaphore(%arg19 : memref<!tpu.dma_semaphore, #tpu.memory_space<semaphore_mem>>) src(%arg13 : memref<16384xf32, #tpu.memory_space<vmem>>) dst(%dma_wait3A_382 : memref<16384xf32, #tpu.memory_space<vmem_shared>>)
    %add3A_383 = arith.constant 7 : i32
    %add3A_384 = arith.addi %mul3A_4, %add3A_383 : i32
    %dma_start3A_385 = arith.constant 0 : i32
    %dma_start3A_386 = tpu.memref_slice %arg2[%add3A_384, %dma_start3A_385] : memref<256x8192xi32, #tpu.memory_space<hbm>> -> memref<1x8192xi32, #tpu.memory_space<hbm>>
    %dma_start3A_387 = tpu.memref_squeeze %dma_start3A_386 : memref<1x8192xi32, #tpu.memory_space<hbm>> -> memref<8192xi32, #tpu.memory_space<hbm>>
    %dma_start3A_388 = arith.constant 0 : i32
    %dma_start3A_389 = tpu.memref_slice %arg2[%add3A_384, %dma_start3A_388] : memref<256x8192xi32, #tpu.memory_space<hbm>> -> memref<1x8192xi32, #tpu.memory_space<hbm>>
    %dma_start3A_390 = tpu.memref_squeeze %dma_start3A_389 : memref<1x8192xi32, #tpu.memory_space<hbm>> -> memref<8192xi32, #tpu.memory_space<hbm>>
    tpu.enqueue_dma source(%dma_start3A_390 : memref<8192xi32, #tpu.memory_space<hbm>>) target(%arg7 : memref<8192xi32, #tpu.memory_space<vmem>>) target_semaphore(%arg17 : memref<!tpu.dma_semaphore, #tpu.memory_space<semaphore_mem>>)
    %add3A_391 = arith.constant 7 : i32
    %add3A_392 = arith.addi %mul3A_4, %add3A_391 : i32
    %dma_start3A_393 = arith.constant 0 : i32
    %dma_start3A_394 = tpu.memref_slice %arg3[%add3A_392, %dma_start3A_393] : memref<256x8192xi32, #tpu.memory_space<hbm>> -> memref<1x8192xi32, #tpu.memory_space<hbm>>
    %dma_start3A_395 = tpu.memref_squeeze %dma_start3A_394 : memref<1x8192xi32, #tpu.memory_space<hbm>> -> memref<8192xi32, #tpu.memory_space<hbm>>
    %dma_start3A_396 = arith.constant 0 : i32
    %dma_start3A_397 = tpu.memref_slice %arg3[%add3A_392, %dma_start3A_396] : memref<256x8192xi32, #tpu.memory_space<hbm>> -> memref<1x8192xi32, #tpu.memory_space<hbm>>
    %dma_start3A_398 = tpu.memref_squeeze %dma_start3A_397 : memref<1x8192xi32, #tpu.memory_space<hbm>> -> memref<8192xi32, #tpu.memory_space<hbm>>
    tpu.enqueue_dma source(%dma_start3A_398 : memref<8192xi32, #tpu.memory_space<hbm>>) target(%arg9 : memref<8192xi32, #tpu.memory_space<vmem>>) target_semaphore(%arg17 : memref<!tpu.dma_semaphore, #tpu.memory_space<semaphore_mem>>)
    %scan3A_399 = arith.constant 0 : i32
    %scan3A_400 = arith.constant 0 : i32
    %scan3A_401 = arith.constant 32 : i32
    %scan3A_402 = arith.addi %scan3A_400, %scan3A_401 : i32
    %scan3A_403 = arith.constant 1 : i32
    %scan3A_404 = scf.for %scan3A_436 = %scan3A_400 to %scan3A_402 step %scan3A_403 iter_args(%scan3A_437 = %scan3A_399) -> (i32)  : i32 {
      %mul3A_438 = arith.constant 256 : i32
      %mul3A_439 = arith.muli %scan3A_436, %mul3A_438 : i32
      %add3A_440 = arith.constant 0 : i32
      %add3A_441 = arith.addi %mul3A_439, %add3A_440 : i32
      %get3A = arith.index_cast %add3A_441 : i32 to index
      %get3A_442 = tpu.vector_load %arg6[%get3A] {strides = array<i32>} : memref<8192xi32, #tpu.memory_space<vmem>>, vector<16xi32>,
      %get3A_443 = arith.index_cast %add3A_441 : i32 to index
      %get3A_444 = tpu.vector_load %arg8[%get3A_443] {strides = array<i32>} : memref<8192xi32, #tpu.memory_space<vmem>>, vector<16xi32>,
      %add3A_445 = arith.constant 0 : i32
      %add3A_446 = arith.addi %add3A_445, %mul3A_439 : i32
      %add3A_447 = arith.constant 0 : i32
      %add3A_448 = arith.addi %add3A_446, %add3A_447 : i32
      %mul3A_449 = arith.constant 63 : i32
      %mul3A_450 = arith.muli %add3A_448, %mul3A_449 : i32
      %and3A = arith.constant 16383 : i32
      %and3A_451 = arith.andi %mul3A_450, %and3A : i32
      %add3A_452 = vector.broadcast %and3A_451 : i32 to vector<16xi32>
      %add3A_453 = arith.addi %mul3A_7, %add3A_452 : vector<16xi32>
      %and3A_454 = arith.constant 16383 : i32
      %and3A_455 = vector.broadcast %and3A_454 : i32 to vector<16xi32>
      %and3A_456 = arith.andi %add3A_453, %and3A_455 : vector<16xi32>
      %add3A_457 = arith.constant 16 : i32
      %add3A_458 = arith.addi %mul3A_439, %add3A_457 : i32
      %get3A_459 = arith.index_cast %add3A_458 : i32 to index
      %get3A_460 = tpu.vector_load %arg6[%get3A_459] {strides = array<i32>} : memref<8192xi32, #tpu.memory_space<vmem>>, vector<16xi32>,
      %get3A_461 = arith.index_cast %add3A_458 : i32 to index
      %get3A_462 = tpu.vector_load %arg8[%get3A_461] {strides = array<i32>} : memref<8192xi32, #tpu.memory_space<vmem>>, vector<16xi32>,
      %add3A_463 = arith.constant 0 : i32
      %add3A_464 = arith.addi %add3A_463, %mul3A_439 : i32
      %add3A_465 = arith.constant 16 : i32
      %add3A_466 = arith.addi %add3A_464, %add3A_465 : i32
      %mul3A_467 = arith.constant 63 : i32
      %mul3A_468 = arith.muli %add3A_466, %mul3A_467 : i32
      %and3A_469 = arith.constant 16383 : i32
      %and3A_470 = arith.andi %mul3A_468, %and3A_469 : i32
      %add3A_471 = vector.broadcast %and3A_470 : i32 to vector<16xi32>
      %add3A_472 = arith.addi %mul3A_7, %add3A_471 : vector<16xi32>
      %and3A_473 = arith.constant 16383 : i32
      %and3A_474 = vector.broadcast %and3A_473 : i32 to vector<16xi32>
      %and3A_475 = arith.andi %add3A_472, %and3A_474 : vector<16xi32>
      %add3A_476 = arith.constant 32 : i32
      %add3A_477 = arith.addi %mul3A_439, %add3A_476 : i32
      %get3A_478 = arith.index_cast %add3A_477 : i32 to index
      %get3A_479 = tpu.vector_load %arg6[%get3A_478] {strides = array<i32>} : memref<8192xi32, #tpu.memory_space<vmem>>, vector<16xi32>,
      %get3A_480 = arith.index_cast %add3A_477 : i32 to index
      %get3A_481 = tpu.vector_load %arg8[%get3A_480] {strides = array<i32>} : memref<8192xi32, #tpu.memory_space<vmem>>, vector<16xi32>,
      %add3A_482 = arith.constant 0 : i32
      %add3A_483 = arith.addi %add3A_482, %mul3A_439 : i32
      %add3A_484 = arith.constant 32 : i32
      %add3A_485 = arith.addi %add3A_483, %add3A_484 : i32
      %mul3A_486 = arith.constant 63 : i32
      %mul3A_487 = arith.muli %add3A_485, %mul3A_486 : i32
      %and3A_488 = arith.constant 16383 : i32
      %and3A_489 = arith.andi %mul3A_487, %and3A_488 : i32
      %add3A_490 = vector.broadcast %and3A_489 : i32 to vector<16xi32>
      %add3A_491 = arith.addi %mul3A_7, %add3A_490 : vector<16xi32>
      %and3A_492 = arith.constant 16383 : i32
      %and3A_493 = vector.broadcast %and3A_492 : i32 to vector<16xi32>
      %and3A_494 = arith.andi %add3A_491, %and3A_493 : vector<16xi32>
      %add3A_495 = arith.constant 48 : i32
      %add3A_496 = arith.addi %mul3A_439, %add3A_495 : i32
      %get3A_497 = arith.index_cast %add3A_496 : i32 to index
      %get3A_498 = tpu.vector_load %arg6[%get3A_497] {strides = array<i32>} : memref<8192xi32, #tpu.memory_space<vmem>>, vector<16xi32>,
      %get3A_499 = arith.index_cast %add3A_496 : i32 to index
      %get3A_500 = tpu.vector_load %arg8[%get3A_499] {strides = array<i32>} : memref<8192xi32, #tpu.memory_space<vmem>>, vector<16xi32>,
      %add3A_501 = arith.constant 0 : i32
      %add3A_502 = arith.addi %add3A_501, %mul3A_439 : i32
      %add3A_503 = arith.constant 48 : i32
      %add3A_504 = arith.addi %add3A_502, %add3A_503 : i32
      %mul3A_505 = arith.constant 63 : i32
      %mul3A_506 = arith.muli %add3A_504, %mul3A_505 : i32
      %and3A_507 = arith.constant 16383 : i32
      %and3A_508 = arith.andi %mul3A_506, %and3A_507 : i32
      %add3A_509 = vector.broadcast %and3A_508 : i32 to vector<16xi32>
      %add3A_510 = arith.addi %mul3A_7, %add3A_509 : vector<16xi32>
      %and3A_511 = arith.constant 16383 : i32
      %and3A_512 = vector.broadcast %and3A_511 : i32 to vector<16xi32>
      %and3A_513 = arith.andi %add3A_510, %and3A_512 : vector<16xi32>
      %add3A_514 = arith.constant 64 : i32
      %add3A_515 = arith.addi %mul3A_439, %add3A_514 : i32
      %get3A_516 = arith.index_cast %add3A_515 : i32 to index
      %get3A_517 = tpu.vector_load %arg6[%get3A_516] {strides = array<i32>} : memref<8192xi32, #tpu.memory_space<vmem>>, vector<16xi32>,
      %get3A_518 = arith.index_cast %add3A_515 : i32 to index
      %get3A_519 = tpu.vector_load %arg8[%get3A_518] {strides = array<i32>} : memref<8192xi32, #tpu.memory_space<vmem>>, vector<16xi32>,
      %add3A_520 = arith.constant 0 : i32
      %add3A_521 = arith.addi %add3A_520, %mul3A_439 : i32
      %add3A_522 = arith.constant 64 : i32
      %add3A_523 = arith.addi %add3A_521, %add3A_522 : i32
      %mul3A_524 = arith.constant 63 : i32
      %mul3A_525 = arith.muli %add3A_523, %mul3A_524 : i32
      %and3A_526 = arith.constant 16383 : i32
      %and3A_527 = arith.andi %mul3A_525, %and3A_526 : i32
      %add3A_528 = vector.broadcast %and3A_527 : i32 to vector<16xi32>
      %add3A_529 = arith.addi %mul3A_7, %add3A_528 : vector<16xi32>
      %and3A_530 = arith.constant 16383 : i32
      %and3A_531 = vector.broadcast %and3A_530 : i32 to vector<16xi32>
      %and3A_532 = arith.andi %add3A_529, %and3A_531 : vector<16xi32>
      %add3A_533 = arith.constant 80 : i32
      %add3A_534 = arith.addi %mul3A_439, %add3A_533 : i32
      %get3A_535 = arith.index_cast %add3A_534 : i32 to index
      %get3A_536 = tpu.vector_load %arg6[%get3A_535] {strides = array<i32>} : memref<8192xi32, #tpu.memory_space<vmem>>, vector<16xi32>,
      %get3A_537 = arith.index_cast %add3A_534 : i32 to index
      %get3A_538 = tpu.vector_load %arg8[%get3A_537] {strides = array<i32>} : memref<8192xi32, #tpu.memory_space<vmem>>, vector<16xi32>,
      %add3A_539 = arith.constant 0 : i32
      %add3A_540 = arith.addi %add3A_539, %mul3A_439 : i32
      %add3A_541 = arith.constant 80 : i32
      %add3A_542 = arith.addi %add3A_540, %add3A_541 : i32
      %mul3A_543 = arith.constant 63 : i32
      %mul3A_544 = arith.muli %add3A_542, %mul3A_543 : i32
      %and3A_545 = arith.constant 16383 : i32
      %and3A_546 = arith.andi %mul3A_544, %and3A_545 : i32
      %add3A_547 = vector.broadcast %and3A_546 : i32 to vector<16xi32>
      %add3A_548 = arith.addi %mul3A_7, %add3A_547 : vector<16xi32>
      %and3A_549 = arith.constant 16383 : i32
      %and3A_550 = vector.broadcast %and3A_549 : i32 to vector<16xi32>
      %and3A_551 = arith.andi %add3A_548, %and3A_550 : vector<16xi32>
      %add3A_552 = arith.constant 96 : i32
      %add3A_553 = arith.addi %mul3A_439, %add3A_552 : i32
      %get3A_554 = arith.index_cast %add3A_553 : i32 to index
      %get3A_555 = tpu.vector_load %arg6[%get3A_554] {strides = array<i32>} : memref<8192xi32, #tpu.memory_space<vmem>>, vector<16xi32>,
      %get3A_556 = arith.index_cast %add3A_553 : i32 to index
      %get3A_557 = tpu.vector_load %arg8[%get3A_556] {strides = array<i32>} : memref<8192xi32, #tpu.memory_space<vmem>>, vector<16xi32>,
      %add3A_558 = arith.constant 0 : i32
      %add3A_559 = arith.addi %add3A_558, %mul3A_439 : i32
      %add3A_560 = arith.constant 96 : i32
      %add3A_561 = arith.addi %add3A_559, %add3A_560 : i32
      %mul3A_562 = arith.constant 63 : i32
      %mul3A_563 = arith.muli %add3A_561, %mul3A_562 : i32
      %and3A_564 = arith.constant 16383 : i32
      %and3A_565 = arith.andi %mul3A_563, %and3A_564 : i32
      %add3A_566 = vector.broadcast %and3A_565 : i32 to vector<16xi32>
      %add3A_567 = arith.addi %mul3A_7, %add3A_566 : vector<16xi32>
      %and3A_568 = arith.constant 16383 : i32
      %and3A_569 = vector.broadcast %and3A_568 : i32 to vector<16xi32>
      %and3A_570 = arith.andi %add3A_567, %and3A_569 : vector<16xi32>
      %add3A_571 = arith.constant 112 : i32
      %add3A_572 = arith.addi %mul3A_439, %add3A_571 : i32
      %get3A_573 = arith.index_cast %add3A_572 : i32 to index
      %get3A_574 = tpu.vector_load %arg6[%get3A_573] {strides = array<i32>} : memref<8192xi32, #tpu.memory_space<vmem>>, vector<16xi32>,
      %get3A_575 = arith.index_cast %add3A_572 : i32 to index
      %get3A_576 = tpu.vector_load %arg8[%get3A_575] {strides = array<i32>} : memref<8192xi32, #tpu.memory_space<vmem>>, vector<16xi32>,
      %add3A_577 = arith.constant 0 : i32
      %add3A_578 = arith.addi %add3A_577, %mul3A_439 : i32
      %add3A_579 = arith.constant 112 : i32
      %add3A_580 = arith.addi %add3A_578, %add3A_579 : i32
      %mul3A_581 = arith.constant 63 : i32
      %mul3A_582 = arith.muli %add3A_580, %mul3A_581 : i32
      %and3A_583 = arith.constant 16383 : i32
      %and3A_584 = arith.andi %mul3A_582, %and3A_583 : i32
      %add3A_585 = vector.broadcast %and3A_584 : i32 to vector<16xi32>
      %add3A_586 = arith.addi %mul3A_7, %add3A_585 : vector<16xi32>
      %and3A_587 = arith.constant 16383 : i32
      %and3A_588 = vector.broadcast %and3A_587 : i32 to vector<16xi32>
      %and3A_589 = arith.andi %add3A_586, %and3A_588 : vector<16xi32>
      %add3A_590 = arith.constant 128 : i32
      %add3A_591 = arith.addi %mul3A_439, %add3A_590 : i32
      %get3A_592 = arith.index_cast %add3A_591 : i32 to index
      %get3A_593 = tpu.vector_load %arg6[%get3A_592] {strides = array<i32>} : memref<8192xi32, #tpu.memory_space<vmem>>, vector<16xi32>,
      %get3A_594 = arith.index_cast %add3A_591 : i32 to index
      %get3A_595 = tpu.vector_load %arg8[%get3A_594] {strides = array<i32>} : memref<8192xi32, #tpu.memory_space<vmem>>, vector<16xi32>,
      %add3A_596 = arith.constant 0 : i32
      %add3A_597 = arith.addi %add3A_596, %mul3A_439 : i32
      %add3A_598 = arith.constant 128 : i32
      %add3A_599 = arith.addi %add3A_597, %add3A_598 : i32
      %mul3A_600 = arith.constant 63 : i32
      %mul3A_601 = arith.muli %add3A_599, %mul3A_600 : i32
      %and3A_602 = arith.constant 16383 : i32
      %and3A_603 = arith.andi %mul3A_601, %and3A_602 : i32
      %add3A_604 = vector.broadcast %and3A_603 : i32 to vector<16xi32>
      %add3A_605 = arith.addi %mul3A_7, %add3A_604 : vector<16xi32>
      %and3A_606 = arith.constant 16383 : i32
      %and3A_607 = vector.broadcast %and3A_606 : i32 to vector<16xi32>
      %and3A_608 = arith.andi %add3A_605, %and3A_607 : vector<16xi32>
      %add3A_609 = arith.constant 144 : i32
      %add3A_610 = arith.addi %mul3A_439, %add3A_609 : i32
      %get3A_611 = arith.index_cast %add3A_610 : i32 to index
      %get3A_612 = tpu.vector_load %arg6[%get3A_611] {strides = array<i32>} : memref<8192xi32, #tpu.memory_space<vmem>>, vector<16xi32>,
      %get3A_613 = arith.index_cast %add3A_610 : i32 to index
      %get3A_614 = tpu.vector_load %arg8[%get3A_613] {strides = array<i32>} : memref<8192xi32, #tpu.memory_space<vmem>>, vector<16xi32>,
      %add3A_615 = arith.constant 0 : i32
      %add3A_616 = arith.addi %add3A_615, %mul3A_439 : i32
      %add3A_617 = arith.constant 144 : i32
      %add3A_618 = arith.addi %add3A_616, %add3A_617 : i32
      %mul3A_619 = arith.constant 63 : i32
      %mul3A_620 = arith.muli %add3A_618, %mul3A_619 : i32
      %and3A_621 = arith.constant 16383 : i32
      %and3A_622 = arith.andi %mul3A_620, %and3A_621 : i32
      %add3A_623 = vector.broadcast %and3A_622 : i32 to vector<16xi32>
      %add3A_624 = arith.addi %mul3A_7, %add3A_623 : vector<16xi32>
      %and3A_625 = arith.constant 16383 : i32
      %and3A_626 = vector.broadcast %and3A_625 : i32 to vector<16xi32>
      %and3A_627 = arith.andi %add3A_624, %and3A_626 : vector<16xi32>
      %add3A_628 = arith.constant 160 : i32
      %add3A_629 = arith.addi %mul3A_439, %add3A_628 : i32
      %get3A_630 = arith.index_cast %add3A_629 : i32 to index
      %get3A_631 = tpu.vector_load %arg6[%get3A_630] {strides = array<i32>} : memref<8192xi32, #tpu.memory_space<vmem>>, vector<16xi32>,
      %get3A_632 = arith.index_cast %add3A_629 : i32 to index
      %get3A_633 = tpu.vector_load %arg8[%get3A_632] {strides = array<i32>} : memref<8192xi32, #tpu.memory_space<vmem>>, vector<16xi32>,
      %add3A_634 = arith.constant 0 : i32
      %add3A_635 = arith.addi %add3A_634, %mul3A_439 : i32
      %add3A_636 = arith.constant 160 : i32
      %add3A_637 = arith.addi %add3A_635, %add3A_636 : i32
      %mul3A_638 = arith.constant 63 : i32
      %mul3A_639 = arith.muli %add3A_637, %mul3A_638 : i32
      %and3A_640 = arith.constant 16383 : i32
      %and3A_641 = arith.andi %mul3A_639, %and3A_640 : i32
      %add3A_642 = vector.broadcast %and3A_641 : i32 to vector<16xi32>
      %add3A_643 = arith.addi %mul3A_7, %add3A_642 : vector<16xi32>
      %and3A_644 = arith.constant 16383 : i32
      %and3A_645 = vector.broadcast %and3A_644 : i32 to vector<16xi32>
      %and3A_646 = arith.andi %add3A_643, %and3A_645 : vector<16xi32>
      %add3A_647 = arith.constant 176 : i32
      %add3A_648 = arith.addi %mul3A_439, %add3A_647 : i32
      %get3A_649 = arith.index_cast %add3A_648 : i32 to index
      %get3A_650 = tpu.vector_load %arg6[%get3A_649] {strides = array<i32>} : memref<8192xi32, #tpu.memory_space<vmem>>, vector<16xi32>,
      %get3A_651 = arith.index_cast %add3A_648 : i32 to index
      %get3A_652 = tpu.vector_load %arg8[%get3A_651] {strides = array<i32>} : memref<8192xi32, #tpu.memory_space<vmem>>, vector<16xi32>,
      %add3A_653 = arith.constant 0 : i32
      %add3A_654 = arith.addi %add3A_653, %mul3A_439 : i32
      %add3A_655 = arith.constant 176 : i32
      %add3A_656 = arith.addi %add3A_654, %add3A_655 : i32
      %mul3A_657 = arith.constant 63 : i32
      %mul3A_658 = arith.muli %add3A_656, %mul3A_657 : i32
      %and3A_659 = arith.constant 16383 : i32
      %and3A_660 = arith.andi %mul3A_658, %and3A_659 : i32
      %add3A_661 = vector.broadcast %and3A_660 : i32 to vector<16xi32>
      %add3A_662 = arith.addi %mul3A_7, %add3A_661 : vector<16xi32>
      %and3A_663 = arith.constant 16383 : i32
      %and3A_664 = vector.broadcast %and3A_663 : i32 to vector<16xi32>
      %and3A_665 = arith.andi %add3A_662, %and3A_664 : vector<16xi32>
      %add3A_666 = arith.constant 192 : i32
      %add3A_667 = arith.addi %mul3A_439, %add3A_666 : i32
      %get3A_668 = arith.index_cast %add3A_667 : i32 to index
      %get3A_669 = tpu.vector_load %arg6[%get3A_668] {strides = array<i32>} : memref<8192xi32, #tpu.memory_space<vmem>>, vector<16xi32>,
      %get3A_670 = arith.index_cast %add3A_667 : i32 to index
      %get3A_671 = tpu.vector_load %arg8[%get3A_670] {strides = array<i32>} : memref<8192xi32, #tpu.memory_space<vmem>>, vector<16xi32>,
      %add3A_672 = arith.constant 0 : i32
      %add3A_673 = arith.addi %add3A_672, %mul3A_439 : i32
      %add3A_674 = arith.constant 192 : i32
      %add3A_675 = arith.addi %add3A_673, %add3A_674 : i32
      %mul3A_676 = arith.constant 63 : i32
      %mul3A_677 = arith.muli %add3A_675, %mul3A_676 : i32
      %and3A_678 = arith.constant 16383 : i32
      %and3A_679 = arith.andi %mul3A_677, %and3A_678 : i32
      %add3A_680 = vector.broadcast %and3A_679 : i32 to vector<16xi32>
      %add3A_681 = arith.addi %mul3A_7, %add3A_680 : vector<16xi32>
      %and3A_682 = arith.constant 16383 : i32
      %and3A_683 = vector.broadcast %and3A_682 : i32 to vector<16xi32>
      %and3A_684 = arith.andi %add3A_681, %and3A_683 : vector<16xi32>
      %add3A_685 = arith.constant 208 : i32
      %add3A_686 = arith.addi %mul3A_439, %add3A_685 : i32
      %get3A_687 = arith.index_cast %add3A_686 : i32 to index
      %get3A_688 = tpu.vector_load %arg6[%get3A_687] {strides = array<i32>} : memref<8192xi32, #tpu.memory_space<vmem>>, vector<16xi32>,
      %get3A_689 = arith.index_cast %add3A_686 : i32 to index
      %get3A_690 = tpu.vector_load %arg8[%get3A_689] {strides = array<i32>} : memref<8192xi32, #tpu.memory_space<vmem>>, vector<16xi32>,
      %add3A_691 = arith.constant 0 : i32
      %add3A_692 = arith.addi %add3A_691, %mul3A_439 : i32
      %add3A_693 = arith.constant 208 : i32
      %add3A_694 = arith.addi %add3A_692, %add3A_693 : i32
      %mul3A_695 = arith.constant 63 : i32
      %mul3A_696 = arith.muli %add3A_694, %mul3A_695 : i32
      %and3A_697 = arith.constant 16383 : i32
      %and3A_698 = arith.andi %mul3A_696, %and3A_697 : i32
      %add3A_699 = vector.broadcast %and3A_698 : i32 to vector<16xi32>
      %add3A_700 = arith.addi %mul3A_7, %add3A_699 : vector<16xi32>
      %and3A_701 = arith.constant 16383 : i32
      %and3A_702 = vector.broadcast %and3A_701 : i32 to vector<16xi32>
      %and3A_703 = arith.andi %add3A_700, %and3A_702 : vector<16xi32>
      %add3A_704 = arith.constant 224 : i32
      %add3A_705 = arith.addi %mul3A_439, %add3A_704 : i32
      %get3A_706 = arith.index_cast %add3A_705 : i32 to index
      %get3A_707 = tpu.vector_load %arg6[%get3A_706] {strides = array<i32>} : memref<8192xi32, #tpu.memory_space<vmem>>, vector<16xi32>,
      %get3A_708 = arith.index_cast %add3A_705 : i32 to index
      %get3A_709 = tpu.vector_load %arg8[%get3A_708] {strides = array<i32>} : memref<8192xi32, #tpu.memory_space<vmem>>, vector<16xi32>,
      %add3A_710 = arith.constant 0 : i32
      %add3A_711 = arith.addi %add3A_710, %mul3A_439 : i32
      %add3A_712 = arith.constant 224 : i32
      %add3A_713 = arith.addi %add3A_711, %add3A_712 : i32
      %mul3A_714 = arith.constant 63 : i32
      %mul3A_715 = arith.muli %add3A_713, %mul3A_714 : i32
      %and3A_716 = arith.constant 16383 : i32
      %and3A_717 = arith.andi %mul3A_715, %and3A_716 : i32
      %add3A_718 = vector.broadcast %and3A_717 : i32 to vector<16xi32>
      %add3A_719 = arith.addi %mul3A_7, %add3A_718 : vector<16xi32>
      %and3A_720 = arith.constant 16383 : i32
      %and3A_721 = vector.broadcast %and3A_720 : i32 to vector<16xi32>
      %and3A_722 = arith.andi %add3A_719, %and3A_721 : vector<16xi32>
      %add3A_723 = arith.constant 240 : i32
      %add3A_724 = arith.addi %mul3A_439, %add3A_723 : i32
      %get3A_725 = arith.index_cast %add3A_724 : i32 to index
      %get3A_726 = tpu.vector_load %arg6[%get3A_725] {strides = array<i32>} : memref<8192xi32, #tpu.memory_space<vmem>>, vector<16xi32>,
      %get3A_727 = arith.index_cast %add3A_724 : i32 to index
      %get3A_728 = tpu.vector_load %arg8[%get3A_727] {strides = array<i32>} : memref<8192xi32, #tpu.memory_space<vmem>>, vector<16xi32>,
      %add3A_729 = arith.constant 0 : i32
      %add3A_730 = arith.addi %add3A_729, %mul3A_439 : i32
      %add3A_731 = arith.constant 240 : i32
      %add3A_732 = arith.addi %add3A_730, %add3A_731 : i32
      %mul3A_733 = arith.constant 63 : i32
      %mul3A_734 = arith.muli %add3A_732, %mul3A_733 : i32
      %and3A_735 = arith.constant 16383 : i32
      %and3A_736 = arith.andi %mul3A_734, %and3A_735 : i32
      %add3A_737 = vector.broadcast %and3A_736 : i32 to vector<16xi32>
      %add3A_738 = arith.addi %mul3A_7, %add3A_737 : vector<16xi32>
      %and3A_739 = arith.constant 16383 : i32
      %and3A_740 = vector.broadcast %and3A_739 : i32 to vector<16xi32>
      %and3A_741 = arith.andi %add3A_738, %and3A_740 : vector<16xi32>
      %gather3A = tpu.vector_load_idx %arg14[%get3A_442] : memref<128xf32, #tpu.memory_space<vmem>>[vector<16xi32>], vector<16xf32>,
      %gather3A_742 = tpu.vector_load_idx %arg14[%get3A_460] : memref<128xf32, #tpu.memory_space<vmem>>[vector<16xi32>], vector<16xf32>,
      %gather3A_743 = tpu.vector_load_idx %arg14[%get3A_479] : memref<128xf32, #tpu.memory_space<vmem>>[vector<16xi32>], vector<16xf32>,
      %gather3A_744 = tpu.vector_load_idx %arg14[%get3A_498] : memref<128xf32, #tpu.memory_space<vmem>>[vector<16xi32>], vector<16xf32>,
      %gather3A_745 = tpu.vector_load_idx %arg14[%get3A_517] : memref<128xf32, #tpu.memory_space<vmem>>[vector<16xi32>], vector<16xf32>,
      %gather3A_746 = tpu.vector_load_idx %arg14[%get3A_536] : memref<128xf32, #tpu.memory_space<vmem>>[vector<16xi32>], vector<16xf32>,
      %gather3A_747 = tpu.vector_load_idx %arg14[%get3A_555] : memref<128xf32, #tpu.memory_space<vmem>>[vector<16xi32>], vector<16xf32>,
      %gather3A_748 = tpu.vector_load_idx %arg14[%get3A_574] : memref<128xf32, #tpu.memory_space<vmem>>[vector<16xi32>], vector<16xf32>,
      %gather3A_749 = tpu.vector_load_idx %arg14[%get3A_593] : memref<128xf32, #tpu.memory_space<vmem>>[vector<16xi32>], vector<16xf32>,
      %gather3A_750 = tpu.vector_load_idx %arg14[%get3A_612] : memref<128xf32, #tpu.memory_space<vmem>>[vector<16xi32>], vector<16xf32>,
      %gather3A_751 = tpu.vector_load_idx %arg14[%get3A_631] : memref<128xf32, #tpu.memory_space<vmem>>[vector<16xi32>], vector<16xf32>,
      %gather3A_752 = tpu.vector_load_idx %arg14[%get3A_650] : memref<128xf32, #tpu.memory_space<vmem>>[vector<16xi32>], vector<16xf32>,
      %gather3A_753 = tpu.vector_load_idx %arg14[%get3A_669] : memref<128xf32, #tpu.memory_space<vmem>>[vector<16xi32>], vector<16xf32>,
      %gather3A_754 = tpu.vector_load_idx %arg14[%get3A_688] : memref<128xf32, #tpu.memory_space<vmem>>[vector<16xi32>], vector<16xf32>,
      %gather3A_755 = tpu.vector_load_idx %arg14[%get3A_707] : memref<128xf32, #tpu.memory_space<vmem>>[vector<16xi32>], vector<16xf32>,
      %gather3A_756 = tpu.vector_load_idx %arg14[%get3A_726] : memref<128xf32, #tpu.memory_space<vmem>>[vector<16xi32>], vector<16xf32>,
      tpu.vector_store_idx %arg13[%and3A_456], %gather3A : memref<16384xf32, #tpu.memory_space<vmem>>[vector<16xi32>], vector<16xf32>,
      tpu.vector_store_idx %arg11[%and3A_456], %get3A_444 : memref<16384xi32, #tpu.memory_space<vmem>>[vector<16xi32>], vector<16xi32>,
      tpu.vector_store_idx %arg13[%and3A_475], %gather3A_742 : memref<16384xf32, #tpu.memory_space<vmem>>[vector<16xi32>], vector<16xf32>,
      tpu.vector_store_idx %arg11[%and3A_475], %get3A_462 : memref<16384xi32, #tpu.memory_space<vmem>>[vector<16xi32>], vector<16xi32>,
      tpu.vector_store_idx %arg13[%and3A_494], %gather3A_743 : memref<16384xf32, #tpu.memory_space<vmem>>[vector<16xi32>], vector<16xf32>,
      tpu.vector_store_idx %arg11[%and3A_494], %get3A_481 : memref<16384xi32, #tpu.memory_space<vmem>>[vector<16xi32>], vector<16xi32>,
      tpu.vector_store_idx %arg13[%and3A_513], %gather3A_744 : memref<16384xf32, #tpu.memory_space<vmem>>[vector<16xi32>], vector<16xf32>,
      tpu.vector_store_idx %arg11[%and3A_513], %get3A_500 : memref<16384xi32, #tpu.memory_space<vmem>>[vector<16xi32>], vector<16xi32>,
      tpu.vector_store_idx %arg13[%and3A_532], %gather3A_745 : memref<16384xf32, #tpu.memory_space<vmem>>[vector<16xi32>], vector<16xf32>,
      tpu.vector_store_idx %arg11[%and3A_532], %get3A_519 : memref<16384xi32, #tpu.memory_space<vmem>>[vector<16xi32>], vector<16xi32>,
      tpu.vector_store_idx %arg13[%and3A_551], %gather3A_746 : memref<16384xf32, #tpu.memory_space<vmem>>[vector<16xi32>], vector<16xf32>,
      tpu.vector_store_idx %arg11[%and3A_551], %get3A_538 : memref<16384xi32, #tpu.memory_space<vmem>>[vector<16xi32>], vector<16xi32>,
      tpu.vector_store_idx %arg13[%and3A_570], %gather3A_747 : memref<16384xf32, #tpu.memory_space<vmem>>[vector<16xi32>], vector<16xf32>,
      tpu.vector_store_idx %arg11[%and3A_570], %get3A_557 : memref<16384xi32, #tpu.memory_space<vmem>>[vector<16xi32>], vector<16xi32>,
      tpu.vector_store_idx %arg13[%and3A_589], %gather3A_748 : memref<16384xf32, #tpu.memory_space<vmem>>[vector<16xi32>], vector<16xf32>,
      tpu.vector_store_idx %arg11[%and3A_589], %get3A_576 : memref<16384xi32, #tpu.memory_space<vmem>>[vector<16xi32>], vector<16xi32>,
      tpu.vector_store_idx %arg13[%and3A_608], %gather3A_749 : memref<16384xf32, #tpu.memory_space<vmem>>[vector<16xi32>], vector<16xf32>,
      tpu.vector_store_idx %arg11[%and3A_608], %get3A_595 : memref<16384xi32, #tpu.memory_space<vmem>>[vector<16xi32>], vector<16xi32>,
      tpu.vector_store_idx %arg13[%and3A_627], %gather3A_750 : memref<16384xf32, #tpu.memory_space<vmem>>[vector<16xi32>], vector<16xf32>,
      tpu.vector_store_idx %arg11[%and3A_627], %get3A_614 : memref<16384xi32, #tpu.memory_space<vmem>>[vector<16xi32>], vector<16xi32>,
      tpu.vector_store_idx %arg13[%and3A_646], %gather3A_751 : memref<16384xf32, #tpu.memory_space<vmem>>[vector<16xi32>], vector<16xf32>,
      tpu.vector_store_idx %arg11[%and3A_646], %get3A_633 : memref<16384xi32, #tpu.memory_space<vmem>>[vector<16xi32>], vector<16xi32>,
      tpu.vector_store_idx %arg13[%and3A_665], %gather3A_752 : memref<16384xf32, #tpu.memory_space<vmem>>[vector<16xi32>], vector<16xf32>,
      tpu.vector_store_idx %arg11[%and3A_665], %get3A_652 : memref<16384xi32, #tpu.memory_space<vmem>>[vector<16xi32>], vector<16xi32>,
      tpu.vector_store_idx %arg13[%and3A_684], %gather3A_753 : memref<16384xf32, #tpu.memory_space<vmem>>[vector<16xi32>], vector<16xf32>,
      tpu.vector_store_idx %arg11[%and3A_684], %get3A_671 : memref<16384xi32, #tpu.memory_space<vmem>>[vector<16xi32>], vector<16xi32>,
      tpu.vector_store_idx %arg13[%and3A_703], %gather3A_754 : memref<16384xf32, #tpu.memory_space<vmem>>[vector<16xi32>], vector<16xf32>,
      tpu.vector_store_idx %arg11[%and3A_703], %get3A_690 : memref<16384xi32, #tpu.memory_space<vmem>>[vector<16xi32>], vector<16xi32>,
      tpu.vector_store_idx %arg13[%and3A_722], %gather3A_755 : memref<16384xf32, #tpu.memory_space<vmem>>[vector<16xi32>], vector<16xf32>,
      tpu.vector_store_idx %arg11[%and3A_722], %get3A_709 : memref<16384xi32, #tpu.memory_space<vmem>>[vector<16xi32>], vector<16xi32>,
      tpu.vector_store_idx %arg13[%and3A_741], %gather3A_756 : memref<16384xf32, #tpu.memory_space<vmem>>[vector<16xi32>], vector<16xf32>,
      tpu.vector_store_idx %arg11[%and3A_741], %get3A_728 : memref<16384xi32, #tpu.memory_space<vmem>>[vector<16xi32>], vector<16xi32>,
      %scan3A_757 = arith.constant 0 : i32
      scf.yield %scan3A_757 : i32
    }
    %scan3A_405 = arith.constant 32 : i32
    %dma_wait3A_406 = arith.constant 0 : i32
    %dma_wait3A_407 = tpu.memref_slice %arg2[%add3A_384, %dma_wait3A_406] : memref<256x8192xi32, #tpu.memory_space<hbm>> -> memref<1x8192xi32, #tpu.memory_space<hbm>>
    %dma_wait3A_408 = tpu.memref_squeeze %dma_wait3A_407 : memref<1x8192xi32, #tpu.memory_space<hbm>> -> memref<8192xi32, #tpu.memory_space<hbm>>
    %dma_wait3A_409 = arith.constant 0 : i32
    %dma_wait3A_410 = tpu.memref_slice %arg2[%add3A_384, %dma_wait3A_409] : memref<256x8192xi32, #tpu.memory_space<hbm>> -> memref<1x8192xi32, #tpu.memory_space<hbm>>
    %dma_wait3A_411 = tpu.memref_squeeze %dma_wait3A_410 : memref<1x8192xi32, #tpu.memory_space<hbm>> -> memref<8192xi32, #tpu.memory_space<hbm>>
    tpu.wait_dma2 semaphore(%arg17 : memref<!tpu.dma_semaphore, #tpu.memory_space<semaphore_mem>>) src(%dma_wait3A_411 : memref<8192xi32, #tpu.memory_space<hbm>>) dst(%arg7 : memref<8192xi32, #tpu.memory_space<vmem>>)
    %dma_wait3A_412 = arith.constant 0 : i32
    %dma_wait3A_413 = tpu.memref_slice %arg3[%add3A_392, %dma_wait3A_412] : memref<256x8192xi32, #tpu.memory_space<hbm>> -> memref<1x8192xi32, #tpu.memory_space<hbm>>
    %dma_wait3A_414 = tpu.memref_squeeze %dma_wait3A_413 : memref<1x8192xi32, #tpu.memory_space<hbm>> -> memref<8192xi32, #tpu.memory_space<hbm>>
    %dma_wait3A_415 = arith.constant 0 : i32
    %dma_wait3A_416 = tpu.memref_slice %arg3[%add3A_392, %dma_wait3A_415] : memref<256x8192xi32, #tpu.memory_space<hbm>> -> memref<1x8192xi32, #tpu.memory_space<hbm>>
    %dma_wait3A_417 = tpu.memref_squeeze %dma_wait3A_416 : memref<1x8192xi32, #tpu.memory_space<hbm>> -> memref<8192xi32, #tpu.memory_space<hbm>>
    tpu.wait_dma2 semaphore(%arg17 : memref<!tpu.dma_semaphore, #tpu.memory_space<semaphore_mem>>) src(%dma_wait3A_417 : memref<8192xi32, #tpu.memory_space<hbm>>) dst(%arg9 : memref<8192xi32, #tpu.memory_space<vmem>>)
    %scan3A_418 = arith.constant 0 : i32
    %scan3A_419 = arith.constant 0 : i32
    %scan3A_420 = arith.constant 32 : i32
    %scan3A_421 = arith.addi %scan3A_419, %scan3A_420 : i32
    %scan3A_422 = arith.constant 1 : i32
    %scan3A_423 = scf.for %scan3A_436 = %scan3A_419 to %scan3A_421 step %scan3A_422 iter_args(%scan3A_437 = %scan3A_418) -> (i32)  : i32 {
      %mul3A_438 = arith.constant 256 : i32
      %mul3A_439 = arith.muli %scan3A_436, %mul3A_438 : i32
      %add3A_440 = arith.constant 0 : i32
      %add3A_441 = arith.addi %mul3A_439, %add3A_440 : i32
      %get3A = arith.index_cast %add3A_441 : i32 to index
      %get3A_442 = tpu.vector_load %arg7[%get3A] {strides = array<i32>} : memref<8192xi32, #tpu.memory_space<vmem>>, vector<16xi32>,
      %get3A_443 = arith.index_cast %add3A_441 : i32 to index
      %get3A_444 = tpu.vector_load %arg9[%get3A_443] {strides = array<i32>} : memref<8192xi32, #tpu.memory_space<vmem>>, vector<16xi32>,
      %add3A_445 = arith.constant 8192 : i32
      %add3A_446 = arith.addi %add3A_445, %mul3A_439 : i32
      %add3A_447 = arith.constant 0 : i32
      %add3A_448 = arith.addi %add3A_446, %add3A_447 : i32
      %mul3A_449 = arith.constant 63 : i32
      %mul3A_450 = arith.muli %add3A_448, %mul3A_449 : i32
      %and3A = arith.constant 16383 : i32
      %and3A_451 = arith.andi %mul3A_450, %and3A : i32
      %add3A_452 = vector.broadcast %and3A_451 : i32 to vector<16xi32>
      %add3A_453 = arith.addi %mul3A_7, %add3A_452 : vector<16xi32>
      %and3A_454 = arith.constant 16383 : i32
      %and3A_455 = vector.broadcast %and3A_454 : i32 to vector<16xi32>
      %and3A_456 = arith.andi %add3A_453, %and3A_455 : vector<16xi32>
      %add3A_457 = arith.constant 16 : i32
      %add3A_458 = arith.addi %mul3A_439, %add3A_457 : i32
      %get3A_459 = arith.index_cast %add3A_458 : i32 to index
      %get3A_460 = tpu.vector_load %arg7[%get3A_459] {strides = array<i32>} : memref<8192xi32, #tpu.memory_space<vmem>>, vector<16xi32>,
      %get3A_461 = arith.index_cast %add3A_458 : i32 to index
      %get3A_462 = tpu.vector_load %arg9[%get3A_461] {strides = array<i32>} : memref<8192xi32, #tpu.memory_space<vmem>>, vector<16xi32>,
      %add3A_463 = arith.constant 8192 : i32
      %add3A_464 = arith.addi %add3A_463, %mul3A_439 : i32
      %add3A_465 = arith.constant 16 : i32
      %add3A_466 = arith.addi %add3A_464, %add3A_465 : i32
      %mul3A_467 = arith.constant 63 : i32
      %mul3A_468 = arith.muli %add3A_466, %mul3A_467 : i32
      %and3A_469 = arith.constant 16383 : i32
      %and3A_470 = arith.andi %mul3A_468, %and3A_469 : i32
      %add3A_471 = vector.broadcast %and3A_470 : i32 to vector<16xi32>
      %add3A_472 = arith.addi %mul3A_7, %add3A_471 : vector<16xi32>
      %and3A_473 = arith.constant 16383 : i32
      %and3A_474 = vector.broadcast %and3A_473 : i32 to vector<16xi32>
      %and3A_475 = arith.andi %add3A_472, %and3A_474 : vector<16xi32>
      %add3A_476 = arith.constant 32 : i32
      %add3A_477 = arith.addi %mul3A_439, %add3A_476 : i32
      %get3A_478 = arith.index_cast %add3A_477 : i32 to index
      %get3A_479 = tpu.vector_load %arg7[%get3A_478] {strides = array<i32>} : memref<8192xi32, #tpu.memory_space<vmem>>, vector<16xi32>,
      %get3A_480 = arith.index_cast %add3A_477 : i32 to index
      %get3A_481 = tpu.vector_load %arg9[%get3A_480] {strides = array<i32>} : memref<8192xi32, #tpu.memory_space<vmem>>, vector<16xi32>,
      %add3A_482 = arith.constant 8192 : i32
      %add3A_483 = arith.addi %add3A_482, %mul3A_439 : i32
      %add3A_484 = arith.constant 32 : i32
      %add3A_485 = arith.addi %add3A_483, %add3A_484 : i32
      %mul3A_486 = arith.constant 63 : i32
      %mul3A_487 = arith.muli %add3A_485, %mul3A_486 : i32
      %and3A_488 = arith.constant 16383 : i32
      %and3A_489 = arith.andi %mul3A_487, %and3A_488 : i32
      %add3A_490 = vector.broadcast %and3A_489 : i32 to vector<16xi32>
      %add3A_491 = arith.addi %mul3A_7, %add3A_490 : vector<16xi32>
      %and3A_492 = arith.constant 16383 : i32
      %and3A_493 = vector.broadcast %and3A_492 : i32 to vector<16xi32>
      %and3A_494 = arith.andi %add3A_491, %and3A_493 : vector<16xi32>
      %add3A_495 = arith.constant 48 : i32
      %add3A_496 = arith.addi %mul3A_439, %add3A_495 : i32
      %get3A_497 = arith.index_cast %add3A_496 : i32 to index
      %get3A_498 = tpu.vector_load %arg7[%get3A_497] {strides = array<i32>} : memref<8192xi32, #tpu.memory_space<vmem>>, vector<16xi32>,
      %get3A_499 = arith.index_cast %add3A_496 : i32 to index
      %get3A_500 = tpu.vector_load %arg9[%get3A_499] {strides = array<i32>} : memref<8192xi32, #tpu.memory_space<vmem>>, vector<16xi32>,
      %add3A_501 = arith.constant 8192 : i32
      %add3A_502 = arith.addi %add3A_501, %mul3A_439 : i32
      %add3A_503 = arith.constant 48 : i32
      %add3A_504 = arith.addi %add3A_502, %add3A_503 : i32
      %mul3A_505 = arith.constant 63 : i32
      %mul3A_506 = arith.muli %add3A_504, %mul3A_505 : i32
      %and3A_507 = arith.constant 16383 : i32
      %and3A_508 = arith.andi %mul3A_506, %and3A_507 : i32
      %add3A_509 = vector.broadcast %and3A_508 : i32 to vector<16xi32>
      %add3A_510 = arith.addi %mul3A_7, %add3A_509 : vector<16xi32>
      %and3A_511 = arith.constant 16383 : i32
      %and3A_512 = vector.broadcast %and3A_511 : i32 to vector<16xi32>
      %and3A_513 = arith.andi %add3A_510, %and3A_512 : vector<16xi32>
      %add3A_514 = arith.constant 64 : i32
      %add3A_515 = arith.addi %mul3A_439, %add3A_514 : i32
      %get3A_516 = arith.index_cast %add3A_515 : i32 to index
      %get3A_517 = tpu.vector_load %arg7[%get3A_516] {strides = array<i32>} : memref<8192xi32, #tpu.memory_space<vmem>>, vector<16xi32>,
      %get3A_518 = arith.index_cast %add3A_515 : i32 to index
      %get3A_519 = tpu.vector_load %arg9[%get3A_518] {strides = array<i32>} : memref<8192xi32, #tpu.memory_space<vmem>>, vector<16xi32>,
      %add3A_520 = arith.constant 8192 : i32
      %add3A_521 = arith.addi %add3A_520, %mul3A_439 : i32
      %add3A_522 = arith.constant 64 : i32
      %add3A_523 = arith.addi %add3A_521, %add3A_522 : i32
      %mul3A_524 = arith.constant 63 : i32
      %mul3A_525 = arith.muli %add3A_523, %mul3A_524 : i32
      %and3A_526 = arith.constant 16383 : i32
      %and3A_527 = arith.andi %mul3A_525, %and3A_526 : i32
      %add3A_528 = vector.broadcast %and3A_527 : i32 to vector<16xi32>
      %add3A_529 = arith.addi %mul3A_7, %add3A_528 : vector<16xi32>
      %and3A_530 = arith.constant 16383 : i32
      %and3A_531 = vector.broadcast %and3A_530 : i32 to vector<16xi32>
      %and3A_532 = arith.andi %add3A_529, %and3A_531 : vector<16xi32>
      %add3A_533 = arith.constant 80 : i32
      %add3A_534 = arith.addi %mul3A_439, %add3A_533 : i32
      %get3A_535 = arith.index_cast %add3A_534 : i32 to index
      %get3A_536 = tpu.vector_load %arg7[%get3A_535] {strides = array<i32>} : memref<8192xi32, #tpu.memory_space<vmem>>, vector<16xi32>,
      %get3A_537 = arith.index_cast %add3A_534 : i32 to index
      %get3A_538 = tpu.vector_load %arg9[%get3A_537] {strides = array<i32>} : memref<8192xi32, #tpu.memory_space<vmem>>, vector<16xi32>,
      %add3A_539 = arith.constant 8192 : i32
      %add3A_540 = arith.addi %add3A_539, %mul3A_439 : i32
      %add3A_541 = arith.constant 80 : i32
      %add3A_542 = arith.addi %add3A_540, %add3A_541 : i32
      %mul3A_543 = arith.constant 63 : i32
      %mul3A_544 = arith.muli %add3A_542, %mul3A_543 : i32
      %and3A_545 = arith.constant 16383 : i32
      %and3A_546 = arith.andi %mul3A_544, %and3A_545 : i32
      %add3A_547 = vector.broadcast %and3A_546 : i32 to vector<16xi32>
      %add3A_548 = arith.addi %mul3A_7, %add3A_547 : vector<16xi32>
      %and3A_549 = arith.constant 16383 : i32
      %and3A_550 = vector.broadcast %and3A_549 : i32 to vector<16xi32>
      %and3A_551 = arith.andi %add3A_548, %and3A_550 : vector<16xi32>
      %add3A_552 = arith.constant 96 : i32
      %add3A_553 = arith.addi %mul3A_439, %add3A_552 : i32
      %get3A_554 = arith.index_cast %add3A_553 : i32 to index
      %get3A_555 = tpu.vector_load %arg7[%get3A_554] {strides = array<i32>} : memref<8192xi32, #tpu.memory_space<vmem>>, vector<16xi32>,
      %get3A_556 = arith.index_cast %add3A_553 : i32 to index
      %get3A_557 = tpu.vector_load %arg9[%get3A_556] {strides = array<i32>} : memref<8192xi32, #tpu.memory_space<vmem>>, vector<16xi32>,
      %add3A_558 = arith.constant 8192 : i32
      %add3A_559 = arith.addi %add3A_558, %mul3A_439 : i32
      %add3A_560 = arith.constant 96 : i32
      %add3A_561 = arith.addi %add3A_559, %add3A_560 : i32
      %mul3A_562 = arith.constant 63 : i32
      %mul3A_563 = arith.muli %add3A_561, %mul3A_562 : i32
      %and3A_564 = arith.constant 16383 : i32
      %and3A_565 = arith.andi %mul3A_563, %and3A_564 : i32
      %add3A_566 = vector.broadcast %and3A_565 : i32 to vector<16xi32>
      %add3A_567 = arith.addi %mul3A_7, %add3A_566 : vector<16xi32>
      %and3A_568 = arith.constant 16383 : i32
      %and3A_569 = vector.broadcast %and3A_568 : i32 to vector<16xi32>
      %and3A_570 = arith.andi %add3A_567, %and3A_569 : vector<16xi32>
      %add3A_571 = arith.constant 112 : i32
      %add3A_572 = arith.addi %mul3A_439, %add3A_571 : i32
      %get3A_573 = arith.index_cast %add3A_572 : i32 to index
      %get3A_574 = tpu.vector_load %arg7[%get3A_573] {strides = array<i32>} : memref<8192xi32, #tpu.memory_space<vmem>>, vector<16xi32>,
      %get3A_575 = arith.index_cast %add3A_572 : i32 to index
      %get3A_576 = tpu.vector_load %arg9[%get3A_575] {strides = array<i32>} : memref<8192xi32, #tpu.memory_space<vmem>>, vector<16xi32>,
      %add3A_577 = arith.constant 8192 : i32
      %add3A_578 = arith.addi %add3A_577, %mul3A_439 : i32
      %add3A_579 = arith.constant 112 : i32
      %add3A_580 = arith.addi %add3A_578, %add3A_579 : i32
      %mul3A_581 = arith.constant 63 : i32
      %mul3A_582 = arith.muli %add3A_580, %mul3A_581 : i32
      %and3A_583 = arith.constant 16383 : i32
      %and3A_584 = arith.andi %mul3A_582, %and3A_583 : i32
      %add3A_585 = vector.broadcast %and3A_584 : i32 to vector<16xi32>
      %add3A_586 = arith.addi %mul3A_7, %add3A_585 : vector<16xi32>
      %and3A_587 = arith.constant 16383 : i32
      %and3A_588 = vector.broadcast %and3A_587 : i32 to vector<16xi32>
      %and3A_589 = arith.andi %add3A_586, %and3A_588 : vector<16xi32>
      %add3A_590 = arith.constant 128 : i32
      %add3A_591 = arith.addi %mul3A_439, %add3A_590 : i32
      %get3A_592 = arith.index_cast %add3A_591 : i32 to index
      %get3A_593 = tpu.vector_load %arg7[%get3A_592] {strides = array<i32>} : memref<8192xi32, #tpu.memory_space<vmem>>, vector<16xi32>,
      %get3A_594 = arith.index_cast %add3A_591 : i32 to index
      %get3A_595 = tpu.vector_load %arg9[%get3A_594] {strides = array<i32>} : memref<8192xi32, #tpu.memory_space<vmem>>, vector<16xi32>,
      %add3A_596 = arith.constant 8192 : i32
      %add3A_597 = arith.addi %add3A_596, %mul3A_439 : i32
      %add3A_598 = arith.constant 128 : i32
      %add3A_599 = arith.addi %add3A_597, %add3A_598 : i32
      %mul3A_600 = arith.constant 63 : i32
      %mul3A_601 = arith.muli %add3A_599, %mul3A_600 : i32
      %and3A_602 = arith.constant 16383 : i32
      %and3A_603 = arith.andi %mul3A_601, %and3A_602 : i32
      %add3A_604 = vector.broadcast %and3A_603 : i32 to vector<16xi32>
      %add3A_605 = arith.addi %mul3A_7, %add3A_604 : vector<16xi32>
      %and3A_606 = arith.constant 16383 : i32
      %and3A_607 = vector.broadcast %and3A_606 : i32 to vector<16xi32>
      %and3A_608 = arith.andi %add3A_605, %and3A_607 : vector<16xi32>
      %add3A_609 = arith.constant 144 : i32
      %add3A_610 = arith.addi %mul3A_439, %add3A_609 : i32
      %get3A_611 = arith.index_cast %add3A_610 : i32 to index
      %get3A_612 = tpu.vector_load %arg7[%get3A_611] {strides = array<i32>} : memref<8192xi32, #tpu.memory_space<vmem>>, vector<16xi32>,
      %get3A_613 = arith.index_cast %add3A_610 : i32 to index
      %get3A_614 = tpu.vector_load %arg9[%get3A_613] {strides = array<i32>} : memref<8192xi32, #tpu.memory_space<vmem>>, vector<16xi32>,
      %add3A_615 = arith.constant 8192 : i32
      %add3A_616 = arith.addi %add3A_615, %mul3A_439 : i32
      %add3A_617 = arith.constant 144 : i32
      %add3A_618 = arith.addi %add3A_616, %add3A_617 : i32
      %mul3A_619 = arith.constant 63 : i32
      %mul3A_620 = arith.muli %add3A_618, %mul3A_619 : i32
      %and3A_621 = arith.constant 16383 : i32
      %and3A_622 = arith.andi %mul3A_620, %and3A_621 : i32
      %add3A_623 = vector.broadcast %and3A_622 : i32 to vector<16xi32>
      %add3A_624 = arith.addi %mul3A_7, %add3A_623 : vector<16xi32>
      %and3A_625 = arith.constant 16383 : i32
      %and3A_626 = vector.broadcast %and3A_625 : i32 to vector<16xi32>
      %and3A_627 = arith.andi %add3A_624, %and3A_626 : vector<16xi32>
      %add3A_628 = arith.constant 160 : i32
      %add3A_629 = arith.addi %mul3A_439, %add3A_628 : i32
      %get3A_630 = arith.index_cast %add3A_629 : i32 to index
      %get3A_631 = tpu.vector_load %arg7[%get3A_630] {strides = array<i32>} : memref<8192xi32, #tpu.memory_space<vmem>>, vector<16xi32>,
      %get3A_632 = arith.index_cast %add3A_629 : i32 to index
      %get3A_633 = tpu.vector_load %arg9[%get3A_632] {strides = array<i32>} : memref<8192xi32, #tpu.memory_space<vmem>>, vector<16xi32>,
      %add3A_634 = arith.constant 8192 : i32
      %add3A_635 = arith.addi %add3A_634, %mul3A_439 : i32
      %add3A_636 = arith.constant 160 : i32
      %add3A_637 = arith.addi %add3A_635, %add3A_636 : i32
      %mul3A_638 = arith.constant 63 : i32
      %mul3A_639 = arith.muli %add3A_637, %mul3A_638 : i32
      %and3A_640 = arith.constant 16383 : i32
      %and3A_641 = arith.andi %mul3A_639, %and3A_640 : i32
      %add3A_642 = vector.broadcast %and3A_641 : i32 to vector<16xi32>
      %add3A_643 = arith.addi %mul3A_7, %add3A_642 : vector<16xi32>
      %and3A_644 = arith.constant 16383 : i32
      %and3A_645 = vector.broadcast %and3A_644 : i32 to vector<16xi32>
      %and3A_646 = arith.andi %add3A_643, %and3A_645 : vector<16xi32>
      %add3A_647 = arith.constant 176 : i32
      %add3A_648 = arith.addi %mul3A_439, %add3A_647 : i32
      %get3A_649 = arith.index_cast %add3A_648 : i32 to index
      %get3A_650 = tpu.vector_load %arg7[%get3A_649] {strides = array<i32>} : memref<8192xi32, #tpu.memory_space<vmem>>, vector<16xi32>,
      %get3A_651 = arith.index_cast %add3A_648 : i32 to index
      %get3A_652 = tpu.vector_load %arg9[%get3A_651] {strides = array<i32>} : memref<8192xi32, #tpu.memory_space<vmem>>, vector<16xi32>,
      %add3A_653 = arith.constant 8192 : i32
      %add3A_654 = arith.addi %add3A_653, %mul3A_439 : i32
      %add3A_655 = arith.constant 176 : i32
      %add3A_656 = arith.addi %add3A_654, %add3A_655 : i32
      %mul3A_657 = arith.constant 63 : i32
      %mul3A_658 = arith.muli %add3A_656, %mul3A_657 : i32
      %and3A_659 = arith.constant 16383 : i32
      %and3A_660 = arith.andi %mul3A_658, %and3A_659 : i32
      %add3A_661 = vector.broadcast %and3A_660 : i32 to vector<16xi32>
      %add3A_662 = arith.addi %mul3A_7, %add3A_661 : vector<16xi32>
      %and3A_663 = arith.constant 16383 : i32
      %and3A_664 = vector.broadcast %and3A_663 : i32 to vector<16xi32>
      %and3A_665 = arith.andi %add3A_662, %and3A_664 : vector<16xi32>
      %add3A_666 = arith.constant 192 : i32
      %add3A_667 = arith.addi %mul3A_439, %add3A_666 : i32
      %get3A_668 = arith.index_cast %add3A_667 : i32 to index
      %get3A_669 = tpu.vector_load %arg7[%get3A_668] {strides = array<i32>} : memref<8192xi32, #tpu.memory_space<vmem>>, vector<16xi32>,
      %get3A_670 = arith.index_cast %add3A_667 : i32 to index
      %get3A_671 = tpu.vector_load %arg9[%get3A_670] {strides = array<i32>} : memref<8192xi32, #tpu.memory_space<vmem>>, vector<16xi32>,
      %add3A_672 = arith.constant 8192 : i32
      %add3A_673 = arith.addi %add3A_672, %mul3A_439 : i32
      %add3A_674 = arith.constant 192 : i32
      %add3A_675 = arith.addi %add3A_673, %add3A_674 : i32
      %mul3A_676 = arith.constant 63 : i32
      %mul3A_677 = arith.muli %add3A_675, %mul3A_676 : i32
      %and3A_678 = arith.constant 16383 : i32
      %and3A_679 = arith.andi %mul3A_677, %and3A_678 : i32
      %add3A_680 = vector.broadcast %and3A_679 : i32 to vector<16xi32>
      %add3A_681 = arith.addi %mul3A_7, %add3A_680 : vector<16xi32>
      %and3A_682 = arith.constant 16383 : i32
      %and3A_683 = vector.broadcast %and3A_682 : i32 to vector<16xi32>
      %and3A_684 = arith.andi %add3A_681, %and3A_683 : vector<16xi32>
      %add3A_685 = arith.constant 208 : i32
      %add3A_686 = arith.addi %mul3A_439, %add3A_685 : i32
      %get3A_687 = arith.index_cast %add3A_686 : i32 to index
      %get3A_688 = tpu.vector_load %arg7[%get3A_687] {strides = array<i32>} : memref<8192xi32, #tpu.memory_space<vmem>>, vector<16xi32>,
      %get3A_689 = arith.index_cast %add3A_686 : i32 to index
      %get3A_690 = tpu.vector_load %arg9[%get3A_689] {strides = array<i32>} : memref<8192xi32, #tpu.memory_space<vmem>>, vector<16xi32>,
      %add3A_691 = arith.constant 8192 : i32
      %add3A_692 = arith.addi %add3A_691, %mul3A_439 : i32
      %add3A_693 = arith.constant 208 : i32
      %add3A_694 = arith.addi %add3A_692, %add3A_693 : i32
      %mul3A_695 = arith.constant 63 : i32
      %mul3A_696 = arith.muli %add3A_694, %mul3A_695 : i32
      %and3A_697 = arith.constant 16383 : i32
      %and3A_698 = arith.andi %mul3A_696, %and3A_697 : i32
      %add3A_699 = vector.broadcast %and3A_698 : i32 to vector<16xi32>
      %add3A_700 = arith.addi %mul3A_7, %add3A_699 : vector<16xi32>
      %and3A_701 = arith.constant 16383 : i32
      %and3A_702 = vector.broadcast %and3A_701 : i32 to vector<16xi32>
      %and3A_703 = arith.andi %add3A_700, %and3A_702 : vector<16xi32>
      %add3A_704 = arith.constant 224 : i32
      %add3A_705 = arith.addi %mul3A_439, %add3A_704 : i32
      %get3A_706 = arith.index_cast %add3A_705 : i32 to index
      %get3A_707 = tpu.vector_load %arg7[%get3A_706] {strides = array<i32>} : memref<8192xi32, #tpu.memory_space<vmem>>, vector<16xi32>,
      %get3A_708 = arith.index_cast %add3A_705 : i32 to index
      %get3A_709 = tpu.vector_load %arg9[%get3A_708] {strides = array<i32>} : memref<8192xi32, #tpu.memory_space<vmem>>, vector<16xi32>,
      %add3A_710 = arith.constant 8192 : i32
      %add3A_711 = arith.addi %add3A_710, %mul3A_439 : i32
      %add3A_712 = arith.constant 224 : i32
      %add3A_713 = arith.addi %add3A_711, %add3A_712 : i32
      %mul3A_714 = arith.constant 63 : i32
      %mul3A_715 = arith.muli %add3A_713, %mul3A_714 : i32
      %and3A_716 = arith.constant 16383 : i32
      %and3A_717 = arith.andi %mul3A_715, %and3A_716 : i32
      %add3A_718 = vector.broadcast %and3A_717 : i32 to vector<16xi32>
      %add3A_719 = arith.addi %mul3A_7, %add3A_718 : vector<16xi32>
      %and3A_720 = arith.constant 16383 : i32
      %and3A_721 = vector.broadcast %and3A_720 : i32 to vector<16xi32>
      %and3A_722 = arith.andi %add3A_719, %and3A_721 : vector<16xi32>
      %add3A_723 = arith.constant 240 : i32
      %add3A_724 = arith.addi %mul3A_439, %add3A_723 : i32
      %get3A_725 = arith.index_cast %add3A_724 : i32 to index
      %get3A_726 = tpu.vector_load %arg7[%get3A_725] {strides = array<i32>} : memref<8192xi32, #tpu.memory_space<vmem>>, vector<16xi32>,
      %get3A_727 = arith.index_cast %add3A_724 : i32 to index
      %get3A_728 = tpu.vector_load %arg9[%get3A_727] {strides = array<i32>} : memref<8192xi32, #tpu.memory_space<vmem>>, vector<16xi32>,
      %add3A_729 = arith.constant 8192 : i32
      %add3A_730 = arith.addi %add3A_729, %mul3A_439 : i32
      %add3A_731 = arith.constant 240 : i32
      %add3A_732 = arith.addi %add3A_730, %add3A_731 : i32
      %mul3A_733 = arith.constant 63 : i32
      %mul3A_734 = arith.muli %add3A_732, %mul3A_733 : i32
      %and3A_735 = arith.constant 16383 : i32
      %and3A_736 = arith.andi %mul3A_734, %and3A_735 : i32
      %add3A_737 = vector.broadcast %and3A_736 : i32 to vector<16xi32>
      %add3A_738 = arith.addi %mul3A_7, %add3A_737 : vector<16xi32>
      %and3A_739 = arith.constant 16383 : i32
      %and3A_740 = vector.broadcast %and3A_739 : i32 to vector<16xi32>
      %and3A_741 = arith.andi %add3A_738, %and3A_740 : vector<16xi32>
      %gather3A = tpu.vector_load_idx %arg14[%get3A_442] : memref<128xf32, #tpu.memory_space<vmem>>[vector<16xi32>], vector<16xf32>,
      %gather3A_742 = tpu.vector_load_idx %arg14[%get3A_460] : memref<128xf32, #tpu.memory_space<vmem>>[vector<16xi32>], vector<16xf32>,
      %gather3A_743 = tpu.vector_load_idx %arg14[%get3A_479] : memref<128xf32, #tpu.memory_space<vmem>>[vector<16xi32>], vector<16xf32>,
      %gather3A_744 = tpu.vector_load_idx %arg14[%get3A_498] : memref<128xf32, #tpu.memory_space<vmem>>[vector<16xi32>], vector<16xf32>,
      %gather3A_745 = tpu.vector_load_idx %arg14[%get3A_517] : memref<128xf32, #tpu.memory_space<vmem>>[vector<16xi32>], vector<16xf32>,
      %gather3A_746 = tpu.vector_load_idx %arg14[%get3A_536] : memref<128xf32, #tpu.memory_space<vmem>>[vector<16xi32>], vector<16xf32>,
      %gather3A_747 = tpu.vector_load_idx %arg14[%get3A_555] : memref<128xf32, #tpu.memory_space<vmem>>[vector<16xi32>], vector<16xf32>,
      %gather3A_748 = tpu.vector_load_idx %arg14[%get3A_574] : memref<128xf32, #tpu.memory_space<vmem>>[vector<16xi32>], vector<16xf32>,
      %gather3A_749 = tpu.vector_load_idx %arg14[%get3A_593] : memref<128xf32, #tpu.memory_space<vmem>>[vector<16xi32>], vector<16xf32>,
      %gather3A_750 = tpu.vector_load_idx %arg14[%get3A_612] : memref<128xf32, #tpu.memory_space<vmem>>[vector<16xi32>], vector<16xf32>,
      %gather3A_751 = tpu.vector_load_idx %arg14[%get3A_631] : memref<128xf32, #tpu.memory_space<vmem>>[vector<16xi32>], vector<16xf32>,
      %gather3A_752 = tpu.vector_load_idx %arg14[%get3A_650] : memref<128xf32, #tpu.memory_space<vmem>>[vector<16xi32>], vector<16xf32>,
      %gather3A_753 = tpu.vector_load_idx %arg14[%get3A_669] : memref<128xf32, #tpu.memory_space<vmem>>[vector<16xi32>], vector<16xf32>,
      %gather3A_754 = tpu.vector_load_idx %arg14[%get3A_688] : memref<128xf32, #tpu.memory_space<vmem>>[vector<16xi32>], vector<16xf32>,
      %gather3A_755 = tpu.vector_load_idx %arg14[%get3A_707] : memref<128xf32, #tpu.memory_space<vmem>>[vector<16xi32>], vector<16xf32>,
      %gather3A_756 = tpu.vector_load_idx %arg14[%get3A_726] : memref<128xf32, #tpu.memory_space<vmem>>[vector<16xi32>], vector<16xf32>,
      tpu.vector_store_idx %arg13[%and3A_456], %gather3A : memref<16384xf32, #tpu.memory_space<vmem>>[vector<16xi32>], vector<16xf32>,
      tpu.vector_store_idx %arg11[%and3A_456], %get3A_444 : memref<16384xi32, #tpu.memory_space<vmem>>[vector<16xi32>], vector<16xi32>,
      tpu.vector_store_idx %arg13[%and3A_475], %gather3A_742 : memref<16384xf32, #tpu.memory_space<vmem>>[vector<16xi32>], vector<16xf32>,
      tpu.vector_store_idx %arg11[%and3A_475], %get3A_462 : memref<16384xi32, #tpu.memory_space<vmem>>[vector<16xi32>], vector<16xi32>,
      tpu.vector_store_idx %arg13[%and3A_494], %gather3A_743 : memref<16384xf32, #tpu.memory_space<vmem>>[vector<16xi32>], vector<16xf32>,
      tpu.vector_store_idx %arg11[%and3A_494], %get3A_481 : memref<16384xi32, #tpu.memory_space<vmem>>[vector<16xi32>], vector<16xi32>,
      tpu.vector_store_idx %arg13[%and3A_513], %gather3A_744 : memref<16384xf32, #tpu.memory_space<vmem>>[vector<16xi32>], vector<16xf32>,
      tpu.vector_store_idx %arg11[%and3A_513], %get3A_500 : memref<16384xi32, #tpu.memory_space<vmem>>[vector<16xi32>], vector<16xi32>,
      tpu.vector_store_idx %arg13[%and3A_532], %gather3A_745 : memref<16384xf32, #tpu.memory_space<vmem>>[vector<16xi32>], vector<16xf32>,
      tpu.vector_store_idx %arg11[%and3A_532], %get3A_519 : memref<16384xi32, #tpu.memory_space<vmem>>[vector<16xi32>], vector<16xi32>,
      tpu.vector_store_idx %arg13[%and3A_551], %gather3A_746 : memref<16384xf32, #tpu.memory_space<vmem>>[vector<16xi32>], vector<16xf32>,
      tpu.vector_store_idx %arg11[%and3A_551], %get3A_538 : memref<16384xi32, #tpu.memory_space<vmem>>[vector<16xi32>], vector<16xi32>,
      tpu.vector_store_idx %arg13[%and3A_570], %gather3A_747 : memref<16384xf32, #tpu.memory_space<vmem>>[vector<16xi32>], vector<16xf32>,
      tpu.vector_store_idx %arg11[%and3A_570], %get3A_557 : memref<16384xi32, #tpu.memory_space<vmem>>[vector<16xi32>], vector<16xi32>,
      tpu.vector_store_idx %arg13[%and3A_589], %gather3A_748 : memref<16384xf32, #tpu.memory_space<vmem>>[vector<16xi32>], vector<16xf32>,
      tpu.vector_store_idx %arg11[%and3A_589], %get3A_576 : memref<16384xi32, #tpu.memory_space<vmem>>[vector<16xi32>], vector<16xi32>,
      tpu.vector_store_idx %arg13[%and3A_608], %gather3A_749 : memref<16384xf32, #tpu.memory_space<vmem>>[vector<16xi32>], vector<16xf32>,
      tpu.vector_store_idx %arg11[%and3A_608], %get3A_595 : memref<16384xi32, #tpu.memory_space<vmem>>[vector<16xi32>], vector<16xi32>,
      tpu.vector_store_idx %arg13[%and3A_627], %gather3A_750 : memref<16384xf32, #tpu.memory_space<vmem>>[vector<16xi32>], vector<16xf32>,
      tpu.vector_store_idx %arg11[%and3A_627], %get3A_614 : memref<16384xi32, #tpu.memory_space<vmem>>[vector<16xi32>], vector<16xi32>,
      tpu.vector_store_idx %arg13[%and3A_646], %gather3A_751 : memref<16384xf32, #tpu.memory_space<vmem>>[vector<16xi32>], vector<16xf32>,
      tpu.vector_store_idx %arg11[%and3A_646], %get3A_633 : memref<16384xi32, #tpu.memory_space<vmem>>[vector<16xi32>], vector<16xi32>,
      tpu.vector_store_idx %arg13[%and3A_665], %gather3A_752 : memref<16384xf32, #tpu.memory_space<vmem>>[vector<16xi32>], vector<16xf32>,
      tpu.vector_store_idx %arg11[%and3A_665], %get3A_652 : memref<16384xi32, #tpu.memory_space<vmem>>[vector<16xi32>], vector<16xi32>,
      tpu.vector_store_idx %arg13[%and3A_684], %gather3A_753 : memref<16384xf32, #tpu.memory_space<vmem>>[vector<16xi32>], vector<16xf32>,
      tpu.vector_store_idx %arg11[%and3A_684], %get3A_671 : memref<16384xi32, #tpu.memory_space<vmem>>[vector<16xi32>], vector<16xi32>,
      tpu.vector_store_idx %arg13[%and3A_703], %gather3A_754 : memref<16384xf32, #tpu.memory_space<vmem>>[vector<16xi32>], vector<16xf32>,
      tpu.vector_store_idx %arg11[%and3A_703], %get3A_690 : memref<16384xi32, #tpu.memory_space<vmem>>[vector<16xi32>], vector<16xi32>,
      tpu.vector_store_idx %arg13[%and3A_722], %gather3A_755 : memref<16384xf32, #tpu.memory_space<vmem>>[vector<16xi32>], vector<16xf32>,
      tpu.vector_store_idx %arg11[%and3A_722], %get3A_709 : memref<16384xi32, #tpu.memory_space<vmem>>[vector<16xi32>], vector<16xi32>,
      tpu.vector_store_idx %arg13[%and3A_741], %gather3A_756 : memref<16384xf32, #tpu.memory_space<vmem>>[vector<16xi32>], vector<16xf32>,
      tpu.vector_store_idx %arg11[%and3A_741], %get3A_728 : memref<16384xi32, #tpu.memory_space<vmem>>[vector<16xi32>], vector<16xi32>,
      %scan3A_757 = arith.constant 0 : i32
      scf.yield %scan3A_757 : i32
    }
    %scan3A_424 = arith.constant 32 : i32
    %dma_start3A_425 = arith.constant 0 : i32
    %dma_start3A_426 = tpu.memref_slice %arg15[%dma_start3A_425] : memref<16384xf32, #tpu.memory_space<vmem_shared>> -> memref<16384xf32, #tpu.memory_space<vmem_shared>>
    tpu.enqueue_indirect_dma source(%arg13 : memref<16384xf32, #tpu.memory_space<vmem>>) target(%dma_start3A_426 : memref<16384xf32, #tpu.memory_space<vmem_shared>>) offsets(%arg11 : memref<16384xi32, #tpu.memory_space<vmem>>) semaphore(%arg19 : memref<!tpu.dma_semaphore, #tpu.memory_space<semaphore_mem>>) {add = true}
    %dma_wait3A_427 = arith.constant 0 : i32
    %dma_wait3A_428 = tpu.memref_slice %arg15[%dma_wait3A_427] : memref<16384xf32, #tpu.memory_space<vmem_shared>> -> memref<16384xf32, #tpu.memory_space<vmem_shared>>
    tpu.wait_indirect_dma semaphore(%arg18 : memref<!tpu.dma_semaphore, #tpu.memory_space<semaphore_mem>>) src(%arg12 : memref<16384xf32, #tpu.memory_space<vmem>>) dst(%dma_wait3A_428 : memref<16384xf32, #tpu.memory_space<vmem_shared>>)
    %dma_wait3A_429 = arith.constant 0 : i32
    %dma_wait3A_430 = tpu.memref_slice %arg15[%dma_wait3A_429] : memref<16384xf32, #tpu.memory_space<vmem_shared>> -> memref<16384xf32, #tpu.memory_space<vmem_shared>>
    tpu.wait_indirect_dma semaphore(%arg19 : memref<!tpu.dma_semaphore, #tpu.memory_space<semaphore_mem>>) src(%arg13 : memref<16384xf32, #tpu.memory_space<vmem>>) dst(%dma_wait3A_430 : memref<16384xf32, #tpu.memory_space<vmem_shared>>)
    %barrier3A_431 = arith.constant 0 : index
    tpu.barrier barrier_id(%barrier3A_431)
    %mul3A_432 = arith.constant 1024 : i32
    %mul3A_433 = arith.muli %arg1, %mul3A_432 : i32
    %mul3A_434 = arith.constant 1024 : i32
    %mul3A_435 = arith.muli %arg1, %mul3A_434 : i32
    "tpu.region"() ({
      %run_scoped3A = tpu.sem_alloc : memref<!tpu.dma_semaphore, #tpu.memory_space<semaphore_mem>>
      %dma_start3A_436 = tpu.memref_slice %arg5[%arg0, %mul3A_435] : memref<2x16384xf32, #tpu.memory_space<hbm>> -> memref<1x1024xf32, #tpu.memory_space<hbm>>
      %dma_start3A_437 = tpu.memref_squeeze %dma_start3A_436 : memref<1x1024xf32, #tpu.memory_space<hbm>> -> memref<1024xf32, #tpu.memory_space<hbm>>
      %dma_start3A_438 = tpu.memref_slice %arg15[%mul3A_433] : memref<16384xf32, #tpu.memory_space<vmem_shared>> -> memref<1024xf32, #tpu.memory_space<vmem_shared>>
      tpu.enqueue_dma source(%dma_start3A_438 : memref<1024xf32, #tpu.memory_space<vmem_shared>>) target(%dma_start3A_437 : memref<1024xf32, #tpu.memory_space<hbm>>) target_semaphore(%run_scoped3A : memref<!tpu.dma_semaphore, #tpu.memory_space<semaphore_mem>>)
      %dma_wait3A_439 = tpu.memref_slice %arg5[%arg0, %mul3A_435] : memref<2x16384xf32, #tpu.memory_space<hbm>> -> memref<1x1024xf32, #tpu.memory_space<hbm>>
      %dma_wait3A_440 = tpu.memref_squeeze %dma_wait3A_439 : memref<1x1024xf32, #tpu.memory_space<hbm>> -> memref<1024xf32, #tpu.memory_space<hbm>>
      %dma_wait3A_441 = tpu.memref_slice %arg15[%mul3A_433] : memref<16384xf32, #tpu.memory_space<vmem_shared>> -> memref<1024xf32, #tpu.memory_space<vmem_shared>>
      tpu.wait_dma2 semaphore(%run_scoped3A : memref<!tpu.dma_semaphore, #tpu.memory_space<semaphore_mem>>) src(%dma_wait3A_441 : memref<1024xf32, #tpu.memory_space<vmem_shared>>) dst(%dma_wait3A_440 : memref<1024xf32, #tpu.memory_space<hbm>>)
      tpu.yield
    }) : () -> ()
    return
  }
}

module attributes {stable_mosaic.version = 14 : i64} {
  func.func @_combine_body(%arg0: memref<1xf32, #tpu.memory_space<smem>>, %arg1: memref<128x128xf32, #tpu.memory_space<vmem>>, %arg2: memref<128x128xi32, #tpu.memory_space<vmem>>, %arg3: memref<2x128x128xf32, #tpu.memory_space<vmem>>, %arg4: memref<128x128xf32, #tpu.memory_space<vmem>>) attributes {dimension_semantics = [], scalar_prefetch = 0 : i64, scratch_operands = 0 : i64, tpu.core_type = #tpu.core_type<tc>} {
    %get3A = arith.constant 0 : index
    %get3A_0 = arith.constant 0 : index
    %get3A_1 = vector.load %arg1[%get3A, %get3A_0] : memref<128x128xf32, #tpu.memory_space<vmem>>, vector<128x128xf32>
    %get3A_2 = arith.constant 0 : index
    %get3A_3 = memref.load %arg0[%get3A_2] : memref<1xf32, #tpu.memory_space<smem>>
    %get3A_4 = arith.constant 0 : index
    %get3A_5 = arith.constant 0 : index
    %get3A_6 = vector.load %arg2[%get3A_4, %get3A_5] : memref<128x128xi32, #tpu.memory_space<vmem>>, vector<128x128xi32>
    %convert_element_type3A = arith.sitofp %get3A_6 : vector<128x128xi32> to vector<128x128xf32>
    %mul3A = vector.broadcast %get3A_3 : f32 to vector<128x128xf32>
    %mul3A_7 = arith.mulf %mul3A, %convert_element_type3A : vector<128x128xf32>
    %add3A = arith.addf %get3A_1, %mul3A_7 : vector<128x128xf32>
    %get3A_8 = arith.constant 0 : index
    %get3A_9 = arith.constant 0 : index
    %get3A_10 = arith.constant 0 : index
    %get3A_11 = vector.load %arg3[%get3A_8, %get3A_9, %get3A_10] : memref<2x128x128xf32, #tpu.memory_space<vmem>>, vector<1x128x128xf32>
    %get3A_12 = vector.shape_cast %get3A_11 : vector<1x128x128xf32> to vector<128x128xf32>
    %sub3A = arith.subf %add3A, %get3A_12 : vector<128x128xf32>
    %get3A_13 = arith.constant 1 : index
    %get3A_14 = arith.constant 0 : index
    %get3A_15 = arith.constant 0 : index
    %get3A_16 = vector.load %arg3[%get3A_13, %get3A_14, %get3A_15] : memref<2x128x128xf32, #tpu.memory_space<vmem>>, vector<1x128x128xf32>
    %get3A_17 = vector.shape_cast %get3A_16 : vector<1x128x128xf32> to vector<128x128xf32>
    %sub3A_18 = arith.subf %sub3A, %get3A_17 : vector<128x128xf32>
    %swap3A = arith.constant 0 : index
    %swap3A_19 = arith.constant 0 : index
    %swap3A_20 = vector.load %arg4[%swap3A, %swap3A_19] : memref<128x128xf32, #tpu.memory_space<vmem>>, vector<128x128xf32>
    tpu.vector_store %arg4[%swap3A, %swap3A_19], %sub3A_18 {strides = array<i32>} : memref<128x128xf32, #tpu.memory_space<vmem>>, vector<128x128xf32>,
    return
  }
}

</mosaic_0001>

<sc_bundles>
// kernel: kernel.4.cloned.1.call-start
scs
__scs_entry_jumppad:
0x0: {  	(pc) =	sbr.rel $0x88, $3  }
0x1: {  	(tag) =	ssettag $0x0;
	lr =	simm.s32 $0x1  }
0x2: {  	[smem:$0x3F9B] =	sst lr;
	_ =	strace $0xD0000000  }
0x3: {  	_ = 	snop  }
0x4: {  	_ = 	snop  }
0x5: {  	_ = 	snop  }
0x6: {  	_ = 	snop  }
0x7: {  	_ = 	snop  }
__scs_overlays_trampoline_lowered:
0x8: {  	[smem:$0x3FAA] =	sst s0  }
0x9: {  	[smem:$0x3FAB] =	sst s1  }
0xa: {  	[smem:$0x3FAC] =	sst s2  }
0xb: {  	[smem:$0x3FAD] =	sst s3  }
0xc: {  	[smem:$0x3FAE] =	sst s4  }
0xd: {  	[smem:$0x3FAF] =	sst s5  }
0xe: {  	[smem:$0x3FB0] =	sst s6  }
0xf: {  	[smem:$0x3FB1] =	sst s7  }
0x10: {  	[smem:$0x3FB2] =	sst s8  }
0x11: {  	[smem:$0x3FB3] =	sst s9;
	s0 =	simm.s32 @!p0 $0x0  }
0x12: {  	s1 =	sld [smem:$0x3F99];
	s0 =	simm.s32 @p0 $0x1  }
0x13: {  	[smem:$0x3FB4] =	sst s0;
	s0 =	simm.s32 @!p1 $0x0  }
0x14: {  	s2 =	sld [smem:$0x3F98];
	s0 =	simm.s32 @p1 $0x1  }
0x15: {  	[smem:$0x3FB5] =	sst s0;
	s0 =	simm.s32 @!p2 $0x0  }
0x16: {  	s3 =	sld [smem:$0x3FDB];
	s0 =	simm.s32 @p2 $0x1  }
0x17: {  	s4 =	simm.s32 $0x1BF5;
	[smem:$0x3FB7] =	sst s0  }
0x18: {  	s0 =	sld [smem:$0x3F9A];
	_ =	swait.ge [sflag:s4], $0x0  }
0x19: {  	s7 =	sld [smem:$0x3F9B]  }
0x1a: {  	s8 =	sadd.s32 $0xFFFFE003, lr  }
0x1b: {  	s9 =	sadd.s32 $0xFFFFFEF7, lr;
	s5 =	simm.s32 $0xFFFFFFFF;
	p2 =	slt.u32 s8, $0xFFFFF086  }
0x1c: {  	p1 =	slt.u32 s9, $0xF7A;
	s5 =	simm.s32 @!p2 $0x0  }
0x1d: {  	s5 =	simm.s32 @p1 $0x1;
	p0 =	seq.s32 s7, s2  }
0x1e: {  	s7 =	smul.u32 @!p0 $0xF7A, s2;
	p2 =	seq.s32 @!p0 s5, $0x0  }
0x1f: {  	s9 =	smul.u32 $0xF7A, s1;
	s8 =	simm.s32 @!p0 $0x1BF5;
	p2 =	por !p2, p0  }
0x20: {  	[sflag:s8] =	ssyncset.s32 @!p0 $0xFFFFF086;
	s6 =	sadd.s32 @!p0 s3, s7;
	s7 =	simm.s32 @!p0 $0x108  }
0x21: {  	s3 =	sadd.s32 s3, s9;
	s6 =	sadd.s32 @!p0 $0x88, s6;
	s7 =	simm.s32 @p2 $0x1082  }
0x22: {  	[simem:s7], [sflag:s8] =	dma.local @!p0 [hbm:s6], $0xF7A  }
0x23: {  	s9 =	sor.u32 $0xD0000000, s2;
	s6 =	simm.s32 $0x108;
	_ =	swait.ge @!p0 [sflag:s8], $0x0  }
0x24: {  	s3 =	sadd.s32 $0x88, s3;
	s6 =	simm.s32 @!p1 $0x1082;
	[sflag:s4] =	ssyncset.s32 $0xFFFFF086  }
0x25: {  	[simem:s6], [sflag:s4] =	dma.local [hbm:s3], $0xF7A  }
0x26: {  	[smem:$0x3F9B] =	sst s1;
	(tag) =	ssettag s2;
	_ =	strace s9  }
0x27: {  	s1 =	sld [smem:$0x3FAB]  }
0x28: {  	s2 =	sld [smem:$0x3FAC]  }
0x29: {  	s4 =	sld [smem:$0x3FAE]  }
0x2a: {  	p0 =	seq.s32 s5, $0x0;
	s5 =	sld [smem:$0x3FAF]  }
0x2b: {  	s6 =	sld [smem:$0x3FB0]  }
0x2c: {  	s7 =	sld [smem:$0x3FB1]  }
0x2d: {  	s3 =	simm.s32 $0x108;
	s8 =	sld [smem:$0x3FB2]  }
0x2e: {  	s3 =	simm.s32 @!p0 $0x1082;
	s9 =	sld [smem:$0x3FB3]  }
0x2f: {  	lr =	sadd.s32 s0, s3;
	s0 =	sld [smem:$0x3FAA]  }
0x30: {  	s3 =	sld [smem:$0x3FAD]  }
0x31: {  	[smem:$0x3FB6] =	sst s10  }
0x32: {  	s10 =	sld [smem:$0x3FB4];
	_ =	sdelay $0x3  }
0x33: {  	p0 =	seq.s32 s10, $0x1;
	s10 =	sld [smem:$0x3FB6];
	_ =	sdelay $0x3  }
0x34: {  	[smem:$0x3FB6] =	sst s10  }
0x35: {  	s10 =	sld [smem:$0x3FB5];
	_ =	sdelay $0x3  }
0x36: {  	p1 =	seq.s32 s10, $0x1;
	s10 =	sld [smem:$0x3FB6];
	_ =	sdelay $0x3  }
0x37: {  	[smem:$0x3FB6] =	sst s10  }
0x38: {  	s10 =	sld [smem:$0x3FB7]  }
0x39: {  	_ = 	snop;
	(pc) =	sbr.ind lr, $3  }
0x3a: {  	_ = 	snop  }
0x3b: {  	_ = 	snop  }
0x3c: {  	p2 =	seq.s32 s10, $0x1;
	s10 =	sld [smem:$0x3FB6]  }
0x3d: {  	_ =	shalt  }
0x3e: {  	_ =	shalt  }
0x3f: {  	_ =	shalt  }
0x40: {  	_ =	shalt  }
0x41: {  	_ =	shalt  }
0x42: {  	_ =	shalt  }
0x43: {  	_ =	shalt  }
0x44: {  	_ =	shalt  }
0x45: {  	_ =	shalt  }
0x46: {  	_ =	shalt  }
0x47: {  	_ =	shalt  }
0x48: {  	_ =	shalt  }
0x49: {  	_ =	shalt  }
0x4a: {  	_ =	shalt  }
0x4b: {  	_ =	shalt  }
0x4c: {  	_ =	shalt  }
0x4d: {  	_ =	shalt  }
0x4e: {  	_ =	shalt  }
0x4f: {  	_ =	shalt  }
0x50: {  	_ =	shalt  }
0x51: {  	_ =	shalt  }
0x52: {  	_ =	shalt  }
0x53: {  	_ =	shalt  }
0x54: {  	_ =	shalt  }
0x55: {  	_ =	shalt  }
0x56: {  	_ =	shalt  }
0x57: {  	_ =	shalt  }
0x58: {  	_ =	shalt  }
0x59: {  	_ =	shalt  }
0x5a: {  	_ =	shalt  }
0x5b: {  	_ =	shalt  }
0x5c: {  	_ =	shalt  }
0x5d: {  	_ =	shalt  }
0x5e: {  	_ =	shalt  }
0x5f: {  	_ =	shalt  }
0x60: {  	_ =	shalt  }
0x61: {  	_ =	shalt  }
0x62: {  	_ =	shalt  }
0x63: {  	_ =	shalt  }
0x64: {  	_ =	shalt  }
0x65: {  	_ =	shalt  }
0x66: {  	_ =	shalt  }
0x67: {  	_ =	shalt  }
0x68: {  	_ =	shalt  }
0x69: {  	_ =	shalt  }
0x6a: {  	_ =	shalt  }
0x6b: {  	_ =	shalt  }
0x6c: {  	_ =	shalt  }
0x6d: {  	_ =	shalt  }
0x6e: {  	_ =	shalt  }
0x6f: {  	_ =	shalt  }
0x70: {  	_ =	shalt  }
0x71: {  	_ =	shalt  }
0x72: {  	_ =	shalt  }
0x73: {  	_ =	shalt  }
0x74: {  	_ =	shalt  }
0x75: {  	_ =	shalt  }
0x76: {  	_ =	shalt  }
0x77: {  	_ =	shalt  }
0x78: {  	_ =	shalt  }
0x79: {  	_ =	shalt  }
0x7a: {  	_ =	shalt  }
0x7b: {  	_ =	shalt  }
0x7c: {  	_ =	shalt  }
0x7d: {  	_ =	shalt  }
0x7e: {  	_ =	shalt  }
0x7f: {  	_ =	shalt  }
0x80: {  	_ =	shalt  }
0x81: {  	_ =	shalt  }
0x82: {  	_ =	shalt  }
0x83: {  	_ =	shalt  }
0x84: {  	_ =	shalt  }
0x85: {  	_ =	shalt  }
0x86: {  	_ =	shalt  }
0x87: {  	_ =	shalt  }
.Lfunc_end0:
.L_simem_size_0:
called_computation_lowered:
.L_overlay_start_0:
0x88: {  	s2 =	sld [smem:$0x3FD9]  }
0x89: {  	s3 =	sld [smem:$0x3FFE];
	_ =	sdelay $0x1  }
0x8a: {  	s1 =	srdreg.scid  }
0x8b: {  	s0 =	sand.u32 $0x1, s1  }
0x8c: {  	s17 =	sshll.u32 s0, $0xA;
	s2 =	sadd.s32 s3, s2  }
0x8d: {  	s2 =	sadd.s32 s2, s17  }
0x8e: {  	[smem:$0x3FC2] =	sst s2  }
0x8f: {  	_ = 	snop  }
0x90: {  	s2 =	sld [smem:$0x3FD0];
	(tm) =	ssettm $0x1  }
0x91: {  	s18 =	sld [smem:$0x3FFB];
	_ =	sdelay $0x3  }
0x92: {  	_ =	strace s18  }
0x93: {  	s3 =	sld [smem:$0x3FFC];
	_ =	sdelay $0x3  }
0x94: {  	_ =	strace s3  }
0x95: {  	s3 =	sld [smem:$0x3FFD];
	_ =	sdelay $0x3  }
0x96: {  	_ =	strace s3  }
0x97: {  	_ =	strace $0x8FFFFFFF  }
0x98: {  	s19 =	sld [smem:$0x3FDB];
	_ =	sdelay $0x1  }
0x99: {  	s4 =	simm.s32 $_scs_section_size  }
0x9a: {  	s5 =	simm.s32 $_size__tile_overlayer_lowered;
	s6 =	simm.s32 $_tile_overlayer_lowered  }
0x9b: {  	s22 =	simm.s32 $0x1BFF;
	s21 =	sshll.u32 s6, $0x1;
	s3 =	sadd.s32 s4, s19  }
0x9c: {  	s7 =	simm.s32 $0x0;
	s20 =	sshll.u32 s5, $0x1;
	s5 =	sadd.s32 s21, s3  }
0x9d: {  	[timem:s7], [sflag:s22] =	dma.local [hbm:s5], s20  }
0x9e: {  	_ =	swait.ge [sflag:s22], s20  }
0x9f: {  	s4 =	ssub.s32 $0x0, s20;
	[sflag:s22] =	ssyncset.done $0x0  }
0xa0: {  	[sflag:s22] =	ssyncadd.s32 s4;
	_ =	sdelay $0x1  }
0xa1: {  	s23 =	simm.s32 $0x1B8B  }
0xa2: {  	_ =	swait.ge [sflag:s23], $0x1  }
0xa3: {  	[sflag:s23] =	ssyncset.done $0x0  }
0xa4: {  	s25 =	simm.s32 $0x1B8E;
	s24 =	sld [smem:$0x3FFE];
	[sflag:s23] =	ssyncadd.s32 $0xFFFFFFFF  }
0xa5: {  	s26 =	simm.s32 $execute0_lowered;
	[smem:$0x3FD2] =	sst s25  }
0xa6: {  	s5 =	sshll.u32 s26, $0x1;
	_ =	strace $0x80000046;
	[dreg:$0x1] =	wrdreg $0xFFFFFFFF  }
0xa7: {  	s28 =	simm.s32 $_size_execute0_lowered;
	s3 =	sadd.s32 s3, s5;
	[dreg:$0x0] =	wrdreg $0x0  }
0xa8: {  	s5 =	sshll.u32 s28, $0x1;
	[dreg:$0x2] =	wrdreg s3  }
0xa9: {  	[dreg:$0x3] =	wrdreg s5  }
0xaa: {  	[dreg:$0x4] =	wrdreg $0xC0  }
0xab: {  	_ =	task [dreg:s7], $0x5FFFF  }
0xac: {  	[dreg:$0x1] =	wrdreg $0xFFFFFFFF  }
0xad: {  	[dreg:$0x0] =	wrdreg $0x60  }
0xae: {  	[dreg:$0x2] =	wrdreg s24  }
0xaf: {  	[dreg:$0x3] =	wrdreg s2  }
0xb0: {  	[dreg:$0x4] =	wrdreg $0x180800  }
0xb1: {  	[dreg:$0x5] =	wrdreg $0x9  }
0xb2: {  	_ =	task.clear_ibuf [dreg:s7], $0x6FFFF;
	_ =	strace $0x90000046  }
0xb3: {  	s29 =	simm.s32 $0x9;
	_ =	strace $0x80000048  }
0xb4: {  	_ =	swait.ge [sflag:s29], $0x1  }
0xb5: {  	[sflag:s29] =	ssyncadd.s32 $0xFFFFFFFF  }
0xb6: {  	_ =	strace $0x90000048  }
0xb7: {  	_ =	sfence  }
0xb8: {  	s30 =	sld [smem:$0x0];
	_ =	sdelay $0x2  }
0xb9: {  	s31 =	sshll.u32 s1, $0xD;
	s1 =	sshrl.u32 s1, $0x2  }
0xba: {  	s3 =	sand.u32 $0x4000, s31;
	s1 =	sadd.s32 s1, s30  }
0xbb: {  	s0 =	sor.u32 s3, s0;
	s1 =	sshll.u32 s1, $0x11  }
0xbc: {  	s0 =	sor.u32 s1, s0  }
0xbd: {  	s0 =	sadd.s32 $0x8F2B, s0  }
0xbe: {  	[sflag:s0] =	ssyncadd.remote.s32 $0x1  }
0xbf: {  	_ =	sfence.sel $0xFFFF  }
0xc0: {  	[dreg:$0x0] =	wrdreg $0xFFFFFFFF;
	(pc) =	sbr.abs _section_cstart, $3  }
0xc1: {  	[dreg:$0x1] =	wrdreg $0xFFFFFFFF  }
0xc2: {  	_ =	task.clear_ibuf [dreg:s7], $0x2FFFF;
	_ =	strace $0x9FFFFFFF  }
0xc3: {  	(tm) =	ssettm $0x7FFFFFFF  }
tec
execute0_lowered:
.L_overlay_start_1:
0x0: {  	(tag) =	ssettag $0x1  }
0x1: {  	s0 =	rddreg [dreg:$0x0]  }
0x2: {  	s2 =	rddreg [dreg:$0x2];
	s3 =	simm.s32 $0x0  }
0x3: {  	s1 =	srdreg.scid;
	s9 =	stileid.u32;
	s28 =	simm.s32 $0x5  }
0x4: {  	s29 =	simm.s32 $0x14000;
	s30 =	simm.s32 $0x1;
	s31 =	simm.s32 $0x2000  }
0x5: {  	s11 =	simm.s32 $0x0;
	[smem:$0x7FF] =	sst s3;
	s4 =	sadd.s32 $0xC00, s0  }
0x6: {  	s1 =	sand.u32 $0x1, s1;
	s5 =	sadd.s32 $0x40C00, s0;
	s8 =	sshll.u32 s9, $0xE  }
0x7: {  	s15 =	sshll.u32 s9, $0x8;
	s16 =	sshll.u32 s9, $0xA;
	_ =	strace $0x80000047  }
0x8: {  	s6 =	sshll.u32 s1, $0x4;
	s7 =	ssub.s32 $0x2, s1;
	s1 =	sshll.u32 s1, $0xD  }
0x9: {  	s0 =	sadd.s32 s6, s0;
	s12 =	sshrl.u32 s7, $0x1;
	s1 =	sor.u32 s1, s8  }
0xa: {  	s8 =	simm.s32 $0xC000;
	s6 =	ssub.s32 s7, s12;
	s13 =	sadd.s32 s4, s1  }
0xb: {  	s14 =	sadd.s32 s5, s1;
	s17 =	sor.u32 $0x10, s1;
	s7 =	sadd.s32 s16, s2  }
0xc: {  	s18 =	sor.u32 $0x20, s1;
	s20 =	sor.u32 $0x30, s1;
	[dreg:$0x4] =	wrdreg s13  }
0xd: {  	s22 =	sor.u32 $0x40, s1;
	[dreg:$0x5] =	wrdreg s14;
	s10 =	sadd.s32 s4, s17  }
0xe: {  	s24 =	sor.u32 $0x50, s1;
	s9 =	sadd.s32 s5, s17;
	[dreg:$0x6] =	wrdreg s10  }
0xf: {  	s26 =	sor.u32 $0x60, s1;
	s19 =	sadd.s32 s4, s18;
	[dreg:$0x7] =	wrdreg s9  }
0x10: {  	s1 =	sor.u32 $0x70, s1;
	s21 =	sadd.s32 s4, s20;
	[dreg:$0x8] =	wrdreg s19  }
0x11: {  	s0 =	sadd.s32 s15, s0;
	s23 =	sadd.s32 s4, s22;
	[dreg:$0xa] =	wrdreg s21  }
0x12: {  	s25 =	sadd.s32 s4, s24;
	s10 =	sadd.s32 s5, s18;
	[dreg:$0xc] =	wrdreg s23  }
0x13: {  	s9 =	sadd.s32 s5, s20;
	[dreg:$0xe] =	wrdreg s25;
	s18 =	sadd.s32 s4, s26  }
0x14: {  	v0 =	vimm.s32 $0x35763778;
	s19 =	sadd.s32 s5, s26;
	s20 =	sadd.s32 s4, s1;
	s21 =	sadd.s32 s5, s1  }
0x15: {  	v1 =	vimm.s32 $0x31723374;
	s23 =	simm.s32 $0x400;
	s25 =	simm.s32 $0x4000;
	s26 =	simm.s32 $0x18000  }
0x16: {  	v2 =	vimm.s32 $0x3D7E3F00;
	v3 =	vimm.s32 $0x397A3B7C;
	v0 =	vunpack.c.0.s8.s32 v0;
	s1 =	simm.s32 $0x10000;
	s4 =	simm.s32 $0x8000;
	[dreg:$0x9] =	wrdreg s10  }
0x17: {  	v1 =	vunpack.c.0.s8.s32 v1;
	v2 =	vunpack.c.0.s8.s32 v2;
	v3 =	vunpack.c.0.s8.s32 v3;
	[dreg:$0xb] =	wrdreg s9;
	s10 =	sadd.s32 s5, s22;
	s9 =	sadd.s32 s5, s24  }
0x18: {  	vm0 =	vcmask $0x1F10;
	s22 =	sadd.s32 $0x80C00, s0;
	s24 =	smax.u32 s6, $0x1;
	s0 =	simm.s32 $0x6000  }
0x19: {  	v4 =	vlaneseq.u32;
	v5 =	vsel vm0, v1, v0;
	v2 =	vsel vm0, v3, v2;
	s5 =	simm.s32 $0x2;
	s6 =	simm.s32 $0x80;
	[dreg:$0xd] =	wrdreg s10  }
0x1a: {  	v0 =	vimm.f32 $0.0e+00;
	v1 =	vmul.u32 $0x3F, v4;
	v2 =	vcombine.low v2, v5;
	[dreg:$0xf] =	wrdreg s9;
	s9 =	simm.s32 $0x3;
	s10 =	simm.s32 $0x4  }
.LBB2_1:
0x1b: {  	s12 =	rddreg [dreg:$0x4]  }
0x1c: {  	[tilespmem:s3], [sflag:$0x1] =	stream.strided.gather [hbm4b:s12+s6], $0x2000, s23, s6, $0x38;
	[tilespmem:$0x18480] =	vst v63  }
0x1d: {  	s13 =	rddreg [dreg:$0x5]  }
0x1e: {  	[tilespmem:s25], [sflag:$0x1] =	stream.strided.gather [hbm4b:s13+s6], $0x2000, s23, s6, $0x38;
	[tilespmem:$0x18480] =	vst v63  }
0x1f: {  	s14 =	rddreg [dreg:$0x1]  }
0x20: {  	[tilespmem:s26], [sflag:$0x5] =	stream.linear.gather [hbm4b:s14+s3], $0x80, $0x38;
	[tilespmem:$0x18480] =	vst v63  }
0x21: {  	_ =	swait.ge [sflag:s28], $0x80  }
0x22: {  	[sflag:s28] =	ssyncset.done $0x0  }
0x23: {  	[sflag:s28] =	ssyncadd.s32 $0xFFFFFF80  }
0x24: {  	[tilespmem:$0x14000] =	vst v0  }
0x25: {  	[tilespmem:$0x14010] =	vst v0  }
0x26: {  	[tilespmem:$0x14020] =	vst v0  }
0x27: {  	[tilespmem:$0x14030] =	vst v0  }
0x28: {  	[tilespmem:$0x14040] =	vst v0  }
0x29: {  	[tilespmem:$0x14050] =	vst v0  }
0x2a: {  	[tilespmem:$0x14060] =	vst v0  }
0x2b: {  	[tilespmem:$0x14070] =	vst v0  }
0x2c: {  	[tilespmem:$0x14080] =	vst v0  }
0x2d: {  	[tilespmem:$0x14090] =	vst v0  }
0x2e: {  	[tilespmem:$0x140A0] =	vst v0  }
0x2f: {  	[tilespmem:$0x140B0] =	vst v0  }
0x30: {  	[tilespmem:$0x140C0] =	vst v0  }
0x31: {  	[tilespmem:$0x140D0] =	vst v0  }
0x32: {  	[tilespmem:$0x140E0] =	vst v0  }
0x33: {  	[tilespmem:$0x140F0] =	vst v0  }
0x34: {  	[tilespmem:$0x14100] =	vst v0  }
0x35: {  	[tilespmem:$0x14110] =	vst v0  }
0x36: {  	[tilespmem:$0x14120] =	vst v0  }
0x37: {  	[tilespmem:$0x14130] =	vst v0  }
0x38: {  	[tilespmem:$0x14140] =	vst v0  }
0x39: {  	[tilespmem:$0x14150] =	vst v0  }
0x3a: {  	[tilespmem:$0x14160] =	vst v0  }
0x3b: {  	[tilespmem:$0x14170] =	vst v0  }
0x3c: {  	[tilespmem:$0x14180] =	vst v0  }
0x3d: {  	[tilespmem:$0x14190] =	vst v0  }
0x3e: {  	[tilespmem:$0x141A0] =	vst v0  }
0x3f: {  	[tilespmem:$0x141B0] =	vst v0  }
0x40: {  	[tilespmem:$0x141C0] =	vst v0  }
0x41: {  	[tilespmem:$0x141D0] =	vst v0  }
0x42: {  	[tilespmem:$0x141E0] =	vst v0  }
0x43: {  	[tilespmem:$0x141F0] =	vst v0  }
0x44: {  	[tilespmem:$0x14200] =	vst v0  }
0x45: {  	[tilespmem:$0x14210] =	vst v0  }
0x46: {  	[tilespmem:$0x14220] =	vst v0  }
0x47: {  	[tilespmem:$0x14230] =	vst v0  }
0x48: {  	[tilespmem:$0x14240] =	vst v0  }
0x49: {  	[tilespmem:$0x14250] =	vst v0  }
0x4a: {  	[tilespmem:$0x14260] =	vst v0  }
0x4b: {  	[tilespmem:$0x14270] =	vst v0  }
0x4c: {  	[tilespmem:$0x14280] =	vst v0  }
0x4d: {  	[tilespmem:$0x14290] =	vst v0  }
0x4e: {  	[tilespmem:$0x142A0] =	vst v0  }
0x4f: {  	[tilespmem:$0x142B0] =	vst v0  }
0x50: {  	[tilespmem:$0x142C0] =	vst v0  }
0x51: {  	[tilespmem:$0x142D0] =	vst v0  }
0x52: {  	[tilespmem:$0x142E0] =	vst v0  }
0x53: {  	[tilespmem:$0x142F0] =	vst v0  }
0x54: {  	[tilespmem:$0x14300] =	vst v0  }
0x55: {  	[tilespmem:$0x14310] =	vst v0  }
0x56: {  	[tilespmem:$0x14320] =	vst v0  }
0x57: {  	[tilespmem:$0x14330] =	vst v0  }
0x58: {  	[tilespmem:$0x14340] =	vst v0  }
0x59: {  	[tilespmem:$0x14350] =	vst v0  }
0x5a: {  	[tilespmem:$0x14360] =	vst v0  }
0x5b: {  	[tilespmem:$0x14370] =	vst v0  }
0x5c: {  	[tilespmem:$0x14380] =	vst v0  }
0x5d: {  	[tilespmem:$0x14390] =	vst v0  }
0x5e: {  	[tilespmem:$0x143A0] =	vst v0  }
0x5f: {  	[tilespmem:$0x143B0] =	vst v0  }
0x60: {  	[tilespmem:$0x143C0] =	vst v0  }
0x61: {  	[tilespmem:$0x143D0] =	vst v0  }
0x62: {  	[tilespmem:$0x143E0] =	vst v0  }
0x63: {  	[tilespmem:$0x143F0] =	vst v0  }
0x64: {  	[spmem:s7] =	stream.linear.scatter [tilespmem:s29], [sflag:$0x5], $0x400, $0x38;
	[tilespmem:$0x18480] =	vst v63  }
0x65: {  	_ =	swait.ge [sflag:s28], $0x400  }
0x66: {  	[sflag:s28] =	ssyncset.done $0x0  }
0x67: {  	[sflag:s28] =	ssyncadd.s32 $0xFFFFFC00  }
0x68: {  	[bflag:$0x0] =	sbarrier.arrive $0xFFFF  }
0x69: {  	_ =	swait.ge [sflag:s30], $0x2000  }
0x6a: {  	[sflag:s30] =	ssyncset.done $0x0  }
0x6b: {  	[sflag:s30] =	ssyncadd.s32 $0xFFFFE000  }
0x6c: {  	_ =	swait.ge [sflag:s30], $0x2000  }
0x6d: {  	[sflag:s30] =	ssyncset.done $0x0  }
0x6e: {  	s15 =	rddreg [dreg:$0x6];
	[sflag:s30] =	ssyncadd.s32 $0xFFFFE000  }
0x6f: {  	[tilespmem:s31], [sflag:$0x2] =	stream.strided.gather [hbm4b:s15+s6], $0x2000, s23, s6, $0x38;
	[tilespmem:$0x18480] =	vst v63  }
0x70: {  	s12 =	simm.s32 $0x4080;
	s16 =	rddreg [dreg:$0x7]  }
0x71: {  	[tilespmem:s0], [sflag:$0x2] =	stream.strided.gather [hbm4b:s16+s6], $0x2000, s23, s6, $0x38;
	[tilespmem:$0x18480] =	vst v63  }
0x72: {  	v3 =	vld [tilespmem:s12+$0x70]  }
0x73: {  	v4 =	vld [tilespmem:s12+$0x60]  }
0x74: {  	v5 =	vld [tilespmem:s12+$0x50]  }
0x75: {  	v6 =	vld [tilespmem:s12+$0x40]  }
0x76: {  	v7 =	vld [tilespmem:s12+$0x30]  }
0x77: {  	v8 =	vld [tilespmem:s12+$0x20]  }
0x78: {  	v9 =	vld [tilespmem:s12+$0x10]  }
0x79: {  	v10 =	vld [tilespmem:s12+$0x0]  }
0x7a: {  	v11 =	vld [tilespmem:s12+$0xFFFFFFF0]  }
0x7b: {  	v12 =	vld [tilespmem:s12+$0xFFFFFFE0]  }
0x7c: {  	v13 =	vld [tilespmem:s12+$0xFFFFFFD0]  }
0x7d: {  	v14 =	vld [tilespmem:s12+$0xFFFFFFC0]  }
0x7e: {  	v15 =	vld [tilespmem:s12+$0xFFFFFFB0]  }
0x7f: {  	v16 =	vld [tilespmem:s12+$0xFFFFFFA0]  }
0x80: {  	v17 =	vld [tilespmem:s12+$0xFFFFFF90]  }
0x81: {  	v18 =	vld [tilespmem:s12+$0xFFFFFF80]  }
0x82: {  	v19 =	vld [tilespmem:s6+$0x50]  }
0x83: {  	v20 =	vld [tilespmem:s6+$0x60]  }
0x84: {  	v21 =	vld [tilespmem:s6+$0x70]  }
0x85: {  	v22 =	vld [tilespmem:s6+$0x20]  }
0x86: {  	v23 =	vld [tilespmem:s6+$0xFFFFFFB0]  }
0x87: {  	v24 =	vld [tilespmem:s6+$0xFFFFFFA0]  }
0x88: {  	v25 =	vld [tilespmem:s6+$0xFFFFFFC0]  }
0x89: {  	v26 =	vld [tilespmem:s6+$0xFFFFFF90]  }
0x8a: {  	v27 =	vld [tilespmem:s6+$0xFFFFFFD0]  }
0x8b: {  	v28 =	vld [tilespmem:s6+$0xFFFFFF80]  }
0x8c: {  	v29 =	vld [tilespmem:s6+$0x40]  }
0x8d: {  	v30 =	vld [tilespmem:s6+$0x30]  }
0x8e: {  	v31 =	vld [tilespmem:s6+$0x10]  }
0x8f: {  	v32 =	vld [tilespmem:s6+$0x0]  }
0x90: {  	v33 =	vld [tilespmem:s6+$0xFFFFFFF0]  }
0x91: {  	v34 =	vld [tilespmem:s6+$0xFFFFFFE0]  }
0x92: {  	v21 =	vld.idx.msk [tilespmem:v21+s26+$0x0], $0xffff  }
0x93: {  	v22 =	vld.idx.msk [tilespmem:v22+s26+$0x0], $0xffff  }
0x94: {  	v20 =	vld.idx.msk [tilespmem:v20+s26+$0x0], $0xffff  }
0x95: {  	v19 =	vld.idx.msk [tilespmem:v19+s26+$0x0], $0xffff  }
0x96: {  	v29 =	vld.idx.msk [tilespmem:v29+s26+$0x0], $0xffff  }
0x97: {  	v30 =	vld.idx.msk [tilespmem:v30+s26+$0x0], $0xffff  }
0x98: {  	s13 =	simm.s32 $0x0;
	v31 =	vld.idx.msk [tilespmem:v31+s26+$0x0], $0xffff  }
0x99: {  	s13 =	sand.u32 $0x3F00, s13;
	v32 =	vld.idx.msk [tilespmem:v32+s26+$0x0], $0xffff  }
0x9a: {  	v35 =	vadd.s32 s13, v1;
	v33 =	vld.idx.msk [tilespmem:v33+s26+$0x0], $0xffff  }
0x9b: {  	s17 =	simm.s32 $0x3F0;
	v35 =	vand.u32 $0x3F80, v35;
	v34 =	vld.idx.msk [tilespmem:v34+s26+$0x0], $0xffff  }
0x9c: {  	s13 =	sand.u32 $0x3FF0, s17;
	v35 =	vor.u32 v2, v35;
	v28 =	vld.idx.msk [tilespmem:v28+s26+$0x0], $0xffff  }
0x9d: {  	s14 =	simm.s32 $0x7E0;
	v36 =	vadd.s32 s13, v1;
	v27 =	vld.idx.msk [tilespmem:v27+s26+$0x0], $0xffff  }
0x9e: {  	s13 =	sand.u32 $0x3FE0, s14;
	v36 =	vand.u32 $0x3FFF, v36;
	v26 =	vld.idx.msk [tilespmem:v26+s26+$0x0], $0xffff  }
0x9f: {  	v37 =	vadd.s32 s13, v1;
	s15 =	simm.s32 $0xBD0;
	v25 =	vld.idx.msk [tilespmem:v25+s26+$0x0], $0xffff  }
0xa0: {  	v37 =	vand.u32 $0x3FFF, v37;
	s13 =	sand.u32 $0x3FD0, s15;
	v24 =	vld.idx.msk [tilespmem:v24+s26+$0x0], $0xffff  }
0xa1: {  	v38 =	vadd.s32 s13, v1;
	s16 =	simm.s32 $0xFC0;
	v23 =	vld.idx.msk [tilespmem:v23+s26+$0x0], $0xffff;
	[tilespmem:v35+s1+$0x0] =	vst.idx.msk $0xffff, v28  }
0xa2: {  	s13 =	sand.u32 $0x3FC0, s16;
	v41 =	vand.u32 $0x3FFF, v38;
	[tilespmem:v35+s4+$0x0] =	vst.idx.msk $0xffff, v18  }
0xa3: {  	s17 =	simm.s32 $0x13B0;
	v42 =	vadd.s32 s13, v1;
	[tilespmem:v36+s1+$0x0] =	vst.idx.msk $0xffff, v26  }
0xa4: {  	s13 =	sand.u32 $0x3FB0, s17;
	v43 =	vand.u32 $0x3FFF, v42;
	[tilespmem:v36+s4+$0x0] =	vst.idx.msk $0xffff, v17  }
0xa5: {  	s14 =	simm.s32 $0x17A0;
	v44 =	vadd.s32 s13, v1;
	[tilespmem:v37+s1+$0x0] =	vst.idx.msk $0xffff, v24  }
0xa6: {  	s14 =	sand.u32 $0x3FA0, s14;
	v45 =	vand.u32 $0x3FFF, v44;
	[tilespmem:v37+s4+$0x0] =	vst.idx.msk $0xffff, v16  }
0xa7: {  	v46 =	vadd.s32 s14, v1;
	s13 =	simm.s32 $0x1B90;
	[tilespmem:v41+s1+$0x0] =	vst.idx.msk $0xffff, v23  }
0xa8: {  	v47 =	vand.u32 $0x3FFF, v46;
	s15 =	sand.u32 $0x3F90, s13;
	[tilespmem:v41+s4+$0x0] =	vst.idx.msk $0xffff, v15  }
0xa9: {  	s16 =	simm.s32 $0x1F80;
	v48 =	vadd.s32 s15, v1;
	[tilespmem:v43+s1+$0x0] =	vst.idx.msk $0xffff, v25  }
0xaa: {  	v49 =	vadd.s32 s16, v1;
	v50 =	vand.u32 $0x3FFF, v48;
	[tilespmem:v43+s4+$0x0] =	vst.idx.msk $0xffff, v14  }
0xab: {  	v51 =	vand.u32 $0x3F80, v49;
	[tilespmem:v45+s1+$0x0] =	vst.idx.msk $0xffff, v27  }
0xac: {  	s17 =	simm.s32 $0x2370;
	v52 =	vor.u32 v2, v51;
	[tilespmem:v45+s4+$0x0] =	vst.idx.msk $0xffff, v13  }
0xad: {  	v53 =	vadd.s32 s17, v1;
	[tilespmem:v47+s1+$0x0] =	vst.idx.msk $0xffff, v34  }
0xae: {  	v54 =	vand.u32 $0x3FFF, v53;
	s15 =	simm.s32 $0x2760;
	[tilespmem:v47+s4+$0x0] =	vst.idx.msk $0xffff, v12  }
0xaf: {  	v55 =	vadd.s32 s15, v1;
	[tilespmem:v50+s1+$0x0] =	vst.idx.msk $0xffff, v33  }
0xb0: {  	s16 =	simm.s32 $0x2B50;
	v56 =	vand.u32 $0x3FFF, v55;
	[tilespmem:v50+s4+$0x0] =	vst.idx.msk $0xffff, v11  }
0xb1: {  	v57 =	vadd.s32 s16, v1;
	[tilespmem:v52+s1+$0x0] =	vst.idx.msk $0xffff, v32  }
0xb2: {  	s17 =	simm.s32 $0x2F40;
	v58 =	vand.u32 $0x3FFF, v57;
	[tilespmem:v52+s4+$0x0] =	vst.idx.msk $0xffff, v10  }
0xb3: {  	v59 =	vadd.s32 s17, v1;
	[tilespmem:v54+s1+$0x0] =	vst.idx.msk $0xffff, v31  }
0xb4: {  	v60 =	vand.u32 $0x3FFF, v59;
	s15 =	simm.s32 $0x3330;
	[tilespmem:v54+s4+$0x0] =	vst.idx.msk $0xffff, v9  }
0xb5: {  	v61 =	vadd.s32 s15, v1;
	[tilespmem:v56+s1+$0x0] =	vst.idx.msk $0xffff, v22  }
0xb6: {  	s16 =	simm.s32 $0x3720;
	[tilespmem:v56+s4+$0x0] =	vst.idx.msk $0xffff, v8;
	v8 =	vand.u32 $0x3FFF, v61  }
0xb7: {  	v62 =	vadd.s32 s16, v1;
	[tilespmem:v58+s1+$0x0] =	vst.idx.msk $0xffff, v30  }
0xb8: {  	s17 =	simm.s32 $0x3B10;
	[tilespmem:v58+s4+$0x0] =	vst.idx.msk $0xffff, v7;
	v7 =	vand.u32 $0x3FFF, v62  }
0xb9: {  	v63 =	vadd.s32 s17, v1;
	[tilespmem:v60+s1+$0x0] =	vst.idx.msk $0xffff, v29  }
0xba: {  	[tilespmem:v60+s4+$0x0] =	vst.idx.msk $0xffff, v6;
	v6 =	vand.u32 $0x3FFF, v63  }
0xbb: {  	[tilespmem:v8+s1+$0x0] =	vst.idx.msk $0xffff, v19  }
0xbc: {  	[tilespmem:v8+s4+$0x0] =	vst.idx.msk $0xffff, v5  }
0xbd: {  	[tilespmem:v7+s1+$0x0] =	vst.idx.msk $0xffff, v20  }
0xbe: {  	[tilespmem:v7+s4+$0x0] =	vst.idx.msk $0xffff, v4  }
0xbf: {  	s14 =	simm.s32 $0x3A10;
	s15 =	simm.s32 $0x80;
	[tilespmem:v6+s1+$0x0] =	vst.idx.msk $0xffff, v21  }
.LBB2_2:
0xc0: {  	[tilespmem:v6+s4+$0x0] =	vst.idx.msk $0xffff, v3;
	s13 =	sadd.s32 $0x3F00, s13;
	s12 =	sadd.s32 $0x100, s12;
	s15 =	sadd.s32 $0x100, s15  }
0xc1: {  	p0 =	sne.s32 s14, $0x1C10;
	s16 =	smov.u32 s14;
	s14 =	sadd.s32 $0xFFFFFF00, s14;
	v3 =	vld [tilespmem:s12+$0x70]  }
0xc2: {  	v4 =	vld [tilespmem:s12+$0x60]  }
0xc3: {  	v5 =	vld [tilespmem:s12+$0x50]  }
0xc4: {  	v6 =	vld [tilespmem:s12+$0x40]  }
0xc5: {  	v7 =	vld [tilespmem:s12+$0x30]  }
0xc6: {  	v8 =	vld [tilespmem:s12+$0x20]  }
0xc7: {  	v9 =	vld [tilespmem:s12+$0x10]  }
0xc8: {  	v10 =	vld [tilespmem:s12+$0x0]  }
0xc9: {  	v12 =	vld [tilespmem:s12+$0xFFFFFFF0]  }
0xca: {  	v13 =	vld [tilespmem:s12+$0xFFFFFFE0]  }
0xcb: {  	v15 =	vld [tilespmem:s12+$0xFFFFFFD0]  }
0xcc: {  	v18 =	vld [tilespmem:s12+$0xFFFFFFC0]  }
0xcd: {  	v19 =	vld [tilespmem:s12+$0xFFFFFFB0]  }
0xce: {  	v20 =	vld [tilespmem:s12+$0xFFFFFFA0]  }
0xcf: {  	v21 =	vld [tilespmem:s12+$0xFFFFFF90]  }
0xd0: {  	v22 =	vld [tilespmem:s12+$0xFFFFFF80]  }
0xd1: {  	v16 =	vld [tilespmem:s15+$0x50]  }
0xd2: {  	v14 =	vld [tilespmem:s15+$0x60]  }
0xd3: {  	v11 =	vld [tilespmem:s15+$0x70]  }
0xd4: {  	v17 =	vld [tilespmem:s15+$0x20]  }
0xd5: {  	v23 =	vld [tilespmem:s15+$0xFFFFFFB0]  }
0xd6: {  	v24 =	vld [tilespmem:s15+$0xFFFFFFA0]  }
0xd7: {  	v25 =	vld [tilespmem:s15+$0xFFFFFFC0]  }
0xd8: {  	v26 =	vld [tilespmem:s15+$0xFFFFFF90]  }
0xd9: {  	v27 =	vld [tilespmem:s15+$0xFFFFFFD0]  }
0xda: {  	v28 =	vld [tilespmem:s15+$0xFFFFFF80]  }
0xdb: {  	v11 =	vld.idx.msk [tilespmem:v11+s26+$0x0], $0xffff  }
0xdc: {  	v17 =	vld.idx.msk [tilespmem:v17+s26+$0x0], $0xffff  }
0xdd: {  	v29 =	vld [tilespmem:s15+$0x40]  }
0xde: {  	v30 =	vld [tilespmem:s15+$0x30]  }
0xdf: {  	v31 =	vld [tilespmem:s15+$0x10]  }
0xe0: {  	v32 =	vld [tilespmem:s15+$0x0]  }
0xe1: {  	v33 =	vld [tilespmem:s15+$0xFFFFFFF0]  }
0xe2: {  	v34 =	vld [tilespmem:s15+$0xFFFFFFE0]  }
0xe3: {  	v14 =	vld.idx.msk [tilespmem:v14+s26+$0x0], $0xffff  }
0xe4: {  	v16 =	vld.idx.msk [tilespmem:v16+s26+$0x0], $0xffff  }
0xe5: {  	v29 =	vld.idx.msk [tilespmem:v29+s26+$0x0], $0xffff  }
0xe6: {  	v30 =	vld.idx.msk [tilespmem:v30+s26+$0x0], $0xffff  }
0xe7: {  	v31 =	vld.idx.msk [tilespmem:v31+s26+$0x0], $0xffff  }
0xe8: {  	s17 =	sadd.s32 $0xFFFFE470, s13;
	v32 =	vld.idx.msk [tilespmem:v32+s26+$0x0], $0xffff  }
0xe9: {  	s17 =	sand.u32 $0x3F00, s17;
	v33 =	vld.idx.msk [tilespmem:v33+s26+$0x0], $0xffff  }
0xea: {  	v35 =	vadd.s32 s17, v1;
	v34 =	vld.idx.msk [tilespmem:v34+s26+$0x0], $0xffff  }
0xeb: {  	s17 =	sadd.s32 $0xFFFFE860, s13;
	v35 =	vand.u32 $0x3F80, v35;
	v28 =	vld.idx.msk [tilespmem:v28+s26+$0x0], $0xffff  }
0xec: {  	s17 =	sand.u32 $0x3FF0, s17;
	v35 =	vor.u32 v2, v35;
	v27 =	vld.idx.msk [tilespmem:v27+s26+$0x0], $0xffff  }
0xed: {  	v36 =	vadd.s32 s17, v1;
	s17 =	sadd.s32 $0xFFFFEC50, s13;
	v26 =	vld.idx.msk [tilespmem:v26+s26+$0x0], $0xffff  }
0xee: {  	s17 =	sand.u32 $0x3FE0, s17;
	v36 =	vand.u32 $0x3FFF, v36;
	v25 =	vld.idx.msk [tilespmem:v25+s26+$0x0], $0xffff  }
0xef: {  	v37 =	vadd.s32 s17, v1;
	s17 =	sadd.s32 $0xFFFFF040, s13;
	v24 =	vld.idx.msk [tilespmem:v24+s26+$0x0], $0xffff  }
0xf0: {  	s17 =	sand.u32 $0x3FD0, s17;
	v37 =	vand.u32 $0x3FFF, v37;
	v23 =	vld.idx.msk [tilespmem:v23+s26+$0x0], $0xffff  }
0xf1: {  	v38 =	vadd.s32 s17, v1;
	s17 =	sadd.s32 $0xFFFFF430, s13;
	[tilespmem:v35+s1+$0x0] =	vst.idx.msk $0xffff, v28  }
0xf2: {  	s17 =	sand.u32 $0x3FC0, s17;
	[tilespmem:v35+s4+$0x0] =	vst.idx.msk $0xffff, v22;
	v22 =	vand.u32 $0x3FFF, v38  }
0xf3: {  	v28 =	vadd.s32 s17, v1;
	s17 =	sadd.s32 $0xFFFFF820, s13;
	[tilespmem:v36+s1+$0x0] =	vst.idx.msk $0xffff, v26  }
0xf4: {  	s17 =	sand.u32 $0x3FB0, s17;
	[tilespmem:v36+s4+$0x0] =	vst.idx.msk $0xffff, v21;
	v21 =	vand.u32 $0x3FFF, v28  }
0xf5: {  	v26 =	vadd.s32 s17, v1;
	s17 =	sadd.s32 $0xFFFFFC10, s13;
	[tilespmem:v37+s1+$0x0] =	vst.idx.msk $0xffff, v24  }
0xf6: {  	s17 =	sand.u32 $0x3FA0, s17;
	[tilespmem:v37+s4+$0x0] =	vst.idx.msk $0xffff, v20;
	v20 =	vand.u32 $0x3FFF, v26  }
0xf7: {  	v24 =	vadd.s32 s17, v1;
	[tilespmem:v22+s1+$0x0] =	vst.idx.msk $0xffff, v23  }
0xf8: {  	s17 =	sand.u32 $0x3F90, s13;
	[tilespmem:v22+s4+$0x0] =	vst.idx.msk $0xffff, v19;
	v19 =	vand.u32 $0x3FFF, v24  }
0xf9: {  	v22 =	vadd.s32 s17, v1;
	s17 =	sadd.s32 $0xFFFFE470, s16;
	[tilespmem:v21+s1+$0x0] =	vst.idx.msk $0xffff, v25  }
0xfa: {  	v23 =	vadd.s32 s17, v1;
	[tilespmem:v21+s4+$0x0] =	vst.idx.msk $0xffff, v18;
	v18 =	vand.u32 $0x3FFF, v22  }
0xfb: {  	v21 =	vand.u32 $0x3F80, v23;
	[tilespmem:v20+s1+$0x0] =	vst.idx.msk $0xffff, v27  }
0xfc: {  	s17 =	sadd.s32 $0xFFFFE860, s16;
	[tilespmem:v20+s4+$0x0] =	vst.idx.msk $0xffff, v15;
	v15 =	vor.u32 v2, v21  }
0xfd: {  	v20 =	vadd.s32 s17, v1;
	[tilespmem:v19+s1+$0x0] =	vst.idx.msk $0xffff, v34  }
0xfe: {  	s17 =	sadd.s32 $0xFFFFEC50, s16;
	[tilespmem:v19+s4+$0x0] =	vst.idx.msk $0xffff, v13;
	v13 =	vand.u32 $0x3FFF, v20  }
0xff: {  	v19 =	vadd.s32 s17, v1;
	[tilespmem:v18+s1+$0x0] =	vst.idx.msk $0xffff, v33  }
0x100: {  	s17 =	sadd.s32 $0xFFFFF040, s16;
	[tilespmem:v18+s4+$0x0] =	vst.idx.msk $0xffff, v12;
	v12 =	vand.u32 $0x3FFF, v19  }
0x101: {  	v18 =	vadd.s32 s17, v1;
	[tilespmem:v15+s1+$0x0] =	vst.idx.msk $0xffff, v32  }
0x102: {  	s17 =	sadd.s32 $0xFFFFF430, s16;
	[tilespmem:v15+s4+$0x0] =	vst.idx.msk $0xffff, v10;
	v10 =	vand.u32 $0x3FFF, v18  }
0x103: {  	v15 =	vadd.s32 s17, v1;
	[tilespmem:v13+s1+$0x0] =	vst.idx.msk $0xffff, v31  }
0x104: {  	s17 =	sadd.s32 $0xFFFFF820, s16;
	[tilespmem:v13+s4+$0x0] =	vst.idx.msk $0xffff, v9;
	v9 =	vand.u32 $0x3FFF, v15  }
0x105: {  	v13 =	vadd.s32 s17, v1;
	[tilespmem:v12+s1+$0x0] =	vst.idx.msk $0xffff, v17  }
0x106: {  	s17 =	sadd.s32 $0xFFFFFC10, s16;
	[tilespmem:v12+s4+$0x0] =	vst.idx.msk $0xffff, v8;
	v8 =	vand.u32 $0x3FFF, v13  }
0x107: {  	v12 =	vadd.s32 s17, v1;
	[tilespmem:v10+s1+$0x0] =	vst.idx.msk $0xffff, v30  }
0x108: {  	[tilespmem:v10+s4+$0x0] =	vst.idx.msk $0xffff, v7;
	v7 =	vand.u32 $0x3FFF, v12  }
0x109: {  	v10 =	vadd.s32 s16, v1;
	[tilespmem:v9+s1+$0x0] =	vst.idx.msk $0xffff, v29  }
0x10a: {  	[tilespmem:v9+s4+$0x0] =	vst.idx.msk $0xffff, v6;
	v6 =	vand.u32 $0x3FFF, v10  }
.Ltmp0:
0x10b: {  	[tilespmem:v8+s1+$0x0] =	vst.idx.msk $0xffff, v16;
	(pc) =	sbr.rel @p0 .LBB2_2-.Ltmp0, $4  }
0x10c: {  	[tilespmem:v8+s4+$0x0] =	vst.idx.msk $0xffff, v5  }
0x10d: {  	[tilespmem:v7+s1+$0x0] =	vst.idx.msk $0xffff, v14  }
0x10e: {  	[tilespmem:v7+s4+$0x0] =	vst.idx.msk $0xffff, v4  }
0x10f: {  	[tilespmem:v6+s1+$0x0] =	vst.idx.msk $0xffff, v11  }
0x110: {  	_ =	sdelay $0x3  }
0x111: {  	[tilespmem:v6+s4+$0x0] =	vst.idx.msk $0xffff, v3  }
0x112: {  	_ =	swait.ge [sflag:s5], $0x2000  }
0x113: {  	[sflag:s5] =	ssyncset.done $0x0  }
0x114: {  	[sflag:s5] =	ssyncadd.s32 $0xFFFFE000  }
0x115: {  	_ =	swait.ge [sflag:s5], $0x2000  }
0x116: {  	[sflag:s5] =	ssyncset.done $0x0  }
0x117: {  	s12 =	rddreg [dreg:$0x8];
	[sflag:s5] =	ssyncadd.s32 $0xFFFFE000  }
0x118: {  	[tilespmem:s3], [sflag:$0x1] =	stream.strided.gather [hbm4b:s12+s6], $0x2000, s23, s6, $0x38;
	[tilespmem:$0x18480] =	vst v63  }
0x119: {  	s16 =	rddreg [dreg:$0x9];
	s12 =	simm.s32 $0x6080  }
0x11a: {  	[tilespmem:s25], [sflag:$0x1] =	stream.strided.gather [hbm4b:s16+s6], $0x2000, s23, s6, $0x38;
	[tilespmem:$0x18480] =	vst v63  }
0x11b: {  	v3 =	vld [tilespmem:s12+$0x70]  }
0x11c: {  	v4 =	vld [tilespmem:s12+$0x60]  }
0x11d: {  	v5 =	vld [tilespmem:s12+$0x50]  }
0x11e: {  	v6 =	vld [tilespmem:s12+$0x40]  }
0x11f: {  	v7 =	vld [tilespmem:s12+$0x30]  }
0x120: {  	v8 =	vld [tilespmem:s12+$0x20]  }
0x121: {  	v9 =	vld [tilespmem:s12+$0x10]  }
0x122: {  	v10 =	vld [tilespmem:s12+$0x0]  }
0x123: {  	v11 =	vld [tilespmem:s12+$0xFFFFFFF0]  }
0x124: {  	v12 =	vld [tilespmem:s12+$0xFFFFFFE0]  }
0x125: {  	v13 =	vld [tilespmem:s12+$0xFFFFFFD0]  }
0x126: {  	v14 =	vld [tilespmem:s12+$0xFFFFFFC0]  }
0x127: {  	v15 =	vld [tilespmem:s12+$0xFFFFFFB0]  }
0x128: {  	v16 =	vld [tilespmem:s12+$0xFFFFFFA0]  }
0x129: {  	v17 =	vld [tilespmem:s12+$0xFFFFFF90]  }
0x12a: {  	s13 =	simm.s32 $0x2080;
	v18 =	vld [tilespmem:s12+$0xFFFFFF80]  }
0x12b: {  	v19 =	vld [tilespmem:s13+$0xFFFFFFE0]  }
0x12c: {  	v20 =	vld [tilespmem:s13+$0xFFFFFFF0]  }
0x12d: {  	v21 =	vld [tilespmem:s13+$0x0]  }
0x12e: {  	v22 =	vld [tilespmem:s13+$0x10]  }
0x12f: {  	v23 =	vld [tilespmem:s13+$0x20]  }
0x130: {  	v24 =	vld [tilespmem:s13+$0x70]  }
0x131: {  	v25 =	vld [tilespmem:s13+$0x60]  }
0x132: {  	v26 =	vld [tilespmem:s13+$0x50]  }
0x133: {  	v27 =	vld [tilespmem:s13+$0x40]  }
0x134: {  	v28 =	vld [tilespmem:s13+$0x30]  }
0x135: {  	v29 =	vld [tilespmem:s13+$0xFFFFFFB0]  }
0x136: {  	v30 =	vld [tilespmem:s13+$0xFFFFFFA0]  }
0x137: {  	v31 =	vld [tilespmem:s13+$0xFFFFFFC0]  }
0x138: {  	v32 =	vld [tilespmem:s13+$0xFFFFFF80]  }
0x139: {  	v33 =	vld [tilespmem:s13+$0xFFFFFFD0]  }
0x13a: {  	v34 =	vld [tilespmem:s13+$0xFFFFFF90]  }
0x13b: {  	v24 =	vld.idx.msk [tilespmem:v24+s26+$0x0], $0xffff  }
0x13c: {  	v25 =	vld.idx.msk [tilespmem:v25+s26+$0x0], $0xffff  }
0x13d: {  	v26 =	vld.idx.msk [tilespmem:v26+s26+$0x0], $0xffff  }
0x13e: {  	v27 =	vld.idx.msk [tilespmem:v27+s26+$0x0], $0xffff  }
0x13f: {  	v28 =	vld.idx.msk [tilespmem:v28+s26+$0x0], $0xffff  }
0x140: {  	s14 =	simm.s32 $0x0;
	v23 =	vld.idx.msk [tilespmem:v23+s26+$0x0], $0xffff  }
0x141: {  	s14 =	sand.u32 $0x3F00, s14;
	v22 =	vld.idx.msk [tilespmem:v22+s26+$0x0], $0xffff  }
0x142: {  	s14 =	sxor.u32 $0x2000, s14;
	v21 =	vld.idx.msk [tilespmem:v21+s26+$0x0], $0xffff  }
0x143: {  	v35 =	vadd.s32 s14, v1;
	v20 =	vld.idx.msk [tilespmem:v20+s26+$0x0], $0xffff  }
0x144: {  	v35 =	vand.u32 $0x3F80, v35;
	v19 =	vld.idx.msk [tilespmem:v19+s26+$0x0], $0xffff  }
0x145: {  	s17 =	simm.s32 $0x23F0;
	v35 =	vor.u32 v2, v35;
	v32 =	vld.idx.msk [tilespmem:v32+s26+$0x0], $0xffff  }
0x146: {  	v36 =	vadd.s32 s17, v1;
	v33 =	vld.idx.msk [tilespmem:v33+s26+$0x0], $0xffff  }
0x147: {  	s15 =	simm.s32 $0x27E0;
	v36 =	vand.u32 $0x3FFF, v36;
	v34 =	vld.idx.msk [tilespmem:v34+s26+$0x0], $0xffff  }
0x148: {  	v37 =	vadd.s32 s15, v1;
	v31 =	vld.idx.msk [tilespmem:v31+s26+$0x0], $0xffff  }
0x149: {  	v37 =	vand.u32 $0x3FFF, v37;
	s16 =	simm.s32 $0x2BD0;
	v30 =	vld.idx.msk [tilespmem:v30+s26+$0x0], $0xffff  }
0x14a: {  	v38 =	vadd.s32 s16, v1;
	v29 =	vld.idx.msk [tilespmem:v29+s26+$0x0], $0xffff;
	[tilespmem:v35+s1+$0x0] =	vst.idx.msk $0xffff, v32  }
0x14b: {  	s17 =	simm.s32 $0x2FC0;
	v41 =	vand.u32 $0x3FFF, v38;
	[tilespmem:v35+s4+$0x0] =	vst.idx.msk $0xffff, v18  }
0x14c: {  	v42 =	vadd.s32 s17, v1;
	[tilespmem:v36+s1+$0x0] =	vst.idx.msk $0xffff, v34  }
0x14d: {  	s15 =	simm.s32 $0x33B0;
	v43 =	vand.u32 $0x3FFF, v42;
	[tilespmem:v36+s4+$0x0] =	vst.idx.msk $0xffff, v17  }
0x14e: {  	v44 =	vadd.s32 s15, v1;
	[tilespmem:v37+s1+$0x0] =	vst.idx.msk $0xffff, v30  }
0x14f: {  	v45 =	vand.u32 $0x3FFF, v44;
	s16 =	simm.s32 $0x37A0;
	[tilespmem:v37+s4+$0x0] =	vst.idx.msk $0xffff, v16  }
0x150: {  	v46 =	vadd.s32 s16, v1;
	[tilespmem:v41+s1+$0x0] =	vst.idx.msk $0xffff, v29  }
0x151: {  	s15 =	simm.s32 $0x3B90;
	v47 =	vand.u32 $0x3FFF, v46;
	[tilespmem:v41+s4+$0x0] =	vst.idx.msk $0xffff, v15  }
0x152: {  	s14 =	simm.s32 $0x3F80;
	v48 =	vadd.s32 s15, v1;
	[tilespmem:v43+s1+$0x0] =	vst.idx.msk $0xffff, v31  }
0x153: {  	v49 =	vadd.s32 s14, v1;
	v50 =	vand.u32 $0x3FFF, v48;
	[tilespmem:v43+s4+$0x0] =	vst.idx.msk $0xffff, v14  }
0x154: {  	s17 =	simm.s32 $0x370;
	v51 =	vand.u32 $0x3F80, v49;
	[tilespmem:v45+s1+$0x0] =	vst.idx.msk $0xffff, v33  }
0x155: {  	s15 =	sand.u32 $0x3F70, s17;
	v52 =	vor.u32 v2, v51;
	[tilespmem:v45+s4+$0x0] =	vst.idx.msk $0xffff, v13  }
0x156: {  	v53 =	vadd.s32 s15, v1;
	s16 =	simm.s32 $0x760;
	[tilespmem:v47+s1+$0x0] =	vst.idx.msk $0xffff, v19  }
0x157: {  	v54 =	vand.u32 $0x3FFF, v53;
	s15 =	sand.u32 $0x3F60, s16;
	[tilespmem:v47+s4+$0x0] =	vst.idx.msk $0xffff, v12  }
0x158: {  	s17 =	simm.s32 $0xB50;
	v55 =	vadd.s32 s15, v1;
	[tilespmem:v50+s1+$0x0] =	vst.idx.msk $0xffff, v20  }
0x159: {  	s15 =	sand.u32 $0x3F50, s17;
	v56 =	vand.u32 $0x3FFF, v55;
	[tilespmem:v50+s4+$0x0] =	vst.idx.msk $0xffff, v11  }
0x15a: {  	s16 =	simm.s32 $0xF40;
	v57 =	vadd.s32 s15, v1;
	[tilespmem:v52+s1+$0x0] =	vst.idx.msk $0xffff, v21  }
0x15b: {  	s15 =	sand.u32 $0x3F40, s16;
	v58 =	vand.u32 $0x3FFF, v57;
	[tilespmem:v52+s4+$0x0] =	vst.idx.msk $0xffff, v10  }
0x15c: {  	s17 =	simm.s32 $0x1330;
	v59 =	vadd.s32 s15, v1;
	[tilespmem:v54+s1+$0x0] =	vst.idx.msk $0xffff, v22  }
0x15d: {  	s15 =	sand.u32 $0x3F30, s17;
	v60 =	vand.u32 $0x3FFF, v59;
	[tilespmem:v54+s4+$0x0] =	vst.idx.msk $0xffff, v9  }
0x15e: {  	s16 =	simm.s32 $0x1720;
	v61 =	vadd.s32 s15, v1;
	[tilespmem:v56+s1+$0x0] =	vst.idx.msk $0xffff, v23  }
0x15f: {  	s15 =	sand.u32 $0x3F20, s16;
	[tilespmem:v56+s4+$0x0] =	vst.idx.msk $0xffff, v8;
	v8 =	vand.u32 $0x3FFF, v61  }
0x160: {  	s16 =	simm.s32 $0x1B10;
	v62 =	vadd.s32 s15, v1;
	[tilespmem:v58+s1+$0x0] =	vst.idx.msk $0xffff, v28  }
0x161: {  	s17 =	sand.u32 $0x3F10, s16;
	[tilespmem:v58+s4+$0x0] =	vst.idx.msk $0xffff, v7;
	v7 =	vand.u32 $0x3FFF, v62  }
0x162: {  	v63 =	vadd.s32 s17, v1;
	[tilespmem:v60+s1+$0x0] =	vst.idx.msk $0xffff, v27  }
0x163: {  	[tilespmem:v60+s4+$0x0] =	vst.idx.msk $0xffff, v6;
	v6 =	vand.u32 $0x3FFF, v63  }
0x164: {  	[tilespmem:v8+s1+$0x0] =	vst.idx.msk $0xffff, v26  }
0x165: {  	[tilespmem:v8+s4+$0x0] =	vst.idx.msk $0xffff, v5  }
0x166: {  	[tilespmem:v7+s1+$0x0] =	vst.idx.msk $0xffff, v25  }
0x167: {  	[tilespmem:v7+s4+$0x0] =	vst.idx.msk $0xffff, v4  }
0x168: {  	s15 =	simm.s32 $0x5A10;
	[tilespmem:v6+s1+$0x0] =	vst.idx.msk $0xffff, v24  }
.LBB2_4:
0x169: {  	[tilespmem:v6+s4+$0x0] =	vst.idx.msk $0xffff, v3;
	s14 =	sadd.s32 $0xFFFFFF00, s14;
	s12 =	sadd.s32 $0x100, s12;
	s13 =	sadd.s32 $0x100, s13  }
0x16a: {  	p0 =	sne.s32 s15, $0x7BC10;
	s16 =	smov.u32 s15;
	s15 =	sadd.s32 $0x3F00, s15;
	v3 =	vld [tilespmem:s12+$0x70]  }
0x16b: {  	v4 =	vld [tilespmem:s12+$0x60]  }
0x16c: {  	v5 =	vld [tilespmem:s12+$0x50]  }
0x16d: {  	v6 =	vld [tilespmem:s12+$0x40]  }
0x16e: {  	v7 =	vld [tilespmem:s12+$0x30]  }
0x16f: {  	v8 =	vld [tilespmem:s12+$0x20]  }
0x170: {  	v9 =	vld [tilespmem:s12+$0x10]  }
0x171: {  	v10 =	vld [tilespmem:s12+$0x0]  }
0x172: {  	v12 =	vld [tilespmem:s12+$0xFFFFFFF0]  }
0x173: {  	v15 =	vld [tilespmem:s12+$0xFFFFFFE0]  }
0x174: {  	v17 =	vld [tilespmem:s12+$0xFFFFFFD0]  }
0x175: {  	v18 =	vld [tilespmem:s12+$0xFFFFFFC0]  }
0x176: {  	v19 =	vld [tilespmem:s12+$0xFFFFFFB0]  }
0x177: {  	v20 =	vld [tilespmem:s12+$0xFFFFFFA0]  }
0x178: {  	v21 =	vld [tilespmem:s12+$0xFFFFFF90]  }
0x179: {  	v22 =	vld [tilespmem:s12+$0xFFFFFF80]  }
0x17a: {  	v23 =	vld [tilespmem:s13+$0xFFFFFFE0]  }
0x17b: {  	v24 =	vld [tilespmem:s13+$0xFFFFFFF0]  }
0x17c: {  	v25 =	vld [tilespmem:s13+$0x0]  }
0x17d: {  	v26 =	vld [tilespmem:s13+$0x10]  }
0x17e: {  	v27 =	vld [tilespmem:s13+$0x20]  }
0x17f: {  	v11 =	vld [tilespmem:s13+$0x70]  }
0x180: {  	v13 =	vld [tilespmem:s13+$0x60]  }
0x181: {  	v14 =	vld [tilespmem:s13+$0x50]  }
0x182: {  	v16 =	vld [tilespmem:s13+$0x40]  }
0x183: {  	v28 =	vld [tilespmem:s13+$0x30]  }
0x184: {  	v29 =	vld [tilespmem:s13+$0xFFFFFFB0]  }
0x185: {  	v30 =	vld [tilespmem:s13+$0xFFFFFFA0]  }
0x186: {  	v31 =	vld [tilespmem:s13+$0xFFFFFFC0]  }
0x187: {  	v11 =	vld.idx.msk [tilespmem:v11+s26+$0x0], $0xffff  }
0x188: {  	v13 =	vld.idx.msk [tilespmem:v13+s26+$0x0], $0xffff  }
0x189: {  	v14 =	vld.idx.msk [tilespmem:v14+s26+$0x0], $0xffff  }
0x18a: {  	v16 =	vld.idx.msk [tilespmem:v16+s26+$0x0], $0xffff  }
0x18b: {  	v28 =	vld.idx.msk [tilespmem:v28+s26+$0x0], $0xffff  }
0x18c: {  	v32 =	vld [tilespmem:s13+$0xFFFFFF80]  }
0x18d: {  	v33 =	vld [tilespmem:s13+$0xFFFFFFD0]  }
0x18e: {  	v34 =	vld [tilespmem:s13+$0xFFFFFF90]  }
0x18f: {  	v27 =	vld.idx.msk [tilespmem:v27+s26+$0x0], $0xffff  }
0x190: {  	s17 =	sadd.s32 $0xFFFFE4F0, s16;
	v26 =	vld.idx.msk [tilespmem:v26+s26+$0x0], $0xffff  }
0x191: {  	s17 =	sand.u32 $0x3F00, s17;
	v25 =	vld.idx.msk [tilespmem:v25+s26+$0x0], $0xffff  }
0x192: {  	s17 =	sxor.u32 $0x2000, s17;
	v24 =	vld.idx.msk [tilespmem:v24+s26+$0x0], $0xffff  }
0x193: {  	v35 =	vadd.s32 s17, v1;
	v23 =	vld.idx.msk [tilespmem:v23+s26+$0x0], $0xffff  }
0x194: {  	v35 =	vand.u32 $0x3F80, v35;
	v32 =	vld.idx.msk [tilespmem:v32+s26+$0x0], $0xffff  }
0x195: {  	s17 =	sadd.s32 $0xFFFFE470, s14;
	v35 =	vor.u32 v2, v35;
	v33 =	vld.idx.msk [tilespmem:v33+s26+$0x0], $0xffff  }
0x196: {  	v36 =	vadd.s32 s17, v1;
	v34 =	vld.idx.msk [tilespmem:v34+s26+$0x0], $0xffff  }
0x197: {  	s17 =	sadd.s32 $0xFFFFE860, s14;
	v36 =	vand.u32 $0x3FFF, v36;
	v31 =	vld.idx.msk [tilespmem:v31+s26+$0x0], $0xffff  }
0x198: {  	v37 =	vadd.s32 s17, v1;
	v30 =	vld.idx.msk [tilespmem:v30+s26+$0x0], $0xffff  }
0x199: {  	s17 =	sadd.s32 $0xFFFFEC50, s14;
	v37 =	vand.u32 $0x3FFF, v37;
	v29 =	vld.idx.msk [tilespmem:v29+s26+$0x0], $0xffff  }
0x19a: {  	v38 =	vadd.s32 s17, v1;
	[tilespmem:v35+s1+$0x0] =	vst.idx.msk $0xffff, v32  }
0x19b: {  	s17 =	sadd.s32 $0xFFFFF040, s14;
	[tilespmem:v35+s4+$0x0] =	vst.idx.msk $0xffff, v22;
	v22 =	vand.u32 $0x3FFF, v38  }
0x19c: {  	v32 =	vadd.s32 s17, v1;
	[tilespmem:v36+s1+$0x0] =	vst.idx.msk $0xffff, v34  }
0x19d: {  	s17 =	sadd.s32 $0xFFFFF430, s14;
	[tilespmem:v36+s4+$0x0] =	vst.idx.msk $0xffff, v21;
	v21 =	vand.u32 $0x3FFF, v32  }
0x19e: {  	v32 =	vadd.s32 s17, v1;
	[tilespmem:v37+s1+$0x0] =	vst.idx.msk $0xffff, v30  }
0x19f: {  	s17 =	sadd.s32 $0xFFFFF820, s14;
	[tilespmem:v37+s4+$0x0] =	vst.idx.msk $0xffff, v20;
	v20 =	vand.u32 $0x3FFF, v32  }
0x1a0: {  	v30 =	vadd.s32 s17, v1;
	[tilespmem:v22+s1+$0x0] =	vst.idx.msk $0xffff, v29  }
0x1a1: {  	s17 =	sadd.s32 $0xFFFFFC10, s14;
	[tilespmem:v22+s4+$0x0] =	vst.idx.msk $0xffff, v19;
	v19 =	vand.u32 $0x3FFF, v30  }
0x1a2: {  	v22 =	vadd.s32 s17, v1;
	[tilespmem:v21+s1+$0x0] =	vst.idx.msk $0xffff, v31  }
0x1a3: {  	v29 =	vadd.s32 s14, v1;
	[tilespmem:v21+s4+$0x0] =	vst.idx.msk $0xffff, v18;
	v18 =	vand.u32 $0x3FFF, v22  }
0x1a4: {  	s17 =	sadd.s32 $0xFFFFE860, s16;
	v21 =	vand.u32 $0x3F80, v29;
	[tilespmem:v20+s1+$0x0] =	vst.idx.msk $0xffff, v33  }
0x1a5: {  	s17 =	sand.u32 $0x3F70, s17;
	[tilespmem:v20+s4+$0x0] =	vst.idx.msk $0xffff, v17;
	v17 =	vor.u32 v2, v21  }
0x1a6: {  	v20 =	vadd.s32 s17, v1;
	s17 =	sadd.s32 $0xFFFFEC50, s16;
	[tilespmem:v19+s1+$0x0] =	vst.idx.msk $0xffff, v23  }
0x1a7: {  	s17 =	sand.u32 $0x3F60, s17;
	[tilespmem:v19+s4+$0x0] =	vst.idx.msk $0xffff, v15;
	v15 =	vand.u32 $0x3FFF, v20  }
0x1a8: {  	v19 =	vadd.s32 s17, v1;
	s17 =	sadd.s32 $0xFFFFF040, s16;
	[tilespmem:v18+s1+$0x0] =	vst.idx.msk $0xffff, v24  }
0x1a9: {  	s17 =	sand.u32 $0x3F50, s17;
	[tilespmem:v18+s4+$0x0] =	vst.idx.msk $0xffff, v12;
	v12 =	vand.u32 $0x3FFF, v19  }
0x1aa: {  	v18 =	vadd.s32 s17, v1;
	s17 =	sadd.s32 $0xFFFFF430, s16;
	[tilespmem:v17+s1+$0x0] =	vst.idx.msk $0xffff, v25  }
0x1ab: {  	s17 =	sand.u32 $0x3F40, s17;
	[tilespmem:v17+s4+$0x0] =	vst.idx.msk $0xffff, v10;
	v10 =	vand.u32 $0x3FFF, v18  }
0x1ac: {  	v17 =	vadd.s32 s17, v1;
	s17 =	sadd.s32 $0xFFFFF820, s16;
	[tilespmem:v15+s1+$0x0] =	vst.idx.msk $0xffff, v26  }
0x1ad: {  	s17 =	sand.u32 $0x3F30, s17;
	[tilespmem:v15+s4+$0x0] =	vst.idx.msk $0xffff, v9;
	v9 =	vand.u32 $0x3FFF, v17  }
0x1ae: {  	v15 =	vadd.s32 s17, v1;
	s17 =	sadd.s32 $0xFFFFFC10, s16;
	[tilespmem:v12+s1+$0x0] =	vst.idx.msk $0xffff, v27  }
0x1af: {  	s17 =	sand.u32 $0x3F20, s17;
	[tilespmem:v12+s4+$0x0] =	vst.idx.msk $0xffff, v8;
	v8 =	vand.u32 $0x3FFF, v15  }
0x1b0: {  	v12 =	vadd.s32 s17, v1;
	[tilespmem:v10+s1+$0x0] =	vst.idx.msk $0xffff, v28  }
0x1b1: {  	s16 =	sand.u32 $0x3F10, s16;
	[tilespmem:v10+s4+$0x0] =	vst.idx.msk $0xffff, v7;
	v7 =	vand.u32 $0x3FFF, v12  }
0x1b2: {  	v10 =	vadd.s32 s16, v1;
	[tilespmem:v9+s1+$0x0] =	vst.idx.msk $0xffff, v16  }
0x1b3: {  	[tilespmem:v9+s4+$0x0] =	vst.idx.msk $0xffff, v6;
	v6 =	vand.u32 $0x3FFF, v10  }
.Ltmp1:
0x1b4: {  	[tilespmem:v8+s1+$0x0] =	vst.idx.msk $0xffff, v14;
	(pc) =	sbr.rel @p0 .LBB2_4-.Ltmp1, $4  }
0x1b5: {  	[tilespmem:v8+s4+$0x0] =	vst.idx.msk $0xffff, v5  }
0x1b6: {  	[tilespmem:v7+s1+$0x0] =	vst.idx.msk $0xffff, v13  }
0x1b7: {  	[tilespmem:v7+s4+$0x0] =	vst.idx.msk $0xffff, v4  }
0x1b8: {  	[tilespmem:v6+s1+$0x0] =	vst.idx.msk $0xffff, v11  }
0x1b9: {  	_ =	sdelay $0x3  }
0x1ba: {  	[tilespmem:v6+s4+$0x0] =	vst.idx.msk $0xffff, v3  }
0x1bb: {  	[spmem:s2] =	stream.indirect.scatter.add.f32 [tilespmem:s1], [sflag:$0x3], $0x1, s4, s25, $0xb8;
	[tilespmem:$0x18480] =	vst v63  }
0x1bc: {  	_ =	swait.ge [sflag:s30], $0x2000  }
0x1bd: {  	[sflag:s30] =	ssyncset.done $0x0  }
0x1be: {  	[sflag:s30] =	ssyncadd.s32 $0xFFFFE000  }
0x1bf: {  	_ =	swait.ge [sflag:s30], $0x2000  }
0x1c0: {  	[sflag:s30] =	ssyncset.done $0x0  }
0x1c1: {  	s12 =	simm.s32 $0x80;
	s13 =	rddreg [dreg:$0xa];
	[sflag:s30] =	ssyncadd.s32 $0xFFFFE000  }
0x1c2: {  	[tilespmem:s31], [sflag:$0x2] =	stream.strided.gather [hbm4b:s13+s12], $0x2000, s23, s12, $0x38;
	[tilespmem:$0x18480] =	vst v63  }
0x1c3: {  	s16 =	rddreg [dreg:$0xb];
	s13 =	simm.s32 $0x4080  }
0x1c4: {  	[tilespmem:s0], [sflag:$0x2] =	stream.strided.gather [hbm4b:s16+s12], $0x2000, s23, s12, $0x38;
	[tilespmem:$0x18480] =	vst v63  }
0x1c5: {  	v3 =	vld [tilespmem:s13+$0x70]  }
0x1c6: {  	v4 =	vld [tilespmem:s13+$0x60]  }
0x1c7: {  	v5 =	vld [tilespmem:s13+$0x50]  }
0x1c8: {  	v6 =	vld [tilespmem:s13+$0x40]  }
0x1c9: {  	v7 =	vld [tilespmem:s13+$0x30]  }
0x1ca: {  	v8 =	vld [tilespmem:s13+$0x20]  }
0x1cb: {  	v9 =	vld [tilespmem:s13+$0x10]  }
0x1cc: {  	v10 =	vld [tilespmem:s13+$0x0]  }
0x1cd: {  	v11 =	vld [tilespmem:s13+$0xFFFFFFF0]  }
0x1ce: {  	v12 =	vld [tilespmem:s13+$0xFFFFFFE0]  }
0x1cf: {  	v13 =	vld [tilespmem:s13+$0xFFFFFFD0]  }
0x1d0: {  	v14 =	vld [tilespmem:s13+$0xFFFFFFC0]  }
0x1d1: {  	v15 =	vld [tilespmem:s13+$0xFFFFFFB0]  }
0x1d2: {  	v16 =	vld [tilespmem:s13+$0xFFFFFFA0]  }
0x1d3: {  	v17 =	vld [tilespmem:s13+$0xFFFFFF90]  }
0x1d4: {  	v18 =	vld [tilespmem:s13+$0xFFFFFF80]  }
0x1d5: {  	v19 =	vld [tilespmem:s12+$0x50]  }
0x1d6: {  	v20 =	vld [tilespmem:s12+$0x60]  }
0x1d7: {  	v21 =	vld [tilespmem:s12+$0x70]  }
0x1d8: {  	v22 =	vld [tilespmem:s12+$0x20]  }
0x1d9: {  	v23 =	vld [tilespmem:s12+$0xFFFFFFB0]  }
0x1da: {  	v24 =	vld [tilespmem:s12+$0xFFFFFFA0]  }
0x1db: {  	v25 =	vld [tilespmem:s12+$0xFFFFFFC0]  }
0x1dc: {  	v26 =	vld [tilespmem:s12+$0xFFFFFF90]  }
0x1dd: {  	v27 =	vld [tilespmem:s12+$0xFFFFFFD0]  }
0x1de: {  	v28 =	vld [tilespmem:s12+$0xFFFFFF80]  }
0x1df: {  	v29 =	vld [tilespmem:s12+$0x40]  }
0x1e0: {  	v30 =	vld [tilespmem:s12+$0x30]  }
0x1e1: {  	v31 =	vld [tilespmem:s12+$0x10]  }
0x1e2: {  	v32 =	vld [tilespmem:s12+$0x0]  }
0x1e3: {  	v33 =	vld [tilespmem:s12+$0xFFFFFFF0]  }
0x1e4: {  	v34 =	vld [tilespmem:s12+$0xFFFFFFE0]  }
0x1e5: {  	v21 =	vld.idx.msk [tilespmem:v21+s26+$0x0], $0xffff  }
0x1e6: {  	v22 =	vld.idx.msk [tilespmem:v22+s26+$0x0], $0xffff  }
0x1e7: {  	v20 =	vld.idx.msk [tilespmem:v20+s26+$0x0], $0xffff  }
0x1e8: {  	v19 =	vld.idx.msk [tilespmem:v19+s26+$0x0], $0xffff  }
0x1e9: {  	v29 =	vld.idx.msk [tilespmem:v29+s26+$0x0], $0xffff  }
0x1ea: {  	v30 =	vld.idx.msk [tilespmem:v30+s26+$0x0], $0xffff  }
0x1eb: {  	s14 =	simm.s32 $0x0;
	v31 =	vld.idx.msk [tilespmem:v31+s26+$0x0], $0xffff  }
0x1ec: {  	s14 =	sand.u32 $0x3F00, s14;
	v32 =	vld.idx.msk [tilespmem:v32+s26+$0x0], $0xffff  }
0x1ed: {  	v35 =	vadd.s32 s14, v1;
	v33 =	vld.idx.msk [tilespmem:v33+s26+$0x0], $0xffff  }
0x1ee: {  	s17 =	simm.s32 $0x3F0;
	v35 =	vand.u32 $0x3F80, v35;
	v34 =	vld.idx.msk [tilespmem:v34+s26+$0x0], $0xffff  }
0x1ef: {  	s14 =	sand.u32 $0x3FF0, s17;
	v35 =	vor.u32 v2, v35;
	v28 =	vld.idx.msk [tilespmem:v28+s26+$0x0], $0xffff  }
0x1f0: {  	s15 =	simm.s32 $0x7E0;
	v36 =	vadd.s32 s14, v1;
	v27 =	vld.idx.msk [tilespmem:v27+s26+$0x0], $0xffff  }
0x1f1: {  	s14 =	sand.u32 $0x3FE0, s15;
	v36 =	vand.u32 $0x3FFF, v36;
	v26 =	vld.idx.msk [tilespmem:v26+s26+$0x0], $0xffff  }
0x1f2: {  	v37 =	vadd.s32 s14, v1;
	s16 =	simm.s32 $0xBD0;
	v25 =	vld.idx.msk [tilespmem:v25+s26+$0x0], $0xffff  }
0x1f3: {  	v37 =	vand.u32 $0x3FFF, v37;
	s14 =	sand.u32 $0x3FD0, s16;
	v24 =	vld.idx.msk [tilespmem:v24+s26+$0x0], $0xffff  }
0x1f4: {  	s17 =	simm.s32 $0xFC0;
	v38 =	vadd.s32 s14, v1;
	v23 =	vld.idx.msk [tilespmem:v23+s26+$0x0], $0xffff;
	[tilespmem:v35+s29+$0x0] =	vst.idx.msk $0xffff, v28  }
0x1f5: {  	s14 =	sand.u32 $0x3FC0, s17;
	v41 =	vand.u32 $0x3FFF, v38;
	[tilespmem:v35+s8+$0x0] =	vst.idx.msk $0xffff, v18  }
0x1f6: {  	s15 =	simm.s32 $0x13B0;
	v42 =	vadd.s32 s14, v1;
	[tilespmem:v36+s29+$0x0] =	vst.idx.msk $0xffff, v26  }
0x1f7: {  	s14 =	sand.u32 $0x3FB0, s15;
	v43 =	vand.u32 $0x3FFF, v42;
	[tilespmem:v36+s8+$0x0] =	vst.idx.msk $0xffff, v17  }
0x1f8: {  	s16 =	simm.s32 $0x17A0;
	v44 =	vadd.s32 s14, v1;
	[tilespmem:v37+s29+$0x0] =	vst.idx.msk $0xffff, v24  }
0x1f9: {  	s15 =	sand.u32 $0x3FA0, s16;
	v45 =	vand.u32 $0x3FFF, v44;
	[tilespmem:v37+s8+$0x0] =	vst.idx.msk $0xffff, v16  }
0x1fa: {  	s14 =	simm.s32 $0x1B90;
	v46 =	vadd.s32 s15, v1;
	[tilespmem:v41+s29+$0x0] =	vst.idx.msk $0xffff, v23  }
0x1fb: {  	s17 =	sand.u32 $0x3F90, s14;
	v47 =	vand.u32 $0x3FFF, v46;
	[tilespmem:v41+s8+$0x0] =	vst.idx.msk $0xffff, v15  }
0x1fc: {  	s16 =	simm.s32 $0x1F80;
	v48 =	vadd.s32 s17, v1;
	[tilespmem:v43+s29+$0x0] =	vst.idx.msk $0xffff, v25  }
0x1fd: {  	v49 =	vadd.s32 s16, v1;
	v50 =	vand.u32 $0x3FFF, v48;
	[tilespmem:v43+s8+$0x0] =	vst.idx.msk $0xffff, v14  }
0x1fe: {  	v51 =	vand.u32 $0x3F80, v49;
	[tilespmem:v45+s29+$0x0] =	vst.idx.msk $0xffff, v27  }
0x1ff: {  	s17 =	simm.s32 $0x2370;
	v52 =	vor.u32 v2, v51;
	[tilespmem:v45+s8+$0x0] =	vst.idx.msk $0xffff, v13  }
0x200: {  	v53 =	vadd.s32 s17, v1;
	[tilespmem:v47+s29+$0x0] =	vst.idx.msk $0xffff, v34  }
0x201: {  	s16 =	simm.s32 $0x2760;
	v54 =	vand.u32 $0x3FFF, v53;
	[tilespmem:v47+s8+$0x0] =	vst.idx.msk $0xffff, v12  }
0x202: {  	v55 =	vadd.s32 s16, v1;
	[tilespmem:v50+s29+$0x0] =	vst.idx.msk $0xffff, v33  }
0x203: {  	v56 =	vand.u32 $0x3FFF, v55;
	s17 =	simm.s32 $0x2B50;
	[tilespmem:v50+s8+$0x0] =	vst.idx.msk $0xffff, v11  }
0x204: {  	v57 =	vadd.s32 s17, v1;
	[tilespmem:v52+s29+$0x0] =	vst.idx.msk $0xffff, v32  }
0x205: {  	s16 =	simm.s32 $0x2F40;
	v58 =	vand.u32 $0x3FFF, v57;
	[tilespmem:v52+s8+$0x0] =	vst.idx.msk $0xffff, v10  }
0x206: {  	v59 =	vadd.s32 s16, v1;
	[tilespmem:v54+s29+$0x0] =	vst.idx.msk $0xffff, v31  }
0x207: {  	v60 =	vand.u32 $0x3FFF, v59;
	s17 =	simm.s32 $0x3330;
	[tilespmem:v54+s8+$0x0] =	vst.idx.msk $0xffff, v9  }
0x208: {  	v61 =	vadd.s32 s17, v1;
	[tilespmem:v56+s29+$0x0] =	vst.idx.msk $0xffff, v22  }
0x209: {  	s16 =	simm.s32 $0x3720;
	[tilespmem:v56+s8+$0x0] =	vst.idx.msk $0xffff, v8;
	v8 =	vand.u32 $0x3FFF, v61  }
0x20a: {  	v62 =	vadd.s32 s16, v1;
	[tilespmem:v58+s29+$0x0] =	vst.idx.msk $0xffff, v30  }
0x20b: {  	s17 =	simm.s32 $0x3B10;
	[tilespmem:v58+s8+$0x0] =	vst.idx.msk $0xffff, v7;
	v7 =	vand.u32 $0x3FFF, v62  }
0x20c: {  	v63 =	vadd.s32 s17, v1;
	[tilespmem:v60+s29+$0x0] =	vst.idx.msk $0xffff, v29  }
0x20d: {  	[tilespmem:v60+s8+$0x0] =	vst.idx.msk $0xffff, v6;
	v6 =	vand.u32 $0x3FFF, v63  }
0x20e: {  	[tilespmem:v8+s29+$0x0] =	vst.idx.msk $0xffff, v19  }
0x20f: {  	[tilespmem:v8+s8+$0x0] =	vst.idx.msk $0xffff, v5  }
0x210: {  	[tilespmem:v7+s29+$0x0] =	vst.idx.msk $0xffff, v20  }
0x211: {  	[tilespmem:v7+s8+$0x0] =	vst.idx.msk $0xffff, v4  }
0x212: {  	s15 =	simm.s32 $0x3A10;
	[tilespmem:v6+s29+$0x0] =	vst.idx.msk $0xffff, v21  }
.LBB2_6:
0x213: {  	[tilespmem:v6+s8+$0x0] =	vst.idx.msk $0xffff, v3;
	s14 =	sadd.s32 $0x3F00, s14;
	s13 =	sadd.s32 $0x100, s13;
	s12 =	sadd.s32 $0x100, s12  }
0x214: {  	p0 =	sne.s32 s15, $0x1C10;
	s16 =	smov.u32 s15;
	s15 =	sadd.s32 $0xFFFFFF00, s15;
	v3 =	vld [tilespmem:s13+$0x70]  }
0x215: {  	v4 =	vld [tilespmem:s13+$0x60]  }
0x216: {  	v5 =	vld [tilespmem:s13+$0x50]  }
0x217: {  	v6 =	vld [tilespmem:s13+$0x40]  }
0x218: {  	v7 =	vld [tilespmem:s13+$0x30]  }
0x219: {  	v8 =	vld [tilespmem:s13+$0x20]  }
0x21a: {  	v9 =	vld [tilespmem:s13+$0x10]  }
0x21b: {  	v10 =	vld [tilespmem:s13+$0x0]  }
0x21c: {  	v12 =	vld [tilespmem:s13+$0xFFFFFFF0]  }
0x21d: {  	v13 =	vld [tilespmem:s13+$0xFFFFFFE0]  }
0x21e: {  	v15 =	vld [tilespmem:s13+$0xFFFFFFD0]  }
0x21f: {  	v18 =	vld [tilespmem:s13+$0xFFFFFFC0]  }
0x220: {  	v19 =	vld [tilespmem:s13+$0xFFFFFFB0]  }
0x221: {  	v20 =	vld [tilespmem:s13+$0xFFFFFFA0]  }
0x222: {  	v21 =	vld [tilespmem:s13+$0xFFFFFF90]  }
0x223: {  	v22 =	vld [tilespmem:s13+$0xFFFFFF80]  }
0x224: {  	v16 =	vld [tilespmem:s12+$0x50]  }
0x225: {  	v14 =	vld [tilespmem:s12+$0x60]  }
0x226: {  	v11 =	vld [tilespmem:s12+$0x70]  }
0x227: {  	v17 =	vld [tilespmem:s12+$0x20]  }
0x228: {  	v23 =	vld [tilespmem:s12+$0xFFFFFFB0]  }
0x229: {  	v24 =	vld [tilespmem:s12+$0xFFFFFFA0]  }
0x22a: {  	v25 =	vld [tilespmem:s12+$0xFFFFFFC0]  }
0x22b: {  	v26 =	vld [tilespmem:s12+$0xFFFFFF90]  }
0x22c: {  	v27 =	vld [tilespmem:s12+$0xFFFFFFD0]  }
0x22d: {  	v28 =	vld [tilespmem:s12+$0xFFFFFF80]  }
0x22e: {  	v11 =	vld.idx.msk [tilespmem:v11+s26+$0x0], $0xffff  }
0x22f: {  	v17 =	vld.idx.msk [tilespmem:v17+s26+$0x0], $0xffff  }
0x230: {  	v29 =	vld [tilespmem:s12+$0x40]  }
0x231: {  	v30 =	vld [tilespmem:s12+$0x30]  }
0x232: {  	v31 =	vld [tilespmem:s12+$0x10]  }
0x233: {  	v32 =	vld [tilespmem:s12+$0x0]  }
0x234: {  	v33 =	vld [tilespmem:s12+$0xFFFFFFF0]  }
0x235: {  	v34 =	vld [tilespmem:s12+$0xFFFFFFE0]  }
0x236: {  	v14 =	vld.idx.msk [tilespmem:v14+s26+$0x0], $0xffff  }
0x237: {  	v16 =	vld.idx.msk [tilespmem:v16+s26+$0x0], $0xffff  }
0x238: {  	v29 =	vld.idx.msk [tilespmem:v29+s26+$0x0], $0xffff  }
0x239: {  	v30 =	vld.idx.msk [tilespmem:v30+s26+$0x0], $0xffff  }
0x23a: {  	v31 =	vld.idx.msk [tilespmem:v31+s26+$0x0], $0xffff  }
0x23b: {  	s17 =	sadd.s32 $0xFFFFE470, s14;
	v32 =	vld.idx.msk [tilespmem:v32+s26+$0x0], $0xffff  }
0x23c: {  	s17 =	sand.u32 $0x3F00, s17;
	v33 =	vld.idx.msk [tilespmem:v33+s26+$0x0], $0xffff  }
0x23d: {  	v35 =	vadd.s32 s17, v1;
	v34 =	vld.idx.msk [tilespmem:v34+s26+$0x0], $0xffff  }
0x23e: {  	s17 =	sadd.s32 $0xFFFFE860, s14;
	v35 =	vand.u32 $0x3F80, v35;
	v28 =	vld.idx.msk [tilespmem:v28+s26+$0x0], $0xffff  }
0x23f: {  	s17 =	sand.u32 $0x3FF0, s17;
	v35 =	vor.u32 v2, v35;
	v27 =	vld.idx.msk [tilespmem:v27+s26+$0x0], $0xffff  }
0x240: {  	v36 =	vadd.s32 s17, v1;
	s17 =	sadd.s32 $0xFFFFEC50, s14;
	v26 =	vld.idx.msk [tilespmem:v26+s26+$0x0], $0xffff  }
0x241: {  	s17 =	sand.u32 $0x3FE0, s17;
	v36 =	vand.u32 $0x3FFF, v36;
	v25 =	vld.idx.msk [tilespmem:v25+s26+$0x0], $0xffff  }
0x242: {  	v37 =	vadd.s32 s17, v1;
	s17 =	sadd.s32 $0xFFFFF040, s14;
	v24 =	vld.idx.msk [tilespmem:v24+s26+$0x0], $0xffff  }
0x243: {  	s17 =	sand.u32 $0x3FD0, s17;
	v37 =	vand.u32 $0x3FFF, v37;
	v23 =	vld.idx.msk [tilespmem:v23+s26+$0x0], $0xffff  }
0x244: {  	v38 =	vadd.s32 s17, v1;
	s17 =	sadd.s32 $0xFFFFF430, s14;
	[tilespmem:v35+s29+$0x0] =	vst.idx.msk $0xffff, v28  }
0x245: {  	s17 =	sand.u32 $0x3FC0, s17;
	[tilespmem:v35+s8+$0x0] =	vst.idx.msk $0xffff, v22;
	v22 =	vand.u32 $0x3FFF, v38  }
0x246: {  	v28 =	vadd.s32 s17, v1;
	s17 =	sadd.s32 $0xFFFFF820, s14;
	[tilespmem:v36+s29+$0x0] =	vst.idx.msk $0xffff, v26  }
0x247: {  	s17 =	sand.u32 $0x3FB0, s17;
	[tilespmem:v36+s8+$0x0] =	vst.idx.msk $0xffff, v21;
	v21 =	vand.u32 $0x3FFF, v28  }
0x248: {  	v26 =	vadd.s32 s17, v1;
	s17 =	sadd.s32 $0xFFFFFC10, s14;
	[tilespmem:v37+s29+$0x0] =	vst.idx.msk $0xffff, v24  }
0x249: {  	s17 =	sand.u32 $0x3FA0, s17;
	[tilespmem:v37+s8+$0x0] =	vst.idx.msk $0xffff, v20;
	v20 =	vand.u32 $0x3FFF, v26  }
0x24a: {  	v24 =	vadd.s32 s17, v1;
	[tilespmem:v22+s29+$0x0] =	vst.idx.msk $0xffff, v23  }
0x24b: {  	s17 =	sand.u32 $0x3F90, s14;
	[tilespmem:v22+s8+$0x0] =	vst.idx.msk $0xffff, v19;
	v19 =	vand.u32 $0x3FFF, v24  }
0x24c: {  	v22 =	vadd.s32 s17, v1;
	s17 =	sadd.s32 $0xFFFFE470, s16;
	[tilespmem:v21+s29+$0x0] =	vst.idx.msk $0xffff, v25  }
0x24d: {  	v23 =	vadd.s32 s17, v1;
	[tilespmem:v21+s8+$0x0] =	vst.idx.msk $0xffff, v18;
	v18 =	vand.u32 $0x3FFF, v22  }
0x24e: {  	v21 =	vand.u32 $0x3F80, v23;
	[tilespmem:v20+s29+$0x0] =	vst.idx.msk $0xffff, v27  }
0x24f: {  	s17 =	sadd.s32 $0xFFFFE860, s16;
	[tilespmem:v20+s8+$0x0] =	vst.idx.msk $0xffff, v15;
	v15 =	vor.u32 v2, v21  }
0x250: {  	v20 =	vadd.s32 s17, v1;
	[tilespmem:v19+s29+$0x0] =	vst.idx.msk $0xffff, v34  }
0x251: {  	s17 =	sadd.s32 $0xFFFFEC50, s16;
	[tilespmem:v19+s8+$0x0] =	vst.idx.msk $0xffff, v13;
	v13 =	vand.u32 $0x3FFF, v20  }
0x252: {  	v19 =	vadd.s32 s17, v1;
	[tilespmem:v18+s29+$0x0] =	vst.idx.msk $0xffff, v33  }
0x253: {  	s17 =	sadd.s32 $0xFFFFF040, s16;
	[tilespmem:v18+s8+$0x0] =	vst.idx.msk $0xffff, v12;
	v12 =	vand.u32 $0x3FFF, v19  }
0x254: {  	v18 =	vadd.s32 s17, v1;
	[tilespmem:v15+s29+$0x0] =	vst.idx.msk $0xffff, v32  }
0x255: {  	s17 =	sadd.s32 $0xFFFFF430, s16;
	[tilespmem:v15+s8+$0x0] =	vst.idx.msk $0xffff, v10;
	v10 =	vand.u32 $0x3FFF, v18  }
0x256: {  	v15 =	vadd.s32 s17, v1;
	[tilespmem:v13+s29+$0x0] =	vst.idx.msk $0xffff, v31  }
0x257: {  	s17 =	sadd.s32 $0xFFFFF820, s16;
	[tilespmem:v13+s8+$0x0] =	vst.idx.msk $0xffff, v9;
	v9 =	vand.u32 $0x3FFF, v15  }
0x258: {  	v13 =	vadd.s32 s17, v1;
	[tilespmem:v12+s29+$0x0] =	vst.idx.msk $0xffff, v17  }
0x259: {  	s17 =	sadd.s32 $0xFFFFFC10, s16;
	[tilespmem:v12+s8+$0x0] =	vst.idx.msk $0xffff, v8;
	v8 =	vand.u32 $0x3FFF, v13  }
0x25a: {  	v12 =	vadd.s32 s17, v1;
	[tilespmem:v10+s29+$0x0] =	vst.idx.msk $0xffff, v30  }
0x25b: {  	[tilespmem:v10+s8+$0x0] =	vst.idx.msk $0xffff, v7;
	v7 =	vand.u32 $0x3FFF, v12  }
0x25c: {  	v10 =	vadd.s32 s16, v1;
	[tilespmem:v9+s29+$0x0] =	vst.idx.msk $0xffff, v29  }
0x25d: {  	[tilespmem:v9+s8+$0x0] =	vst.idx.msk $0xffff, v6;
	v6 =	vand.u32 $0x3FFF, v10  }
.Ltmp2:
0x25e: {  	[tilespmem:v8+s29+$0x0] =	vst.idx.msk $0xffff, v16;
	(pc) =	sbr.rel @p0 .LBB2_6-.Ltmp2, $4  }
0x25f: {  	[tilespmem:v8+s8+$0x0] =	vst.idx.msk $0xffff, v5  }
0x260: {  	[tilespmem:v7+s29+$0x0] =	vst.idx.msk $0xffff, v14  }
0x261: {  	[tilespmem:v7+s8+$0x0] =	vst.idx.msk $0xffff, v4  }
0x262: {  	[tilespmem:v6+s29+$0x0] =	vst.idx.msk $0xffff, v11  }
0x263: {  	_ =	sdelay $0x3  }
0x264: {  	[tilespmem:v6+s8+$0x0] =	vst.idx.msk $0xffff, v3  }
0x265: {  	_ =	swait.ge [sflag:s5], $0x2000  }
0x266: {  	[sflag:s5] =	ssyncset.done $0x0  }
0x267: {  	[sflag:s5] =	ssyncadd.s32 $0xFFFFE000  }
0x268: {  	_ =	swait.ge [sflag:s5], $0x2000  }
0x269: {  	[sflag:s5] =	ssyncset.done $0x0  }
0x26a: {  	s12 =	rddreg [dreg:$0xc];
	[sflag:s5] =	ssyncadd.s32 $0xFFFFE000  }
0x26b: {  	[tilespmem:s3], [sflag:$0x1] =	stream.strided.gather [hbm4b:s12+s6], $0x2000, s23, s6, $0x38;
	[tilespmem:$0x18480] =	vst v63  }
0x26c: {  	s16 =	rddreg [dreg:$0xd];
	s12 =	simm.s32 $0x6080  }
0x26d: {  	[tilespmem:s25], [sflag:$0x1] =	stream.strided.gather [hbm4b:s16+s6], $0x2000, s23, s6, $0x38;
	[tilespmem:$0x18480] =	vst v63  }
0x26e: {  	v3 =	vld [tilespmem:s12+$0x70]  }
0x26f: {  	v4 =	vld [tilespmem:s12+$0x60]  }
0x270: {  	v5 =	vld [tilespmem:s12+$0x50]  }
0x271: {  	v6 =	vld [tilespmem:s12+$0x40]  }
0x272: {  	v7 =	vld [tilespmem:s12+$0x30]  }
0x273: {  	v8 =	vld [tilespmem:s12+$0x20]  }
0x274: {  	v9 =	vld [tilespmem:s12+$0x10]  }
0x275: {  	v10 =	vld [tilespmem:s12+$0x0]  }
0x276: {  	v11 =	vld [tilespmem:s12+$0xFFFFFFF0]  }
0x277: {  	v12 =	vld [tilespmem:s12+$0xFFFFFFE0]  }
0x278: {  	v13 =	vld [tilespmem:s12+$0xFFFFFFD0]  }
0x279: {  	v14 =	vld [tilespmem:s12+$0xFFFFFFC0]  }
0x27a: {  	v15 =	vld [tilespmem:s12+$0xFFFFFFB0]  }
0x27b: {  	v16 =	vld [tilespmem:s12+$0xFFFFFFA0]  }
0x27c: {  	v17 =	vld [tilespmem:s12+$0xFFFFFF90]  }
0x27d: {  	s13 =	simm.s32 $0x2080;
	v18 =	vld [tilespmem:s12+$0xFFFFFF80]  }
0x27e: {  	v19 =	vld [tilespmem:s13+$0xFFFFFFE0]  }
0x27f: {  	v20 =	vld [tilespmem:s13+$0xFFFFFFF0]  }
0x280: {  	v21 =	vld [tilespmem:s13+$0x0]  }
0x281: {  	v22 =	vld [tilespmem:s13+$0x10]  }
0x282: {  	v23 =	vld [tilespmem:s13+$0x20]  }
0x283: {  	v24 =	vld [tilespmem:s13+$0x70]  }
0x284: {  	v25 =	vld [tilespmem:s13+$0x60]  }
0x285: {  	v26 =	vld [tilespmem:s13+$0x50]  }
0x286: {  	v27 =	vld [tilespmem:s13+$0x40]  }
0x287: {  	v28 =	vld [tilespmem:s13+$0x30]  }
0x288: {  	v29 =	vld [tilespmem:s13+$0xFFFFFFB0]  }
0x289: {  	v30 =	vld [tilespmem:s13+$0xFFFFFFA0]  }
0x28a: {  	v31 =	vld [tilespmem:s13+$0xFFFFFFC0]  }
0x28b: {  	v32 =	vld [tilespmem:s13+$0xFFFFFF80]  }
0x28c: {  	v33 =	vld [tilespmem:s13+$0xFFFFFFD0]  }
0x28d: {  	v34 =	vld [tilespmem:s13+$0xFFFFFF90]  }
0x28e: {  	v24 =	vld.idx.msk [tilespmem:v24+s26+$0x0], $0xffff  }
0x28f: {  	v25 =	vld.idx.msk [tilespmem:v25+s26+$0x0], $0xffff  }
0x290: {  	v26 =	vld.idx.msk [tilespmem:v26+s26+$0x0], $0xffff  }
0x291: {  	v27 =	vld.idx.msk [tilespmem:v27+s26+$0x0], $0xffff  }
0x292: {  	v28 =	vld.idx.msk [tilespmem:v28+s26+$0x0], $0xffff  }
0x293: {  	s14 =	simm.s32 $0x0;
	v23 =	vld.idx.msk [tilespmem:v23+s26+$0x0], $0xffff  }
0x294: {  	s14 =	sand.u32 $0x3F00, s14;
	v22 =	vld.idx.msk [tilespmem:v22+s26+$0x0], $0xffff  }
0x295: {  	s14 =	sxor.u32 $0x2000, s14;
	v21 =	vld.idx.msk [tilespmem:v21+s26+$0x0], $0xffff  }
0x296: {  	v35 =	vadd.s32 s14, v1;
	v20 =	vld.idx.msk [tilespmem:v20+s26+$0x0], $0xffff  }
0x297: {  	v35 =	vand.u32 $0x3F80, v35;
	v19 =	vld.idx.msk [tilespmem:v19+s26+$0x0], $0xffff  }
0x298: {  	s17 =	simm.s32 $0x23F0;
	v35 =	vor.u32 v2, v35;
	v32 =	vld.idx.msk [tilespmem:v32+s26+$0x0], $0xffff  }
0x299: {  	v36 =	vadd.s32 s17, v1;
	v33 =	vld.idx.msk [tilespmem:v33+s26+$0x0], $0xffff  }
0x29a: {  	s15 =	simm.s32 $0x27E0;
	v36 =	vand.u32 $0x3FFF, v36;
	v34 =	vld.idx.msk [tilespmem:v34+s26+$0x0], $0xffff  }
0x29b: {  	v37 =	vadd.s32 s15, v1;
	v31 =	vld.idx.msk [tilespmem:v31+s26+$0x0], $0xffff  }
0x29c: {  	v37 =	vand.u32 $0x3FFF, v37;
	s16 =	simm.s32 $0x2BD0;
	v30 =	vld.idx.msk [tilespmem:v30+s26+$0x0], $0xffff  }
0x29d: {  	v38 =	vadd.s32 s16, v1;
	v29 =	vld.idx.msk [tilespmem:v29+s26+$0x0], $0xffff;
	[tilespmem:v35+s29+$0x0] =	vst.idx.msk $0xffff, v32  }
0x29e: {  	s17 =	simm.s32 $0x2FC0;
	v41 =	vand.u32 $0x3FFF, v38;
	[tilespmem:v35+s8+$0x0] =	vst.idx.msk $0xffff, v18  }
0x29f: {  	v42 =	vadd.s32 s17, v1;
	[tilespmem:v36+s29+$0x0] =	vst.idx.msk $0xffff, v34  }
0x2a0: {  	s15 =	simm.s32 $0x33B0;
	v43 =	vand.u32 $0x3FFF, v42;
	[tilespmem:v36+s8+$0x0] =	vst.idx.msk $0xffff, v17  }
0x2a1: {  	v44 =	vadd.s32 s15, v1;
	[tilespmem:v37+s29+$0x0] =	vst.idx.msk $0xffff, v30  }
0x2a2: {  	v45 =	vand.u32 $0x3FFF, v44;
	s16 =	simm.s32 $0x37A0;
	[tilespmem:v37+s8+$0x0] =	vst.idx.msk $0xffff, v16  }
0x2a3: {  	v46 =	vadd.s32 s16, v1;
	[tilespmem:v41+s29+$0x0] =	vst.idx.msk $0xffff, v29  }
0x2a4: {  	s15 =	simm.s32 $0x3B90;
	v47 =	vand.u32 $0x3FFF, v46;
	[tilespmem:v41+s8+$0x0] =	vst.idx.msk $0xffff, v15  }
0x2a5: {  	s14 =	simm.s32 $0x3F80;
	v48 =	vadd.s32 s15, v1;
	[tilespmem:v43+s29+$0x0] =	vst.idx.msk $0xffff, v31  }
0x2a6: {  	v49 =	vadd.s32 s14, v1;
	v50 =	vand.u32 $0x3FFF, v48;
	[tilespmem:v43+s8+$0x0] =	vst.idx.msk $0xffff, v14  }
0x2a7: {  	s17 =	simm.s32 $0x370;
	v51 =	vand.u32 $0x3F80, v49;
	[tilespmem:v45+s29+$0x0] =	vst.idx.msk $0xffff, v33  }
0x2a8: {  	s15 =	sand.u32 $0x3F70, s17;
	v52 =	vor.u32 v2, v51;
	[tilespmem:v45+s8+$0x0] =	vst.idx.msk $0xffff, v13  }
0x2a9: {  	v53 =	vadd.s32 s15, v1;
	s16 =	simm.s32 $0x760;
	[tilespmem:v47+s29+$0x0] =	vst.idx.msk $0xffff, v19  }
0x2aa: {  	v54 =	vand.u32 $0x3FFF, v53;
	s15 =	sand.u32 $0x3F60, s16;
	[tilespmem:v47+s8+$0x0] =	vst.idx.msk $0xffff, v12  }
0x2ab: {  	s17 =	simm.s32 $0xB50;
	v55 =	vadd.s32 s15, v1;
	[tilespmem:v50+s29+$0x0] =	vst.idx.msk $0xffff, v20  }
0x2ac: {  	s15 =	sand.u32 $0x3F50, s17;
	v56 =	vand.u32 $0x3FFF, v55;
	[tilespmem:v50+s8+$0x0] =	vst.idx.msk $0xffff, v11  }
0x2ad: {  	s16 =	simm.s32 $0xF40;
	v57 =	vadd.s32 s15, v1;
	[tilespmem:v52+s29+$0x0] =	vst.idx.msk $0xffff, v21  }
0x2ae: {  	s15 =	sand.u32 $0x3F40, s16;
	v58 =	vand.u32 $0x3FFF, v57;
	[tilespmem:v52+s8+$0x0] =	vst.idx.msk $0xffff, v10  }
0x2af: {  	s17 =	simm.s32 $0x1330;
	v59 =	vadd.s32 s15, v1;
	[tilespmem:v54+s29+$0x0] =	vst.idx.msk $0xffff, v22  }
0x2b0: {  	s15 =	sand.u32 $0x3F30, s17;
	v60 =	vand.u32 $0x3FFF, v59;
	[tilespmem:v54+s8+$0x0] =	vst.idx.msk $0xffff, v9  }
0x2b1: {  	s16 =	simm.s32 $0x1720;
	v61 =	vadd.s32 s15, v1;
	[tilespmem:v56+s29+$0x0] =	vst.idx.msk $0xffff, v23  }
0x2b2: {  	s15 =	sand.u32 $0x3F20, s16;
	[tilespmem:v56+s8+$0x0] =	vst.idx.msk $0xffff, v8;
	v8 =	vand.u32 $0x3FFF, v61  }
0x2b3: {  	s16 =	simm.s32 $0x1B10;
	v62 =	vadd.s32 s15, v1;
	[tilespmem:v58+s29+$0x0] =	vst.idx.msk $0xffff, v28  }
0x2b4: {  	s17 =	sand.u32 $0x3F10, s16;
	[tilespmem:v58+s8+$0x0] =	vst.idx.msk $0xffff, v7;
	v7 =	vand.u32 $0x3FFF, v62  }
0x2b5: {  	v63 =	vadd.s32 s17, v1;
	[tilespmem:v60+s29+$0x0] =	vst.idx.msk $0xffff, v27  }
0x2b6: {  	[tilespmem:v60+s8+$0x0] =	vst.idx.msk $0xffff, v6;
	v6 =	vand.u32 $0x3FFF, v63  }
0x2b7: {  	[tilespmem:v8+s29+$0x0] =	vst.idx.msk $0xffff, v26  }
0x2b8: {  	[tilespmem:v8+s8+$0x0] =	vst.idx.msk $0xffff, v5  }
0x2b9: {  	[tilespmem:v7+s29+$0x0] =	vst.idx.msk $0xffff, v25  }
0x2ba: {  	[tilespmem:v7+s8+$0x0] =	vst.idx.msk $0xffff, v4  }
0x2bb: {  	s15 =	simm.s32 $0x5A10;
	[tilespmem:v6+s29+$0x0] =	vst.idx.msk $0xffff, v24  }
.LBB2_8:
0x2bc: {  	[tilespmem:v6+s8+$0x0] =	vst.idx.msk $0xffff, v3;
	s14 =	sadd.s32 $0xFFFFFF00, s14;
	s12 =	sadd.s32 $0x100, s12;
	s13 =	sadd.s32 $0x100, s13  }
0x2bd: {  	p0 =	sne.s32 s15, $0x7BC10;
	s16 =	smov.u32 s15;
	s15 =	sadd.s32 $0x3F00, s15;
	v3 =	vld [tilespmem:s12+$0x70]  }
0x2be: {  	v4 =	vld [tilespmem:s12+$0x60]  }
0x2bf: {  	v5 =	vld [tilespmem:s12+$0x50]  }
0x2c0: {  	v6 =	vld [tilespmem:s12+$0x40]  }
0x2c1: {  	v7 =	vld [tilespmem:s12+$0x30]  }
0x2c2: {  	v8 =	vld [tilespmem:s12+$0x20]  }
0x2c3: {  	v9 =	vld [tilespmem:s12+$0x10]  }
0x2c4: {  	v10 =	vld [tilespmem:s12+$0x0]  }
0x2c5: {  	v12 =	vld [tilespmem:s12+$0xFFFFFFF0]  }
0x2c6: {  	v15 =	vld [tilespmem:s12+$0xFFFFFFE0]  }
0x2c7: {  	v17 =	vld [tilespmem:s12+$0xFFFFFFD0]  }
0x2c8: {  	v18 =	vld [tilespmem:s12+$0xFFFFFFC0]  }
0x2c9: {  	v19 =	vld [tilespmem:s12+$0xFFFFFFB0]  }
0x2ca: {  	v20 =	vld [tilespmem:s12+$0xFFFFFFA0]  }
0x2cb: {  	v21 =	vld [tilespmem:s12+$0xFFFFFF90]  }
0x2cc: {  	v22 =	vld [tilespmem:s12+$0xFFFFFF80]  }
0x2cd: {  	v23 =	vld [tilespmem:s13+$0xFFFFFFE0]  }
0x2ce: {  	v24 =	vld [tilespmem:s13+$0xFFFFFFF0]  }
0x2cf: {  	v25 =	vld [tilespmem:s13+$0x0]  }
0x2d0: {  	v26 =	vld [tilespmem:s13+$0x10]  }
0x2d1: {  	v27 =	vld [tilespmem:s13+$0x20]  }
0x2d2: {  	v11 =	vld [tilespmem:s13+$0x70]  }
0x2d3: {  	v13 =	vld [tilespmem:s13+$0x60]  }
0x2d4: {  	v14 =	vld [tilespmem:s13+$0x50]  }
0x2d5: {  	v16 =	vld [tilespmem:s13+$0x40]  }
0x2d6: {  	v28 =	vld [tilespmem:s13+$0x30]  }
0x2d7: {  	v29 =	vld [tilespmem:s13+$0xFFFFFFB0]  }
0x2d8: {  	v30 =	vld [tilespmem:s13+$0xFFFFFFA0]  }
0x2d9: {  	v31 =	vld [tilespmem:s13+$0xFFFFFFC0]  }
0x2da: {  	v11 =	vld.idx.msk [tilespmem:v11+s26+$0x0], $0xffff  }
0x2db: {  	v13 =	vld.idx.msk [tilespmem:v13+s26+$0x0], $0xffff  }
0x2dc: {  	v14 =	vld.idx.msk [tilespmem:v14+s26+$0x0], $0xffff  }
0x2dd: {  	v16 =	vld.idx.msk [tilespmem:v16+s26+$0x0], $0xffff  }
0x2de: {  	v28 =	vld.idx.msk [tilespmem:v28+s26+$0x0], $0xffff  }
0x2df: {  	v32 =	vld [tilespmem:s13+$0xFFFFFF80]  }
0x2e0: {  	v33 =	vld [tilespmem:s13+$0xFFFFFFD0]  }
0x2e1: {  	v34 =	vld [tilespmem:s13+$0xFFFFFF90]  }
0x2e2: {  	v27 =	vld.idx.msk [tilespmem:v27+s26+$0x0], $0xffff  }
0x2e3: {  	s17 =	sadd.s32 $0xFFFFE4F0, s16;
	v26 =	vld.idx.msk [tilespmem:v26+s26+$0x0], $0xffff  }
0x2e4: {  	s17 =	sand.u32 $0x3F00, s17;
	v25 =	vld.idx.msk [tilespmem:v25+s26+$0x0], $0xffff  }
0x2e5: {  	s17 =	sxor.u32 $0x2000, s17;
	v24 =	vld.idx.msk [tilespmem:v24+s26+$0x0], $0xffff  }
0x2e6: {  	v35 =	vadd.s32 s17, v1;
	v23 =	vld.idx.msk [tilespmem:v23+s26+$0x0], $0xffff  }
0x2e7: {  	v35 =	vand.u32 $0x3F80, v35;
	v32 =	vld.idx.msk [tilespmem:v32+s26+$0x0], $0xffff  }
0x2e8: {  	s17 =	sadd.s32 $0xFFFFE470, s14;
	v35 =	vor.u32 v2, v35;
	v33 =	vld.idx.msk [tilespmem:v33+s26+$0x0], $0xffff  }
0x2e9: {  	v36 =	vadd.s32 s17, v1;
	v34 =	vld.idx.msk [tilespmem:v34+s26+$0x0], $0xffff  }
0x2ea: {  	s17 =	sadd.s32 $0xFFFFE860, s14;
	v36 =	vand.u32 $0x3FFF, v36;
	v31 =	vld.idx.msk [tilespmem:v31+s26+$0x0], $0xffff  }
0x2eb: {  	v37 =	vadd.s32 s17, v1;
	v30 =	vld.idx.msk [tilespmem:v30+s26+$0x0], $0xffff  }
0x2ec: {  	s17 =	sadd.s32 $0xFFFFEC50, s14;
	v37 =	vand.u32 $0x3FFF, v37;
	v29 =	vld.idx.msk [tilespmem:v29+s26+$0x0], $0xffff  }
0x2ed: {  	v38 =	vadd.s32 s17, v1;
	[tilespmem:v35+s29+$0x0] =	vst.idx.msk $0xffff, v32  }
0x2ee: {  	s17 =	sadd.s32 $0xFFFFF040, s14;
	[tilespmem:v35+s8+$0x0] =	vst.idx.msk $0xffff, v22;
	v22 =	vand.u32 $0x3FFF, v38  }
0x2ef: {  	v32 =	vadd.s32 s17, v1;
	[tilespmem:v36+s29+$0x0] =	vst.idx.msk $0xffff, v34  }
0x2f0: {  	s17 =	sadd.s32 $0xFFFFF430, s14;
	[tilespmem:v36+s8+$0x0] =	vst.idx.msk $0xffff, v21;
	v21 =	vand.u32 $0x3FFF, v32  }
0x2f1: {  	v32 =	vadd.s32 s17, v1;
	[tilespmem:v37+s29+$0x0] =	vst.idx.msk $0xffff, v30  }
0x2f2: {  	s17 =	sadd.s32 $0xFFFFF820, s14;
	[tilespmem:v37+s8+$0x0] =	vst.idx.msk $0xffff, v20;
	v20 =	vand.u32 $0x3FFF, v32  }
0x2f3: {  	v30 =	vadd.s32 s17, v1;
	[tilespmem:v22+s29+$0x0] =	vst.idx.msk $0xffff, v29  }
0x2f4: {  	s17 =	sadd.s32 $0xFFFFFC10, s14;
	[tilespmem:v22+s8+$0x0] =	vst.idx.msk $0xffff, v19;
	v19 =	vand.u32 $0x3FFF, v30  }
0x2f5: {  	v22 =	vadd.s32 s17, v1;
	[tilespmem:v21+s29+$0x0] =	vst.idx.msk $0xffff, v31  }
0x2f6: {  	v29 =	vadd.s32 s14, v1;
	[tilespmem:v21+s8+$0x0] =	vst.idx.msk $0xffff, v18;
	v18 =	vand.u32 $0x3FFF, v22  }
0x2f7: {  	s17 =	sadd.s32 $0xFFFFE860, s16;
	v21 =	vand.u32 $0x3F80, v29;
	[tilespmem:v20+s29+$0x0] =	vst.idx.msk $0xffff, v33  }
0x2f8: {  	s17 =	sand.u32 $0x3F70, s17;
	[tilespmem:v20+s8+$0x0] =	vst.idx.msk $0xffff, v17;
	v17 =	vor.u32 v2, v21  }
0x2f9: {  	v20 =	vadd.s32 s17, v1;
	s17 =	sadd.s32 $0xFFFFEC50, s16;
	[tilespmem:v19+s29+$0x0] =	vst.idx.msk $0xffff, v23  }
0x2fa: {  	s17 =	sand.u32 $0x3F60, s17;
	[tilespmem:v19+s8+$0x0] =	vst.idx.msk $0xffff, v15;
	v15 =	vand.u32 $0x3FFF, v20  }
0x2fb: {  	v19 =	vadd.s32 s17, v1;
	s17 =	sadd.s32 $0xFFFFF040, s16;
	[tilespmem:v18+s29+$0x0] =	vst.idx.msk $0xffff, v24  }
0x2fc: {  	s17 =	sand.u32 $0x3F50, s17;
	[tilespmem:v18+s8+$0x0] =	vst.idx.msk $0xffff, v12;
	v12 =	vand.u32 $0x3FFF, v19  }
0x2fd: {  	v18 =	vadd.s32 s17, v1;
	s17 =	sadd.s32 $0xFFFFF430, s16;
	[tilespmem:v17+s29+$0x0] =	vst.idx.msk $0xffff, v25  }
0x2fe: {  	s17 =	sand.u32 $0x3F40, s17;
	[tilespmem:v17+s8+$0x0] =	vst.idx.msk $0xffff, v10;
	v10 =	vand.u32 $0x3FFF, v18  }
0x2ff: {  	v17 =	vadd.s32 s17, v1;
	s17 =	sadd.s32 $0xFFFFF820, s16;
	[tilespmem:v15+s29+$0x0] =	vst.idx.msk $0xffff, v26  }
0x300: {  	s17 =	sand.u32 $0x3F30, s17;
	[tilespmem:v15+s8+$0x0] =	vst.idx.msk $0xffff, v9;
	v9 =	vand.u32 $0x3FFF, v17  }
0x301: {  	v15 =	vadd.s32 s17, v1;
	s17 =	sadd.s32 $0xFFFFFC10, s16;
	[tilespmem:v12+s29+$0x0] =	vst.idx.msk $0xffff, v27  }
0x302: {  	s17 =	sand.u32 $0x3F20, s17;
	[tilespmem:v12+s8+$0x0] =	vst.idx.msk $0xffff, v8;
	v8 =	vand.u32 $0x3FFF, v15  }
0x303: {  	v12 =	vadd.s32 s17, v1;
	[tilespmem:v10+s29+$0x0] =	vst.idx.msk $0xffff, v28  }
0x304: {  	s16 =	sand.u32 $0x3F10, s16;
	[tilespmem:v10+s8+$0x0] =	vst.idx.msk $0xffff, v7;
	v7 =	vand.u32 $0x3FFF, v12  }
0x305: {  	v10 =	vadd.s32 s16, v1;
	[tilespmem:v9+s29+$0x0] =	vst.idx.msk $0xffff, v16  }
0x306: {  	[tilespmem:v9+s8+$0x0] =	vst.idx.msk $0xffff, v6;
	v6 =	vand.u32 $0x3FFF, v10  }
.Ltmp3:
0x307: {  	[tilespmem:v8+s29+$0x0] =	vst.idx.msk $0xffff, v14;
	(pc) =	sbr.rel @p0 .LBB2_8-.Ltmp3, $4  }
0x308: {  	[tilespmem:v8+s8+$0x0] =	vst.idx.msk $0xffff, v5  }
0x309: {  	[tilespmem:v7+s29+$0x0] =	vst.idx.msk $0xffff, v13  }
0x30a: {  	[tilespmem:v7+s8+$0x0] =	vst.idx.msk $0xffff, v4  }
0x30b: {  	[tilespmem:v6+s29+$0x0] =	vst.idx.msk $0xffff, v11  }
0x30c: {  	_ =	sdelay $0x3  }
0x30d: {  	[tilespmem:v6+s8+$0x0] =	vst.idx.msk $0xffff, v3  }
0x30e: {  	[spmem:s2] =	stream.indirect.scatter.add.f32 [tilespmem:s29], [sflag:$0x4], $0x1, s8, s25, $0xb8;
	[tilespmem:$0x18480] =	vst v63  }
0x30f: {  	_ =	swait.ge [sflag:s30], $0x2000  }
0x310: {  	[sflag:s30] =	ssyncset.done $0x0  }
0x311: {  	[sflag:s30] =	ssyncadd.s32 $0xFFFFE000  }
0x312: {  	_ =	swait.ge [sflag:s30], $0x2000  }
0x313: {  	[sflag:s30] =	ssyncset.done $0x0  }
0x314: {  	[sflag:s30] =	ssyncadd.s32 $0xFFFFE000  }
0x315: {  	_ =	swait.ge [sflag:s9], $0x4000  }
0x316: {  	[sflag:s9] =	ssyncset.done $0x0  }
0x317: {  	s12 =	simm.s32 $0x80;
	s13 =	rddreg [dreg:$0xe];
	[sflag:s9] =	ssyncadd.s32 $0xFFFFC000  }
0x318: {  	[tilespmem:s31], [sflag:$0x2] =	stream.strided.gather [hbm4b:s13+s12], $0x2000, s23, s12, $0x38;
	[tilespmem:$0x18480] =	vst v63  }
0x319: {  	s16 =	rddreg [dreg:$0xf];
	s13 =	simm.s32 $0x4080  }
0x31a: {  	[tilespmem:s0], [sflag:$0x2] =	stream.strided.gather [hbm4b:s16+s12], $0x2000, s23, s12, $0x38;
	[tilespmem:$0x18480] =	vst v63  }
0x31b: {  	v3 =	vld [tilespmem:s13+$0x70]  }
0x31c: {  	v4 =	vld [tilespmem:s13+$0x60]  }
0x31d: {  	v5 =	vld [tilespmem:s13+$0x50]  }
0x31e: {  	v6 =	vld [tilespmem:s13+$0x40]  }
0x31f: {  	v7 =	vld [tilespmem:s13+$0x30]  }
0x320: {  	v8 =	vld [tilespmem:s13+$0x20]  }
0x321: {  	v9 =	vld [tilespmem:s13+$0x10]  }
0x322: {  	v10 =	vld [tilespmem:s13+$0x0]  }
0x323: {  	v11 =	vld [tilespmem:s13+$0xFFFFFFF0]  }
0x324: {  	v12 =	vld [tilespmem:s13+$0xFFFFFFE0]  }
0x325: {  	v13 =	vld [tilespmem:s13+$0xFFFFFFD0]  }
0x326: {  	v14 =	vld [tilespmem:s13+$0xFFFFFFC0]  }
0x327: {  	v15 =	vld [tilespmem:s13+$0xFFFFFFB0]  }
0x328: {  	v16 =	vld [tilespmem:s13+$0xFFFFFFA0]  }
0x329: {  	v17 =	vld [tilespmem:s13+$0xFFFFFF90]  }
0x32a: {  	v18 =	vld [tilespmem:s13+$0xFFFFFF80]  }
0x32b: {  	v19 =	vld [tilespmem:s12+$0x50]  }
0x32c: {  	v20 =	vld [tilespmem:s12+$0x60]  }
0x32d: {  	v21 =	vld [tilespmem:s12+$0x70]  }
0x32e: {  	v22 =	vld [tilespmem:s12+$0x20]  }
0x32f: {  	v23 =	vld [tilespmem:s12+$0xFFFFFFB0]  }
0x330: {  	v24 =	vld [tilespmem:s12+$0xFFFFFFA0]  }
0x331: {  	v25 =	vld [tilespmem:s12+$0xFFFFFFC0]  }
0x332: {  	v26 =	vld [tilespmem:s12+$0xFFFFFF90]  }
0x333: {  	v27 =	vld [tilespmem:s12+$0xFFFFFFD0]  }
0x334: {  	v28 =	vld [tilespmem:s12+$0xFFFFFF80]  }
0x335: {  	v29 =	vld [tilespmem:s12+$0x40]  }
0x336: {  	v30 =	vld [tilespmem:s12+$0x30]  }
0x337: {  	v31 =	vld [tilespmem:s12+$0x10]  }
0x338: {  	v32 =	vld [tilespmem:s12+$0x0]  }
0x339: {  	v33 =	vld [tilespmem:s12+$0xFFFFFFF0]  }
0x33a: {  	v34 =	vld [tilespmem:s12+$0xFFFFFFE0]  }
0x33b: {  	v21 =	vld.idx.msk [tilespmem:v21+s26+$0x0], $0xffff  }
0x33c: {  	v22 =	vld.idx.msk [tilespmem:v22+s26+$0x0], $0xffff  }
0x33d: {  	v20 =	vld.idx.msk [tilespmem:v20+s26+$0x0], $0xffff  }
0x33e: {  	v19 =	vld.idx.msk [tilespmem:v19+s26+$0x0], $0xffff  }
0x33f: {  	v29 =	vld.idx.msk [tilespmem:v29+s26+$0x0], $0xffff  }
0x340: {  	v30 =	vld.idx.msk [tilespmem:v30+s26+$0x0], $0xffff  }
0x341: {  	s14 =	simm.s32 $0x0;
	v31 =	vld.idx.msk [tilespmem:v31+s26+$0x0], $0xffff  }
0x342: {  	s14 =	sand.u32 $0x3F00, s14;
	v32 =	vld.idx.msk [tilespmem:v32+s26+$0x0], $0xffff  }
0x343: {  	v35 =	vadd.s32 s14, v1;
	v33 =	vld.idx.msk [tilespmem:v33+s26+$0x0], $0xffff  }
0x344: {  	s17 =	simm.s32 $0x3F0;
	v35 =	vand.u32 $0x3F80, v35;
	v34 =	vld.idx.msk [tilespmem:v34+s26+$0x0], $0xffff  }
0x345: {  	s14 =	sand.u32 $0x3FF0, s17;
	v35 =	vor.u32 v2, v35;
	v28 =	vld.idx.msk [tilespmem:v28+s26+$0x0], $0xffff  }
0x346: {  	s15 =	simm.s32 $0x7E0;
	v36 =	vadd.s32 s14, v1;
	v27 =	vld.idx.msk [tilespmem:v27+s26+$0x0], $0xffff  }
0x347: {  	s14 =	sand.u32 $0x3FE0, s15;
	v36 =	vand.u32 $0x3FFF, v36;
	v26 =	vld.idx.msk [tilespmem:v26+s26+$0x0], $0xffff  }
0x348: {  	v37 =	vadd.s32 s14, v1;
	s16 =	simm.s32 $0xBD0;
	v25 =	vld.idx.msk [tilespmem:v25+s26+$0x0], $0xffff  }
0x349: {  	v37 =	vand.u32 $0x3FFF, v37;
	s14 =	sand.u32 $0x3FD0, s16;
	v24 =	vld.idx.msk [tilespmem:v24+s26+$0x0], $0xffff  }
0x34a: {  	s17 =	simm.s32 $0xFC0;
	v38 =	vadd.s32 s14, v1;
	v23 =	vld.idx.msk [tilespmem:v23+s26+$0x0], $0xffff;
	[tilespmem:v35+s1+$0x0] =	vst.idx.msk $0xffff, v28  }
0x34b: {  	s14 =	sand.u32 $0x3FC0, s17;
	v41 =	vand.u32 $0x3FFF, v38;
	[tilespmem:v35+s4+$0x0] =	vst.idx.msk $0xffff, v18  }
0x34c: {  	s15 =	simm.s32 $0x13B0;
	v42 =	vadd.s32 s14, v1;
	[tilespmem:v36+s1+$0x0] =	vst.idx.msk $0xffff, v26  }
0x34d: {  	s14 =	sand.u32 $0x3FB0, s15;
	v43 =	vand.u32 $0x3FFF, v42;
	[tilespmem:v36+s4+$0x0] =	vst.idx.msk $0xffff, v17  }
0x34e: {  	s16 =	simm.s32 $0x17A0;
	v44 =	vadd.s32 s14, v1;
	[tilespmem:v37+s1+$0x0] =	vst.idx.msk $0xffff, v24  }
0x34f: {  	s15 =	sand.u32 $0x3FA0, s16;
	v45 =	vand.u32 $0x3FFF, v44;
	[tilespmem:v37+s4+$0x0] =	vst.idx.msk $0xffff, v16  }
0x350: {  	s14 =	simm.s32 $0x1B90;
	v46 =	vadd.s32 s15, v1;
	[tilespmem:v41+s1+$0x0] =	vst.idx.msk $0xffff, v23  }
0x351: {  	s17 =	sand.u32 $0x3F90, s14;
	v47 =	vand.u32 $0x3FFF, v46;
	[tilespmem:v41+s4+$0x0] =	vst.idx.msk $0xffff, v15  }
0x352: {  	s16 =	simm.s32 $0x1F80;
	v48 =	vadd.s32 s17, v1;
	[tilespmem:v43+s1+$0x0] =	vst.idx.msk $0xffff, v25  }
0x353: {  	v49 =	vadd.s32 s16, v1;
	v50 =	vand.u32 $0x3FFF, v48;
	[tilespmem:v43+s4+$0x0] =	vst.idx.msk $0xffff, v14  }
0x354: {  	v51 =	vand.u32 $0x3F80, v49;
	[tilespmem:v45+s1+$0x0] =	vst.idx.msk $0xffff, v27  }
0x355: {  	s17 =	simm.s32 $0x2370;
	v52 =	vor.u32 v2, v51;
	[tilespmem:v45+s4+$0x0] =	vst.idx.msk $0xffff, v13  }
0x356: {  	v53 =	vadd.s32 s17, v1;
	[tilespmem:v47+s1+$0x0] =	vst.idx.msk $0xffff, v34  }
0x357: {  	s16 =	simm.s32 $0x2760;
	v54 =	vand.u32 $0x3FFF, v53;
	[tilespmem:v47+s4+$0x0] =	vst.idx.msk $0xffff, v12  }
0x358: {  	v55 =	vadd.s32 s16, v1;
	[tilespmem:v50+s1+$0x0] =	vst.idx.msk $0xffff, v33  }
0x359: {  	v56 =	vand.u32 $0x3FFF, v55;
	s17 =	simm.s32 $0x2B50;
	[tilespmem:v50+s4+$0x0] =	vst.idx.msk $0xffff, v11  }
0x35a: {  	v57 =	vadd.s32 s17, v1;
	[tilespmem:v52+s1+$0x0] =	vst.idx.msk $0xffff, v32  }
0x35b: {  	s16 =	simm.s32 $0x2F40;
	v58 =	vand.u32 $0x3FFF, v57;
	[tilespmem:v52+s4+$0x0] =	vst.idx.msk $0xffff, v10  }
0x35c: {  	v59 =	vadd.s32 s16, v1;
	[tilespmem:v54+s1+$0x0] =	vst.idx.msk $0xffff, v31  }
0x35d: {  	v60 =	vand.u32 $0x3FFF, v59;
	s17 =	simm.s32 $0x3330;
	[tilespmem:v54+s4+$0x0] =	vst.idx.msk $0xffff, v9  }
0x35e: {  	v61 =	vadd.s32 s17, v1;
	[tilespmem:v56+s1+$0x0] =	vst.idx.msk $0xffff, v22  }
0x35f: {  	s16 =	simm.s32 $0x3720;
	[tilespmem:v56+s4+$0x0] =	vst.idx.msk $0xffff, v8;
	v8 =	vand.u32 $0x3FFF, v61  }
0x360: {  	v62 =	vadd.s32 s16, v1;
	[tilespmem:v58+s1+$0x0] =	vst.idx.msk $0xffff, v30  }
0x361: {  	s17 =	simm.s32 $0x3B10;
	[tilespmem:v58+s4+$0x0] =	vst.idx.msk $0xffff, v7;
	v7 =	vand.u32 $0x3FFF, v62  }
0x362: {  	v63 =	vadd.s32 s17, v1;
	[tilespmem:v60+s1+$0x0] =	vst.idx.msk $0xffff, v29  }
0x363: {  	[tilespmem:v60+s4+$0x0] =	vst.idx.msk $0xffff, v6;
	v6 =	vand.u32 $0x3FFF, v63  }
0x364: {  	[tilespmem:v8+s1+$0x0] =	vst.idx.msk $0xffff, v19  }
0x365: {  	[tilespmem:v8+s4+$0x0] =	vst.idx.msk $0xffff, v5  }
0x366: {  	[tilespmem:v7+s1+$0x0] =	vst.idx.msk $0xffff, v20  }
0x367: {  	[tilespmem:v7+s4+$0x0] =	vst.idx.msk $0xffff, v4  }
0x368: {  	s15 =	simm.s32 $0x3A10;
	[tilespmem:v6+s1+$0x0] =	vst.idx.msk $0xffff, v21  }
.LBB2_10:
0x369: {  	[tilespmem:v6+s4+$0x0] =	vst.idx.msk $0xffff, v3;
	s14 =	sadd.s32 $0x3F00, s14;
	s13 =	sadd.s32 $0x100, s13;
	s12 =	sadd.s32 $0x100, s12  }
0x36a: {  	p0 =	sne.s32 s15, $0x1C10;
	s16 =	smov.u32 s15;
	s15 =	sadd.s32 $0xFFFFFF00, s15;
	v3 =	vld [tilespmem:s13+$0x70]  }
0x36b: {  	v4 =	vld [tilespmem:s13+$0x60]  }
0x36c: {  	v5 =	vld [tilespmem:s13+$0x50]  }
0x36d: {  	v6 =	vld [tilespmem:s13+$0x40]  }
0x36e: {  	v7 =	vld [tilespmem:s13+$0x30]  }
0x36f: {  	v8 =	vld [tilespmem:s13+$0x20]  }
0x370: {  	v9 =	vld [tilespmem:s13+$0x10]  }
0x371: {  	v10 =	vld [tilespmem:s13+$0x0]  }
0x372: {  	v12 =	vld [tilespmem:s13+$0xFFFFFFF0]  }
0x373: {  	v13 =	vld [tilespmem:s13+$0xFFFFFFE0]  }
0x374: {  	v15 =	vld [tilespmem:s13+$0xFFFFFFD0]  }
0x375: {  	v18 =	vld [tilespmem:s13+$0xFFFFFFC0]  }
0x376: {  	v19 =	vld [tilespmem:s13+$0xFFFFFFB0]  }
0x377: {  	v20 =	vld [tilespmem:s13+$0xFFFFFFA0]  }
0x378: {  	v21 =	vld [tilespmem:s13+$0xFFFFFF90]  }
0x379: {  	v22 =	vld [tilespmem:s13+$0xFFFFFF80]  }
0x37a: {  	v16 =	vld [tilespmem:s12+$0x50]  }
0x37b: {  	v14 =	vld [tilespmem:s12+$0x60]  }
0x37c: {  	v11 =	vld [tilespmem:s12+$0x70]  }
0x37d: {  	v17 =	vld [tilespmem:s12+$0x20]  }
0x37e: {  	v23 =	vld [tilespmem:s12+$0xFFFFFFB0]  }
0x37f: {  	v24 =	vld [tilespmem:s12+$0xFFFFFFA0]  }
0x380: {  	v25 =	vld [tilespmem:s12+$0xFFFFFFC0]  }
0x381: {  	v26 =	vld [tilespmem:s12+$0xFFFFFF90]  }
0x382: {  	v27 =	vld [tilespmem:s12+$0xFFFFFFD0]  }
0x383: {  	v28 =	vld [tilespmem:s12+$0xFFFFFF80]  }
0x384: {  	v11 =	vld.idx.msk [tilespmem:v11+s26+$0x0], $0xffff  }
0x385: {  	v17 =	vld.idx.msk [tilespmem:v17+s26+$0x0], $0xffff  }
0x386: {  	v29 =	vld [tilespmem:s12+$0x40]  }
0x387: {  	v30 =	vld [tilespmem:s12+$0x30]  }
0x388: {  	v31 =	vld [tilespmem:s12+$0x10]  }
0x389: {  	v32 =	vld [tilespmem:s12+$0x0]  }
0x38a: {  	v33 =	vld [tilespmem:s12+$0xFFFFFFF0]  }
0x38b: {  	v34 =	vld [tilespmem:s12+$0xFFFFFFE0]  }
0x38c: {  	v14 =	vld.idx.msk [tilespmem:v14+s26+$0x0], $0xffff  }
0x38d: {  	v16 =	vld.idx.msk [tilespmem:v16+s26+$0x0], $0xffff  }
0x38e: {  	v29 =	vld.idx.msk [tilespmem:v29+s26+$0x0], $0xffff  }
0x38f: {  	v30 =	vld.idx.msk [tilespmem:v30+s26+$0x0], $0xffff  }
0x390: {  	v31 =	vld.idx.msk [tilespmem:v31+s26+$0x0], $0xffff  }
0x391: {  	s17 =	sadd.s32 $0xFFFFE470, s14;
	v32 =	vld.idx.msk [tilespmem:v32+s26+$0x0], $0xffff  }
0x392: {  	s17 =	sand.u32 $0x3F00, s17;
	v33 =	vld.idx.msk [tilespmem:v33+s26+$0x0], $0xffff  }
0x393: {  	v35 =	vadd.s32 s17, v1;
	v34 =	vld.idx.msk [tilespmem:v34+s26+$0x0], $0xffff  }
0x394: {  	s17 =	sadd.s32 $0xFFFFE860, s14;
	v35 =	vand.u32 $0x3F80, v35;
	v28 =	vld.idx.msk [tilespmem:v28+s26+$0x0], $0xffff  }
0x395: {  	s17 =	sand.u32 $0x3FF0, s17;
	v35 =	vor.u32 v2, v35;
	v27 =	vld.idx.msk [tilespmem:v27+s26+$0x0], $0xffff  }
0x396: {  	v36 =	vadd.s32 s17, v1;
	s17 =	sadd.s32 $0xFFFFEC50, s14;
	v26 =	vld.idx.msk [tilespmem:v26+s26+$0x0], $0xffff  }
0x397: {  	s17 =	sand.u32 $0x3FE0, s17;
	v36 =	vand.u32 $0x3FFF, v36;
	v25 =	vld.idx.msk [tilespmem:v25+s26+$0x0], $0xffff  }
0x398: {  	v37 =	vadd.s32 s17, v1;
	s17 =	sadd.s32 $0xFFFFF040, s14;
	v24 =	vld.idx.msk [tilespmem:v24+s26+$0x0], $0xffff  }
0x399: {  	s17 =	sand.u32 $0x3FD0, s17;
	v37 =	vand.u32 $0x3FFF, v37;
	v23 =	vld.idx.msk [tilespmem:v23+s26+$0x0], $0xffff  }
0x39a: {  	v38 =	vadd.s32 s17, v1;
	s17 =	sadd.s32 $0xFFFFF430, s14;
	[tilespmem:v35+s1+$0x0] =	vst.idx.msk $0xffff, v28  }
0x39b: {  	s17 =	sand.u32 $0x3FC0, s17;
	[tilespmem:v35+s4+$0x0] =	vst.idx.msk $0xffff, v22;
	v22 =	vand.u32 $0x3FFF, v38  }
0x39c: {  	v28 =	vadd.s32 s17, v1;
	s17 =	sadd.s32 $0xFFFFF820, s14;
	[tilespmem:v36+s1+$0x0] =	vst.idx.msk $0xffff, v26  }
0x39d: {  	s17 =	sand.u32 $0x3FB0, s17;
	[tilespmem:v36+s4+$0x0] =	vst.idx.msk $0xffff, v21;
	v21 =	vand.u32 $0x3FFF, v28  }
0x39e: {  	v26 =	vadd.s32 s17, v1;
	s17 =	sadd.s32 $0xFFFFFC10, s14;
	[tilespmem:v37+s1+$0x0] =	vst.idx.msk $0xffff, v24  }
0x39f: {  	s17 =	sand.u32 $0x3FA0, s17;
	[tilespmem:v37+s4+$0x0] =	vst.idx.msk $0xffff, v20;
	v20 =	vand.u32 $0x3FFF, v26  }
0x3a0: {  	v24 =	vadd.s32 s17, v1;
	[tilespmem:v22+s1+$0x0] =	vst.idx.msk $0xffff, v23  }
0x3a1: {  	s17 =	sand.u32 $0x3F90, s14;
	[tilespmem:v22+s4+$0x0] =	vst.idx.msk $0xffff, v19;
	v19 =	vand.u32 $0x3FFF, v24  }
0x3a2: {  	v22 =	vadd.s32 s17, v1;
	s17 =	sadd.s32 $0xFFFFE470, s16;
	[tilespmem:v21+s1+$0x0] =	vst.idx.msk $0xffff, v25  }
0x3a3: {  	v23 =	vadd.s32 s17, v1;
	[tilespmem:v21+s4+$0x0] =	vst.idx.msk $0xffff, v18;
	v18 =	vand.u32 $0x3FFF, v22  }
0x3a4: {  	v21 =	vand.u32 $0x3F80, v23;
	[tilespmem:v20+s1+$0x0] =	vst.idx.msk $0xffff, v27  }
0x3a5: {  	s17 =	sadd.s32 $0xFFFFE860, s16;
	[tilespmem:v20+s4+$0x0] =	vst.idx.msk $0xffff, v15;
	v15 =	vor.u32 v2, v21  }
0x3a6: {  	v20 =	vadd.s32 s17, v1;
	[tilespmem:v19+s1+$0x0] =	vst.idx.msk $0xffff, v34  }
0x3a7: {  	s17 =	sadd.s32 $0xFFFFEC50, s16;
	[tilespmem:v19+s4+$0x0] =	vst.idx.msk $0xffff, v13;
	v13 =	vand.u32 $0x3FFF, v20  }
0x3a8: {  	v19 =	vadd.s32 s17, v1;
	[tilespmem:v18+s1+$0x0] =	vst.idx.msk $0xffff, v33  }
0x3a9: {  	s17 =	sadd.s32 $0xFFFFF040, s16;
	[tilespmem:v18+s4+$0x0] =	vst.idx.msk $0xffff, v12;
	v12 =	vand.u32 $0x3FFF, v19  }
0x3aa: {  	v18 =	vadd.s32 s17, v1;
	[tilespmem:v15+s1+$0x0] =	vst.idx.msk $0xffff, v32  }
0x3ab: {  	s17 =	sadd.s32 $0xFFFFF430, s16;
	[tilespmem:v15+s4+$0x0] =	vst.idx.msk $0xffff, v10;
	v10 =	vand.u32 $0x3FFF, v18  }
0x3ac: {  	v15 =	vadd.s32 s17, v1;
	[tilespmem:v13+s1+$0x0] =	vst.idx.msk $0xffff, v31  }
0x3ad: {  	s17 =	sadd.s32 $0xFFFFF820, s16;
	[tilespmem:v13+s4+$0x0] =	vst.idx.msk $0xffff, v9;
	v9 =	vand.u32 $0x3FFF, v15  }
0x3ae: {  	v13 =	vadd.s32 s17, v1;
	[tilespmem:v12+s1+$0x0] =	vst.idx.msk $0xffff, v17  }
0x3af: {  	s17 =	sadd.s32 $0xFFFFFC10, s16;
	[tilespmem:v12+s4+$0x0] =	vst.idx.msk $0xffff, v8;
	v8 =	vand.u32 $0x3FFF, v13  }
0x3b0: {  	v12 =	vadd.s32 s17, v1;
	[tilespmem:v10+s1+$0x0] =	vst.idx.msk $0xffff, v30  }
0x3b1: {  	[tilespmem:v10+s4+$0x0] =	vst.idx.msk $0xffff, v7;
	v7 =	vand.u32 $0x3FFF, v12  }
0x3b2: {  	v10 =	vadd.s32 s16, v1;
	[tilespmem:v9+s1+$0x0] =	vst.idx.msk $0xffff, v29  }
0x3b3: {  	[tilespmem:v9+s4+$0x0] =	vst.idx.msk $0xffff, v6;
	v6 =	vand.u32 $0x3FFF, v10  }
.Ltmp4:
0x3b4: {  	[tilespmem:v8+s1+$0x0] =	vst.idx.msk $0xffff, v16;
	(pc) =	sbr.rel @p0 .LBB2_10-.Ltmp4, $4  }
0x3b5: {  	[tilespmem:v8+s4+$0x0] =	vst.idx.msk $0xffff, v5  }
0x3b6: {  	[tilespmem:v7+s1+$0x0] =	vst.idx.msk $0xffff, v14  }
0x3b7: {  	[tilespmem:v7+s4+$0x0] =	vst.idx.msk $0xffff, v4  }
0x3b8: {  	[tilespmem:v6+s1+$0x0] =	vst.idx.msk $0xffff, v11  }
0x3b9: {  	_ =	sdelay $0x3  }
0x3ba: {  	[tilespmem:v6+s4+$0x0] =	vst.idx.msk $0xffff, v3  }
0x3bb: {  	_ =	swait.ge [sflag:s5], $0x2000  }
0x3bc: {  	[sflag:s5] =	ssyncset.done $0x0  }
0x3bd: {  	[sflag:s5] =	ssyncadd.s32 $0xFFFFE000  }
0x3be: {  	_ =	swait.ge [sflag:s5], $0x2000  }
0x3bf: {  	[sflag:s5] =	ssyncset.done $0x0  }
0x3c0: {  	[sflag:s5] =	ssyncadd.s32 $0xFFFFE000  }
0x3c1: {  	[tilespmem:s3], [sflag:$0x1] =	stream.strided.gather [hbm4b:s18+s6], $0x2000, s23, s6, $0x38;
	[tilespmem:$0x18480] =	vst v63  }
0x3c2: {  	s12 =	simm.s32 $0x6080  }
0x3c3: {  	[tilespmem:s25], [sflag:$0x1] =	stream.strided.gather [hbm4b:s19+s6], $0x2000, s23, s6, $0x38;
	[tilespmem:$0x18480] =	vst v63  }
0x3c4: {  	v3 =	vld [tilespmem:s12+$0x70]  }
0x3c5: {  	v4 =	vld [tilespmem:s12+$0x60]  }
0x3c6: {  	v5 =	vld [tilespmem:s12+$0x50]  }
0x3c7: {  	v6 =	vld [tilespmem:s12+$0x40]  }
0x3c8: {  	v7 =	vld [tilespmem:s12+$0x30]  }
0x3c9: {  	v8 =	vld [tilespmem:s12+$0x20]  }
0x3ca: {  	v9 =	vld [tilespmem:s12+$0x10]  }
0x3cb: {  	v10 =	vld [tilespmem:s12+$0x0]  }
0x3cc: {  	v11 =	vld [tilespmem:s12+$0xFFFFFFF0]  }
0x3cd: {  	v12 =	vld [tilespmem:s12+$0xFFFFFFE0]  }
0x3ce: {  	v13 =	vld [tilespmem:s12+$0xFFFFFFD0]  }
0x3cf: {  	v14 =	vld [tilespmem:s12+$0xFFFFFFC0]  }
0x3d0: {  	v15 =	vld [tilespmem:s12+$0xFFFFFFB0]  }
0x3d1: {  	v16 =	vld [tilespmem:s12+$0xFFFFFFA0]  }
0x3d2: {  	v17 =	vld [tilespmem:s12+$0xFFFFFF90]  }
0x3d3: {  	s13 =	simm.s32 $0x2080;
	v18 =	vld [tilespmem:s12+$0xFFFFFF80]  }
0x3d4: {  	v19 =	vld [tilespmem:s13+$0xFFFFFFE0]  }
0x3d5: {  	v20 =	vld [tilespmem:s13+$0xFFFFFFF0]  }
0x3d6: {  	v21 =	vld [tilespmem:s13+$0x0]  }
0x3d7: {  	v22 =	vld [tilespmem:s13+$0x10]  }
0x3d8: {  	v23 =	vld [tilespmem:s13+$0x20]  }
0x3d9: {  	v24 =	vld [tilespmem:s13+$0x70]  }
0x3da: {  	v25 =	vld [tilespmem:s13+$0x60]  }
0x3db: {  	v26 =	vld [tilespmem:s13+$0x50]  }
0x3dc: {  	v27 =	vld [tilespmem:s13+$0x40]  }
0x3dd: {  	v28 =	vld [tilespmem:s13+$0x30]  }
0x3de: {  	v29 =	vld [tilespmem:s13+$0xFFFFFFB0]  }
0x3df: {  	v30 =	vld [tilespmem:s13+$0xFFFFFFA0]  }
0x3e0: {  	v31 =	vld [tilespmem:s13+$0xFFFFFFC0]  }
0x3e1: {  	v32 =	vld [tilespmem:s13+$0xFFFFFF80]  }
0x3e2: {  	v33 =	vld [tilespmem:s13+$0xFFFFFFD0]  }
0x3e3: {  	v34 =	vld [tilespmem:s13+$0xFFFFFF90]  }
0x3e4: {  	v24 =	vld.idx.msk [tilespmem:v24+s26+$0x0], $0xffff  }
0x3e5: {  	v25 =	vld.idx.msk [tilespmem:v25+s26+$0x0], $0xffff  }
0x3e6: {  	v26 =	vld.idx.msk [tilespmem:v26+s26+$0x0], $0xffff  }
0x3e7: {  	v27 =	vld.idx.msk [tilespmem:v27+s26+$0x0], $0xffff  }
0x3e8: {  	v28 =	vld.idx.msk [tilespmem:v28+s26+$0x0], $0xffff  }
0x3e9: {  	s14 =	simm.s32 $0x0;
	v23 =	vld.idx.msk [tilespmem:v23+s26+$0x0], $0xffff  }
0x3ea: {  	s14 =	sand.u32 $0x3F00, s14;
	v22 =	vld.idx.msk [tilespmem:v22+s26+$0x0], $0xffff  }
0x3eb: {  	s14 =	sxor.u32 $0x2000, s14;
	v21 =	vld.idx.msk [tilespmem:v21+s26+$0x0], $0xffff  }
0x3ec: {  	v35 =	vadd.s32 s14, v1;
	v20 =	vld.idx.msk [tilespmem:v20+s26+$0x0], $0xffff  }
0x3ed: {  	v35 =	vand.u32 $0x3F80, v35;
	v19 =	vld.idx.msk [tilespmem:v19+s26+$0x0], $0xffff  }
0x3ee: {  	s17 =	simm.s32 $0x23F0;
	v35 =	vor.u32 v2, v35;
	v32 =	vld.idx.msk [tilespmem:v32+s26+$0x0], $0xffff  }
0x3ef: {  	v36 =	vadd.s32 s17, v1;
	v33 =	vld.idx.msk [tilespmem:v33+s26+$0x0], $0xffff  }
0x3f0: {  	s15 =	simm.s32 $0x27E0;
	v36 =	vand.u32 $0x3FFF, v36;
	v34 =	vld.idx.msk [tilespmem:v34+s26+$0x0], $0xffff  }
0x3f1: {  	v37 =	vadd.s32 s15, v1;
	v31 =	vld.idx.msk [tilespmem:v31+s26+$0x0], $0xffff  }
0x3f2: {  	s16 =	simm.s32 $0x2BD0;
	v37 =	vand.u32 $0x3FFF, v37;
	v30 =	vld.idx.msk [tilespmem:v30+s26+$0x0], $0xffff  }
0x3f3: {  	v38 =	vadd.s32 s16, v1;
	v29 =	vld.idx.msk [tilespmem:v29+s26+$0x0], $0xffff;
	[tilespmem:v35+s1+$0x0] =	vst.idx.msk $0xffff, v32  }
0x3f4: {  	s17 =	simm.s32 $0x2FC0;
	v41 =	vand.u32 $0x3FFF, v38;
	[tilespmem:v35+s4+$0x0] =	vst.idx.msk $0xffff, v18  }
0x3f5: {  	v42 =	vadd.s32 s17, v1;
	[tilespmem:v36+s1+$0x0] =	vst.idx.msk $0xffff, v34  }
0x3f6: {  	s15 =	simm.s32 $0x33B0;
	v43 =	vand.u32 $0x3FFF, v42;
	[tilespmem:v36+s4+$0x0] =	vst.idx.msk $0xffff, v17  }
0x3f7: {  	v44 =	vadd.s32 s15, v1;
	[tilespmem:v37+s1+$0x0] =	vst.idx.msk $0xffff, v30  }
0x3f8: {  	s16 =	simm.s32 $0x37A0;
	v45 =	vand.u32 $0x3FFF, v44;
	[tilespmem:v37+s4+$0x0] =	vst.idx.msk $0xffff, v16  }
0x3f9: {  	v46 =	vadd.s32 s16, v1;
	[tilespmem:v41+s1+$0x0] =	vst.idx.msk $0xffff, v29  }
0x3fa: {  	s15 =	simm.s32 $0x3B90;
	v47 =	vand.u32 $0x3FFF, v46;
	[tilespmem:v41+s4+$0x0] =	vst.idx.msk $0xffff, v15  }
0x3fb: {  	s14 =	simm.s32 $0x3F80;
	v48 =	vadd.s32 s15, v1;
	[tilespmem:v43+s1+$0x0] =	vst.idx.msk $0xffff, v31  }
0x3fc: {  	v49 =	vadd.s32 s14, v1;
	v50 =	vand.u32 $0x3FFF, v48;
	[tilespmem:v43+s4+$0x0] =	vst.idx.msk $0xffff, v14  }
0x3fd: {  	s17 =	simm.s32 $0x370;
	v51 =	vand.u32 $0x3F80, v49;
	[tilespmem:v45+s1+$0x0] =	vst.idx.msk $0xffff, v33  }
0x3fe: {  	s15 =	sand.u32 $0x3F70, s17;
	v52 =	vor.u32 v2, v51;
	[tilespmem:v45+s4+$0x0] =	vst.idx.msk $0xffff, v13  }
0x3ff: {  	s16 =	simm.s32 $0x760;
	v53 =	vadd.s32 s15, v1;
	[tilespmem:v47+s1+$0x0] =	vst.idx.msk $0xffff, v19  }
0x400: {  	s15 =	sand.u32 $0x3F60, s16;
	v54 =	vand.u32 $0x3FFF, v53;
	[tilespmem:v47+s4+$0x0] =	vst.idx.msk $0xffff, v12  }
0x401: {  	s17 =	simm.s32 $0xB50;
	v55 =	vadd.s32 s15, v1;
	[tilespmem:v50+s1+$0x0] =	vst.idx.msk $0xffff, v20  }
0x402: {  	s15 =	sand.u32 $0x3F50, s17;
	v56 =	vand.u32 $0x3FFF, v55;
	[tilespmem:v50+s4+$0x0] =	vst.idx.msk $0xffff, v11  }
0x403: {  	s16 =	simm.s32 $0xF40;
	v57 =	vadd.s32 s15, v1;
	[tilespmem:v52+s1+$0x0] =	vst.idx.msk $0xffff, v21  }
0x404: {  	s15 =	sand.u32 $0x3F40, s16;
	v58 =	vand.u32 $0x3FFF, v57;
	[tilespmem:v52+s4+$0x0] =	vst.idx.msk $0xffff, v10  }
0x405: {  	s17 =	simm.s32 $0x1330;
	v59 =	vadd.s32 s15, v1;
	[tilespmem:v54+s1+$0x0] =	vst.idx.msk $0xffff, v22  }
0x406: {  	s15 =	sand.u32 $0x3F30, s17;
	v60 =	vand.u32 $0x3FFF, v59;
	[tilespmem:v54+s4+$0x0] =	vst.idx.msk $0xffff, v9  }
0x407: {  	s16 =	simm.s32 $0x1720;
	v61 =	vadd.s32 s15, v1;
	[tilespmem:v56+s1+$0x0] =	vst.idx.msk $0xffff, v23  }
0x408: {  	s15 =	sand.u32 $0x3F20, s16;
	[tilespmem:v56+s4+$0x0] =	vst.idx.msk $0xffff, v8;
	v8 =	vand.u32 $0x3FFF, v61  }
0x409: {  	s16 =	simm.s32 $0x1B10;
	v62 =	vadd.s32 s15, v1;
	[tilespmem:v58+s1+$0x0] =	vst.idx.msk $0xffff, v28  }
0x40a: {  	s17 =	sand.u32 $0x3F10, s16;
	[tilespmem:v58+s4+$0x0] =	vst.idx.msk $0xffff, v7;
	v7 =	vand.u32 $0x3FFF, v62  }
0x40b: {  	v63 =	vadd.s32 s17, v1;
	[tilespmem:v60+s1+$0x0] =	vst.idx.msk $0xffff, v27  }
0x40c: {  	[tilespmem:v60+s4+$0x0] =	vst.idx.msk $0xffff, v6;
	v6 =	vand.u32 $0x3FFF, v63  }
0x40d: {  	[tilespmem:v8+s1+$0x0] =	vst.idx.msk $0xffff, v26  }
0x40e: {  	[tilespmem:v8+s4+$0x0] =	vst.idx.msk $0xffff, v5  }
0x40f: {  	[tilespmem:v7+s1+$0x0] =	vst.idx.msk $0xffff, v25  }
0x410: {  	[tilespmem:v7+s4+$0x0] =	vst.idx.msk $0xffff, v4  }
0x411: {  	s15 =	simm.s32 $0x5A10;
	[tilespmem:v6+s1+$0x0] =	vst.idx.msk $0xffff, v24  }
.LBB2_12:
0x412: {  	[tilespmem:v6+s4+$0x0] =	vst.idx.msk $0xffff, v3;
	s14 =	sadd.s32 $0xFFFFFF00, s14;
	s12 =	sadd.s32 $0x100, s12;
	s13 =	sadd.s32 $0x100, s13  }
0x413: {  	p0 =	sne.s32 s15, $0x7BC10;
	s16 =	smov.u32 s15;
	s15 =	sadd.s32 $0x3F00, s15;
	v3 =	vld [tilespmem:s12+$0x70]  }
0x414: {  	v4 =	vld [tilespmem:s12+$0x60]  }
0x415: {  	v5 =	vld [tilespmem:s12+$0x50]  }
0x416: {  	v6 =	vld [tilespmem:s12+$0x40]  }
0x417: {  	v7 =	vld [tilespmem:s12+$0x30]  }
0x418: {  	v8 =	vld [tilespmem:s12+$0x20]  }
0x419: {  	v9 =	vld [tilespmem:s12+$0x10]  }
0x41a: {  	v10 =	vld [tilespmem:s12+$0x0]  }
0x41b: {  	v12 =	vld [tilespmem:s12+$0xFFFFFFF0]  }
0x41c: {  	v15 =	vld [tilespmem:s12+$0xFFFFFFE0]  }
0x41d: {  	v17 =	vld [tilespmem:s12+$0xFFFFFFD0]  }
0x41e: {  	v18 =	vld [tilespmem:s12+$0xFFFFFFC0]  }
0x41f: {  	v19 =	vld [tilespmem:s12+$0xFFFFFFB0]  }
0x420: {  	v20 =	vld [tilespmem:s12+$0xFFFFFFA0]  }
0x421: {  	v21 =	vld [tilespmem:s12+$0xFFFFFF90]  }
0x422: {  	v22 =	vld [tilespmem:s12+$0xFFFFFF80]  }
0x423: {  	v23 =	vld [tilespmem:s13+$0xFFFFFFE0]  }
0x424: {  	v24 =	vld [tilespmem:s13+$0xFFFFFFF0]  }
0x425: {  	v25 =	vld [tilespmem:s13+$0x0]  }
0x426: {  	v26 =	vld [tilespmem:s13+$0x10]  }
0x427: {  	v27 =	vld [tilespmem:s13+$0x20]  }
0x428: {  	v11 =	vld [tilespmem:s13+$0x70]  }
0x429: {  	v13 =	vld [tilespmem:s13+$0x60]  }
0x42a: {  	v14 =	vld [tilespmem:s13+$0x50]  }
0x42b: {  	v16 =	vld [tilespmem:s13+$0x40]  }
0x42c: {  	v28 =	vld [tilespmem:s13+$0x30]  }
0x42d: {  	v29 =	vld [tilespmem:s13+$0xFFFFFFB0]  }
0x42e: {  	v30 =	vld [tilespmem:s13+$0xFFFFFFA0]  }
0x42f: {  	v31 =	vld [tilespmem:s13+$0xFFFFFFC0]  }
0x430: {  	v11 =	vld.idx.msk [tilespmem:v11+s26+$0x0], $0xffff  }
0x431: {  	v13 =	vld.idx.msk [tilespmem:v13+s26+$0x0], $0xffff  }
0x432: {  	v14 =	vld.idx.msk [tilespmem:v14+s26+$0x0], $0xffff  }
0x433: {  	v16 =	vld.idx.msk [tilespmem:v16+s26+$0x0], $0xffff  }
0x434: {  	v28 =	vld.idx.msk [tilespmem:v28+s26+$0x0], $0xffff  }
0x435: {  	v32 =	vld [tilespmem:s13+$0xFFFFFF80]  }
0x436: {  	v33 =	vld [tilespmem:s13+$0xFFFFFFD0]  }
0x437: {  	v34 =	vld [tilespmem:s13+$0xFFFFFF90]  }
0x438: {  	v27 =	vld.idx.msk [tilespmem:v27+s26+$0x0], $0xffff  }
0x439: {  	s17 =	sadd.s32 $0xFFFFE4F0, s16;
	v26 =	vld.idx.msk [tilespmem:v26+s26+$0x0], $0xffff  }
0x43a: {  	s17 =	sand.u32 $0x3F00, s17;
	v25 =	vld.idx.msk [tilespmem:v25+s26+$0x0], $0xffff  }
0x43b: {  	s17 =	sxor.u32 $0x2000, s17;
	v24 =	vld.idx.msk [tilespmem:v24+s26+$0x0], $0xffff  }
0x43c: {  	v35 =	vadd.s32 s17, v1;
	v23 =	vld.idx.msk [tilespmem:v23+s26+$0x0], $0xffff  }
0x43d: {  	v35 =	vand.u32 $0x3F80, v35;
	v32 =	vld.idx.msk [tilespmem:v32+s26+$0x0], $0xffff  }
0x43e: {  	s17 =	sadd.s32 $0xFFFFE470, s14;
	v35 =	vor.u32 v2, v35;
	v33 =	vld.idx.msk [tilespmem:v33+s26+$0x0], $0xffff  }
0x43f: {  	v36 =	vadd.s32 s17, v1;
	v34 =	vld.idx.msk [tilespmem:v34+s26+$0x0], $0xffff  }
0x440: {  	s17 =	sadd.s32 $0xFFFFE860, s14;
	v36 =	vand.u32 $0x3FFF, v36;
	v31 =	vld.idx.msk [tilespmem:v31+s26+$0x0], $0xffff  }
0x441: {  	v37 =	vadd.s32 s17, v1;
	v30 =	vld.idx.msk [tilespmem:v30+s26+$0x0], $0xffff  }
0x442: {  	s17 =	sadd.s32 $0xFFFFEC50, s14;
	v37 =	vand.u32 $0x3FFF, v37;
	v29 =	vld.idx.msk [tilespmem:v29+s26+$0x0], $0xffff  }
0x443: {  	v38 =	vadd.s32 s17, v1;
	[tilespmem:v35+s1+$0x0] =	vst.idx.msk $0xffff, v32  }
0x444: {  	s17 =	sadd.s32 $0xFFFFF040, s14;
	[tilespmem:v35+s4+$0x0] =	vst.idx.msk $0xffff, v22;
	v22 =	vand.u32 $0x3FFF, v38  }
0x445: {  	v32 =	vadd.s32 s17, v1;
	[tilespmem:v36+s1+$0x0] =	vst.idx.msk $0xffff, v34  }
0x446: {  	s17 =	sadd.s32 $0xFFFFF430, s14;
	[tilespmem:v36+s4+$0x0] =	vst.idx.msk $0xffff, v21;
	v21 =	vand.u32 $0x3FFF, v32  }
0x447: {  	v32 =	vadd.s32 s17, v1;
	[tilespmem:v37+s1+$0x0] =	vst.idx.msk $0xffff, v30  }
0x448: {  	s17 =	sadd.s32 $0xFFFFF820, s14;
	[tilespmem:v37+s4+$0x0] =	vst.idx.msk $0xffff, v20;
	v20 =	vand.u32 $0x3FFF, v32  }
0x449: {  	v30 =	vadd.s32 s17, v1;
	[tilespmem:v22+s1+$0x0] =	vst.idx.msk $0xffff, v29  }
0x44a: {  	s17 =	sadd.s32 $0xFFFFFC10, s14;
	[tilespmem:v22+s4+$0x0] =	vst.idx.msk $0xffff, v19;
	v19 =	vand.u32 $0x3FFF, v30  }
0x44b: {  	v22 =	vadd.s32 s17, v1;
	[tilespmem:v21+s1+$0x0] =	vst.idx.msk $0xffff, v31  }
0x44c: {  	v29 =	vadd.s32 s14, v1;
	[tilespmem:v21+s4+$0x0] =	vst.idx.msk $0xffff, v18;
	v18 =	vand.u32 $0x3FFF, v22  }
0x44d: {  	s17 =	sadd.s32 $0xFFFFE860, s16;
	v21 =	vand.u32 $0x3F80, v29;
	[tilespmem:v20+s1+$0x0] =	vst.idx.msk $0xffff, v33  }
0x44e: {  	s17 =	sand.u32 $0x3F70, s17;
	[tilespmem:v20+s4+$0x0] =	vst.idx.msk $0xffff, v17;
	v17 =	vor.u32 v2, v21  }
0x44f: {  	v20 =	vadd.s32 s17, v1;
	s17 =	sadd.s32 $0xFFFFEC50, s16;
	[tilespmem:v19+s1+$0x0] =	vst.idx.msk $0xffff, v23  }
0x450: {  	s17 =	sand.u32 $0x3F60, s17;
	[tilespmem:v19+s4+$0x0] =	vst.idx.msk $0xffff, v15;
	v15 =	vand.u32 $0x3FFF, v20  }
0x451: {  	v19 =	vadd.s32 s17, v1;
	s17 =	sadd.s32 $0xFFFFF040, s16;
	[tilespmem:v18+s1+$0x0] =	vst.idx.msk $0xffff, v24  }
0x452: {  	s17 =	sand.u32 $0x3F50, s17;
	[tilespmem:v18+s4+$0x0] =	vst.idx.msk $0xffff, v12;
	v12 =	vand.u32 $0x3FFF, v19  }
0x453: {  	v18 =	vadd.s32 s17, v1;
	s17 =	sadd.s32 $0xFFFFF430, s16;
	[tilespmem:v17+s1+$0x0] =	vst.idx.msk $0xffff, v25  }
0x454: {  	s17 =	sand.u32 $0x3F40, s17;
	[tilespmem:v17+s4+$0x0] =	vst.idx.msk $0xffff, v10;
	v10 =	vand.u32 $0x3FFF, v18  }
0x455: {  	v17 =	vadd.s32 s17, v1;
	s17 =	sadd.s32 $0xFFFFF820, s16;
	[tilespmem:v15+s1+$0x0] =	vst.idx.msk $0xffff, v26  }
0x456: {  	s17 =	sand.u32 $0x3F30, s17;
	[tilespmem:v15+s4+$0x0] =	vst.idx.msk $0xffff, v9;
	v9 =	vand.u32 $0x3FFF, v17  }
0x457: {  	v15 =	vadd.s32 s17, v1;
	s17 =	sadd.s32 $0xFFFFFC10, s16;
	[tilespmem:v12+s1+$0x0] =	vst.idx.msk $0xffff, v27  }
0x458: {  	s17 =	sand.u32 $0x3F20, s17;
	[tilespmem:v12+s4+$0x0] =	vst.idx.msk $0xffff, v8;
	v8 =	vand.u32 $0x3FFF, v15  }
0x459: {  	v12 =	vadd.s32 s17, v1;
	[tilespmem:v10+s1+$0x0] =	vst.idx.msk $0xffff, v28  }
0x45a: {  	s16 =	sand.u32 $0x3F10, s16;
	[tilespmem:v10+s4+$0x0] =	vst.idx.msk $0xffff, v7;
	v7 =	vand.u32 $0x3FFF, v12  }
0x45b: {  	v10 =	vadd.s32 s16, v1;
	[tilespmem:v9+s1+$0x0] =	vst.idx.msk $0xffff, v16  }
0x45c: {  	[tilespmem:v9+s4+$0x0] =	vst.idx.msk $0xffff, v6;
	v6 =	vand.u32 $0x3FFF, v10  }
.Ltmp5:
0x45d: {  	[tilespmem:v8+s1+$0x0] =	vst.idx.msk $0xffff, v14;
	(pc) =	sbr.rel @p0 .LBB2_12-.Ltmp5, $4  }
0x45e: {  	[tilespmem:v8+s4+$0x0] =	vst.idx.msk $0xffff, v5  }
0x45f: {  	[tilespmem:v7+s1+$0x0] =	vst.idx.msk $0xffff, v13  }
0x460: {  	[tilespmem:v7+s4+$0x0] =	vst.idx.msk $0xffff, v4  }
0x461: {  	[tilespmem:v6+s1+$0x0] =	vst.idx.msk $0xffff, v11  }
0x462: {  	_ =	sdelay $0x3  }
0x463: {  	[tilespmem:v6+s4+$0x0] =	vst.idx.msk $0xffff, v3  }
0x464: {  	[spmem:s2] =	stream.indirect.scatter.add.f32 [tilespmem:s1], [sflag:$0x3], $0x1, s4, s25, $0xb8;
	[tilespmem:$0x18480] =	vst v63  }
0x465: {  	_ =	swait.ge [sflag:s30], $0x2000  }
0x466: {  	[sflag:s30] =	ssyncset.done $0x0  }
0x467: {  	[sflag:s30] =	ssyncadd.s32 $0xFFFFE000  }
0x468: {  	_ =	swait.ge [sflag:s30], $0x2000  }
0x469: {  	[sflag:s30] =	ssyncset.done $0x0  }
0x46a: {  	[sflag:s30] =	ssyncadd.s32 $0xFFFFE000  }
0x46b: {  	_ =	swait.ge [sflag:s10], $0x4000  }
0x46c: {  	[sflag:s10] =	ssyncset.done $0x0  }
0x46d: {  	s12 =	simm.s32 $0x80;
	[sflag:s10] =	ssyncadd.s32 $0xFFFFC000  }
0x46e: {  	[tilespmem:s31], [sflag:$0x2] =	stream.strided.gather [hbm4b:s20+s12], $0x2000, s23, s12, $0x38;
	[tilespmem:$0x18480] =	vst v63  }
0x46f: {  	s13 =	simm.s32 $0x4080  }
0x470: {  	[tilespmem:s0], [sflag:$0x2] =	stream.strided.gather [hbm4b:s21+s12], $0x2000, s23, s12, $0x38;
	[tilespmem:$0x18480] =	vst v63  }
0x471: {  	v3 =	vld [tilespmem:s13+$0x70]  }
0x472: {  	v4 =	vld [tilespmem:s13+$0x60]  }
0x473: {  	v5 =	vld [tilespmem:s13+$0x50]  }
0x474: {  	v6 =	vld [tilespmem:s13+$0x40]  }
0x475: {  	v7 =	vld [tilespmem:s13+$0x30]  }
0x476: {  	v8 =	vld [tilespmem:s13+$0x20]  }
0x477: {  	v9 =	vld [tilespmem:s13+$0x10]  }
0x478: {  	v10 =	vld [tilespmem:s13+$0x0]  }
0x479: {  	v11 =	vld [tilespmem:s13+$0xFFFFFFF0]  }
0x47a: {  	v12 =	vld [tilespmem:s13+$0xFFFFFFE0]  }
0x47b: {  	v13 =	vld [tilespmem:s13+$0xFFFFFFD0]  }
0x47c: {  	v14 =	vld [tilespmem:s13+$0xFFFFFFC0]  }
0x47d: {  	v15 =	vld [tilespmem:s13+$0xFFFFFFB0]  }
0x47e: {  	v16 =	vld [tilespmem:s13+$0xFFFFFFA0]  }
0x47f: {  	v17 =	vld [tilespmem:s13+$0xFFFFFF90]  }
0x480: {  	v18 =	vld [tilespmem:s13+$0xFFFFFF80]  }
0x481: {  	v19 =	vld [tilespmem:s12+$0x50]  }
0x482: {  	v20 =	vld [tilespmem:s12+$0x60]  }
0x483: {  	v21 =	vld [tilespmem:s12+$0x70]  }
0x484: {  	v22 =	vld [tilespmem:s12+$0x20]  }
0x485: {  	v23 =	vld [tilespmem:s12+$0xFFFFFFB0]  }
0x486: {  	v24 =	vld [tilespmem:s12+$0xFFFFFFA0]  }
0x487: {  	v25 =	vld [tilespmem:s12+$0xFFFFFFC0]  }
0x488: {  	v26 =	vld [tilespmem:s12+$0xFFFFFF90]  }
0x489: {  	v27 =	vld [tilespmem:s12+$0xFFFFFFD0]  }
0x48a: {  	v28 =	vld [tilespmem:s12+$0xFFFFFF80]  }
0x48b: {  	v29 =	vld [tilespmem:s12+$0x40]  }
0x48c: {  	v30 =	vld [tilespmem:s12+$0x30]  }
0x48d: {  	v31 =	vld [tilespmem:s12+$0x10]  }
0x48e: {  	v32 =	vld [tilespmem:s12+$0x0]  }
0x48f: {  	v33 =	vld [tilespmem:s12+$0xFFFFFFF0]  }
0x490: {  	v34 =	vld [tilespmem:s12+$0xFFFFFFE0]  }
0x491: {  	v21 =	vld.idx.msk [tilespmem:v21+s26+$0x0], $0xffff  }
0x492: {  	v22 =	vld.idx.msk [tilespmem:v22+s26+$0x0], $0xffff  }
0x493: {  	v20 =	vld.idx.msk [tilespmem:v20+s26+$0x0], $0xffff  }
0x494: {  	v19 =	vld.idx.msk [tilespmem:v19+s26+$0x0], $0xffff  }
0x495: {  	v29 =	vld.idx.msk [tilespmem:v29+s26+$0x0], $0xffff  }
0x496: {  	v30 =	vld.idx.msk [tilespmem:v30+s26+$0x0], $0xffff  }
0x497: {  	s14 =	simm.s32 $0x0;
	v31 =	vld.idx.msk [tilespmem:v31+s26+$0x0], $0xffff  }
0x498: {  	s14 =	sand.u32 $0x3F00, s14;
	v32 =	vld.idx.msk [tilespmem:v32+s26+$0x0], $0xffff  }
0x499: {  	v35 =	vadd.s32 s14, v1;
	v33 =	vld.idx.msk [tilespmem:v33+s26+$0x0], $0xffff  }
0x49a: {  	s17 =	simm.s32 $0x3F0;
	v35 =	vand.u32 $0x3F80, v35;
	v34 =	vld.idx.msk [tilespmem:v34+s26+$0x0], $0xffff  }
0x49b: {  	s14 =	sand.u32 $0x3FF0, s17;
	v35 =	vor.u32 v2, v35;
	v28 =	vld.idx.msk [tilespmem:v28+s26+$0x0], $0xffff  }
0x49c: {  	s15 =	simm.s32 $0x7E0;
	v36 =	vadd.s32 s14, v1;
	v27 =	vld.idx.msk [tilespmem:v27+s26+$0x0], $0xffff  }
0x49d: {  	s14 =	sand.u32 $0x3FE0, s15;
	v36 =	vand.u32 $0x3FFF, v36;
	v26 =	vld.idx.msk [tilespmem:v26+s26+$0x0], $0xffff  }
0x49e: {  	s16 =	simm.s32 $0xBD0;
	v37 =	vadd.s32 s14, v1;
	v25 =	vld.idx.msk [tilespmem:v25+s26+$0x0], $0xffff  }
0x49f: {  	s14 =	sand.u32 $0x3FD0, s16;
	v37 =	vand.u32 $0x3FFF, v37;
	v24 =	vld.idx.msk [tilespmem:v24+s26+$0x0], $0xffff  }
0x4a0: {  	s17 =	simm.s32 $0xFC0;
	v38 =	vadd.s32 s14, v1;
	v23 =	vld.idx.msk [tilespmem:v23+s26+$0x0], $0xffff;
	[tilespmem:v35+s29+$0x0] =	vst.idx.msk $0xffff, v28  }
0x4a1: {  	s14 =	sand.u32 $0x3FC0, s17;
	v41 =	vand.u32 $0x3FFF, v38;
	[tilespmem:v35+s8+$0x0] =	vst.idx.msk $0xffff, v18  }
0x4a2: {  	s15 =	simm.s32 $0x13B0;
	v42 =	vadd.s32 s14, v1;
	[tilespmem:v36+s29+$0x0] =	vst.idx.msk $0xffff, v26  }
0x4a3: {  	s14 =	sand.u32 $0x3FB0, s15;
	v43 =	vand.u32 $0x3FFF, v42;
	[tilespmem:v36+s8+$0x0] =	vst.idx.msk $0xffff, v17  }
0x4a4: {  	s16 =	simm.s32 $0x17A0;
	v44 =	vadd.s32 s14, v1;
	[tilespmem:v37+s29+$0x0] =	vst.idx.msk $0xffff, v24  }
0x4a5: {  	s15 =	sand.u32 $0x3FA0, s16;
	v45 =	vand.u32 $0x3FFF, v44;
	[tilespmem:v37+s8+$0x0] =	vst.idx.msk $0xffff, v16  }
0x4a6: {  	s14 =	simm.s32 $0x1B90;
	v46 =	vadd.s32 s15, v1;
	[tilespmem:v41+s29+$0x0] =	vst.idx.msk $0xffff, v23  }
0x4a7: {  	s17 =	sand.u32 $0x3F90, s14;
	v47 =	vand.u32 $0x3FFF, v46;
	[tilespmem:v41+s8+$0x0] =	vst.idx.msk $0xffff, v15  }
0x4a8: {  	s16 =	simm.s32 $0x1F80;
	v48 =	vadd.s32 s17, v1;
	[tilespmem:v43+s29+$0x0] =	vst.idx.msk $0xffff, v25  }
0x4a9: {  	v49 =	vadd.s32 s16, v1;
	v50 =	vand.u32 $0x3FFF, v48;
	[tilespmem:v43+s8+$0x0] =	vst.idx.msk $0xffff, v14  }
0x4aa: {  	v51 =	vand.u32 $0x3F80, v49;
	[tilespmem:v45+s29+$0x0] =	vst.idx.msk $0xffff, v27  }
0x4ab: {  	s17 =	simm.s32 $0x2370;
	v52 =	vor.u32 v2, v51;
	[tilespmem:v45+s8+$0x0] =	vst.idx.msk $0xffff, v13  }
0x4ac: {  	v53 =	vadd.s32 s17, v1;
	[tilespmem:v47+s29+$0x0] =	vst.idx.msk $0xffff, v34  }
0x4ad: {  	s16 =	simm.s32 $0x2760;
	v54 =	vand.u32 $0x3FFF, v53;
	[tilespmem:v47+s8+$0x0] =	vst.idx.msk $0xffff, v12  }
0x4ae: {  	v55 =	vadd.s32 s16, v1;
	[tilespmem:v50+s29+$0x0] =	vst.idx.msk $0xffff, v33  }
0x4af: {  	v56 =	vand.u32 $0x3FFF, v55;
	s17 =	simm.s32 $0x2B50;
	[tilespmem:v50+s8+$0x0] =	vst.idx.msk $0xffff, v11  }
0x4b0: {  	v57 =	vadd.s32 s17, v1;
	[tilespmem:v52+s29+$0x0] =	vst.idx.msk $0xffff, v32  }
0x4b1: {  	s16 =	simm.s32 $0x2F40;
	v58 =	vand.u32 $0x3FFF, v57;
	[tilespmem:v52+s8+$0x0] =	vst.idx.msk $0xffff, v10  }
0x4b2: {  	v59 =	vadd.s32 s16, v1;
	[tilespmem:v54+s29+$0x0] =	vst.idx.msk $0xffff, v31  }
0x4b3: {  	v60 =	vand.u32 $0x3FFF, v59;
	s17 =	simm.s32 $0x3330;
	[tilespmem:v54+s8+$0x0] =	vst.idx.msk $0xffff, v9  }
0x4b4: {  	v61 =	vadd.s32 s17, v1;
	[tilespmem:v56+s29+$0x0] =	vst.idx.msk $0xffff, v22  }
0x4b5: {  	s16 =	simm.s32 $0x3720;
	[tilespmem:v56+s8+$0x0] =	vst.idx.msk $0xffff, v8;
	v8 =	vand.u32 $0x3FFF, v61  }
0x4b6: {  	v62 =	vadd.s32 s16, v1;
	[tilespmem:v58+s29+$0x0] =	vst.idx.msk $0xffff, v30  }
0x4b7: {  	s17 =	simm.s32 $0x3B10;
	[tilespmem:v58+s8+$0x0] =	vst.idx.msk $0xffff, v7;
	v7 =	vand.u32 $0x3FFF, v62  }
0x4b8: {  	v63 =	vadd.s32 s17, v1;
	[tilespmem:v60+s29+$0x0] =	vst.idx.msk $0xffff, v29  }
0x4b9: {  	[tilespmem:v60+s8+$0x0] =	vst.idx.msk $0xffff, v6;
	v6 =	vand.u32 $0x3FFF, v63  }
0x4ba: {  	[tilespmem:v8+s29+$0x0] =	vst.idx.msk $0xffff, v19  }
0x4bb: {  	[tilespmem:v8+s8+$0x0] =	vst.idx.msk $0xffff, v5  }
0x4bc: {  	[tilespmem:v7+s29+$0x0] =	vst.idx.msk $0xffff, v20  }
0x4bd: {  	[tilespmem:v7+s8+$0x0] =	vst.idx.msk $0xffff, v4  }
0x4be: {  	s15 =	simm.s32 $0x3A10;
	[tilespmem:v6+s29+$0x0] =	vst.idx.msk $0xffff, v21  }
.LBB2_14:
0x4bf: {  	[tilespmem:v6+s8+$0x0] =	vst.idx.msk $0xffff, v3;
	s14 =	sadd.s32 $0x3F00, s14;
	s13 =	sadd.s32 $0x100, s13;
	s12 =	sadd.s32 $0x100, s12  }
0x4c0: {  	p0 =	sne.s32 s15, $0x1C10;
	s16 =	smov.u32 s15;
	s15 =	sadd.s32 $0xFFFFFF00, s15;
	v3 =	vld [tilespmem:s13+$0x70]  }
0x4c1: {  	v4 =	vld [tilespmem:s13+$0x60]  }
0x4c2: {  	v5 =	vld [tilespmem:s13+$0x50]  }
0x4c3: {  	v6 =	vld [tilespmem:s13+$0x40]  }
0x4c4: {  	v7 =	vld [tilespmem:s13+$0x30]  }
0x4c5: {  	v8 =	vld [tilespmem:s13+$0x20]  }
0x4c6: {  	v9 =	vld [tilespmem:s13+$0x10]  }
0x4c7: {  	v10 =	vld [tilespmem:s13+$0x0]  }
0x4c8: {  	v12 =	vld [tilespmem:s13+$0xFFFFFFF0]  }
0x4c9: {  	v13 =	vld [tilespmem:s13+$0xFFFFFFE0]  }
0x4ca: {  	v15 =	vld [tilespmem:s13+$0xFFFFFFD0]  }
0x4cb: {  	v18 =	vld [tilespmem:s13+$0xFFFFFFC0]  }
0x4cc: {  	v19 =	vld [tilespmem:s13+$0xFFFFFFB0]  }
0x4cd: {  	v20 =	vld [tilespmem:s13+$0xFFFFFFA0]  }
0x4ce: {  	v21 =	vld [tilespmem:s13+$0xFFFFFF90]  }
0x4cf: {  	v22 =	vld [tilespmem:s13+$0xFFFFFF80]  }
0x4d0: {  	v16 =	vld [tilespmem:s12+$0x50]  }
0x4d1: {  	v14 =	vld [tilespmem:s12+$0x60]  }
0x4d2: {  	v11 =	vld [tilespmem:s12+$0x70]  }
0x4d3: {  	v17 =	vld [tilespmem:s12+$0x20]  }
0x4d4: {  	v23 =	vld [tilespmem:s12+$0xFFFFFFB0]  }
0x4d5: {  	v24 =	vld [tilespmem:s12+$0xFFFFFFA0]  }
0x4d6: {  	v25 =	vld [tilespmem:s12+$0xFFFFFFC0]  }
0x4d7: {  	v26 =	vld [tilespmem:s12+$0xFFFFFF90]  }
0x4d8: {  	v27 =	vld [tilespmem:s12+$0xFFFFFFD0]  }
0x4d9: {  	v28 =	vld [tilespmem:s12+$0xFFFFFF80]  }
0x4da: {  	v11 =	vld.idx.msk [tilespmem:v11+s26+$0x0], $0xffff  }
0x4db: {  	v17 =	vld.idx.msk [tilespmem:v17+s26+$0x0], $0xffff  }
0x4dc: {  	v29 =	vld [tilespmem:s12+$0x40]  }
0x4dd: {  	v30 =	vld [tilespmem:s12+$0x30]  }
0x4de: {  	v31 =	vld [tilespmem:s12+$0x10]  }
0x4df: {  	v32 =	vld [tilespmem:s12+$0x0]  }
0x4e0: {  	v33 =	vld [tilespmem:s12+$0xFFFFFFF0]  }
0x4e1: {  	v34 =	vld [tilespmem:s12+$0xFFFFFFE0]  }
0x4e2: {  	v14 =	vld.idx.msk [tilespmem:v14+s26+$0x0], $0xffff  }
0x4e3: {  	v16 =	vld.idx.msk [tilespmem:v16+s26+$0x0], $0xffff  }
0x4e4: {  	v29 =	vld.idx.msk [tilespmem:v29+s26+$0x0], $0xffff  }
0x4e5: {  	v30 =	vld.idx.msk [tilespmem:v30+s26+$0x0], $0xffff  }
0x4e6: {  	v31 =	vld.idx.msk [tilespmem:v31+s26+$0x0], $0xffff  }
0x4e7: {  	s17 =	sadd.s32 $0xFFFFE470, s14;
	v32 =	vld.idx.msk [tilespmem:v32+s26+$0x0], $0xffff  }
0x4e8: {  	s17 =	sand.u32 $0x3F00, s17;
	v33 =	vld.idx.msk [tilespmem:v33+s26+$0x0], $0xffff  }
0x4e9: {  	v35 =	vadd.s32 s17, v1;
	v34 =	vld.idx.msk [tilespmem:v34+s26+$0x0], $0xffff  }
0x4ea: {  	s17 =	sadd.s32 $0xFFFFE860, s14;
	v35 =	vand.u32 $0x3F80, v35;
	v28 =	vld.idx.msk [tilespmem:v28+s26+$0x0], $0xffff  }
0x4eb: {  	s17 =	sand.u32 $0x3FF0, s17;
	v35 =	vor.u32 v2, v35;
	v27 =	vld.idx.msk [tilespmem:v27+s26+$0x0], $0xffff  }
0x4ec: {  	v36 =	vadd.s32 s17, v1;
	s17 =	sadd.s32 $0xFFFFEC50, s14;
	v26 =	vld.idx.msk [tilespmem:v26+s26+$0x0], $0xffff  }
0x4ed: {  	s17 =	sand.u32 $0x3FE0, s17;
	v36 =	vand.u32 $0x3FFF, v36;
	v25 =	vld.idx.msk [tilespmem:v25+s26+$0x0], $0xffff  }
0x4ee: {  	v37 =	vadd.s32 s17, v1;
	s17 =	sadd.s32 $0xFFFFF040, s14;
	v24 =	vld.idx.msk [tilespmem:v24+s26+$0x0], $0xffff  }
0x4ef: {  	s17 =	sand.u32 $0x3FD0, s17;
	v37 =	vand.u32 $0x3FFF, v37;
	v23 =	vld.idx.msk [tilespmem:v23+s26+$0x0], $0xffff  }
0x4f0: {  	v38 =	vadd.s32 s17, v1;
	s17 =	sadd.s32 $0xFFFFF430, s14;
	[tilespmem:v35+s29+$0x0] =	vst.idx.msk $0xffff, v28  }
0x4f1: {  	s17 =	sand.u32 $0x3FC0, s17;
	[tilespmem:v35+s8+$0x0] =	vst.idx.msk $0xffff, v22;
	v22 =	vand.u32 $0x3FFF, v38  }
0x4f2: {  	v28 =	vadd.s32 s17, v1;
	s17 =	sadd.s32 $0xFFFFF820, s14;
	[tilespmem:v36+s29+$0x0] =	vst.idx.msk $0xffff, v26  }
0x4f3: {  	s17 =	sand.u32 $0x3FB0, s17;
	[tilespmem:v36+s8+$0x0] =	vst.idx.msk $0xffff, v21;
	v21 =	vand.u32 $0x3FFF, v28  }
0x4f4: {  	v26 =	vadd.s32 s17, v1;
	s17 =	sadd.s32 $0xFFFFFC10, s14;
	[tilespmem:v37+s29+$0x0] =	vst.idx.msk $0xffff, v24  }
0x4f5: {  	s17 =	sand.u32 $0x3FA0, s17;
	[tilespmem:v37+s8+$0x0] =	vst.idx.msk $0xffff, v20;
	v20 =	vand.u32 $0x3FFF, v26  }
0x4f6: {  	v24 =	vadd.s32 s17, v1;
	[tilespmem:v22+s29+$0x0] =	vst.idx.msk $0xffff, v23  }
0x4f7: {  	s17 =	sand.u32 $0x3F90, s14;
	[tilespmem:v22+s8+$0x0] =	vst.idx.msk $0xffff, v19;
	v19 =	vand.u32 $0x3FFF, v24  }
0x4f8: {  	v22 =	vadd.s32 s17, v1;
	s17 =	sadd.s32 $0xFFFFE470, s16;
	[tilespmem:v21+s29+$0x0] =	vst.idx.msk $0xffff, v25  }
0x4f9: {  	v23 =	vadd.s32 s17, v1;
	[tilespmem:v21+s8+$0x0] =	vst.idx.msk $0xffff, v18;
	v18 =	vand.u32 $0x3FFF, v22  }
0x4fa: {  	v21 =	vand.u32 $0x3F80, v23;
	[tilespmem:v20+s29+$0x0] =	vst.idx.msk $0xffff, v27  }
0x4fb: {  	s17 =	sadd.s32 $0xFFFFE860, s16;
	[tilespmem:v20+s8+$0x0] =	vst.idx.msk $0xffff, v15;
	v15 =	vor.u32 v2, v21  }
0x4fc: {  	v20 =	vadd.s32 s17, v1;
	[tilespmem:v19+s29+$0x0] =	vst.idx.msk $0xffff, v34  }
0x4fd: {  	s17 =	sadd.s32 $0xFFFFEC50, s16;
	[tilespmem:v19+s8+$0x0] =	vst.idx.msk $0xffff, v13;
	v13 =	vand.u32 $0x3FFF, v20  }
0x4fe: {  	v19 =	vadd.s32 s17, v1;
	[tilespmem:v18+s29+$0x0] =	vst.idx.msk $0xffff, v33  }
0x4ff: {  	s17 =	sadd.s32 $0xFFFFF040, s16;
	[tilespmem:v18+s8+$0x0] =	vst.idx.msk $0xffff, v12;
	v12 =	vand.u32 $0x3FFF, v19  }
0x500: {  	v18 =	vadd.s32 s17, v1;
	[tilespmem:v15+s29+$0x0] =	vst.idx.msk $0xffff, v32  }
0x501: {  	s17 =	sadd.s32 $0xFFFFF430, s16;
	[tilespmem:v15+s8+$0x0] =	vst.idx.msk $0xffff, v10;
	v10 =	vand.u32 $0x3FFF, v18  }
0x502: {  	v15 =	vadd.s32 s17, v1;
	[tilespmem:v13+s29+$0x0] =	vst.idx.msk $0xffff, v31  }
0x503: {  	s17 =	sadd.s32 $0xFFFFF820, s16;
	[tilespmem:v13+s8+$0x0] =	vst.idx.msk $0xffff, v9;
	v9 =	vand.u32 $0x3FFF, v15  }
0x504: {  	v13 =	vadd.s32 s17, v1;
	[tilespmem:v12+s29+$0x0] =	vst.idx.msk $0xffff, v17  }
0x505: {  	s17 =	sadd.s32 $0xFFFFFC10, s16;
	[tilespmem:v12+s8+$0x0] =	vst.idx.msk $0xffff, v8;
	v8 =	vand.u32 $0x3FFF, v13  }
0x506: {  	v12 =	vadd.s32 s17, v1;
	[tilespmem:v10+s29+$0x0] =	vst.idx.msk $0xffff, v30  }
0x507: {  	[tilespmem:v10+s8+$0x0] =	vst.idx.msk $0xffff, v7;
	v7 =	vand.u32 $0x3FFF, v12  }
0x508: {  	v10 =	vadd.s32 s16, v1;
	[tilespmem:v9+s29+$0x0] =	vst.idx.msk $0xffff, v29  }
0x509: {  	[tilespmem:v9+s8+$0x0] =	vst.idx.msk $0xffff, v6;
	v6 =	vand.u32 $0x3FFF, v10  }
.Ltmp6:
0x50a: {  	[tilespmem:v8+s29+$0x0] =	vst.idx.msk $0xffff, v16;
	(pc) =	sbr.rel @p0 .LBB2_14-.Ltmp6, $4  }
0x50b: {  	[tilespmem:v8+s8+$0x0] =	vst.idx.msk $0xffff, v5  }
0x50c: {  	[tilespmem:v7+s29+$0x0] =	vst.idx.msk $0xffff, v14  }
0x50d: {  	[tilespmem:v7+s8+$0x0] =	vst.idx.msk $0xffff, v4  }
0x50e: {  	[tilespmem:v6+s29+$0x0] =	vst.idx.msk $0xffff, v11  }
0x50f: {  	_ =	sdelay $0x3  }
0x510: {  	[tilespmem:v6+s8+$0x0] =	vst.idx.msk $0xffff, v3  }
0x511: {  	_ =	swait.ge [sflag:s5], $0x2000  }
0x512: {  	[sflag:s5] =	ssyncset.done $0x0  }
0x513: {  	[sflag:s5] =	ssyncadd.s32 $0xFFFFE000  }
0x514: {  	_ =	swait.ge [sflag:s5], $0x2000  }
0x515: {  	[sflag:s5] =	ssyncset.done $0x0  }
0x516: {  	s12 =	simm.s32 $0x6080;
	[sflag:s5] =	ssyncadd.s32 $0xFFFFE000  }
0x517: {  	v3 =	vld [tilespmem:s12+$0x70]  }
0x518: {  	v4 =	vld [tilespmem:s12+$0x60]  }
0x519: {  	v5 =	vld [tilespmem:s12+$0x50]  }
0x51a: {  	v6 =	vld [tilespmem:s12+$0x40]  }
0x51b: {  	v7 =	vld [tilespmem:s12+$0x30]  }
0x51c: {  	v8 =	vld [tilespmem:s12+$0x20]  }
0x51d: {  	v9 =	vld [tilespmem:s12+$0x10]  }
0x51e: {  	v10 =	vld [tilespmem:s12+$0x0]  }
0x51f: {  	v11 =	vld [tilespmem:s12+$0xFFFFFFF0]  }
0x520: {  	v12 =	vld [tilespmem:s12+$0xFFFFFFE0]  }
0x521: {  	v13 =	vld [tilespmem:s12+$0xFFFFFFD0]  }
0x522: {  	v14 =	vld [tilespmem:s12+$0xFFFFFFC0]  }
0x523: {  	v15 =	vld [tilespmem:s12+$0xFFFFFFB0]  }
0x524: {  	v16 =	vld [tilespmem:s12+$0xFFFFFFA0]  }
0x525: {  	v17 =	vld [tilespmem:s12+$0xFFFFFF90]  }
0x526: {  	s13 =	simm.s32 $0x2080;
	v18 =	vld [tilespmem:s12+$0xFFFFFF80]  }
0x527: {  	v19 =	vld [tilespmem:s13+$0xFFFFFFE0]  }
0x528: {  	v20 =	vld [tilespmem:s13+$0xFFFFFFF0]  }
0x529: {  	v21 =	vld [tilespmem:s13+$0x0]  }
0x52a: {  	v22 =	vld [tilespmem:s13+$0x10]  }
0x52b: {  	v23 =	vld [tilespmem:s13+$0x20]  }
0x52c: {  	v24 =	vld [tilespmem:s13+$0x70]  }
0x52d: {  	v25 =	vld [tilespmem:s13+$0x60]  }
0x52e: {  	v26 =	vld [tilespmem:s13+$0x50]  }
0x52f: {  	v27 =	vld [tilespmem:s13+$0x40]  }
0x530: {  	v28 =	vld [tilespmem:s13+$0x30]  }
0x531: {  	v29 =	vld [tilespmem:s13+$0xFFFFFFB0]  }
0x532: {  	v30 =	vld [tilespmem:s13+$0xFFFFFFA0]  }
0x533: {  	v31 =	vld [tilespmem:s13+$0xFFFFFFC0]  }
0x534: {  	v32 =	vld [tilespmem:s13+$0xFFFFFF80]  }
0x535: {  	v33 =	vld [tilespmem:s13+$0xFFFFFFD0]  }
0x536: {  	v34 =	vld [tilespmem:s13+$0xFFFFFF90]  }
0x537: {  	v24 =	vld.idx.msk [tilespmem:v24+s26+$0x0], $0xffff  }
0x538: {  	v25 =	vld.idx.msk [tilespmem:v25+s26+$0x0], $0xffff  }
0x539: {  	v26 =	vld.idx.msk [tilespmem:v26+s26+$0x0], $0xffff  }
0x53a: {  	v27 =	vld.idx.msk [tilespmem:v27+s26+$0x0], $0xffff  }
0x53b: {  	v28 =	vld.idx.msk [tilespmem:v28+s26+$0x0], $0xffff  }
0x53c: {  	s14 =	simm.s32 $0x0;
	v23 =	vld.idx.msk [tilespmem:v23+s26+$0x0], $0xffff  }
0x53d: {  	s14 =	sand.u32 $0x3F00, s14;
	v22 =	vld.idx.msk [tilespmem:v22+s26+$0x0], $0xffff  }
0x53e: {  	s14 =	sxor.u32 $0x2000, s14;
	v21 =	vld.idx.msk [tilespmem:v21+s26+$0x0], $0xffff  }
0x53f: {  	v35 =	vadd.s32 s14, v1;
	v20 =	vld.idx.msk [tilespmem:v20+s26+$0x0], $0xffff  }
0x540: {  	v35 =	vand.u32 $0x3F80, v35;
	v19 =	vld.idx.msk [tilespmem:v19+s26+$0x0], $0xffff  }
0x541: {  	s17 =	simm.s32 $0x23F0;
	v35 =	vor.u32 v2, v35;
	v32 =	vld.idx.msk [tilespmem:v32+s26+$0x0], $0xffff  }
0x542: {  	v36 =	vadd.s32 s17, v1;
	v33 =	vld.idx.msk [tilespmem:v33+s26+$0x0], $0xffff  }
0x543: {  	s15 =	simm.s32 $0x27E0;
	v36 =	vand.u32 $0x3FFF, v36;
	v34 =	vld.idx.msk [tilespmem:v34+s26+$0x0], $0xffff  }
0x544: {  	v37 =	vadd.s32 s15, v1;
	v31 =	vld.idx.msk [tilespmem:v31+s26+$0x0], $0xffff  }
0x545: {  	s16 =	simm.s32 $0x2BD0;
	v37 =	vand.u32 $0x3FFF, v37;
	v30 =	vld.idx.msk [tilespmem:v30+s26+$0x0], $0xffff  }
0x546: {  	v38 =	vadd.s32 s16, v1;
	v29 =	vld.idx.msk [tilespmem:v29+s26+$0x0], $0xffff;
	[tilespmem:v35+s29+$0x0] =	vst.idx.msk $0xffff, v32  }
0x547: {  	s17 =	simm.s32 $0x2FC0;
	v41 =	vand.u32 $0x3FFF, v38;
	[tilespmem:v35+s8+$0x0] =	vst.idx.msk $0xffff, v18  }
0x548: {  	v42 =	vadd.s32 s17, v1;
	[tilespmem:v36+s29+$0x0] =	vst.idx.msk $0xffff, v34  }
0x549: {  	s15 =	simm.s32 $0x33B0;
	v43 =	vand.u32 $0x3FFF, v42;
	[tilespmem:v36+s8+$0x0] =	vst.idx.msk $0xffff, v17  }
0x54a: {  	v44 =	vadd.s32 s15, v1;
	[tilespmem:v37+s29+$0x0] =	vst.idx.msk $0xffff, v30  }
0x54b: {  	s16 =	simm.s32 $0x37A0;
	v45 =	vand.u32 $0x3FFF, v44;
	[tilespmem:v37+s8+$0x0] =	vst.idx.msk $0xffff, v16  }
0x54c: {  	v46 =	vadd.s32 s16, v1;
	[tilespmem:v41+s29+$0x0] =	vst.idx.msk $0xffff, v29  }
0x54d: {  	s15 =	simm.s32 $0x3B90;
	v47 =	vand.u32 $0x3FFF, v46;
	[tilespmem:v41+s8+$0x0] =	vst.idx.msk $0xffff, v15  }
0x54e: {  	s14 =	simm.s32 $0x3F80;
	v48 =	vadd.s32 s15, v1;
	[tilespmem:v43+s29+$0x0] =	vst.idx.msk $0xffff, v31  }
0x54f: {  	v49 =	vadd.s32 s14, v1;
	v50 =	vand.u32 $0x3FFF, v48;
	[tilespmem:v43+s8+$0x0] =	vst.idx.msk $0xffff, v14  }
0x550: {  	s17 =	simm.s32 $0x370;
	v51 =	vand.u32 $0x3F80, v49;
	[tilespmem:v45+s29+$0x0] =	vst.idx.msk $0xffff, v33  }
0x551: {  	s15 =	sand.u32 $0x3F70, s17;
	v52 =	vor.u32 v2, v51;
	[tilespmem:v45+s8+$0x0] =	vst.idx.msk $0xffff, v13  }
0x552: {  	s16 =	simm.s32 $0x760;
	v53 =	vadd.s32 s15, v1;
	[tilespmem:v47+s29+$0x0] =	vst.idx.msk $0xffff, v19  }
0x553: {  	s15 =	sand.u32 $0x3F60, s16;
	v54 =	vand.u32 $0x3FFF, v53;
	[tilespmem:v47+s8+$0x0] =	vst.idx.msk $0xffff, v12  }
0x554: {  	s17 =	simm.s32 $0xB50;
	v55 =	vadd.s32 s15, v1;
	[tilespmem:v50+s29+$0x0] =	vst.idx.msk $0xffff, v20  }
0x555: {  	s15 =	sand.u32 $0x3F50, s17;
	v56 =	vand.u32 $0x3FFF, v55;
	[tilespmem:v50+s8+$0x0] =	vst.idx.msk $0xffff, v11  }
0x556: {  	s16 =	simm.s32 $0xF40;
	v57 =	vadd.s32 s15, v1;
	[tilespmem:v52+s29+$0x0] =	vst.idx.msk $0xffff, v21  }
0x557: {  	s15 =	sand.u32 $0x3F40, s16;
	v58 =	vand.u32 $0x3FFF, v57;
	[tilespmem:v52+s8+$0x0] =	vst.idx.msk $0xffff, v10  }
0x558: {  	s17 =	simm.s32 $0x1330;
	v59 =	vadd.s32 s15, v1;
	[tilespmem:v54+s29+$0x0] =	vst.idx.msk $0xffff, v22  }
0x559: {  	s15 =	sand.u32 $0x3F30, s17;
	v60 =	vand.u32 $0x3FFF, v59;
	[tilespmem:v54+s8+$0x0] =	vst.idx.msk $0xffff, v9  }
0x55a: {  	s16 =	simm.s32 $0x1720;
	v61 =	vadd.s32 s15, v1;
	[tilespmem:v56+s29+$0x0] =	vst.idx.msk $0xffff, v23  }
0x55b: {  	s15 =	sand.u32 $0x3F20, s16;
	[tilespmem:v56+s8+$0x0] =	vst.idx.msk $0xffff, v8;
	v8 =	vand.u32 $0x3FFF, v61  }
0x55c: {  	s16 =	simm.s32 $0x1B10;
	v62 =	vadd.s32 s15, v1;
	[tilespmem:v58+s29+$0x0] =	vst.idx.msk $0xffff, v28  }
0x55d: {  	s17 =	sand.u32 $0x3F10, s16;
	[tilespmem:v58+s8+$0x0] =	vst.idx.msk $0xffff, v7;
	v7 =	vand.u32 $0x3FFF, v62  }
0x55e: {  	v63 =	vadd.s32 s17, v1;
	[tilespmem:v60+s29+$0x0] =	vst.idx.msk $0xffff, v27  }
0x55f: {  	[tilespmem:v60+s8+$0x0] =	vst.idx.msk $0xffff, v6;
	v6 =	vand.u32 $0x3FFF, v63  }
0x560: {  	[tilespmem:v8+s29+$0x0] =	vst.idx.msk $0xffff, v26  }
0x561: {  	[tilespmem:v8+s8+$0x0] =	vst.idx.msk $0xffff, v5  }
0x562: {  	[tilespmem:v7+s29+$0x0] =	vst.idx.msk $0xffff, v25  }
0x563: {  	[tilespmem:v7+s8+$0x0] =	vst.idx.msk $0xffff, v4  }
0x564: {  	s15 =	simm.s32 $0x5A10;
	[tilespmem:v6+s29+$0x0] =	vst.idx.msk $0xffff, v24  }
.LBB2_16:
0x565: {  	[tilespmem:v6+s8+$0x0] =	vst.idx.msk $0xffff, v3;
	s14 =	sadd.s32 $0xFFFFFF00, s14;
	s12 =	sadd.s32 $0x100, s12;
	s13 =	sadd.s32 $0x100, s13  }
0x566: {  	p0 =	sne.s32 s15, $0x7BC10;
	s16 =	smov.u32 s15;
	s15 =	sadd.s32 $0x3F00, s15;
	v3 =	vld [tilespmem:s12+$0x70]  }
0x567: {  	v4 =	vld [tilespmem:s12+$0x60]  }
0x568: {  	v5 =	vld [tilespmem:s12+$0x50]  }
0x569: {  	v6 =	vld [tilespmem:s12+$0x40]  }
0x56a: {  	v7 =	vld [tilespmem:s12+$0x30]  }
0x56b: {  	v8 =	vld [tilespmem:s12+$0x20]  }
0x56c: {  	v9 =	vld [tilespmem:s12+$0x10]  }
0x56d: {  	v10 =	vld [tilespmem:s12+$0x0]  }
0x56e: {  	v12 =	vld [tilespmem:s12+$0xFFFFFFF0]  }
0x56f: {  	v15 =	vld [tilespmem:s12+$0xFFFFFFE0]  }
0x570: {  	v17 =	vld [tilespmem:s12+$0xFFFFFFD0]  }
0x571: {  	v18 =	vld [tilespmem:s12+$0xFFFFFFC0]  }
0x572: {  	v19 =	vld [tilespmem:s12+$0xFFFFFFB0]  }
0x573: {  	v20 =	vld [tilespmem:s12+$0xFFFFFFA0]  }
0x574: {  	v21 =	vld [tilespmem:s12+$0xFFFFFF90]  }
0x575: {  	v22 =	vld [tilespmem:s12+$0xFFFFFF80]  }
0x576: {  	v23 =	vld [tilespmem:s13+$0xFFFFFFE0]  }
0x577: {  	v24 =	vld [tilespmem:s13+$0xFFFFFFF0]  }
0x578: {  	v25 =	vld [tilespmem:s13+$0x0]  }
0x579: {  	v26 =	vld [tilespmem:s13+$0x10]  }
0x57a: {  	v27 =	vld [tilespmem:s13+$0x20]  }
0x57b: {  	v11 =	vld [tilespmem:s13+$0x70]  }
0x57c: {  	v13 =	vld [tilespmem:s13+$0x60]  }
0x57d: {  	v14 =	vld [tilespmem:s13+$0x50]  }
0x57e: {  	v16 =	vld [tilespmem:s13+$0x40]  }
0x57f: {  	v28 =	vld [tilespmem:s13+$0x30]  }
0x580: {  	v29 =	vld [tilespmem:s13+$0xFFFFFFB0]  }
0x581: {  	v30 =	vld [tilespmem:s13+$0xFFFFFFA0]  }
0x582: {  	v31 =	vld [tilespmem:s13+$0xFFFFFFC0]  }
0x583: {  	v11 =	vld.idx.msk [tilespmem:v11+s26+$0x0], $0xffff  }
0x584: {  	v13 =	vld.idx.msk [tilespmem:v13+s26+$0x0], $0xffff  }
0x585: {  	v14 =	vld.idx.msk [tilespmem:v14+s26+$0x0], $0xffff  }
0x586: {  	v16 =	vld.idx.msk [tilespmem:v16+s26+$0x0], $0xffff  }
0x587: {  	v28 =	vld.idx.msk [tilespmem:v28+s26+$0x0], $0xffff  }
0x588: {  	v32 =	vld [tilespmem:s13+$0xFFFFFF80]  }
0x589: {  	v33 =	vld [tilespmem:s13+$0xFFFFFFD0]  }
0x58a: {  	v34 =	vld [tilespmem:s13+$0xFFFFFF90]  }
0x58b: {  	v27 =	vld.idx.msk [tilespmem:v27+s26+$0x0], $0xffff  }
0x58c: {  	s17 =	sadd.s32 $0xFFFFE4F0, s16;
	v26 =	vld.idx.msk [tilespmem:v26+s26+$0x0], $0xffff  }
0x58d: {  	s17 =	sand.u32 $0x3F00, s17;
	v25 =	vld.idx.msk [tilespmem:v25+s26+$0x0], $0xffff  }
0x58e: {  	s17 =	sxor.u32 $0x2000, s17;
	v24 =	vld.idx.msk [tilespmem:v24+s26+$0x0], $0xffff  }
0x58f: {  	v35 =	vadd.s32 s17, v1;
	v23 =	vld.idx.msk [tilespmem:v23+s26+$0x0], $0xffff  }
0x590: {  	v35 =	vand.u32 $0x3F80, v35;
	v32 =	vld.idx.msk [tilespmem:v32+s26+$0x0], $0xffff  }
0x591: {  	s17 =	sadd.s32 $0xFFFFE470, s14;
	v35 =	vor.u32 v2, v35;
	v33 =	vld.idx.msk [tilespmem:v33+s26+$0x0], $0xffff  }
0x592: {  	v36 =	vadd.s32 s17, v1;
	v34 =	vld.idx.msk [tilespmem:v34+s26+$0x0], $0xffff  }
0x593: {  	s17 =	sadd.s32 $0xFFFFE860, s14;
	v36 =	vand.u32 $0x3FFF, v36;
	v31 =	vld.idx.msk [tilespmem:v31+s26+$0x0], $0xffff  }
0x594: {  	v37 =	vadd.s32 s17, v1;
	v30 =	vld.idx.msk [tilespmem:v30+s26+$0x0], $0xffff  }
0x595: {  	s17 =	sadd.s32 $0xFFFFEC50, s14;
	v37 =	vand.u32 $0x3FFF, v37;
	v29 =	vld.idx.msk [tilespmem:v29+s26+$0x0], $0xffff  }
0x596: {  	v38 =	vadd.s32 s17, v1;
	[tilespmem:v35+s29+$0x0] =	vst.idx.msk $0xffff, v32  }
0x597: {  	s17 =	sadd.s32 $0xFFFFF040, s14;
	[tilespmem:v35+s8+$0x0] =	vst.idx.msk $0xffff, v22;
	v22 =	vand.u32 $0x3FFF, v38  }
0x598: {  	v32 =	vadd.s32 s17, v1;
	[tilespmem:v36+s29+$0x0] =	vst.idx.msk $0xffff, v34  }
0x599: {  	s17 =	sadd.s32 $0xFFFFF430, s14;
	[tilespmem:v36+s8+$0x0] =	vst.idx.msk $0xffff, v21;
	v21 =	vand.u32 $0x3FFF, v32  }
0x59a: {  	v32 =	vadd.s32 s17, v1;
	[tilespmem:v37+s29+$0x0] =	vst.idx.msk $0xffff, v30  }
0x59b: {  	s17 =	sadd.s32 $0xFFFFF820, s14;
	[tilespmem:v37+s8+$0x0] =	vst.idx.msk $0xffff, v20;
	v20 =	vand.u32 $0x3FFF, v32  }
0x59c: {  	v30 =	vadd.s32 s17, v1;
	[tilespmem:v22+s29+$0x0] =	vst.idx.msk $0xffff, v29  }
0x59d: {  	s17 =	sadd.s32 $0xFFFFFC10, s14;
	[tilespmem:v22+s8+$0x0] =	vst.idx.msk $0xffff, v19;
	v19 =	vand.u32 $0x3FFF, v30  }
0x59e: {  	v22 =	vadd.s32 s17, v1;
	[tilespmem:v21+s29+$0x0] =	vst.idx.msk $0xffff, v31  }
0x59f: {  	v29 =	vadd.s32 s14, v1;
	[tilespmem:v21+s8+$0x0] =	vst.idx.msk $0xffff, v18;
	v18 =	vand.u32 $0x3FFF, v22  }
0x5a0: {  	s17 =	sadd.s32 $0xFFFFE860, s16;
	v21 =	vand.u32 $0x3F80, v29;
	[tilespmem:v20+s29+$0x0] =	vst.idx.msk $0xffff, v33  }
0x5a1: {  	s17 =	sand.u32 $0x3F70, s17;
	[tilespmem:v20+s8+$0x0] =	vst.idx.msk $0xffff, v17;
	v17 =	vor.u32 v2, v21  }
0x5a2: {  	v20 =	vadd.s32 s17, v1;
	s17 =	sadd.s32 $0xFFFFEC50, s16;
	[tilespmem:v19+s29+$0x0] =	vst.idx.msk $0xffff, v23  }
0x5a3: {  	s17 =	sand.u32 $0x3F60, s17;
	[tilespmem:v19+s8+$0x0] =	vst.idx.msk $0xffff, v15;
	v15 =	vand.u32 $0x3FFF, v20  }
0x5a4: {  	v19 =	vadd.s32 s17, v1;
	s17 =	sadd.s32 $0xFFFFF040, s16;
	[tilespmem:v18+s29+$0x0] =	vst.idx.msk $0xffff, v24  }
0x5a5: {  	s17 =	sand.u32 $0x3F50, s17;
	[tilespmem:v18+s8+$0x0] =	vst.idx.msk $0xffff, v12;
	v12 =	vand.u32 $0x3FFF, v19  }
0x5a6: {  	v18 =	vadd.s32 s17, v1;
	s17 =	sadd.s32 $0xFFFFF430, s16;
	[tilespmem:v17+s29+$0x0] =	vst.idx.msk $0xffff, v25  }
0x5a7: {  	s17 =	sand.u32 $0x3F40, s17;
	[tilespmem:v17+s8+$0x0] =	vst.idx.msk $0xffff, v10;
	v10 =	vand.u32 $0x3FFF, v18  }
0x5a8: {  	v17 =	vadd.s32 s17, v1;
	s17 =	sadd.s32 $0xFFFFF820, s16;
	[tilespmem:v15+s29+$0x0] =	vst.idx.msk $0xffff, v26  }
0x5a9: {  	s17 =	sand.u32 $0x3F30, s17;
	[tilespmem:v15+s8+$0x0] =	vst.idx.msk $0xffff, v9;
	v9 =	vand.u32 $0x3FFF, v17  }
0x5aa: {  	v15 =	vadd.s32 s17, v1;
	s17 =	sadd.s32 $0xFFFFFC10, s16;
	[tilespmem:v12+s29+$0x0] =	vst.idx.msk $0xffff, v27  }
0x5ab: {  	s17 =	sand.u32 $0x3F20, s17;
	[tilespmem:v12+s8+$0x0] =	vst.idx.msk $0xffff, v8;
	v8 =	vand.u32 $0x3FFF, v15  }
0x5ac: {  	v12 =	vadd.s32 s17, v1;
	[tilespmem:v10+s29+$0x0] =	vst.idx.msk $0xffff, v28  }
0x5ad: {  	s16 =	sand.u32 $0x3F10, s16;
	[tilespmem:v10+s8+$0x0] =	vst.idx.msk $0xffff, v7;
	v7 =	vand.u32 $0x3FFF, v12  }
0x5ae: {  	v10 =	vadd.s32 s16, v1;
	[tilespmem:v9+s29+$0x0] =	vst.idx.msk $0xffff, v16  }
0x5af: {  	[tilespmem:v9+s8+$0x0] =	vst.idx.msk $0xffff, v6;
	v6 =	vand.u32 $0x3FFF, v10  }
.Ltmp7:
0x5b0: {  	[tilespmem:v8+s29+$0x0] =	vst.idx.msk $0xffff, v14;
	(pc) =	sbr.rel @p0 .LBB2_16-.Ltmp7, $4  }
0x5b1: {  	[tilespmem:v8+s8+$0x0] =	vst.idx.msk $0xffff, v5  }
0x5b2: {  	[tilespmem:v7+s29+$0x0] =	vst.idx.msk $0xffff, v13  }
0x5b3: {  	[tilespmem:v7+s8+$0x0] =	vst.idx.msk $0xffff, v4  }
0x5b4: {  	[tilespmem:v6+s29+$0x0] =	vst.idx.msk $0xffff, v11  }
0x5b5: {  	_ =	sdelay $0x3  }
0x5b6: {  	[tilespmem:v6+s8+$0x0] =	vst.idx.msk $0xffff, v3  }
0x5b7: {  	[spmem:s2] =	stream.indirect.scatter.add.f32 [tilespmem:s29], [sflag:$0x4], $0x1, s8, s25, $0xb8;
	[tilespmem:$0x18480] =	vst v63  }
0x5b8: {  	_ =	swait.ge [sflag:s9], $0x4000  }
0x5b9: {  	[sflag:s9] =	ssyncset.done $0x0  }
0x5ba: {  	s12 =	stileid.u32;
	[sflag:s9] =	ssyncadd.s32 $0xFFFFC000  }
0x5bb: {  	s13 =	sshrl.u32 s7, $0x3;
	s14 =	simm.s32 $0x20;
	_ =	swait.ge [sflag:s10], $0x4000  }
0x5bc: {  	s15 =	simm.s32 $0x10;
	s11 =	sadd.s32 $0x1, s11;
	[sflag:s10] =	ssyncset.done $0x0  }
0x5bd: {  	s12 =	sshll.u32 s12, $0x6;
	p0 =	sne.s32 s11, s24;
	[sflag:s10] =	ssyncadd.s32 $0xFFFFC000  }
.Ltmp8:
0x5be: {  	s12 =	sor.u32 $0x1C05, s12;
	[bflag:$0x0] =	sbarrier.arrive $0xFFFF;
	(pc) =	sbr.rel @p0 .LBB2_1-.Ltmp8, $4  }
0x5bf: {  	[hbm:s22@s14], [sflag:s12] =	dma.strided [spmem:s13@s15], $0x80, s30, $0x10   }
0x5c0: {  	_ =	swait.ge [sflag:s28], $0x80  }
0x5c1: {  	[sflag:s28] =	ssyncset.done $0x0  }
0x5c2: {  	[sflag:s28] =	ssyncadd.s32 $0xFFFFFF80  }
0x5c3: {  	_ =	sfence.sel $0x180000  }
0x5c4: {  	[bflag:$0x0] =	sbarrier.arrive $0xFFFF  }
0x5c5: {  	_ =	strace $0x90000047  }
0x5c6: {  	s0 =	stileid.u32;
	[bflag:$0x2] =	sbarrier.arrive $0xFFFF  }
0x5c7: {  	p0 =	sne.s32 s0, $0x0;
	s0 =	rddreg [dreg:$0x3]  }
0x5c8: {  	s0 =	sadd.s32 @!p0 $0x100000, s0  }
0x5c9: {  	[sflag:s0] =	ssyncadd.tile.s32 @!p0 $0x1;
	_ =	shalt  }
.Lfunc_end2:
_tile_overlayer_lowered:
.L_overlay_start_2:
0x5ca: {  	(tag) =	ssettag $0x2  }
0x5cb: {  	s0 =	rddreg [dreg:$0x0];
	s2 =	stileid.u32  }
0x5cc: {  	s1 =	rddreg [dreg:$0x1];
	p0 =	sne.s32 s2, $0x0  }
0x5cd: {  	s3 =	rddreg [dreg:$0x2];
	[bflag:$0x3] =	sbarrier.arrive $0xFFFF;
	s2 =	simm.s32 @!p0 $0x1C05  }
0x5ce: {  	[timem:s3], [sflag:s2] =	dma.local @!p0 [hbm:s0], s1  }
0x5cf: {  	s0 =	simm.s32 @!p0 $0x5  }
0x5d0: {  	_ =	swait.ge @!p0 [sflag:s0], s1  }
0x5d1: {  	s1 =	ssub.s32 @!p0 $0x0, s1;
	[sflag:s0] =	ssyncset.done @!p0 $0x0  }
0x5d2: {  	[sflag:s0] =	ssyncadd.s32 @!p0 s1  }
0x5d3: {  	[bflag:$0x3] =	sbarrier.arrive $0xFFFF  }
0x5d4: {  	_ =	shalt  }

</sc_bundles>
